<compile_context>
chip_gen: v7x
topology: tpu7x:2x2x1
jax: 0.10.2.dev20260603
libtpu: 0.0.44.dev20260713+nightly
codegen_flags: <defaults>
</compile_context>

<pallas_src>
import functools

import jax
import jax.numpy as jnp
from jax import lax
from jax.experimental import pallas as pl
from jax.experimental.pallas import tpu as pltpu
from jax.experimental.pallas import tpu_sc as plsc

N = 10000
E = 320000
EL = 20000
D = 128
H = 128

NC = 2
NS = 16
NW = NC * NS
NCH = E // 128
CH0 = NCH // NW
CHX = NCH - CH0 * NW
NPAD = 10240
RPT = NPAD // NS
APAD = 10112
RPA = APAD // NS

NCH_FULL = EL // 128
REM = EL - NCH_FULL * 128

_MESH = plsc.VectorSubcoreMesh(
    core_axis_name="c", subcore_axis_name="s", num_cores=NC, num_subcores=NS)


def _worker_id():
    return lax.axis_index("c") * NS + lax.axis_index("s")


def _chunk_range(wid):
    n = CH0 + (wid < CHX).astype(jnp.int32)
    start = wid * CH0 + jnp.minimum(wid, CHX)
    return start, n


@functools.partial(
    pl.kernel,
    out_type=jax.ShapeDtypeStruct((NC * NPAD,), jnp.float32),
    mesh=_MESH,
    scratch_types=[
        pltpu.VMEM((128,), jnp.int32),
        pltpu.VMEM((128,), jnp.float32),
        pltpu.VMEM_SHARED((NPAD,), jnp.float32),
    ],
)
def _sc_degree(dst_hbm, ones_hbm, zeros1_hbm, deg_hbm, didx, ones_v, dacc):
    c = lax.axis_index("c")
    s = lax.axis_index("s")
    wid = _worker_id()
    pltpu.sync_copy(ones_hbm, ones_v)
    pltpu.sync_copy(zeros1_hbm.at[pl.ds(s * RPT, RPT)],
                    dacc.at[pl.ds(s * RPT, RPT)])
    plsc.subcore_barrier()

    start, n = _chunk_range(wid)

    @pl.loop(0, n)
    def _deg(k):
        ci = start + k
        pltpu.sync_copy(dst_hbm.at[pl.ds(ci * 128, 128)], didx)
        pltpu.sync_copy(ones_v, dacc.at[didx], add=True)

    plsc.subcore_barrier()
    pltpu.sync_copy(dacc.at[pl.ds(s * RPT, RPT)],
                    deg_hbm.at[pl.ds(c * NPAD + s * RPT, RPT)])


def _sc_agg_body(table_hbm, src_hbm, dst_hbm, zeros2_hbm, out_hbm,
                 sidx2, didx2, rows2, acc, gsem0, gsem1):
    c = lax.axis_index("c")
    s = lax.axis_index("s")
    wid = _worker_id()

    pltpu.sync_copy(zeros2_hbm.at[pl.ds(s * RPA, RPA)],
                    acc.at[pl.ds(s * RPA, RPA)])
    start, _ = _chunk_range(wid)
    plsc.subcore_barrier()

    gsems = (gsem0, gsem1)

    def _fetch_idx(k, b):
        pltpu.sync_copy(src_hbm.at[pl.ds((start + k) * 128, 128)],
                        sidx2.at[b])
        pltpu.sync_copy(dst_hbm.at[pl.ds((start + k) * 128, 128)],
                        didx2.at[b])

    def _start_gather(b):
        pltpu.async_copy(table_hbm.at[sidx2.at[b]],
                         rows2.at[pl.ds(b * 128, 128)], gsems[b])

    def _wait_gather(b):
        pltpu.make_async_copy(table_hbm.at[sidx2.at[b]],
                              rows2.at[pl.ds(b * 128, 128)], gsems[b]).wait()

    def _scatter(b):
        pltpu.sync_copy(rows2.at[pl.ds(b * 128, 128)],
                        acc.at[didx2.at[b]], add=True)

    _fetch_idx(0, 0)
    _start_gather(0)
    _fetch_idx(1, 1)
    _start_gather(1)

    @pl.loop(0, CH0 // 2)
    def _pairs(j):
        k0 = 2 * j
        _wait_gather(0)
        _scatter(0)

        @pl.when(k0 + 2 < CH0)
        def _next0():
            _fetch_idx(k0 + 2, 0)
            _start_gather(0)

        _wait_gather(1)
        _scatter(1)

        @pl.when(k0 + 3 < CH0)
        def _next1():
            _fetch_idx(k0 + 3, 1)
            _start_gather(1)

    @pl.when(wid < CHX)
    def _extra():
        _fetch_idx(CH0, 0)
        _start_gather(0)
        _wait_gather(0)
        _scatter(0)

    plsc.subcore_barrier()
    pltpu.sync_copy(acc.at[pl.ds(s * RPA, RPA)],
                    out_hbm.at[c, pl.ds(s * RPA, RPA)])


_sc_aggregate = functools.partial(
    pl.kernel,
    out_type=jax.ShapeDtypeStruct((NC, APAD, H), jnp.float32),
    mesh=_MESH,
    scratch_types=[
        pltpu.VMEM((2, 128), jnp.int32),
        pltpu.VMEM((2, 128), jnp.int32),
        pltpu.VMEM((2 * 128, H), jnp.float32),
        pltpu.VMEM_SHARED((APAD, H), jnp.float32),
        pltpu.SemaphoreType.DMA,
        pltpu.SemaphoreType.DMA,
    ],
)(_sc_agg_body)


@functools.partial(
    pl.kernel,
    out_type=[
        jax.ShapeDtypeStruct((EL, H), jnp.float32),
        jax.ShapeDtypeStruct((EL, H), jnp.float32),
    ],
    mesh=_MESH,
    scratch_types=[
        pltpu.VMEM((128,), jnp.int32),
        pltpu.VMEM((128,), jnp.int32),
        pltpu.VMEM((128, H), jnp.float32),
        pltpu.VMEM((128, H), jnp.float32),
        pltpu.SemaphoreType.DMA,
        pltpu.SemaphoreType.DMA,
    ],
)
def _sc_decode(emb_hbm, eli0_hbm, eli1_hbm, hs_hbm, hd_hbm,
               i0, i1, r0, r1, sem0, sem1):
    wid = _worker_id()

    for k in range(NCH_FULL // NW + 1):
        ci = wid + NW * k

        @pl.when(ci < NCH_FULL)
        def _full():
            pltpu.sync_copy(eli0_hbm.at[pl.ds(ci * 128, 128)], i0)
            pltpu.sync_copy(eli1_hbm.at[pl.ds(ci * 128, 128)], i1)
            pltpu.async_copy(emb_hbm.at[i0], r0, sem0).wait()
            pltpu.async_copy(emb_hbm.at[i1], r1, sem1).wait()
            pltpu.sync_copy(r0, hs_hbm.at[pl.ds(ci * 128, 128)])
            pltpu.sync_copy(r1, hd_hbm.at[pl.ds(ci * 128, 128)])

        @pl.when(ci == NCH_FULL)
        def _rem():
            pltpu.sync_copy(eli0_hbm.at[pl.ds(NCH_FULL * 128 - 96, 128)], i0)
            pltpu.sync_copy(eli1_hbm.at[pl.ds(NCH_FULL * 128 - 96, 128)], i1)
            pltpu.async_copy(emb_hbm.at[i0], r0, sem0).wait()
            pltpu.async_copy(emb_hbm.at[i1], r1, sem1).wait()
            pltpu.sync_copy(r0.at[pl.ds(128 - REM, REM)],
                            hs_hbm.at[pl.ds(NCH_FULL * 128, REM)])
            pltpu.sync_copy(r1.at[pl.ds(128 - REM, REM)],
                            hd_hbm.at[pl.ds(NCH_FULL * 128, REM)])


BR = 512
GR = NPAD // BR
GS = (EL + BR - 1) // BR


def _t1_body(x_ref, wpre_ref, bpre_ref, wg0_ref, hw0_ref):
    h = jnp.maximum(
        jnp.dot(x_ref[...], wpre_ref[...], preferred_element_type=jnp.float32)
        + bpre_ref[...], 0.0)
    hw0_ref[...] = jnp.dot(h, wg0_ref[...], preferred_element_type=jnp.float32)


def _tc_pre(x, W_pre, b_pre2, W_g0):
    return pl.pallas_call(
        _t1_body,
        grid=(GR,),
        in_specs=[
            pl.BlockSpec((BR, D), lambda i: (i, 0)),
            pl.BlockSpec((D, H), lambda i: (0, 0)),
            pl.BlockSpec((1, H), lambda i: (0, 0)),
            pl.BlockSpec((H, H), lambda i: (0, 0)),
        ],
        out_specs=pl.BlockSpec((BR, H), lambda i: (i, 0)),
        out_shape=jax.ShapeDtypeStruct((N, H), jnp.float32),
    )(x, W_pre, b_pre2, W_g0)


def _t1s_body(hw_ref, dinv_ref, hws_ref):
    hws_ref[...] = hw_ref[...] * dinv_ref[...]


def _tc_scale(hw0, dinv_col):
    return pl.pallas_call(
        _t1s_body,
        grid=(GR,),
        in_specs=[
            pl.BlockSpec((BR, H), lambda i: (i, 0)),
            pl.BlockSpec((BR, 1), lambda i: (i, 0)),
        ],
        out_specs=pl.BlockSpec((BR, H), lambda i: (i, 0)),
        out_shape=jax.ShapeDtypeStruct((N, H), jnp.float32),
    )(hw0, dinv_col)


def _t2_body(agg_ref, hws0_ref, dinv_ref, bg0_ref, wg1_ref, emb0_ref, hws1_ref):
    a = agg_ref[0] + agg_ref[1]
    pre = dinv_ref[...] * (a + hws0_ref[...]) + bg0_ref[...]
    e0 = jnp.maximum(pre, 0.0)
    emb0_ref[...] = e0
    hws1_ref[...] = jnp.dot(
        e0, wg1_ref[...], preferred_element_type=jnp.float32) * dinv_ref[...]


def _tc_mid(agg0, hws0, dinv_col, b_g02, W_g1):
    return pl.pallas_call(
        _t2_body,
        grid=(GR,),
        in_specs=[
            pl.BlockSpec((NC, BR, H), lambda i: (0, i, 0)),
            pl.BlockSpec((BR, H), lambda i: (i, 0)),
            pl.BlockSpec((BR, 1), lambda i: (i, 0)),
            pl.BlockSpec((1, H), lambda i: (0, 0)),
            pl.BlockSpec((H, H), lambda i: (0, 0)),
        ],
        out_specs=[
            pl.BlockSpec((BR, H), lambda i: (i, 0)),
            pl.BlockSpec((BR, H), lambda i: (i, 0)),
        ],
        out_shape=[
            jax.ShapeDtypeStruct((N, H), jnp.float32),
            jax.ShapeDtypeStruct((N, H), jnp.float32),
        ],
    )(agg0, hws0, dinv_col, b_g02, W_g1)


def _t3_body(agg_ref, hws1_ref, dinv_ref, bg1_ref, emb1_ref):
    a = agg_ref[0] + agg_ref[1]
    pre = dinv_ref[...] * (a + hws1_ref[...]) + bg1_ref[...]
    emb1_ref[...] = jnp.maximum(pre, 0.0)


def _tc_post(agg1, hws1, dinv_col, b_g12):
    return pl.pallas_call(
        _t3_body,
        grid=(GR,),
        in_specs=[
            pl.BlockSpec((NC, BR, H), lambda i: (0, i, 0)),
            pl.BlockSpec((BR, H), lambda i: (i, 0)),
            pl.BlockSpec((BR, 1), lambda i: (i, 0)),
            pl.BlockSpec((1, H), lambda i: (0, 0)),
        ],
        out_specs=pl.BlockSpec((BR, H), lambda i: (i, 0)),
        out_shape=jax.ShapeDtypeStruct((N, H), jnp.float32),
    )(agg1, hws1, dinv_col, b_g12)


def _t4_body(hs_ref, hd_ref, wpost_ref, bpost_ref, out_ref):
    had = hs_ref[...] * hd_ref[...]
    logits = jnp.dot(
        had, wpost_ref[...], preferred_element_type=jnp.float32) + bpost_ref[...]
    out_ref[...] = jnp.sum(logits, axis=1, keepdims=True)


def _tc_score(hs, hd, W_post, b_post2):
    return pl.pallas_call(
        _t4_body,
        grid=(GS,),
        in_specs=[
            pl.BlockSpec((BR, H), lambda i: (i, 0)),
            pl.BlockSpec((BR, H), lambda i: (i, 0)),
            pl.BlockSpec((H, 2), lambda i: (0, 0)),
            pl.BlockSpec((1, 2), lambda i: (0, 0)),
        ],
        out_specs=pl.BlockSpec((BR, 1), lambda i: (i, 0)),
        out_shape=jax.ShapeDtypeStruct((EL, 1), jnp.float32),
    )(hs, hd, W_post, b_post2)


def kernel(x, edge_index, edge_label_index,
           W_pre, b_pre, W_g0, b_g0, W_g1, b_g1, W_post, b_post):
    src = edge_index[0]
    dst = edge_index[1]
    eli0 = edge_label_index[0]
    eli1 = edge_label_index[1]

    ones128 = jnp.ones((128,), jnp.float32)
    zeros1 = jnp.zeros((NPAD,), jnp.float32)
    zeros2 = jnp.zeros((APAD, H), jnp.float32)

    deg = _sc_degree(dst, ones128, zeros1)
    hw0 = _tc_pre(x, W_pre, b_pre.reshape(1, H), W_g0)
    dtot = deg[:NPAD] + deg[NPAD:] + 1.0
    dinv_col = lax.rsqrt(dtot)[:, None]
    hws0 = _tc_scale(hw0, dinv_col)
    agg0 = _sc_aggregate(hws0, src, dst, zeros2)
    emb0, hws1 = _tc_mid(agg0, hws0, dinv_col, b_g0.reshape(1, H), W_g1)
    agg1 = _sc_aggregate(hws1, src, dst, zeros2)
    emb1 = _tc_post(agg1, hws1, dinv_col, b_g1.reshape(1, H))

    hs, hd = _sc_decode(emb1, eli0, eli1)
    scores2 = _tc_score(hs, hd, W_post, b_post.reshape(1, 2))
    return scores2.reshape(EL), emb0, emb1

# --- scband reference (transcript-rebuilt; emitter-appended) ---
"""Pipeline reference for scband-roland-33285996544265 (READ-ONLY COPY).

The authoritative reference and input builder live on the scoring server;
editing this copy changes nothing except your own understanding.
"""

import jax, jax.numpy as jnp
import numpy as np

N = 10000
E = 320000
EL = 20000
D = 128
H = 128


def setup_inputs(seed: int = 0) -> dict:
    key = jax.random.key(seed)
    ks = jax.random.split(key, 12)
    x = jax.random.normal(ks[0], (N, D), dtype=jnp.float32)
    edge_index = jax.random.randint(ks[1], (2, E), 0, N)
    edge_label_index = jax.random.randint(ks[2], (2, EL), 0, N)
    s_d = 1.0 / np.sqrt(D)
    s_h = 1.0 / np.sqrt(H)
    W_pre = jax.random.normal(ks[3], (D, H), dtype=jnp.float32) * s_d
    b_pre = jnp.zeros((H,), dtype=jnp.float32)
    W_g0 = jax.random.normal(ks[4], (H, H), dtype=jnp.float32) * s_h
    b_g0 = jnp.zeros((H,), dtype=jnp.float32)
    W_g1 = jax.random.normal(ks[5], (H, H), dtype=jnp.float32) * s_h
    b_g1 = jnp.zeros((H,), dtype=jnp.float32)
    W_post = jax.random.normal(ks[6], (H, 2), dtype=jnp.float32) * s_h
    b_post = jnp.zeros((2,), dtype=jnp.float32)
    return {"x": x, "edge_index": edge_index, "edge_label_index": edge_label_index,
            "W_pre": W_pre, "b_pre": b_pre, "W_g0": W_g0, "b_g0": b_g0,
            "W_g1": W_g1, "b_g1": b_g1, "W_post": W_post, "b_post": b_post}


def _gcn_conv(h, src, dst, W, b, n):
    # PyG GCNConv: linear transform, symmetric degree normalization (self-loops
    # already appended to src/dst), scatter-add aggregation, bias.
    hw = h @ W
    deg = jnp.zeros((n,), dtype=hw.dtype).at[dst].add(1.0)
    dinv = jnp.where(deg > 0, 1.0 / jnp.sqrt(deg), 0.0)
    norm = dinv[src] * dinv[dst]
    msg = hw[src] * norm[:, None]
    out = jnp.zeros((n, hw.shape[1]), dtype=hw.dtype).at[dst].add(msg)
    return out + b


def reference(x, edge_index, edge_label_index, W_pre, b_pre, W_g0, b_g0, W_g1, b_g1, W_post, b_post):
    # ROLAND.forward with isnap=0 (first snapshot): preprocess -> GCN stack -> link decoder.
    n = x.shape[0]
    loop = jnp.arange(n, dtype=edge_index.dtype)
    src = jnp.concatenate([edge_index[0], loop])
    dst = jnp.concatenate([edge_index[1], loop])
    h = jax.nn.relu(x @ W_pre + b_pre)
    h = jax.nn.relu(_gcn_conv(h, src, dst, W_g0, b_g0, n))
    emb0 = h
    h = jax.nn.relu(_gcn_conv(h, src, dst, W_g1, b_g1, n))
    emb1 = h
    h_src = h[edge_label_index[0]]
    h_dst = h[edge_label_index[1]]
    h_hadamard = h_src * h_dst
    logits = h_hadamard @ W_post + b_post
    scores = jnp.sum(logits, axis=-1)
    return (scores, emb0, emb1)

if __name__ == "__main__":
    import jax
    _d = setup_inputs()
    print(jax.jit(kernel)(*tuple(_d.values())))

</pallas_src>

<mosaic_0001>
#map = affine_map<(d0, d1) -> (0)>
module attributes {stable_mosaic.version = 14 : i64} {
  func.func @_sc_degree(%arg0: i32, %arg1: i32, %arg2: memref<320000xi32, #tpu.memory_space<hbm>>, %arg3: memref<128xf32, #tpu.memory_space<hbm>>, %arg4: memref<10240xf32, #tpu.memory_space<hbm>>, %arg5: memref<20480xf32, #tpu.memory_space<hbm>>, %arg6: memref<128xi32, #tpu.memory_space<vmem>>, %arg7: memref<128xf32, #tpu.memory_space<vmem>>, %arg8: memref<10240xf32, #tpu.memory_space<vmem_shared>>) attributes {dimension_semantics = [#tpu.dimension_semantics<core_parallel>, #tpu.dimension_semantics<subcore_parallel>], iteration_bounds = array<i64: 2, 16>, scalar_prefetch = 0 : i64, scratch_operands = 3 : i64, tpu.core_type = #tpu.core_type<sc_vector_subcore>, window_params = [{transform_indices = #map}, {transform_indices = #map}, {transform_indices = #map}, {transform_indices = #map}]} {
    %mul3A = arith.constant 16 : i32
    %mul3A_0 = arith.muli %arg0, %mul3A : i32
    %add3A = arith.addi %mul3A_0, %arg1 : i32
    "tpu.region"() ({
      %run_scoped3A = tpu.sem_alloc : memref<!tpu.dma_semaphore, #tpu.memory_space<semaphore_mem>>
      tpu.enqueue_dma source(%arg3 : memref<128xf32, #tpu.memory_space<hbm>>) target(%arg7 : memref<128xf32, #tpu.memory_space<vmem>>) target_semaphore(%run_scoped3A : memref<!tpu.dma_semaphore, #tpu.memory_space<semaphore_mem>>)
      tpu.wait_dma2 semaphore(%run_scoped3A : memref<!tpu.dma_semaphore, #tpu.memory_space<semaphore_mem>>) src(%arg3 : memref<128xf32, #tpu.memory_space<hbm>>) dst(%arg7 : memref<128xf32, #tpu.memory_space<vmem>>)
      tpu.yield
    }) : () -> ()
    %mul3A_1 = arith.constant 640 : i32
    %mul3A_2 = arith.muli %arg1, %mul3A_1 : i32
    %mul3A_3 = arith.constant 640 : i32
    %mul3A_4 = arith.muli %arg1, %mul3A_3 : i32
    "tpu.region"() ({
      %run_scoped3A = tpu.sem_alloc : memref<!tpu.dma_semaphore, #tpu.memory_space<semaphore_mem>>
      %dma_start3A = tpu.memref_slice %arg8[%mul3A_4] : memref<10240xf32, #tpu.memory_space<vmem_shared>> -> memref<640xf32, #tpu.memory_space<vmem_shared>>
      %dma_start3A_36 = tpu.memref_slice %arg4[%mul3A_2] : memref<10240xf32, #tpu.memory_space<hbm>> -> memref<640xf32, #tpu.memory_space<hbm>>
      tpu.enqueue_dma source(%dma_start3A_36 : memref<640xf32, #tpu.memory_space<hbm>>) target(%dma_start3A : memref<640xf32, #tpu.memory_space<vmem_shared>>) target_semaphore(%run_scoped3A : memref<!tpu.dma_semaphore, #tpu.memory_space<semaphore_mem>>)
      %dma_wait3A = tpu.memref_slice %arg8[%mul3A_4] : memref<10240xf32, #tpu.memory_space<vmem_shared>> -> memref<640xf32, #tpu.memory_space<vmem_shared>>
      %dma_wait3A_37 = tpu.memref_slice %arg4[%mul3A_2] : memref<10240xf32, #tpu.memory_space<hbm>> -> memref<640xf32, #tpu.memory_space<hbm>>
      tpu.wait_dma2 semaphore(%run_scoped3A : memref<!tpu.dma_semaphore, #tpu.memory_space<semaphore_mem>>) src(%dma_wait3A_37 : memref<640xf32, #tpu.memory_space<hbm>>) dst(%dma_wait3A : memref<640xf32, #tpu.memory_space<vmem_shared>>)
      tpu.yield
    }) : () -> ()
    %barrier3A = arith.constant 0 : index
    tpu.barrier barrier_id(%barrier3A)
    %lt3A = arith.constant 4 : i32
    %lt3A_5 = arith.cmpi slt, %add3A, %lt3A : i32
    %convert_element_type3A = arith.extui %lt3A_5 : i1 to i32
    %add3A_6 = arith.constant 78 : i32
    %add3A_7 = arith.addi %add3A_6, %convert_element_type3A : i32
    %mul3A_8 = arith.constant 78 : i32
    %mul3A_9 = arith.muli %add3A, %mul3A_8 : i32
    %min3A = arith.constant 4 : i32
    %min3A_10 = arith.minsi %add3A, %min3A : i32
    %add3A_11 = arith.addi %mul3A_9, %min3A_10 : i32
    %sub3A = arith.constant 0 : i32
    %sub3A_12 = arith.subi %add3A_7, %sub3A : i32
    %sub3A_13 = arith.constant 1 : i32
    %sub3A_14 = arith.constant 1 : i32
    %sub3A_15 = arith.subi %sub3A_13, %sub3A_14 : i32
    %add3A_16 = arith.addi %sub3A_12, %sub3A_15 : i32
    %div3A = arith.constant 1 : i32
    %div3A_17 = arith.divsi %add3A_16, %div3A : i32
    %while3A = arith.constant 1 : i32
    %while3A_18 = arith.constant 0 : i32
    %while3A_19 = arith.constant 0 : i32
    %while3A_20 = arith.subi %div3A_17, %while3A_19 : i32
    %while3A_21 = arith.addi %while3A_19, %while3A_20 : i32
    %while3A_22 = arith.constant 1 : i32
    %while3A_23 = arith.divsi %while3A_20, %while3A_22 : i32
    %while3A_24 = arith.muli %while3A_23, %while3A_22 : i32
    %while3A_25 = arith.addi %while3A_19, %while3A_24 : i32
    %while3A_26 = arith.constant 1 : i32
    scf.for %while3A_36 = %while3A_19 to %while3A_25 step %while3A_26  : i32 {
      %mul3A_37 = arith.muli %while3A_36, %while3A : i32
      %add3A_38 = arith.addi %while3A_18, %mul3A_37 : i32
      %add3A_39 = arith.addi %add3A_11, %add3A_38 : i32
      %mul3A_40 = arith.constant 128 : i32
      %mul3A_41 = arith.muli %add3A_39, %mul3A_40 : i32
      "tpu.region"() ({
        %run_scoped3A = tpu.sem_alloc : memref<!tpu.dma_semaphore, #tpu.memory_space<semaphore_mem>>
        %dma_start3A = tpu.memref_slice %arg2[%mul3A_41] : memref<320000xi32, #tpu.memory_space<hbm>> -> memref<128xi32, #tpu.memory_space<hbm>>
        %dma_start3A_42 = tpu.memref_slice %arg2[%mul3A_41] : memref<320000xi32, #tpu.memory_space<hbm>> -> memref<128xi32, #tpu.memory_space<hbm>>
        tpu.enqueue_dma source(%dma_start3A_42 : memref<128xi32, #tpu.memory_space<hbm>>) target(%arg6 : memref<128xi32, #tpu.memory_space<vmem>>) target_semaphore(%run_scoped3A : memref<!tpu.dma_semaphore, #tpu.memory_space<semaphore_mem>>)
        %dma_wait3A = tpu.memref_slice %arg2[%mul3A_41] : memref<320000xi32, #tpu.memory_space<hbm>> -> memref<128xi32, #tpu.memory_space<hbm>>
        %dma_wait3A_43 = tpu.memref_slice %arg2[%mul3A_41] : memref<320000xi32, #tpu.memory_space<hbm>> -> memref<128xi32, #tpu.memory_space<hbm>>
        tpu.wait_dma2 semaphore(%run_scoped3A : memref<!tpu.dma_semaphore, #tpu.memory_space<semaphore_mem>>) src(%dma_wait3A_43 : memref<128xi32, #tpu.memory_space<hbm>>) dst(%arg6 : memref<128xi32, #tpu.memory_space<vmem>>)
        tpu.yield
      }) : () -> ()
      "tpu.region"() ({
        %run_scoped3A = tpu.sem_alloc : memref<!tpu.dma_semaphore, #tpu.memory_space<semaphore_mem>>
        %dma_start3A = arith.constant 0 : i32
        %dma_start3A_42 = tpu.memref_slice %arg8[%dma_start3A] : memref<10240xf32, #tpu.memory_space<vmem_shared>> -> memref<10240xf32, #tpu.memory_space<vmem_shared>>
        tpu.enqueue_indirect_dma source(%arg7 : memref<128xf32, #tpu.memory_space<vmem>>) target(%dma_start3A_42 : memref<10240xf32, #tpu.memory_space<vmem_shared>>) offsets(%arg6 : memref<128xi32, #tpu.memory_space<vmem>>) semaphore(%run_scoped3A : memref<!tpu.dma_semaphore, #tpu.memory_space<semaphore_mem>>) {add = true}
        %dma_wait3A = arith.constant 0 : i32
        %dma_wait3A_43 = tpu.memref_slice %arg8[%dma_wait3A] : memref<10240xf32, #tpu.memory_space<vmem_shared>> -> memref<10240xf32, #tpu.memory_space<vmem_shared>>
        tpu.wait_indirect_dma semaphore(%run_scoped3A : memref<!tpu.dma_semaphore, #tpu.memory_space<semaphore_mem>>) src(%arg7 : memref<128xf32, #tpu.memory_space<vmem>>) dst(%dma_wait3A_43 : memref<10240xf32, #tpu.memory_space<vmem_shared>>)
        tpu.yield
      }) : () -> ()
    }
    %while3A_27 = arith.constant 1 : i32
    scf.for %while3A_36 = %while3A_25 to %while3A_21 step %while3A_27  : i32 {
      %mul3A_37 = arith.muli %while3A_36, %while3A : i32
      %add3A_38 = arith.addi %while3A_18, %mul3A_37 : i32
      %add3A_39 = arith.addi %add3A_11, %add3A_38 : i32
      %mul3A_40 = arith.constant 128 : i32
      %mul3A_41 = arith.muli %add3A_39, %mul3A_40 : i32
      "tpu.region"() ({
        %run_scoped3A = tpu.sem_alloc : memref<!tpu.dma_semaphore, #tpu.memory_space<semaphore_mem>>
        %dma_start3A = tpu.memref_slice %arg2[%mul3A_41] : memref<320000xi32, #tpu.memory_space<hbm>> -> memref<128xi32, #tpu.memory_space<hbm>>
        %dma_start3A_42 = tpu.memref_slice %arg2[%mul3A_41] : memref<320000xi32, #tpu.memory_space<hbm>> -> memref<128xi32, #tpu.memory_space<hbm>>
        tpu.enqueue_dma source(%dma_start3A_42 : memref<128xi32, #tpu.memory_space<hbm>>) target(%arg6 : memref<128xi32, #tpu.memory_space<vmem>>) target_semaphore(%run_scoped3A : memref<!tpu.dma_semaphore, #tpu.memory_space<semaphore_mem>>)
        %dma_wait3A = tpu.memref_slice %arg2[%mul3A_41] : memref<320000xi32, #tpu.memory_space<hbm>> -> memref<128xi32, #tpu.memory_space<hbm>>
        %dma_wait3A_43 = tpu.memref_slice %arg2[%mul3A_41] : memref<320000xi32, #tpu.memory_space<hbm>> -> memref<128xi32, #tpu.memory_space<hbm>>
        tpu.wait_dma2 semaphore(%run_scoped3A : memref<!tpu.dma_semaphore, #tpu.memory_space<semaphore_mem>>) src(%dma_wait3A_43 : memref<128xi32, #tpu.memory_space<hbm>>) dst(%arg6 : memref<128xi32, #tpu.memory_space<vmem>>)
        tpu.yield
      }) : () -> ()
      "tpu.region"() ({
        %run_scoped3A = tpu.sem_alloc : memref<!tpu.dma_semaphore, #tpu.memory_space<semaphore_mem>>
        %dma_start3A = arith.constant 0 : i32
        %dma_start3A_42 = tpu.memref_slice %arg8[%dma_start3A] : memref<10240xf32, #tpu.memory_space<vmem_shared>> -> memref<10240xf32, #tpu.memory_space<vmem_shared>>
        tpu.enqueue_indirect_dma source(%arg7 : memref<128xf32, #tpu.memory_space<vmem>>) target(%dma_start3A_42 : memref<10240xf32, #tpu.memory_space<vmem_shared>>) offsets(%arg6 : memref<128xi32, #tpu.memory_space<vmem>>) semaphore(%run_scoped3A : memref<!tpu.dma_semaphore, #tpu.memory_space<semaphore_mem>>) {add = true}
        %dma_wait3A = arith.constant 0 : i32
        %dma_wait3A_43 = tpu.memref_slice %arg8[%dma_wait3A] : memref<10240xf32, #tpu.memory_space<vmem_shared>> -> memref<10240xf32, #tpu.memory_space<vmem_shared>>
        tpu.wait_indirect_dma semaphore(%run_scoped3A : memref<!tpu.dma_semaphore, #tpu.memory_space<semaphore_mem>>) src(%arg7 : memref<128xf32, #tpu.memory_space<vmem>>) dst(%dma_wait3A_43 : memref<10240xf32, #tpu.memory_space<vmem_shared>>)
        tpu.yield
      }) : () -> ()
    }
    %barrier3A_28 = arith.constant 0 : index
    tpu.barrier barrier_id(%barrier3A_28)
    %mul3A_29 = arith.constant 640 : i32
    %mul3A_30 = arith.muli %arg1, %mul3A_29 : i32
    %mul3A_31 = arith.constant 10240 : i32
    %mul3A_32 = arith.muli %arg0, %mul3A_31 : i32
    %mul3A_33 = arith.constant 640 : i32
    %mul3A_34 = arith.muli %arg1, %mul3A_33 : i32
    %add3A_35 = arith.addi %mul3A_32, %mul3A_34 : i32
    "tpu.region"() ({
      %run_scoped3A = tpu.sem_alloc : memref<!tpu.dma_semaphore, #tpu.memory_space<semaphore_mem>>
      %dma_start3A = tpu.memref_slice %arg5[%add3A_35] : memref<20480xf32, #tpu.memory_space<hbm>> -> memref<640xf32, #tpu.memory_space<hbm>>
      %dma_start3A_36 = tpu.memref_slice %arg8[%mul3A_30] : memref<10240xf32, #tpu.memory_space<vmem_shared>> -> memref<640xf32, #tpu.memory_space<vmem_shared>>
      tpu.enqueue_dma source(%dma_start3A_36 : memref<640xf32, #tpu.memory_space<vmem_shared>>) target(%dma_start3A : memref<640xf32, #tpu.memory_space<hbm>>) target_semaphore(%run_scoped3A : memref<!tpu.dma_semaphore, #tpu.memory_space<semaphore_mem>>)
      %dma_wait3A = tpu.memref_slice %arg5[%add3A_35] : memref<20480xf32, #tpu.memory_space<hbm>> -> memref<640xf32, #tpu.memory_space<hbm>>
      %dma_wait3A_37 = tpu.memref_slice %arg8[%mul3A_30] : memref<10240xf32, #tpu.memory_space<vmem_shared>> -> memref<640xf32, #tpu.memory_space<vmem_shared>>
      tpu.wait_dma2 semaphore(%run_scoped3A : memref<!tpu.dma_semaphore, #tpu.memory_space<semaphore_mem>>) src(%dma_wait3A_37 : memref<640xf32, #tpu.memory_space<vmem_shared>>) dst(%dma_wait3A : memref<640xf32, #tpu.memory_space<hbm>>)
      tpu.yield
    }) : () -> ()
    return
  }
}

#map = affine_map<(d0, d1) -> (0, 0)>
#map1 = affine_map<(d0, d1) -> (0)>
#map2 = affine_map<(d0, d1) -> (0, 0, 0)>
module attributes {stable_mosaic.version = 14 : i64} {
  func.func @_sc_agg_body(%arg0: i32, %arg1: i32, %arg2: memref<10000x128xf32, #tpu.memory_space<hbm>>, %arg3: memref<320000xi32, #tpu.memory_space<hbm>>, %arg4: memref<320000xi32, #tpu.memory_space<hbm>>, %arg5: memref<10112x128xf32, #tpu.memory_space<hbm>>, %arg6: memref<2x10112x128xf32, #tpu.memory_space<hbm>>, %arg7: memref<2x128xi32, #tpu.memory_space<vmem>>, %arg8: memref<2x128xi32, #tpu.memory_space<vmem>>, %arg9: memref<256x128xf32, #tpu.memory_space<vmem>>, %arg10: memref<10112x128xf32, #tpu.memory_space<vmem_shared>>, %arg11: memref<!tpu.dma_semaphore, #tpu.memory_space<semaphore_mem>>, %arg12: memref<!tpu.dma_semaphore, #tpu.memory_space<semaphore_mem>>) attributes {dimension_semantics = [#tpu.dimension_semantics<core_parallel>, #tpu.dimension_semantics<subcore_parallel>], iteration_bounds = array<i64: 2, 16>, scalar_prefetch = 0 : i64, scratch_operands = 6 : i64, tpu.core_type = #tpu.core_type<sc_vector_subcore>, window_params = [{transform_indices = #map}, {transform_indices = #map1}, {transform_indices = #map1}, {transform_indices = #map}, {transform_indices = #map2}]} {
    %mul3A = arith.constant 16 : i32
    %mul3A_0 = arith.muli %arg0, %mul3A : i32
    %add3A = arith.addi %mul3A_0, %arg1 : i32
    %mul3A_1 = arith.constant 632 : i32
    %mul3A_2 = arith.muli %arg1, %mul3A_1 : i32
    %mul3A_3 = arith.constant 632 : i32
    %mul3A_4 = arith.muli %arg1, %mul3A_3 : i32
    "tpu.region"() ({
      %run_scoped3A_63 = tpu.sem_alloc : memref<!tpu.dma_semaphore, #tpu.memory_space<semaphore_mem>>
      %dma_start3A_64 = arith.constant 0 : i32
      %dma_start3A_65 = tpu.memref_slice %arg10[%mul3A_4, %dma_start3A_64] : memref<10112x128xf32, #tpu.memory_space<vmem_shared>> -> memref<632x128xf32, #tpu.memory_space<vmem_shared>>
      %dma_start3A_66 = arith.constant 0 : i32
      %dma_start3A_67 = tpu.memref_slice %arg5[%mul3A_2, %dma_start3A_66] : memref<10112x128xf32, #tpu.memory_space<hbm>> -> memref<632x128xf32, #tpu.memory_space<hbm>>
      tpu.enqueue_dma source(%dma_start3A_67 : memref<632x128xf32, #tpu.memory_space<hbm>>) target(%dma_start3A_65 : memref<632x128xf32, #tpu.memory_space<vmem_shared>>) target_semaphore(%run_scoped3A_63 : memref<!tpu.dma_semaphore, #tpu.memory_space<semaphore_mem>>)
      %dma_wait3A = arith.constant 0 : i32
      %dma_wait3A_68 = tpu.memref_slice %arg10[%mul3A_4, %dma_wait3A] : memref<10112x128xf32, #tpu.memory_space<vmem_shared>> -> memref<632x128xf32, #tpu.memory_space<vmem_shared>>
      %dma_wait3A_69 = arith.constant 0 : i32
      %dma_wait3A_70 = tpu.memref_slice %arg5[%mul3A_2, %dma_wait3A_69] : memref<10112x128xf32, #tpu.memory_space<hbm>> -> memref<632x128xf32, #tpu.memory_space<hbm>>
      tpu.wait_dma2 semaphore(%run_scoped3A_63 : memref<!tpu.dma_semaphore, #tpu.memory_space<semaphore_mem>>) src(%dma_wait3A_70 : memref<632x128xf32, #tpu.memory_space<hbm>>) dst(%dma_wait3A_68 : memref<632x128xf32, #tpu.memory_space<vmem_shared>>)
      tpu.yield
    }) : () -> ()
    %lt3A = arith.constant 4 : i32
    %lt3A_5 = arith.cmpi slt, %add3A, %lt3A : i32
    %convert_element_type3A = arith.extui %lt3A_5 : i1 to i32
    %add3A_6 = arith.constant 78 : i32
    %add3A_7 = arith.addi %add3A_6, %convert_element_type3A : i32
    %mul3A_8 = arith.constant 78 : i32
    %mul3A_9 = arith.muli %add3A, %mul3A_8 : i32
    %min3A = arith.constant 4 : i32
    %min3A_10 = arith.minsi %add3A, %min3A : i32
    %add3A_11 = arith.addi %mul3A_9, %min3A_10 : i32
    %barrier3A = arith.constant 0 : index
    tpu.barrier barrier_id(%barrier3A)
    %add3A_12 = arith.constant 0 : i32
    %add3A_13 = arith.addi %add3A_11, %add3A_12 : i32
    %mul3A_14 = arith.constant 128 : i32
    %mul3A_15 = arith.muli %add3A_13, %mul3A_14 : i32
    %run_scoped3A = arith.constant 0 : i32
    "tpu.region"() ({
      %run_scoped3A_63 = tpu.sem_alloc : memref<!tpu.dma_semaphore, #tpu.memory_space<semaphore_mem>>
      %dma_start3A_64 = arith.constant 0 : i32
      %dma_start3A_65 = tpu.memref_slice %arg7[%run_scoped3A, %dma_start3A_64] : memref<2x128xi32, #tpu.memory_space<vmem>> -> memref<1x128xi32, #tpu.memory_space<vmem>>
      %dma_start3A_66 = tpu.memref_squeeze %dma_start3A_65 : memref<1x128xi32, #tpu.memory_space<vmem>> -> memref<128xi32, #tpu.memory_space<vmem>>
      %dma_start3A_67 = tpu.memref_slice %arg3[%mul3A_15] : memref<320000xi32, #tpu.memory_space<hbm>> -> memref<128xi32, #tpu.memory_space<hbm>>
      %dma_start3A_68 = arith.constant 0 : i32
      %dma_start3A_69 = tpu.memref_slice %arg7[%run_scoped3A, %dma_start3A_68] : memref<2x128xi32, #tpu.memory_space<vmem>> -> memref<1x128xi32, #tpu.memory_space<vmem>>
      %dma_start3A_70 = tpu.memref_squeeze %dma_start3A_69 : memref<1x128xi32, #tpu.memory_space<vmem>> -> memref<128xi32, #tpu.memory_space<vmem>>
      %dma_start3A_71 = tpu.memref_slice %arg3[%mul3A_15] : memref<320000xi32, #tpu.memory_space<hbm>> -> memref<128xi32, #tpu.memory_space<hbm>>
      tpu.enqueue_dma source(%dma_start3A_71 : memref<128xi32, #tpu.memory_space<hbm>>) target(%dma_start3A_70 : memref<128xi32, #tpu.memory_space<vmem>>) target_semaphore(%run_scoped3A_63 : memref<!tpu.dma_semaphore, #tpu.memory_space<semaphore_mem>>)
      %dma_wait3A = arith.constant 0 : i32
      %dma_wait3A_72 = tpu.memref_slice %arg7[%run_scoped3A, %dma_wait3A] : memref<2x128xi32, #tpu.memory_space<vmem>> -> memref<1x128xi32, #tpu.memory_space<vmem>>
      %dma_wait3A_73 = tpu.memref_squeeze %dma_wait3A_72 : memref<1x128xi32, #tpu.memory_space<vmem>> -> memref<128xi32, #tpu.memory_space<vmem>>
      %dma_wait3A_74 = tpu.memref_slice %arg3[%mul3A_15] : memref<320000xi32, #tpu.memory_space<hbm>> -> memref<128xi32, #tpu.memory_space<hbm>>
      %dma_wait3A_75 = arith.constant 0 : i32
      %dma_wait3A_76 = tpu.memref_slice %arg7[%run_scoped3A, %dma_wait3A_75] : memref<2x128xi32, #tpu.memory_space<vmem>> -> memref<1x128xi32, #tpu.memory_space<vmem>>
      %dma_wait3A_77 = tpu.memref_squeeze %dma_wait3A_76 : memref<1x128xi32, #tpu.memory_space<vmem>> -> memref<128xi32, #tpu.memory_space<vmem>>
      %dma_wait3A_78 = tpu.memref_slice %arg3[%mul3A_15] : memref<320000xi32, #tpu.memory_space<hbm>> -> memref<128xi32, #tpu.memory_space<hbm>>
      tpu.wait_dma2 semaphore(%run_scoped3A_63 : memref<!tpu.dma_semaphore, #tpu.memory_space<semaphore_mem>>) src(%dma_wait3A_78 : memref<128xi32, #tpu.memory_space<hbm>>) dst(%dma_wait3A_77 : memref<128xi32, #tpu.memory_space<vmem>>)
      tpu.yield
    }) : () -> ()
    %add3A_16 = arith.constant 0 : i32
    %add3A_17 = arith.addi %add3A_11, %add3A_16 : i32
    %mul3A_18 = arith.constant 128 : i32
    %mul3A_19 = arith.muli %add3A_17, %mul3A_18 : i32
    %run_scoped3A_20 = arith.constant 0 : i32
    "tpu.region"() ({
      %run_scoped3A_63 = tpu.sem_alloc : memref<!tpu.dma_semaphore, #tpu.memory_space<semaphore_mem>>
      %dma_start3A_64 = arith.constant 0 : i32
      %dma_start3A_65 = tpu.memref_slice %arg8[%run_scoped3A_20, %dma_start3A_64] : memref<2x128xi32, #tpu.memory_space<vmem>> -> memref<1x128xi32, #tpu.memory_space<vmem>>
      %dma_start3A_66 = tpu.memref_squeeze %dma_start3A_65 : memref<1x128xi32, #tpu.memory_space<vmem>> -> memref<128xi32, #tpu.memory_space<vmem>>
      %dma_start3A_67 = tpu.memref_slice %arg4[%mul3A_19] : memref<320000xi32, #tpu.memory_space<hbm>> -> memref<128xi32, #tpu.memory_space<hbm>>
      %dma_start3A_68 = arith.constant 0 : i32
      %dma_start3A_69 = tpu.memref_slice %arg8[%run_scoped3A_20, %dma_start3A_68] : memref<2x128xi32, #tpu.memory_space<vmem>> -> memref<1x128xi32, #tpu.memory_space<vmem>>
      %dma_start3A_70 = tpu.memref_squeeze %dma_start3A_69 : memref<1x128xi32, #tpu.memory_space<vmem>> -> memref<128xi32, #tpu.memory_space<vmem>>
      %dma_start3A_71 = tpu.memref_slice %arg4[%mul3A_19] : memref<320000xi32, #tpu.memory_space<hbm>> -> memref<128xi32, #tpu.memory_space<hbm>>
      tpu.enqueue_dma source(%dma_start3A_71 : memref<128xi32, #tpu.memory_space<hbm>>) target(%dma_start3A_70 : memref<128xi32, #tpu.memory_space<vmem>>) target_semaphore(%run_scoped3A_63 : memref<!tpu.dma_semaphore, #tpu.memory_space<semaphore_mem>>)
      %dma_wait3A = arith.constant 0 : i32
      %dma_wait3A_72 = tpu.memref_slice %arg8[%run_scoped3A_20, %dma_wait3A] : memref<2x128xi32, #tpu.memory_space<vmem>> -> memref<1x128xi32, #tpu.memory_space<vmem>>
      %dma_wait3A_73 = tpu.memref_squeeze %dma_wait3A_72 : memref<1x128xi32, #tpu.memory_space<vmem>> -> memref<128xi32, #tpu.memory_space<vmem>>
      %dma_wait3A_74 = tpu.memref_slice %arg4[%mul3A_19] : memref<320000xi32, #tpu.memory_space<hbm>> -> memref<128xi32, #tpu.memory_space<hbm>>
      %dma_wait3A_75 = arith.constant 0 : i32
      %dma_wait3A_76 = tpu.memref_slice %arg8[%run_scoped3A_20, %dma_wait3A_75] : memref<2x128xi32, #tpu.memory_space<vmem>> -> memref<1x128xi32, #tpu.memory_space<vmem>>
      %dma_wait3A_77 = tpu.memref_squeeze %dma_wait3A_76 : memref<1x128xi32, #tpu.memory_space<vmem>> -> memref<128xi32, #tpu.memory_space<vmem>>
      %dma_wait3A_78 = tpu.memref_slice %arg4[%mul3A_19] : memref<320000xi32, #tpu.memory_space<hbm>> -> memref<128xi32, #tpu.memory_space<hbm>>
      tpu.wait_dma2 semaphore(%run_scoped3A_63 : memref<!tpu.dma_semaphore, #tpu.memory_space<semaphore_mem>>) src(%dma_wait3A_78 : memref<128xi32, #tpu.memory_space<hbm>>) dst(%dma_wait3A_77 : memref<128xi32, #tpu.memory_space<vmem>>)
      tpu.yield
    }) : () -> ()
    %dma_start3A = arith.constant 0 : i32
    %dma_start3A_21 = arith.constant 0 : i32
    %dma_start3A_22 = arith.constant 0 : i32
    %dma_start3A_23 = tpu.memref_slice %arg9[%dma_start3A_21, %dma_start3A_22] : memref<256x128xf32, #tpu.memory_space<vmem>> -> memref<128x128xf32, #tpu.memory_space<vmem>>
    %dma_start3A_24 = arith.constant 0 : i32
    %dma_start3A_25 = tpu.memref_slice %arg7[%dma_start3A, %dma_start3A_24] : memref<2x128xi32, #tpu.memory_space<vmem>> -> memref<1x128xi32, #tpu.memory_space<vmem>>
    %dma_start3A_26 = tpu.memref_squeeze %dma_start3A_25 : memref<1x128xi32, #tpu.memory_space<vmem>> -> memref<128xi32, #tpu.memory_space<vmem>>
    %dma_start3A_27 = arith.constant 0 : i32
    %dma_start3A_28 = arith.constant 0 : i32
    %dma_start3A_29 = tpu.memref_slice %arg2[%dma_start3A_27, %dma_start3A_28] : memref<10000x128xf32, #tpu.memory_space<hbm>> -> memref<10000x128xf32, #tpu.memory_space<hbm>>
    tpu.enqueue_indirect_dma source(%dma_start3A_29 : memref<10000x128xf32, #tpu.memory_space<hbm>>) target(%dma_start3A_23 : memref<128x128xf32, #tpu.memory_space<vmem>>) offsets(%dma_start3A_26 : memref<128xi32, #tpu.memory_space<vmem>>) semaphore(%arg11 : memref<!tpu.dma_semaphore, #tpu.memory_space<semaphore_mem>>)
    %add3A_30 = arith.constant 1 : i32
    %add3A_31 = arith.addi %add3A_11, %add3A_30 : i32
    %mul3A_32 = arith.constant 128 : i32
    %mul3A_33 = arith.muli %add3A_31, %mul3A_32 : i32
    %run_scoped3A_34 = arith.constant 1 : i32
    "tpu.region"() ({
      %run_scoped3A_63 = tpu.sem_alloc : memref<!tpu.dma_semaphore, #tpu.memory_space<semaphore_mem>>
      %dma_start3A_64 = arith.constant 0 : i32
      %dma_start3A_65 = tpu.memref_slice %arg7[%run_scoped3A_34, %dma_start3A_64] : memref<2x128xi32, #tpu.memory_space<vmem>> -> memref<1x128xi32, #tpu.memory_space<vmem>>
      %dma_start3A_66 = tpu.memref_squeeze %dma_start3A_65 : memref<1x128xi32, #tpu.memory_space<vmem>> -> memref<128xi32, #tpu.memory_space<vmem>>
      %dma_start3A_67 = tpu.memref_slice %arg3[%mul3A_33] : memref<320000xi32, #tpu.memory_space<hbm>> -> memref<128xi32, #tpu.memory_space<hbm>>
      %dma_start3A_68 = arith.constant 0 : i32
      %dma_start3A_69 = tpu.memref_slice %arg7[%run_scoped3A_34, %dma_start3A_68] : memref<2x128xi32, #tpu.memory_space<vmem>> -> memref<1x128xi32, #tpu.memory_space<vmem>>
      %dma_start3A_70 = tpu.memref_squeeze %dma_start3A_69 : memref<1x128xi32, #tpu.memory_space<vmem>> -> memref<128xi32, #tpu.memory_space<vmem>>
      %dma_start3A_71 = tpu.memref_slice %arg3[%mul3A_33] : memref<320000xi32, #tpu.memory_space<hbm>> -> memref<128xi32, #tpu.memory_space<hbm>>
      tpu.enqueue_dma source(%dma_start3A_71 : memref<128xi32, #tpu.memory_space<hbm>>) target(%dma_start3A_70 : memref<128xi32, #tpu.memory_space<vmem>>) target_semaphore(%run_scoped3A_63 : memref<!tpu.dma_semaphore, #tpu.memory_space<semaphore_mem>>)
      %dma_wait3A = arith.constant 0 : i32
      %dma_wait3A_72 = tpu.memref_slice %arg7[%run_scoped3A_34, %dma_wait3A] : memref<2x128xi32, #tpu.memory_space<vmem>> -> memref<1x128xi32, #tpu.memory_space<vmem>>
      %dma_wait3A_73 = tpu.memref_squeeze %dma_wait3A_72 : memref<1x128xi32, #tpu.memory_space<vmem>> -> memref<128xi32, #tpu.memory_space<vmem>>
      %dma_wait3A_74 = tpu.memref_slice %arg3[%mul3A_33] : memref<320000xi32, #tpu.memory_space<hbm>> -> memref<128xi32, #tpu.memory_space<hbm>>
      %dma_wait3A_75 = arith.constant 0 : i32
      %dma_wait3A_76 = tpu.memref_slice %arg7[%run_scoped3A_34, %dma_wait3A_75] : memref<2x128xi32, #tpu.memory_space<vmem>> -> memref<1x128xi32, #tpu.memory_space<vmem>>
      %dma_wait3A_77 = tpu.memref_squeeze %dma_wait3A_76 : memref<1x128xi32, #tpu.memory_space<vmem>> -> memref<128xi32, #tpu.memory_space<vmem>>
      %dma_wait3A_78 = tpu.memref_slice %arg3[%mul3A_33] : memref<320000xi32, #tpu.memory_space<hbm>> -> memref<128xi32, #tpu.memory_space<hbm>>
      tpu.wait_dma2 semaphore(%run_scoped3A_63 : memref<!tpu.dma_semaphore, #tpu.memory_space<semaphore_mem>>) src(%dma_wait3A_78 : memref<128xi32, #tpu.memory_space<hbm>>) dst(%dma_wait3A_77 : memref<128xi32, #tpu.memory_space<vmem>>)
      tpu.yield
    }) : () -> ()
    %add3A_35 = arith.constant 1 : i32
    %add3A_36 = arith.addi %add3A_11, %add3A_35 : i32
    %mul3A_37 = arith.constant 128 : i32
    %mul3A_38 = arith.muli %add3A_36, %mul3A_37 : i32
    %run_scoped3A_39 = arith.constant 1 : i32
    "tpu.region"() ({
      %run_scoped3A_63 = tpu.sem_alloc : memref<!tpu.dma_semaphore, #tpu.memory_space<semaphore_mem>>
      %dma_start3A_64 = arith.constant 0 : i32
      %dma_start3A_65 = tpu.memref_slice %arg8[%run_scoped3A_39, %dma_start3A_64] : memref<2x128xi32, #tpu.memory_space<vmem>> -> memref<1x128xi32, #tpu.memory_space<vmem>>
      %dma_start3A_66 = tpu.memref_squeeze %dma_start3A_65 : memref<1x128xi32, #tpu.memory_space<vmem>> -> memref<128xi32, #tpu.memory_space<vmem>>
      %dma_start3A_67 = tpu.memref_slice %arg4[%mul3A_38] : memref<320000xi32, #tpu.memory_space<hbm>> -> memref<128xi32, #tpu.memory_space<hbm>>
      %dma_start3A_68 = arith.constant 0 : i32
      %dma_start3A_69 = tpu.memref_slice %arg8[%run_scoped3A_39, %dma_start3A_68] : memref<2x128xi32, #tpu.memory_space<vmem>> -> memref<1x128xi32, #tpu.memory_space<vmem>>
      %dma_start3A_70 = tpu.memref_squeeze %dma_start3A_69 : memref<1x128xi32, #tpu.memory_space<vmem>> -> memref<128xi32, #tpu.memory_space<vmem>>
      %dma_start3A_71 = tpu.memref_slice %arg4[%mul3A_38] : memref<320000xi32, #tpu.memory_space<hbm>> -> memref<128xi32, #tpu.memory_space<hbm>>
      tpu.enqueue_dma source(%dma_start3A_71 : memref<128xi32, #tpu.memory_space<hbm>>) target(%dma_start3A_70 : memref<128xi32, #tpu.memory_space<vmem>>) target_semaphore(%run_scoped3A_63 : memref<!tpu.dma_semaphore, #tpu.memory_space<semaphore_mem>>)
      %dma_wait3A = arith.constant 0 : i32
      %dma_wait3A_72 = tpu.memref_slice %arg8[%run_scoped3A_39, %dma_wait3A] : memref<2x128xi32, #tpu.memory_space<vmem>> -> memref<1x128xi32, #tpu.memory_space<vmem>>
      %dma_wait3A_73 = tpu.memref_squeeze %dma_wait3A_72 : memref<1x128xi32, #tpu.memory_space<vmem>> -> memref<128xi32, #tpu.memory_space<vmem>>
      %dma_wait3A_74 = tpu.memref_slice %arg4[%mul3A_38] : memref<320000xi32, #tpu.memory_space<hbm>> -> memref<128xi32, #tpu.memory_space<hbm>>
      %dma_wait3A_75 = arith.constant 0 : i32
      %dma_wait3A_76 = tpu.memref_slice %arg8[%run_scoped3A_39, %dma_wait3A_75] : memref<2x128xi32, #tpu.memory_space<vmem>> -> memref<1x128xi32, #tpu.memory_space<vmem>>
      %dma_wait3A_77 = tpu.memref_squeeze %dma_wait3A_76 : memref<1x128xi32, #tpu.memory_space<vmem>> -> memref<128xi32, #tpu.memory_space<vmem>>
      %dma_wait3A_78 = tpu.memref_slice %arg4[%mul3A_38] : memref<320000xi32, #tpu.memory_space<hbm>> -> memref<128xi32, #tpu.memory_space<hbm>>
      tpu.wait_dma2 semaphore(%run_scoped3A_63 : memref<!tpu.dma_semaphore, #tpu.memory_space<semaphore_mem>>) src(%dma_wait3A_78 : memref<128xi32, #tpu.memory_space<hbm>>) dst(%dma_wait3A_77 : memref<128xi32, #tpu.memory_space<vmem>>)
      tpu.yield
    }) : () -> ()
    %dma_start3A_40 = arith.constant 1 : i32
    %dma_start3A_41 = arith.constant 128 : i32
    %dma_start3A_42 = arith.constant 0 : i32
    %dma_start3A_43 = tpu.memref_slice %arg9[%dma_start3A_41, %dma_start3A_42] : memref<256x128xf32, #tpu.memory_space<vmem>> -> memref<128x128xf32, #tpu.memory_space<vmem>>
    %dma_start3A_44 = arith.constant 0 : i32
    %dma_start3A_45 = tpu.memref_slice %arg7[%dma_start3A_40, %dma_start3A_44] : memref<2x128xi32, #tpu.memory_space<vmem>> -> memref<1x128xi32, #tpu.memory_space<vmem>>
    %dma_start3A_46 = tpu.memref_squeeze %dma_start3A_45 : memref<1x128xi32, #tpu.memory_space<vmem>> -> memref<128xi32, #tpu.memory_space<vmem>>
    %dma_start3A_47 = arith.constant 0 : i32
    %dma_start3A_48 = arith.constant 0 : i32
    %dma_start3A_49 = tpu.memref_slice %arg2[%dma_start3A_47, %dma_start3A_48] : memref<10000x128xf32, #tpu.memory_space<hbm>> -> memref<10000x128xf32, #tpu.memory_space<hbm>>
    tpu.enqueue_indirect_dma source(%dma_start3A_49 : memref<10000x128xf32, #tpu.memory_space<hbm>>) target(%dma_start3A_43 : memref<128x128xf32, #tpu.memory_space<vmem>>) offsets(%dma_start3A_46 : memref<128xi32, #tpu.memory_space<vmem>>) semaphore(%arg12 : memref<!tpu.dma_semaphore, #tpu.memory_space<semaphore_mem>>)
    %scan3A = arith.constant 0 : i32
    %scan3A_50 = arith.constant 39 : i32
    %scan3A_51 = arith.addi %scan3A, %scan3A_50 : i32
    %scan3A_52 = arith.constant 1 : i32
    scf.for %scan3A_63 = %scan3A to %scan3A_51 step %scan3A_52  : i32 {
      %mul3A_64 = arith.constant 1 : i32
      %mul3A_65 = arith.muli %scan3A_63, %mul3A_64 : i32
      %add3A_66 = arith.constant 0 : i32
      %add3A_67 = arith.addi %add3A_66, %mul3A_65 : i32
      %mul3A_68 = arith.constant 2 : i32
      %mul3A_69 = arith.muli %mul3A_68, %add3A_67 : i32
      %dma_wait3A = arith.constant 0 : i32
      %dma_wait3A_70 = arith.constant 0 : i32
      %dma_wait3A_71 = arith.constant 0 : i32
      %dma_wait3A_72 = tpu.memref_slice %arg9[%dma_wait3A_70, %dma_wait3A_71] : memref<256x128xf32, #tpu.memory_space<vmem>> -> memref<128x128xf32, #tpu.memory_space<vmem>>
      %dma_wait3A_73 = arith.constant 0 : i32
      %dma_wait3A_74 = tpu.memref_slice %arg7[%dma_wait3A, %dma_wait3A_73] : memref<2x128xi32, #tpu.memory_space<vmem>> -> memref<1x128xi32, #tpu.memory_space<vmem>>
      %dma_wait3A_75 = tpu.memref_squeeze %dma_wait3A_74 : memref<1x128xi32, #tpu.memory_space<vmem>> -> memref<128xi32, #tpu.memory_space<vmem>>
      %dma_wait3A_76 = arith.constant 0 : i32
      %dma_wait3A_77 = arith.constant 0 : i32
      %dma_wait3A_78 = tpu.memref_slice %arg2[%dma_wait3A_76, %dma_wait3A_77] : memref<10000x128xf32, #tpu.memory_space<hbm>> -> memref<10000x128xf32, #tpu.memory_space<hbm>>
      tpu.wait_indirect_dma semaphore(%arg11 : memref<!tpu.dma_semaphore, #tpu.memory_space<semaphore_mem>>) src(%dma_wait3A_78 : memref<10000x128xf32, #tpu.memory_space<hbm>>) dst(%dma_wait3A_72 : memref<128x128xf32, #tpu.memory_space<vmem>>)
      %run_scoped3A_79 = arith.constant 0 : i32
      "tpu.region"() ({
        %run_scoped3A_105 = tpu.sem_alloc : memref<!tpu.dma_semaphore, #tpu.memory_space<semaphore_mem>>
        %dma_start3A_106 = arith.constant 0 : i32
        %dma_start3A_107 = arith.constant 0 : i32
        %dma_start3A_108 = tpu.memref_slice %arg9[%dma_start3A_106, %dma_start3A_107] : memref<256x128xf32, #tpu.memory_space<vmem>> -> memref<128x128xf32, #tpu.memory_space<vmem>>
        %dma_start3A_109 = arith.constant 0 : i32
        %dma_start3A_110 = tpu.memref_slice %arg8[%run_scoped3A_79, %dma_start3A_109] : memref<2x128xi32, #tpu.memory_space<vmem>> -> memref<1x128xi32, #tpu.memory_space<vmem>>
        %dma_start3A_111 = tpu.memref_squeeze %dma_start3A_110 : memref<1x128xi32, #tpu.memory_space<vmem>> -> memref<128xi32, #tpu.memory_space<vmem>>
        %dma_start3A_112 = arith.constant 0 : i32
        %dma_start3A_113 = arith.constant 0 : i32
        %dma_start3A_114 = tpu.memref_slice %arg10[%dma_start3A_112, %dma_start3A_113] : memref<10112x128xf32, #tpu.memory_space<vmem_shared>> -> memref<10112x128xf32, #tpu.memory_space<vmem_shared>>
        tpu.enqueue_indirect_dma source(%dma_start3A_108 : memref<128x128xf32, #tpu.memory_space<vmem>>) target(%dma_start3A_114 : memref<10112x128xf32, #tpu.memory_space<vmem_shared>>) offsets(%dma_start3A_111 : memref<128xi32, #tpu.memory_space<vmem>>) semaphore(%run_scoped3A_105 : memref<!tpu.dma_semaphore, #tpu.memory_space<semaphore_mem>>) {add = true}
        %dma_wait3A_115 = arith.constant 0 : i32
        %dma_wait3A_116 = arith.constant 0 : i32
        %dma_wait3A_117 = tpu.memref_slice %arg9[%dma_wait3A_115, %dma_wait3A_116] : memref<256x128xf32, #tpu.memory_space<vmem>> -> memref<128x128xf32, #tpu.memory_space<vmem>>
        %dma_wait3A_118 = arith.constant 0 : i32
        %dma_wait3A_119 = tpu.memref_slice %arg8[%run_scoped3A_79, %dma_wait3A_118] : memref<2x128xi32, #tpu.memory_space<vmem>> -> memref<1x128xi32, #tpu.memory_space<vmem>>
        %dma_wait3A_120 = tpu.memref_squeeze %dma_wait3A_119 : memref<1x128xi32, #tpu.memory_space<vmem>> -> memref<128xi32, #tpu.memory_space<vmem>>
        %dma_wait3A_121 = arith.constant 0 : i32
        %dma_wait3A_122 = arith.constant 0 : i32
        %dma_wait3A_123 = tpu.memref_slice %arg10[%dma_wait3A_121, %dma_wait3A_122] : memref<10112x128xf32, #tpu.memory_space<vmem_shared>> -> memref<10112x128xf32, #tpu.memory_space<vmem_shared>>
        tpu.wait_indirect_dma semaphore(%run_scoped3A_105 : memref<!tpu.dma_semaphore, #tpu.memory_space<semaphore_mem>>) src(%dma_wait3A_117 : memref<128x128xf32, #tpu.memory_space<vmem>>) dst(%dma_wait3A_123 : memref<10112x128xf32, #tpu.memory_space<vmem_shared>>)
        tpu.yield
      }) : () -> ()
      %add3A_80 = arith.constant 2 : i32
      %add3A_81 = arith.addi %mul3A_69, %add3A_80 : i32
      %lt3A_82 = arith.constant 78 : i32
      %lt3A_83 = arith.cmpi slt, %add3A_81, %lt3A_82 : i32
      %convert_element_type3A_84 = arith.extui %lt3A_83 : i1 to i32
      %cond3A_85 = arith.constant 0 : i32
      %cond3A_86 = arith.cmpi ne, %convert_element_type3A_84, %cond3A_85 : i32
      scf.if %cond3A_86 {
        %add3A_105 = arith.constant 2 : i32
        %add3A_106 = arith.addi %mul3A_69, %add3A_105 : i32
        %add3A_107 = arith.addi %add3A_11, %add3A_106 : i32
        %mul3A_108 = arith.constant 128 : i32
        %mul3A_109 = arith.muli %add3A_107, %mul3A_108 : i32
        %run_scoped3A_110 = arith.constant 0 : i32
        "tpu.region"() ({
          %run_scoped3A_125 = tpu.sem_alloc : memref<!tpu.dma_semaphore, #tpu.memory_space<semaphore_mem>>
          %dma_start3A_126 = arith.constant 0 : i32
          %dma_start3A_127 = tpu.memref_slice %arg7[%run_scoped3A_110, %dma_start3A_126] : memref<2x128xi32, #tpu.memory_space<vmem>> -> memref<1x128xi32, #tpu.memory_space<vmem>>
          %dma_start3A_128 = tpu.memref_squeeze %dma_start3A_127 : memref<1x128xi32, #tpu.memory_space<vmem>> -> memref<128xi32, #tpu.memory_space<vmem>>
          %dma_start3A_129 = tpu.memref_slice %arg3[%mul3A_109] : memref<320000xi32, #tpu.memory_space<hbm>> -> memref<128xi32, #tpu.memory_space<hbm>>
          %dma_start3A_130 = arith.constant 0 : i32
          %dma_start3A_131 = tpu.memref_slice %arg7[%run_scoped3A_110, %dma_start3A_130] : memref<2x128xi32, #tpu.memory_space<vmem>> -> memref<1x128xi32, #tpu.memory_space<vmem>>
          %dma_start3A_132 = tpu.memref_squeeze %dma_start3A_131 : memref<1x128xi32, #tpu.memory_space<vmem>> -> memref<128xi32, #tpu.memory_space<vmem>>
          %dma_start3A_133 = tpu.memref_slice %arg3[%mul3A_109] : memref<320000xi32, #tpu.memory_space<hbm>> -> memref<128xi32, #tpu.memory_space<hbm>>
          tpu.enqueue_dma source(%dma_start3A_133 : memref<128xi32, #tpu.memory_space<hbm>>) target(%dma_start3A_132 : memref<128xi32, #tpu.memory_space<vmem>>) target_semaphore(%run_scoped3A_125 : memref<!tpu.dma_semaphore, #tpu.memory_space<semaphore_mem>>)
          %dma_wait3A_134 = arith.constant 0 : i32
          %dma_wait3A_135 = tpu.memref_slice %arg7[%run_scoped3A_110, %dma_wait3A_134] : memref<2x128xi32, #tpu.memory_space<vmem>> -> memref<1x128xi32, #tpu.memory_space<vmem>>
          %dma_wait3A_136 = tpu.memref_squeeze %dma_wait3A_135 : memref<1x128xi32, #tpu.memory_space<vmem>> -> memref<128xi32, #tpu.memory_space<vmem>>
          %dma_wait3A_137 = tpu.memref_slice %arg3[%mul3A_109] : memref<320000xi32, #tpu.memory_space<hbm>> -> memref<128xi32, #tpu.memory_space<hbm>>
          %dma_wait3A_138 = arith.constant 0 : i32
          %dma_wait3A_139 = tpu.memref_slice %arg7[%run_scoped3A_110, %dma_wait3A_138] : memref<2x128xi32, #tpu.memory_space<vmem>> -> memref<1x128xi32, #tpu.memory_space<vmem>>
          %dma_wait3A_140 = tpu.memref_squeeze %dma_wait3A_139 : memref<1x128xi32, #tpu.memory_space<vmem>> -> memref<128xi32, #tpu.memory_space<vmem>>
          %dma_wait3A_141 = tpu.memref_slice %arg3[%mul3A_109] : memref<320000xi32, #tpu.memory_space<hbm>> -> memref<128xi32, #tpu.memory_space<hbm>>
          tpu.wait_dma2 semaphore(%run_scoped3A_125 : memref<!tpu.dma_semaphore, #tpu.memory_space<semaphore_mem>>) src(%dma_wait3A_141 : memref<128xi32, #tpu.memory_space<hbm>>) dst(%dma_wait3A_140 : memref<128xi32, #tpu.memory_space<vmem>>)
          tpu.yield
        }) : () -> ()
        %add3A_111 = arith.addi %add3A_11, %add3A_106 : i32
        %mul3A_112 = arith.constant 128 : i32
        %mul3A_113 = arith.muli %add3A_111, %mul3A_112 : i32
        %run_scoped3A_114 = arith.constant 0 : i32
        "tpu.region"() ({
          %run_scoped3A_125 = tpu.sem_alloc : memref<!tpu.dma_semaphore, #tpu.memory_space<semaphore_mem>>
          %dma_start3A_126 = arith.constant 0 : i32
          %dma_start3A_127 = tpu.memref_slice %arg8[%run_scoped3A_114, %dma_start3A_126] : memref<2x128xi32, #tpu.memory_space<vmem>> -> memref<1x128xi32, #tpu.memory_space<vmem>>
          %dma_start3A_128 = tpu.memref_squeeze %dma_start3A_127 : memref<1x128xi32, #tpu.memory_space<vmem>> -> memref<128xi32, #tpu.memory_space<vmem>>
          %dma_start3A_129 = tpu.memref_slice %arg4[%mul3A_113] : memref<320000xi32, #tpu.memory_space<hbm>> -> memref<128xi32, #tpu.memory_space<hbm>>
          %dma_start3A_130 = arith.constant 0 : i32
          %dma_start3A_131 = tpu.memref_slice %arg8[%run_scoped3A_114, %dma_start3A_130] : memref<2x128xi32, #tpu.memory_space<vmem>> -> memref<1x128xi32, #tpu.memory_space<vmem>>
          %dma_start3A_132 = tpu.memref_squeeze %dma_start3A_131 : memref<1x128xi32, #tpu.memory_space<vmem>> -> memref<128xi32, #tpu.memory_space<vmem>>
          %dma_start3A_133 = tpu.memref_slice %arg4[%mul3A_113] : memref<320000xi32, #tpu.memory_space<hbm>> -> memref<128xi32, #tpu.memory_space<hbm>>
          tpu.enqueue_dma source(%dma_start3A_133 : memref<128xi32, #tpu.memory_space<hbm>>) target(%dma_start3A_132 : memref<128xi32, #tpu.memory_space<vmem>>) target_semaphore(%run_scoped3A_125 : memref<!tpu.dma_semaphore, #tpu.memory_space<semaphore_mem>>)
          %dma_wait3A_134 = arith.constant 0 : i32
          %dma_wait3A_135 = tpu.memref_slice %arg8[%run_scoped3A_114, %dma_wait3A_134] : memref<2x128xi32, #tpu.memory_space<vmem>> -> memref<1x128xi32, #tpu.memory_space<vmem>>
          %dma_wait3A_136 = tpu.memref_squeeze %dma_wait3A_135 : memref<1x128xi32, #tpu.memory_space<vmem>> -> memref<128xi32, #tpu.memory_space<vmem>>
          %dma_wait3A_137 = tpu.memref_slice %arg4[%mul3A_113] : memref<320000xi32, #tpu.memory_space<hbm>> -> memref<128xi32, #tpu.memory_space<hbm>>
          %dma_wait3A_138 = arith.constant 0 : i32
          %dma_wait3A_139 = tpu.memref_slice %arg8[%run_scoped3A_114, %dma_wait3A_138] : memref<2x128xi32, #tpu.memory_space<vmem>> -> memref<1x128xi32, #tpu.memory_space<vmem>>
          %dma_wait3A_140 = tpu.memref_squeeze %dma_wait3A_139 : memref<1x128xi32, #tpu.memory_space<vmem>> -> memref<128xi32, #tpu.memory_space<vmem>>
          %dma_wait3A_141 = tpu.memref_slice %arg4[%mul3A_113] : memref<320000xi32, #tpu.memory_space<hbm>> -> memref<128xi32, #tpu.memory_space<hbm>>
          tpu.wait_dma2 semaphore(%run_scoped3A_125 : memref<!tpu.dma_semaphore, #tpu.memory_space<semaphore_mem>>) src(%dma_wait3A_141 : memref<128xi32, #tpu.memory_space<hbm>>) dst(%dma_wait3A_140 : memref<128xi32, #tpu.memory_space<vmem>>)
          tpu.yield
        }) : () -> ()
        %dma_start3A_115 = arith.constant 0 : i32
        %dma_start3A_116 = arith.constant 0 : i32
        %dma_start3A_117 = arith.constant 0 : i32
        %dma_start3A_118 = tpu.memref_slice %arg9[%dma_start3A_116, %dma_start3A_117] : memref<256x128xf32, #tpu.memory_space<vmem>> -> memref<128x128xf32, #tpu.memory_space<vmem>>
        %dma_start3A_119 = arith.constant 0 : i32
        %dma_start3A_120 = tpu.memref_slice %arg7[%dma_start3A_115, %dma_start3A_119] : memref<2x128xi32, #tpu.memory_space<vmem>> -> memref<1x128xi32, #tpu.memory_space<vmem>>
        %dma_start3A_121 = tpu.memref_squeeze %dma_start3A_120 : memref<1x128xi32, #tpu.memory_space<vmem>> -> memref<128xi32, #tpu.memory_space<vmem>>
        %dma_start3A_122 = arith.constant 0 : i32
        %dma_start3A_123 = arith.constant 0 : i32
        %dma_start3A_124 = tpu.memref_slice %arg2[%dma_start3A_122, %dma_start3A_123] : memref<10000x128xf32, #tpu.memory_space<hbm>> -> memref<10000x128xf32, #tpu.memory_space<hbm>>
        tpu.enqueue_indirect_dma source(%dma_start3A_124 : memref<10000x128xf32, #tpu.memory_space<hbm>>) target(%dma_start3A_118 : memref<128x128xf32, #tpu.memory_space<vmem>>) offsets(%dma_start3A_121 : memref<128xi32, #tpu.memory_space<vmem>>) semaphore(%arg11 : memref<!tpu.dma_semaphore, #tpu.memory_space<semaphore_mem>>)
      } else {
      }
      %dma_wait3A_87 = arith.constant 1 : i32
      %dma_wait3A_88 = arith.constant 128 : i32
      %dma_wait3A_89 = arith.constant 0 : i32
      %dma_wait3A_90 = tpu.memref_slice %arg9[%dma_wait3A_88, %dma_wait3A_89] : memref<256x128xf32, #tpu.memory_space<vmem>> -> memref<128x128xf32, #tpu.memory_space<vmem>>
      %dma_wait3A_91 = arith.constant 0 : i32
      %dma_wait3A_92 = tpu.memref_slice %arg7[%dma_wait3A_87, %dma_wait3A_91] : memref<2x128xi32, #tpu.memory_space<vmem>> -> memref<1x128xi32, #tpu.memory_space<vmem>>
      %dma_wait3A_93 = tpu.memref_squeeze %dma_wait3A_92 : memref<1x128xi32, #tpu.memory_space<vmem>> -> memref<128xi32, #tpu.memory_space<vmem>>
      %dma_wait3A_94 = arith.constant 0 : i32
      %dma_wait3A_95 = arith.constant 0 : i32
      %dma_wait3A_96 = tpu.memref_slice %arg2[%dma_wait3A_94, %dma_wait3A_95] : memref<10000x128xf32, #tpu.memory_space<hbm>> -> memref<10000x128xf32, #tpu.memory_space<hbm>>
      tpu.wait_indirect_dma semaphore(%arg12 : memref<!tpu.dma_semaphore, #tpu.memory_space<semaphore_mem>>) src(%dma_wait3A_96 : memref<10000x128xf32, #tpu.memory_space<hbm>>) dst(%dma_wait3A_90 : memref<128x128xf32, #tpu.memory_space<vmem>>)
      %run_scoped3A_97 = arith.constant 1 : i32
      "tpu.region"() ({
        %run_scoped3A_105 = tpu.sem_alloc : memref<!tpu.dma_semaphore, #tpu.memory_space<semaphore_mem>>
        %dma_start3A_106 = arith.constant 128 : i32
        %dma_start3A_107 = arith.constant 0 : i32
        %dma_start3A_108 = tpu.memref_slice %arg9[%dma_start3A_106, %dma_start3A_107] : memref<256x128xf32, #tpu.memory_space<vmem>> -> memref<128x128xf32, #tpu.memory_space<vmem>>
        %dma_start3A_109 = arith.constant 0 : i32
        %dma_start3A_110 = tpu.memref_slice %arg8[%run_scoped3A_97, %dma_start3A_109] : memref<2x128xi32, #tpu.memory_space<vmem>> -> memref<1x128xi32, #tpu.memory_space<vmem>>
        %dma_start3A_111 = tpu.memref_squeeze %dma_start3A_110 : memref<1x128xi32, #tpu.memory_space<vmem>> -> memref<128xi32, #tpu.memory_space<vmem>>
        %dma_start3A_112 = arith.constant 0 : i32
        %dma_start3A_113 = arith.constant 0 : i32
        %dma_start3A_114 = tpu.memref_slice %arg10[%dma_start3A_112, %dma_start3A_113] : memref<10112x128xf32, #tpu.memory_space<vmem_shared>> -> memref<10112x128xf32, #tpu.memory_space<vmem_shared>>
        tpu.enqueue_indirect_dma source(%dma_start3A_108 : memref<128x128xf32, #tpu.memory_space<vmem>>) target(%dma_start3A_114 : memref<10112x128xf32, #tpu.memory_space<vmem_shared>>) offsets(%dma_start3A_111 : memref<128xi32, #tpu.memory_space<vmem>>) semaphore(%run_scoped3A_105 : memref<!tpu.dma_semaphore, #tpu.memory_space<semaphore_mem>>) {add = true}
        %dma_wait3A_115 = arith.constant 128 : i32
        %dma_wait3A_116 = arith.constant 0 : i32
        %dma_wait3A_117 = tpu.memref_slice %arg9[%dma_wait3A_115, %dma_wait3A_116] : memref<256x128xf32, #tpu.memory_space<vmem>> -> memref<128x128xf32, #tpu.memory_space<vmem>>
        %dma_wait3A_118 = arith.constant 0 : i32
        %dma_wait3A_119 = tpu.memref_slice %arg8[%run_scoped3A_97, %dma_wait3A_118] : memref<2x128xi32, #tpu.memory_space<vmem>> -> memref<1x128xi32, #tpu.memory_space<vmem>>
        %dma_wait3A_120 = tpu.memref_squeeze %dma_wait3A_119 : memref<1x128xi32, #tpu.memory_space<vmem>> -> memref<128xi32, #tpu.memory_space<vmem>>
        %dma_wait3A_121 = arith.constant 0 : i32
        %dma_wait3A_122 = arith.constant 0 : i32
        %dma_wait3A_123 = tpu.memref_slice %arg10[%dma_wait3A_121, %dma_wait3A_122] : memref<10112x128xf32, #tpu.memory_space<vmem_shared>> -> memref<10112x128xf32, #tpu.memory_space<vmem_shared>>
        tpu.wait_indirect_dma semaphore(%run_scoped3A_105 : memref<!tpu.dma_semaphore, #tpu.memory_space<semaphore_mem>>) src(%dma_wait3A_117 : memref<128x128xf32, #tpu.memory_space<vmem>>) dst(%dma_wait3A_123 : memref<10112x128xf32, #tpu.memory_space<vmem_shared>>)
        tpu.yield
      }) : () -> ()
      %add3A_98 = arith.constant 3 : i32
      %add3A_99 = arith.addi %mul3A_69, %add3A_98 : i32
      %lt3A_100 = arith.constant 78 : i32
      %lt3A_101 = arith.cmpi slt, %add3A_99, %lt3A_100 : i32
      %convert_element_type3A_102 = arith.extui %lt3A_101 : i1 to i32
      %cond3A_103 = arith.constant 0 : i32
      %cond3A_104 = arith.cmpi ne, %convert_element_type3A_102, %cond3A_103 : i32
      scf.if %cond3A_104 {
        %add3A_105 = arith.constant 3 : i32
        %add3A_106 = arith.addi %mul3A_69, %add3A_105 : i32
        %add3A_107 = arith.addi %add3A_11, %add3A_106 : i32
        %mul3A_108 = arith.constant 128 : i32
        %mul3A_109 = arith.muli %add3A_107, %mul3A_108 : i32
        %run_scoped3A_110 = arith.constant 1 : i32
        "tpu.region"() ({
          %run_scoped3A_125 = tpu.sem_alloc : memref<!tpu.dma_semaphore, #tpu.memory_space<semaphore_mem>>
          %dma_start3A_126 = arith.constant 0 : i32
          %dma_start3A_127 = tpu.memref_slice %arg7[%run_scoped3A_110, %dma_start3A_126] : memref<2x128xi32, #tpu.memory_space<vmem>> -> memref<1x128xi32, #tpu.memory_space<vmem>>
          %dma_start3A_128 = tpu.memref_squeeze %dma_start3A_127 : memref<1x128xi32, #tpu.memory_space<vmem>> -> memref<128xi32, #tpu.memory_space<vmem>>
          %dma_start3A_129 = tpu.memref_slice %arg3[%mul3A_109] : memref<320000xi32, #tpu.memory_space<hbm>> -> memref<128xi32, #tpu.memory_space<hbm>>
          %dma_start3A_130 = arith.constant 0 : i32
          %dma_start3A_131 = tpu.memref_slice %arg7[%run_scoped3A_110, %dma_start3A_130] : memref<2x128xi32, #tpu.memory_space<vmem>> -> memref<1x128xi32, #tpu.memory_space<vmem>>
          %dma_start3A_132 = tpu.memref_squeeze %dma_start3A_131 : memref<1x128xi32, #tpu.memory_space<vmem>> -> memref<128xi32, #tpu.memory_space<vmem>>
          %dma_start3A_133 = tpu.memref_slice %arg3[%mul3A_109] : memref<320000xi32, #tpu.memory_space<hbm>> -> memref<128xi32, #tpu.memory_space<hbm>>
          tpu.enqueue_dma source(%dma_start3A_133 : memref<128xi32, #tpu.memory_space<hbm>>) target(%dma_start3A_132 : memref<128xi32, #tpu.memory_space<vmem>>) target_semaphore(%run_scoped3A_125 : memref<!tpu.dma_semaphore, #tpu.memory_space<semaphore_mem>>)
          %dma_wait3A_134 = arith.constant 0 : i32
          %dma_wait3A_135 = tpu.memref_slice %arg7[%run_scoped3A_110, %dma_wait3A_134] : memref<2x128xi32, #tpu.memory_space<vmem>> -> memref<1x128xi32, #tpu.memory_space<vmem>>
          %dma_wait3A_136 = tpu.memref_squeeze %dma_wait3A_135 : memref<1x128xi32, #tpu.memory_space<vmem>> -> memref<128xi32, #tpu.memory_space<vmem>>
          %dma_wait3A_137 = tpu.memref_slice %arg3[%mul3A_109] : memref<320000xi32, #tpu.memory_space<hbm>> -> memref<128xi32, #tpu.memory_space<hbm>>
          %dma_wait3A_138 = arith.constant 0 : i32
          %dma_wait3A_139 = tpu.memref_slice %arg7[%run_scoped3A_110, %dma_wait3A_138] : memref<2x128xi32, #tpu.memory_space<vmem>> -> memref<1x128xi32, #tpu.memory_space<vmem>>
          %dma_wait3A_140 = tpu.memref_squeeze %dma_wait3A_139 : memref<1x128xi32, #tpu.memory_space<vmem>> -> memref<128xi32, #tpu.memory_space<vmem>>
          %dma_wait3A_141 = tpu.memref_slice %arg3[%mul3A_109] : memref<320000xi32, #tpu.memory_space<hbm>> -> memref<128xi32, #tpu.memory_space<hbm>>
          tpu.wait_dma2 semaphore(%run_scoped3A_125 : memref<!tpu.dma_semaphore, #tpu.memory_space<semaphore_mem>>) src(%dma_wait3A_141 : memref<128xi32, #tpu.memory_space<hbm>>) dst(%dma_wait3A_140 : memref<128xi32, #tpu.memory_space<vmem>>)
          tpu.yield
        }) : () -> ()
        %add3A_111 = arith.addi %add3A_11, %add3A_106 : i32
        %mul3A_112 = arith.constant 128 : i32
        %mul3A_113 = arith.muli %add3A_111, %mul3A_112 : i32
        %run_scoped3A_114 = arith.constant 1 : i32
        "tpu.region"() ({
          %run_scoped3A_125 = tpu.sem_alloc : memref<!tpu.dma_semaphore, #tpu.memory_space<semaphore_mem>>
          %dma_start3A_126 = arith.constant 0 : i32
          %dma_start3A_127 = tpu.memref_slice %arg8[%run_scoped3A_114, %dma_start3A_126] : memref<2x128xi32, #tpu.memory_space<vmem>> -> memref<1x128xi32, #tpu.memory_space<vmem>>
          %dma_start3A_128 = tpu.memref_squeeze %dma_start3A_127 : memref<1x128xi32, #tpu.memory_space<vmem>> -> memref<128xi32, #tpu.memory_space<vmem>>
          %dma_start3A_129 = tpu.memref_slice %arg4[%mul3A_113] : memref<320000xi32, #tpu.memory_space<hbm>> -> memref<128xi32, #tpu.memory_space<hbm>>
          %dma_start3A_130 = arith.constant 0 : i32
          %dma_start3A_131 = tpu.memref_slice %arg8[%run_scoped3A_114, %dma_start3A_130] : memref<2x128xi32, #tpu.memory_space<vmem>> -> memref<1x128xi32, #tpu.memory_space<vmem>>
          %dma_start3A_132 = tpu.memref_squeeze %dma_start3A_131 : memref<1x128xi32, #tpu.memory_space<vmem>> -> memref<128xi32, #tpu.memory_space<vmem>>
          %dma_start3A_133 = tpu.memref_slice %arg4[%mul3A_113] : memref<320000xi32, #tpu.memory_space<hbm>> -> memref<128xi32, #tpu.memory_space<hbm>>
          tpu.enqueue_dma source(%dma_start3A_133 : memref<128xi32, #tpu.memory_space<hbm>>) target(%dma_start3A_132 : memref<128xi32, #tpu.memory_space<vmem>>) target_semaphore(%run_scoped3A_125 : memref<!tpu.dma_semaphore, #tpu.memory_space<semaphore_mem>>)
          %dma_wait3A_134 = arith.constant 0 : i32
          %dma_wait3A_135 = tpu.memref_slice %arg8[%run_scoped3A_114, %dma_wait3A_134] : memref<2x128xi32, #tpu.memory_space<vmem>> -> memref<1x128xi32, #tpu.memory_space<vmem>>
          %dma_wait3A_136 = tpu.memref_squeeze %dma_wait3A_135 : memref<1x128xi32, #tpu.memory_space<vmem>> -> memref<128xi32, #tpu.memory_space<vmem>>
          %dma_wait3A_137 = tpu.memref_slice %arg4[%mul3A_113] : memref<320000xi32, #tpu.memory_space<hbm>> -> memref<128xi32, #tpu.memory_space<hbm>>
          %dma_wait3A_138 = arith.constant 0 : i32
          %dma_wait3A_139 = tpu.memref_slice %arg8[%run_scoped3A_114, %dma_wait3A_138] : memref<2x128xi32, #tpu.memory_space<vmem>> -> memref<1x128xi32, #tpu.memory_space<vmem>>
          %dma_wait3A_140 = tpu.memref_squeeze %dma_wait3A_139 : memref<1x128xi32, #tpu.memory_space<vmem>> -> memref<128xi32, #tpu.memory_space<vmem>>
          %dma_wait3A_141 = tpu.memref_slice %arg4[%mul3A_113] : memref<320000xi32, #tpu.memory_space<hbm>> -> memref<128xi32, #tpu.memory_space<hbm>>
          tpu.wait_dma2 semaphore(%run_scoped3A_125 : memref<!tpu.dma_semaphore, #tpu.memory_space<semaphore_mem>>) src(%dma_wait3A_141 : memref<128xi32, #tpu.memory_space<hbm>>) dst(%dma_wait3A_140 : memref<128xi32, #tpu.memory_space<vmem>>)
          tpu.yield
        }) : () -> ()
        %dma_start3A_115 = arith.constant 1 : i32
        %dma_start3A_116 = arith.constant 128 : i32
        %dma_start3A_117 = arith.constant 0 : i32
        %dma_start3A_118 = tpu.memref_slice %arg9[%dma_start3A_116, %dma_start3A_117] : memref<256x128xf32, #tpu.memory_space<vmem>> -> memref<128x128xf32, #tpu.memory_space<vmem>>
        %dma_start3A_119 = arith.constant 0 : i32
        %dma_start3A_120 = tpu.memref_slice %arg7[%dma_start3A_115, %dma_start3A_119] : memref<2x128xi32, #tpu.memory_space<vmem>> -> memref<1x128xi32, #tpu.memory_space<vmem>>
        %dma_start3A_121 = tpu.memref_squeeze %dma_start3A_120 : memref<1x128xi32, #tpu.memory_space<vmem>> -> memref<128xi32, #tpu.memory_space<vmem>>
        %dma_start3A_122 = arith.constant 0 : i32
        %dma_start3A_123 = arith.constant 0 : i32
        %dma_start3A_124 = tpu.memref_slice %arg2[%dma_start3A_122, %dma_start3A_123] : memref<10000x128xf32, #tpu.memory_space<hbm>> -> memref<10000x128xf32, #tpu.memory_space<hbm>>
        tpu.enqueue_indirect_dma source(%dma_start3A_124 : memref<10000x128xf32, #tpu.memory_space<hbm>>) target(%dma_start3A_118 : memref<128x128xf32, #tpu.memory_space<vmem>>) offsets(%dma_start3A_121 : memref<128xi32, #tpu.memory_space<vmem>>) semaphore(%arg12 : memref<!tpu.dma_semaphore, #tpu.memory_space<semaphore_mem>>)
      } else {
      }
    }
    %scan3A_53 = arith.constant 39 : i32
    %lt3A_54 = arith.constant 4 : i32
    %lt3A_55 = arith.cmpi slt, %add3A, %lt3A_54 : i32
    %convert_element_type3A_56 = arith.extui %lt3A_55 : i1 to i32
    %cond3A = arith.constant 0 : i32
    %cond3A_57 = arith.cmpi ne, %convert_element_type3A_56, %cond3A : i32
    scf.if %cond3A_57 {
      %add3A_63 = arith.constant 78 : i32
      %add3A_64 = arith.addi %add3A_11, %add3A_63 : i32
      %mul3A_65 = arith.constant 128 : i32
      %mul3A_66 = arith.muli %add3A_64, %mul3A_65 : i32
      %run_scoped3A_67 = arith.constant 0 : i32
      "tpu.region"() ({
        %run_scoped3A_93 = tpu.sem_alloc : memref<!tpu.dma_semaphore, #tpu.memory_space<semaphore_mem>>
        %dma_start3A_94 = arith.constant 0 : i32
        %dma_start3A_95 = tpu.memref_slice %arg7[%run_scoped3A_67, %dma_start3A_94] : memref<2x128xi32, #tpu.memory_space<vmem>> -> memref<1x128xi32, #tpu.memory_space<vmem>>
        %dma_start3A_96 = tpu.memref_squeeze %dma_start3A_95 : memref<1x128xi32, #tpu.memory_space<vmem>> -> memref<128xi32, #tpu.memory_space<vmem>>
        %dma_start3A_97 = tpu.memref_slice %arg3[%mul3A_66] : memref<320000xi32, #tpu.memory_space<hbm>> -> memref<128xi32, #tpu.memory_space<hbm>>
        %dma_start3A_98 = arith.constant 0 : i32
        %dma_start3A_99 = tpu.memref_slice %arg7[%run_scoped3A_67, %dma_start3A_98] : memref<2x128xi32, #tpu.memory_space<vmem>> -> memref<1x128xi32, #tpu.memory_space<vmem>>
        %dma_start3A_100 = tpu.memref_squeeze %dma_start3A_99 : memref<1x128xi32, #tpu.memory_space<vmem>> -> memref<128xi32, #tpu.memory_space<vmem>>
        %dma_start3A_101 = tpu.memref_slice %arg3[%mul3A_66] : memref<320000xi32, #tpu.memory_space<hbm>> -> memref<128xi32, #tpu.memory_space<hbm>>
        tpu.enqueue_dma source(%dma_start3A_101 : memref<128xi32, #tpu.memory_space<hbm>>) target(%dma_start3A_100 : memref<128xi32, #tpu.memory_space<vmem>>) target_semaphore(%run_scoped3A_93 : memref<!tpu.dma_semaphore, #tpu.memory_space<semaphore_mem>>)
        %dma_wait3A_102 = arith.constant 0 : i32
        %dma_wait3A_103 = tpu.memref_slice %arg7[%run_scoped3A_67, %dma_wait3A_102] : memref<2x128xi32, #tpu.memory_space<vmem>> -> memref<1x128xi32, #tpu.memory_space<vmem>>
        %dma_wait3A_104 = tpu.memref_squeeze %dma_wait3A_103 : memref<1x128xi32, #tpu.memory_space<vmem>> -> memref<128xi32, #tpu.memory_space<vmem>>
        %dma_wait3A_105 = tpu.memref_slice %arg3[%mul3A_66] : memref<320000xi32, #tpu.memory_space<hbm>> -> memref<128xi32, #tpu.memory_space<hbm>>
        %dma_wait3A_106 = arith.constant 0 : i32
        %dma_wait3A_107 = tpu.memref_slice %arg7[%run_scoped3A_67, %dma_wait3A_106] : memref<2x128xi32, #tpu.memory_space<vmem>> -> memref<1x128xi32, #tpu.memory_space<vmem>>
        %dma_wait3A_108 = tpu.memref_squeeze %dma_wait3A_107 : memref<1x128xi32, #tpu.memory_space<vmem>> -> memref<128xi32, #tpu.memory_space<vmem>>
        %dma_wait3A_109 = tpu.memref_slice %arg3[%mul3A_66] : memref<320000xi32, #tpu.memory_space<hbm>> -> memref<128xi32, #tpu.memory_space<hbm>>
        tpu.wait_dma2 semaphore(%run_scoped3A_93 : memref<!tpu.dma_semaphore, #tpu.memory_space<semaphore_mem>>) src(%dma_wait3A_109 : memref<128xi32, #tpu.memory_space<hbm>>) dst(%dma_wait3A_108 : memref<128xi32, #tpu.memory_space<vmem>>)
        tpu.yield
      }) : () -> ()
      %add3A_68 = arith.constant 78 : i32
      %add3A_69 = arith.addi %add3A_11, %add3A_68 : i32
      %mul3A_70 = arith.constant 128 : i32
      %mul3A_71 = arith.muli %add3A_69, %mul3A_70 : i32
      %run_scoped3A_72 = arith.constant 0 : i32
      "tpu.region"() ({
        %run_scoped3A_93 = tpu.sem_alloc : memref<!tpu.dma_semaphore, #tpu.memory_space<semaphore_mem>>
        %dma_start3A_94 = arith.constant 0 : i32
        %dma_start3A_95 = tpu.memref_slice %arg8[%run_scoped3A_72, %dma_start3A_94] : memref<2x128xi32, #tpu.memory_space<vmem>> -> memref<1x128xi32, #tpu.memory_space<vmem>>
        %dma_start3A_96 = tpu.memref_squeeze %dma_start3A_95 : memref<1x128xi32, #tpu.memory_space<vmem>> -> memref<128xi32, #tpu.memory_space<vmem>>
        %dma_start3A_97 = tpu.memref_slice %arg4[%mul3A_71] : memref<320000xi32, #tpu.memory_space<hbm>> -> memref<128xi32, #tpu.memory_space<hbm>>
        %dma_start3A_98 = arith.constant 0 : i32
        %dma_start3A_99 = tpu.memref_slice %arg8[%run_scoped3A_72, %dma_start3A_98] : memref<2x128xi32, #tpu.memory_space<vmem>> -> memref<1x128xi32, #tpu.memory_space<vmem>>
        %dma_start3A_100 = tpu.memref_squeeze %dma_start3A_99 : memref<1x128xi32, #tpu.memory_space<vmem>> -> memref<128xi32, #tpu.memory_space<vmem>>
        %dma_start3A_101 = tpu.memref_slice %arg4[%mul3A_71] : memref<320000xi32, #tpu.memory_space<hbm>> -> memref<128xi32, #tpu.memory_space<hbm>>
        tpu.enqueue_dma source(%dma_start3A_101 : memref<128xi32, #tpu.memory_space<hbm>>) target(%dma_start3A_100 : memref<128xi32, #tpu.memory_space<vmem>>) target_semaphore(%run_scoped3A_93 : memref<!tpu.dma_semaphore, #tpu.memory_space<semaphore_mem>>)
        %dma_wait3A_102 = arith.constant 0 : i32
        %dma_wait3A_103 = tpu.memref_slice %arg8[%run_scoped3A_72, %dma_wait3A_102] : memref<2x128xi32, #tpu.memory_space<vmem>> -> memref<1x128xi32, #tpu.memory_space<vmem>>
        %dma_wait3A_104 = tpu.memref_squeeze %dma_wait3A_103 : memref<1x128xi32, #tpu.memory_space<vmem>> -> memref<128xi32, #tpu.memory_space<vmem>>
        %dma_wait3A_105 = tpu.memref_slice %arg4[%mul3A_71] : memref<320000xi32, #tpu.memory_space<hbm>> -> memref<128xi32, #tpu.memory_space<hbm>>
        %dma_wait3A_106 = arith.constant 0 : i32
        %dma_wait3A_107 = tpu.memref_slice %arg8[%run_scoped3A_72, %dma_wait3A_106] : memref<2x128xi32, #tpu.memory_space<vmem>> -> memref<1x128xi32, #tpu.memory_space<vmem>>
        %dma_wait3A_108 = tpu.memref_squeeze %dma_wait3A_107 : memref<1x128xi32, #tpu.memory_space<vmem>> -> memref<128xi32, #tpu.memory_space<vmem>>
        %dma_wait3A_109 = tpu.memref_slice %arg4[%mul3A_71] : memref<320000xi32, #tpu.memory_space<hbm>> -> memref<128xi32, #tpu.memory_space<hbm>>
        tpu.wait_dma2 semaphore(%run_scoped3A_93 : memref<!tpu.dma_semaphore, #tpu.memory_space<semaphore_mem>>) src(%dma_wait3A_109 : memref<128xi32, #tpu.memory_space<hbm>>) dst(%dma_wait3A_108 : memref<128xi32, #tpu.memory_space<vmem>>)
        tpu.yield
      }) : () -> ()
      %dma_start3A_73 = arith.constant 0 : i32
      %dma_start3A_74 = arith.constant 0 : i32
      %dma_start3A_75 = arith.constant 0 : i32
      %dma_start3A_76 = tpu.memref_slice %arg9[%dma_start3A_74, %dma_start3A_75] : memref<256x128xf32, #tpu.memory_space<vmem>> -> memref<128x128xf32, #tpu.memory_space<vmem>>
      %dma_start3A_77 = arith.constant 0 : i32
      %dma_start3A_78 = tpu.memref_slice %arg7[%dma_start3A_73, %dma_start3A_77] : memref<2x128xi32, #tpu.memory_space<vmem>> -> memref<1x128xi32, #tpu.memory_space<vmem>>
      %dma_start3A_79 = tpu.memref_squeeze %dma_start3A_78 : memref<1x128xi32, #tpu.memory_space<vmem>> -> memref<128xi32, #tpu.memory_space<vmem>>
      %dma_start3A_80 = arith.constant 0 : i32
      %dma_start3A_81 = arith.constant 0 : i32
      %dma_start3A_82 = tpu.memref_slice %arg2[%dma_start3A_80, %dma_start3A_81] : memref<10000x128xf32, #tpu.memory_space<hbm>> -> memref<10000x128xf32, #tpu.memory_space<hbm>>
      tpu.enqueue_indirect_dma source(%dma_start3A_82 : memref<10000x128xf32, #tpu.memory_space<hbm>>) target(%dma_start3A_76 : memref<128x128xf32, #tpu.memory_space<vmem>>) offsets(%dma_start3A_79 : memref<128xi32, #tpu.memory_space<vmem>>) semaphore(%arg11 : memref<!tpu.dma_semaphore, #tpu.memory_space<semaphore_mem>>)
      %dma_wait3A = arith.constant 0 : i32
      %dma_wait3A_83 = arith.constant 0 : i32
      %dma_wait3A_84 = arith.constant 0 : i32
      %dma_wait3A_85 = tpu.memref_slice %arg9[%dma_wait3A_83, %dma_wait3A_84] : memref<256x128xf32, #tpu.memory_space<vmem>> -> memref<128x128xf32, #tpu.memory_space<vmem>>
      %dma_wait3A_86 = arith.constant 0 : i32
      %dma_wait3A_87 = tpu.memref_slice %arg7[%dma_wait3A, %dma_wait3A_86] : memref<2x128xi32, #tpu.memory_space<vmem>> -> memref<1x128xi32, #tpu.memory_space<vmem>>
      %dma_wait3A_88 = tpu.memref_squeeze %dma_wait3A_87 : memref<1x128xi32, #tpu.memory_space<vmem>> -> memref<128xi32, #tpu.memory_space<vmem>>
      %dma_wait3A_89 = arith.constant 0 : i32
      %dma_wait3A_90 = arith.constant 0 : i32
      %dma_wait3A_91 = tpu.memref_slice %arg2[%dma_wait3A_89, %dma_wait3A_90] : memref<10000x128xf32, #tpu.memory_space<hbm>> -> memref<10000x128xf32, #tpu.memory_space<hbm>>
      tpu.wait_indirect_dma semaphore(%arg11 : memref<!tpu.dma_semaphore, #tpu.memory_space<semaphore_mem>>) src(%dma_wait3A_91 : memref<10000x128xf32, #tpu.memory_space<hbm>>) dst(%dma_wait3A_85 : memref<128x128xf32, #tpu.memory_space<vmem>>)
      %run_scoped3A_92 = arith.constant 0 : i32
      "tpu.region"() ({
        %run_scoped3A_93 = tpu.sem_alloc : memref<!tpu.dma_semaphore, #tpu.memory_space<semaphore_mem>>
        %dma_start3A_94 = arith.constant 0 : i32
        %dma_start3A_95 = arith.constant 0 : i32
        %dma_start3A_96 = tpu.memref_slice %arg9[%dma_start3A_94, %dma_start3A_95] : memref<256x128xf32, #tpu.memory_space<vmem>> -> memref<128x128xf32, #tpu.memory_space<vmem>>
        %dma_start3A_97 = arith.constant 0 : i32
        %dma_start3A_98 = tpu.memref_slice %arg8[%run_scoped3A_92, %dma_start3A_97] : memref<2x128xi32, #tpu.memory_space<vmem>> -> memref<1x128xi32, #tpu.memory_space<vmem>>
        %dma_start3A_99 = tpu.memref_squeeze %dma_start3A_98 : memref<1x128xi32, #tpu.memory_space<vmem>> -> memref<128xi32, #tpu.memory_space<vmem>>
        %dma_start3A_100 = arith.constant 0 : i32
        %dma_start3A_101 = arith.constant 0 : i32
        %dma_start3A_102 = tpu.memref_slice %arg10[%dma_start3A_100, %dma_start3A_101] : memref<10112x128xf32, #tpu.memory_space<vmem_shared>> -> memref<10112x128xf32, #tpu.memory_space<vmem_shared>>
        tpu.enqueue_indirect_dma source(%dma_start3A_96 : memref<128x128xf32, #tpu.memory_space<vmem>>) target(%dma_start3A_102 : memref<10112x128xf32, #tpu.memory_space<vmem_shared>>) offsets(%dma_start3A_99 : memref<128xi32, #tpu.memory_space<vmem>>) semaphore(%run_scoped3A_93 : memref<!tpu.dma_semaphore, #tpu.memory_space<semaphore_mem>>) {add = true}
        %dma_wait3A_103 = arith.constant 0 : i32
        %dma_wait3A_104 = arith.constant 0 : i32
        %dma_wait3A_105 = tpu.memref_slice %arg9[%dma_wait3A_103, %dma_wait3A_104] : memref<256x128xf32, #tpu.memory_space<vmem>> -> memref<128x128xf32, #tpu.memory_space<vmem>>
        %dma_wait3A_106 = arith.constant 0 : i32
        %dma_wait3A_107 = tpu.memref_slice %arg8[%run_scoped3A_92, %dma_wait3A_106] : memref<2x128xi32, #tpu.memory_space<vmem>> -> memref<1x128xi32, #tpu.memory_space<vmem>>
        %dma_wait3A_108 = tpu.memref_squeeze %dma_wait3A_107 : memref<1x128xi32, #tpu.memory_space<vmem>> -> memref<128xi32, #tpu.memory_space<vmem>>
        %dma_wait3A_109 = arith.constant 0 : i32
        %dma_wait3A_110 = arith.constant 0 : i32
        %dma_wait3A_111 = tpu.memref_slice %arg10[%dma_wait3A_109, %dma_wait3A_110] : memref<10112x128xf32, #tpu.memory_space<vmem_shared>> -> memref<10112x128xf32, #tpu.memory_space<vmem_shared>>
        tpu.wait_indirect_dma semaphore(%run_scoped3A_93 : memref<!tpu.dma_semaphore, #tpu.memory_space<semaphore_mem>>) src(%dma_wait3A_105 : memref<128x128xf32, #tpu.memory_space<vmem>>) dst(%dma_wait3A_111 : memref<10112x128xf32, #tpu.memory_space<vmem_shared>>)
        tpu.yield
      }) : () -> ()
    } else {
    }
    %barrier3A_58 = arith.constant 0 : index
    tpu.barrier barrier_id(%barrier3A_58)
    %mul3A_59 = arith.constant 632 : i32
    %mul3A_60 = arith.muli %arg1, %mul3A_59 : i32
    %mul3A_61 = arith.constant 632 : i32
    %mul3A_62 = arith.muli %arg1, %mul3A_61 : i32
    "tpu.region"() ({
      %run_scoped3A_63 = tpu.sem_alloc : memref<!tpu.dma_semaphore, #tpu.memory_space<semaphore_mem>>
      %dma_start3A_64 = arith.constant 0 : i32
      %dma_start3A_65 = tpu.memref_slice %arg6[%arg0, %mul3A_62, %dma_start3A_64] : memref<2x10112x128xf32, #tpu.memory_space<hbm>> -> memref<1x632x128xf32, #tpu.memory_space<hbm>>
      %dma_start3A_66 = tpu.memref_squeeze %dma_start3A_65 : memref<1x632x128xf32, #tpu.memory_space<hbm>> -> memref<632x128xf32, #tpu.memory_space<hbm>>
      %dma_start3A_67 = arith.constant 0 : i32
      %dma_start3A_68 = tpu.memref_slice %arg10[%mul3A_60, %dma_start3A_67] : memref<10112x128xf32, #tpu.memory_space<vmem_shared>> -> memref<632x128xf32, #tpu.memory_space<vmem_shared>>
      tpu.enqueue_dma source(%dma_start3A_68 : memref<632x128xf32, #tpu.memory_space<vmem_shared>>) target(%dma_start3A_66 : memref<632x128xf32, #tpu.memory_space<hbm>>) target_semaphore(%run_scoped3A_63 : memref<!tpu.dma_semaphore, #tpu.memory_space<semaphore_mem>>)
      %dma_wait3A = arith.constant 0 : i32
      %dma_wait3A_69 = tpu.memref_slice %arg6[%arg0, %mul3A_62, %dma_wait3A] : memref<2x10112x128xf32, #tpu.memory_space<hbm>> -> memref<1x632x128xf32, #tpu.memory_space<hbm>>
      %dma_wait3A_70 = tpu.memref_squeeze %dma_wait3A_69 : memref<1x632x128xf32, #tpu.memory_space<hbm>> -> memref<632x128xf32, #tpu.memory_space<hbm>>
      %dma_wait3A_71 = arith.constant 0 : i32
      %dma_wait3A_72 = tpu.memref_slice %arg10[%mul3A_60, %dma_wait3A_71] : memref<10112x128xf32, #tpu.memory_space<vmem_shared>> -> memref<632x128xf32, #tpu.memory_space<vmem_shared>>
      tpu.wait_dma2 semaphore(%run_scoped3A_63 : memref<!tpu.dma_semaphore, #tpu.memory_space<semaphore_mem>>) src(%dma_wait3A_72 : memref<632x128xf32, #tpu.memory_space<vmem_shared>>) dst(%dma_wait3A_70 : memref<632x128xf32, #tpu.memory_space<hbm>>)
      tpu.yield
    }) : () -> ()
    return
  }
}

#map = affine_map<(d0, d1) -> (0, 0)>
#map1 = affine_map<(d0, d1) -> (0)>
#map2 = affine_map<(d0, d1) -> (0, 0, 0)>
module attributes {stable_mosaic.version = 14 : i64} {
  func.func @_sc_agg_body(%arg0: i32, %arg1: i32, %arg2: memref<10000x128xf32, #tpu.memory_space<hbm>>, %arg3: memref<320000xi32, #tpu.memory_space<hbm>>, %arg4: memref<320000xi32, #tpu.memory_space<hbm>>, %arg5: memref<10112x128xf32, #tpu.memory_space<hbm>>, %arg6: memref<2x10112x128xf32, #tpu.memory_space<hbm>>, %arg7: memref<2x128xi32, #tpu.memory_space<vmem>>, %arg8: memref<2x128xi32, #tpu.memory_space<vmem>>, %arg9: memref<256x128xf32, #tpu.memory_space<vmem>>, %arg10: memref<10112x128xf32, #tpu.memory_space<vmem_shared>>, %arg11: memref<!tpu.dma_semaphore, #tpu.memory_space<semaphore_mem>>, %arg12: memref<!tpu.dma_semaphore, #tpu.memory_space<semaphore_mem>>) attributes {dimension_semantics = [#tpu.dimension_semantics<core_parallel>, #tpu.dimension_semantics<subcore_parallel>], iteration_bounds = array<i64: 2, 16>, scalar_prefetch = 0 : i64, scratch_operands = 6 : i64, tpu.core_type = #tpu.core_type<sc_vector_subcore>, window_params = [{transform_indices = #map}, {transform_indices = #map1}, {transform_indices = #map1}, {transform_indices = #map}, {transform_indices = #map2}]} {
    %mul3A = arith.constant 16 : i32
    %mul3A_0 = arith.muli %arg0, %mul3A : i32
    %add3A = arith.addi %mul3A_0, %arg1 : i32
    %mul3A_1 = arith.constant 632 : i32
    %mul3A_2 = arith.muli %arg1, %mul3A_1 : i32
    %mul3A_3 = arith.constant 632 : i32
    %mul3A_4 = arith.muli %arg1, %mul3A_3 : i32
    "tpu.region"() ({
      %run_scoped3A_63 = tpu.sem_alloc : memref<!tpu.dma_semaphore, #tpu.memory_space<semaphore_mem>>
      %dma_start3A_64 = arith.constant 0 : i32
      %dma_start3A_65 = tpu.memref_slice %arg10[%mul3A_4, %dma_start3A_64] : memref<10112x128xf32, #tpu.memory_space<vmem_shared>> -> memref<632x128xf32, #tpu.memory_space<vmem_shared>>
      %dma_start3A_66 = arith.constant 0 : i32
      %dma_start3A_67 = tpu.memref_slice %arg5[%mul3A_2, %dma_start3A_66] : memref<10112x128xf32, #tpu.memory_space<hbm>> -> memref<632x128xf32, #tpu.memory_space<hbm>>
      tpu.enqueue_dma source(%dma_start3A_67 : memref<632x128xf32, #tpu.memory_space<hbm>>) target(%dma_start3A_65 : memref<632x128xf32, #tpu.memory_space<vmem_shared>>) target_semaphore(%run_scoped3A_63 : memref<!tpu.dma_semaphore, #tpu.memory_space<semaphore_mem>>)
      %dma_wait3A = arith.constant 0 : i32
      %dma_wait3A_68 = tpu.memref_slice %arg10[%mul3A_4, %dma_wait3A] : memref<10112x128xf32, #tpu.memory_space<vmem_shared>> -> memref<632x128xf32, #tpu.memory_space<vmem_shared>>
      %dma_wait3A_69 = arith.constant 0 : i32
      %dma_wait3A_70 = tpu.memref_slice %arg5[%mul3A_2, %dma_wait3A_69] : memref<10112x128xf32, #tpu.memory_space<hbm>> -> memref<632x128xf32, #tpu.memory_space<hbm>>
      tpu.wait_dma2 semaphore(%run_scoped3A_63 : memref<!tpu.dma_semaphore, #tpu.memory_space<semaphore_mem>>) src(%dma_wait3A_70 : memref<632x128xf32, #tpu.memory_space<hbm>>) dst(%dma_wait3A_68 : memref<632x128xf32, #tpu.memory_space<vmem_shared>>)
      tpu.yield
    }) : () -> ()
    %lt3A = arith.constant 4 : i32
    %lt3A_5 = arith.cmpi slt, %add3A, %lt3A : i32
    %convert_element_type3A = arith.extui %lt3A_5 : i1 to i32
    %add3A_6 = arith.constant 78 : i32
    %add3A_7 = arith.addi %add3A_6, %convert_element_type3A : i32
    %mul3A_8 = arith.constant 78 : i32
    %mul3A_9 = arith.muli %add3A, %mul3A_8 : i32
    %min3A = arith.constant 4 : i32
    %min3A_10 = arith.minsi %add3A, %min3A : i32
    %add3A_11 = arith.addi %mul3A_9, %min3A_10 : i32
    %barrier3A = arith.constant 0 : index
    tpu.barrier barrier_id(%barrier3A)
    %add3A_12 = arith.constant 0 : i32
    %add3A_13 = arith.addi %add3A_11, %add3A_12 : i32
    %mul3A_14 = arith.constant 128 : i32
    %mul3A_15 = arith.muli %add3A_13, %mul3A_14 : i32
    %run_scoped3A = arith.constant 0 : i32
    "tpu.region"() ({
      %run_scoped3A_63 = tpu.sem_alloc : memref<!tpu.dma_semaphore, #tpu.memory_space<semaphore_mem>>
      %dma_start3A_64 = arith.constant 0 : i32
      %dma_start3A_65 = tpu.memref_slice %arg7[%run_scoped3A, %dma_start3A_64] : memref<2x128xi32, #tpu.memory_space<vmem>> -> memref<1x128xi32, #tpu.memory_space<vmem>>
      %dma_start3A_66 = tpu.memref_squeeze %dma_start3A_65 : memref<1x128xi32, #tpu.memory_space<vmem>> -> memref<128xi32, #tpu.memory_space<vmem>>
      %dma_start3A_67 = tpu.memref_slice %arg3[%mul3A_15] : memref<320000xi32, #tpu.memory_space<hbm>> -> memref<128xi32, #tpu.memory_space<hbm>>
      %dma_start3A_68 = arith.constant 0 : i32
      %dma_start3A_69 = tpu.memref_slice %arg7[%run_scoped3A, %dma_start3A_68] : memref<2x128xi32, #tpu.memory_space<vmem>> -> memref<1x128xi32, #tpu.memory_space<vmem>>
      %dma_start3A_70 = tpu.memref_squeeze %dma_start3A_69 : memref<1x128xi32, #tpu.memory_space<vmem>> -> memref<128xi32, #tpu.memory_space<vmem>>
      %dma_start3A_71 = tpu.memref_slice %arg3[%mul3A_15] : memref<320000xi32, #tpu.memory_space<hbm>> -> memref<128xi32, #tpu.memory_space<hbm>>
      tpu.enqueue_dma source(%dma_start3A_71 : memref<128xi32, #tpu.memory_space<hbm>>) target(%dma_start3A_70 : memref<128xi32, #tpu.memory_space<vmem>>) target_semaphore(%run_scoped3A_63 : memref<!tpu.dma_semaphore, #tpu.memory_space<semaphore_mem>>)
      %dma_wait3A = arith.constant 0 : i32
      %dma_wait3A_72 = tpu.memref_slice %arg7[%run_scoped3A, %dma_wait3A] : memref<2x128xi32, #tpu.memory_space<vmem>> -> memref<1x128xi32, #tpu.memory_space<vmem>>
      %dma_wait3A_73 = tpu.memref_squeeze %dma_wait3A_72 : memref<1x128xi32, #tpu.memory_space<vmem>> -> memref<128xi32, #tpu.memory_space<vmem>>
      %dma_wait3A_74 = tpu.memref_slice %arg3[%mul3A_15] : memref<320000xi32, #tpu.memory_space<hbm>> -> memref<128xi32, #tpu.memory_space<hbm>>
      %dma_wait3A_75 = arith.constant 0 : i32
      %dma_wait3A_76 = tpu.memref_slice %arg7[%run_scoped3A, %dma_wait3A_75] : memref<2x128xi32, #tpu.memory_space<vmem>> -> memref<1x128xi32, #tpu.memory_space<vmem>>
      %dma_wait3A_77 = tpu.memref_squeeze %dma_wait3A_76 : memref<1x128xi32, #tpu.memory_space<vmem>> -> memref<128xi32, #tpu.memory_space<vmem>>
      %dma_wait3A_78 = tpu.memref_slice %arg3[%mul3A_15] : memref<320000xi32, #tpu.memory_space<hbm>> -> memref<128xi32, #tpu.memory_space<hbm>>
      tpu.wait_dma2 semaphore(%run_scoped3A_63 : memref<!tpu.dma_semaphore, #tpu.memory_space<semaphore_mem>>) src(%dma_wait3A_78 : memref<128xi32, #tpu.memory_space<hbm>>) dst(%dma_wait3A_77 : memref<128xi32, #tpu.memory_space<vmem>>)
      tpu.yield
    }) : () -> ()
    %add3A_16 = arith.constant 0 : i32
    %add3A_17 = arith.addi %add3A_11, %add3A_16 : i32
    %mul3A_18 = arith.constant 128 : i32
    %mul3A_19 = arith.muli %add3A_17, %mul3A_18 : i32
    %run_scoped3A_20 = arith.constant 0 : i32
    "tpu.region"() ({
      %run_scoped3A_63 = tpu.sem_alloc : memref<!tpu.dma_semaphore, #tpu.memory_space<semaphore_mem>>
      %dma_start3A_64 = arith.constant 0 : i32
      %dma_start3A_65 = tpu.memref_slice %arg8[%run_scoped3A_20, %dma_start3A_64] : memref<2x128xi32, #tpu.memory_space<vmem>> -> memref<1x128xi32, #tpu.memory_space<vmem>>
      %dma_start3A_66 = tpu.memref_squeeze %dma_start3A_65 : memref<1x128xi32, #tpu.memory_space<vmem>> -> memref<128xi32, #tpu.memory_space<vmem>>
      %dma_start3A_67 = tpu.memref_slice %arg4[%mul3A_19] : memref<320000xi32, #tpu.memory_space<hbm>> -> memref<128xi32, #tpu.memory_space<hbm>>
      %dma_start3A_68 = arith.constant 0 : i32
      %dma_start3A_69 = tpu.memref_slice %arg8[%run_scoped3A_20, %dma_start3A_68] : memref<2x128xi32, #tpu.memory_space<vmem>> -> memref<1x128xi32, #tpu.memory_space<vmem>>
      %dma_start3A_70 = tpu.memref_squeeze %dma_start3A_69 : memref<1x128xi32, #tpu.memory_space<vmem>> -> memref<128xi32, #tpu.memory_space<vmem>>
      %dma_start3A_71 = tpu.memref_slice %arg4[%mul3A_19] : memref<320000xi32, #tpu.memory_space<hbm>> -> memref<128xi32, #tpu.memory_space<hbm>>
      tpu.enqueue_dma source(%dma_start3A_71 : memref<128xi32, #tpu.memory_space<hbm>>) target(%dma_start3A_70 : memref<128xi32, #tpu.memory_space<vmem>>) target_semaphore(%run_scoped3A_63 : memref<!tpu.dma_semaphore, #tpu.memory_space<semaphore_mem>>)
      %dma_wait3A = arith.constant 0 : i32
      %dma_wait3A_72 = tpu.memref_slice %arg8[%run_scoped3A_20, %dma_wait3A] : memref<2x128xi32, #tpu.memory_space<vmem>> -> memref<1x128xi32, #tpu.memory_space<vmem>>
      %dma_wait3A_73 = tpu.memref_squeeze %dma_wait3A_72 : memref<1x128xi32, #tpu.memory_space<vmem>> -> memref<128xi32, #tpu.memory_space<vmem>>
      %dma_wait3A_74 = tpu.memref_slice %arg4[%mul3A_19] : memref<320000xi32, #tpu.memory_space<hbm>> -> memref<128xi32, #tpu.memory_space<hbm>>
      %dma_wait3A_75 = arith.constant 0 : i32
      %dma_wait3A_76 = tpu.memref_slice %arg8[%run_scoped3A_20, %dma_wait3A_75] : memref<2x128xi32, #tpu.memory_space<vmem>> -> memref<1x128xi32, #tpu.memory_space<vmem>>
      %dma_wait3A_77 = tpu.memref_squeeze %dma_wait3A_76 : memref<1x128xi32, #tpu.memory_space<vmem>> -> memref<128xi32, #tpu.memory_space<vmem>>
      %dma_wait3A_78 = tpu.memref_slice %arg4[%mul3A_19] : memref<320000xi32, #tpu.memory_space<hbm>> -> memref<128xi32, #tpu.memory_space<hbm>>
      tpu.wait_dma2 semaphore(%run_scoped3A_63 : memref<!tpu.dma_semaphore, #tpu.memory_space<semaphore_mem>>) src(%dma_wait3A_78 : memref<128xi32, #tpu.memory_space<hbm>>) dst(%dma_wait3A_77 : memref<128xi32, #tpu.memory_space<vmem>>)
      tpu.yield
    }) : () -> ()
    %dma_start3A = arith.constant 0 : i32
    %dma_start3A_21 = arith.constant 0 : i32
    %dma_start3A_22 = arith.constant 0 : i32
    %dma_start3A_23 = tpu.memref_slice %arg9[%dma_start3A_21, %dma_start3A_22] : memref<256x128xf32, #tpu.memory_space<vmem>> -> memref<128x128xf32, #tpu.memory_space<vmem>>
    %dma_start3A_24 = arith.constant 0 : i32
    %dma_start3A_25 = tpu.memref_slice %arg7[%dma_start3A, %dma_start3A_24] : memref<2x128xi32, #tpu.memory_space<vmem>> -> memref<1x128xi32, #tpu.memory_space<vmem>>
    %dma_start3A_26 = tpu.memref_squeeze %dma_start3A_25 : memref<1x128xi32, #tpu.memory_space<vmem>> -> memref<128xi32, #tpu.memory_space<vmem>>
    %dma_start3A_27 = arith.constant 0 : i32
    %dma_start3A_28 = arith.constant 0 : i32
    %dma_start3A_29 = tpu.memref_slice %arg2[%dma_start3A_27, %dma_start3A_28] : memref<10000x128xf32, #tpu.memory_space<hbm>> -> memref<10000x128xf32, #tpu.memory_space<hbm>>
    tpu.enqueue_indirect_dma source(%dma_start3A_29 : memref<10000x128xf32, #tpu.memory_space<hbm>>) target(%dma_start3A_23 : memref<128x128xf32, #tpu.memory_space<vmem>>) offsets(%dma_start3A_26 : memref<128xi32, #tpu.memory_space<vmem>>) semaphore(%arg11 : memref<!tpu.dma_semaphore, #tpu.memory_space<semaphore_mem>>)
    %add3A_30 = arith.constant 1 : i32
    %add3A_31 = arith.addi %add3A_11, %add3A_30 : i32
    %mul3A_32 = arith.constant 128 : i32
    %mul3A_33 = arith.muli %add3A_31, %mul3A_32 : i32
    %run_scoped3A_34 = arith.constant 1 : i32
    "tpu.region"() ({
      %run_scoped3A_63 = tpu.sem_alloc : memref<!tpu.dma_semaphore, #tpu.memory_space<semaphore_mem>>
      %dma_start3A_64 = arith.constant 0 : i32
      %dma_start3A_65 = tpu.memref_slice %arg7[%run_scoped3A_34, %dma_start3A_64] : memref<2x128xi32, #tpu.memory_space<vmem>> -> memref<1x128xi32, #tpu.memory_space<vmem>>
      %dma_start3A_66 = tpu.memref_squeeze %dma_start3A_65 : memref<1x128xi32, #tpu.memory_space<vmem>> -> memref<128xi32, #tpu.memory_space<vmem>>
      %dma_start3A_67 = tpu.memref_slice %arg3[%mul3A_33] : memref<320000xi32, #tpu.memory_space<hbm>> -> memref<128xi32, #tpu.memory_space<hbm>>
      %dma_start3A_68 = arith.constant 0 : i32
      %dma_start3A_69 = tpu.memref_slice %arg7[%run_scoped3A_34, %dma_start3A_68] : memref<2x128xi32, #tpu.memory_space<vmem>> -> memref<1x128xi32, #tpu.memory_space<vmem>>
      %dma_start3A_70 = tpu.memref_squeeze %dma_start3A_69 : memref<1x128xi32, #tpu.memory_space<vmem>> -> memref<128xi32, #tpu.memory_space<vmem>>
      %dma_start3A_71 = tpu.memref_slice %arg3[%mul3A_33] : memref<320000xi32, #tpu.memory_space<hbm>> -> memref<128xi32, #tpu.memory_space<hbm>>
      tpu.enqueue_dma source(%dma_start3A_71 : memref<128xi32, #tpu.memory_space<hbm>>) target(%dma_start3A_70 : memref<128xi32, #tpu.memory_space<vmem>>) target_semaphore(%run_scoped3A_63 : memref<!tpu.dma_semaphore, #tpu.memory_space<semaphore_mem>>)
      %dma_wait3A = arith.constant 0 : i32
      %dma_wait3A_72 = tpu.memref_slice %arg7[%run_scoped3A_34, %dma_wait3A] : memref<2x128xi32, #tpu.memory_space<vmem>> -> memref<1x128xi32, #tpu.memory_space<vmem>>
      %dma_wait3A_73 = tpu.memref_squeeze %dma_wait3A_72 : memref<1x128xi32, #tpu.memory_space<vmem>> -> memref<128xi32, #tpu.memory_space<vmem>>
      %dma_wait3A_74 = tpu.memref_slice %arg3[%mul3A_33] : memref<320000xi32, #tpu.memory_space<hbm>> -> memref<128xi32, #tpu.memory_space<hbm>>
      %dma_wait3A_75 = arith.constant 0 : i32
      %dma_wait3A_76 = tpu.memref_slice %arg7[%run_scoped3A_34, %dma_wait3A_75] : memref<2x128xi32, #tpu.memory_space<vmem>> -> memref<1x128xi32, #tpu.memory_space<vmem>>
      %dma_wait3A_77 = tpu.memref_squeeze %dma_wait3A_76 : memref<1x128xi32, #tpu.memory_space<vmem>> -> memref<128xi32, #tpu.memory_space<vmem>>
      %dma_wait3A_78 = tpu.memref_slice %arg3[%mul3A_33] : memref<320000xi32, #tpu.memory_space<hbm>> -> memref<128xi32, #tpu.memory_space<hbm>>
      tpu.wait_dma2 semaphore(%run_scoped3A_63 : memref<!tpu.dma_semaphore, #tpu.memory_space<semaphore_mem>>) src(%dma_wait3A_78 : memref<128xi32, #tpu.memory_space<hbm>>) dst(%dma_wait3A_77 : memref<128xi32, #tpu.memory_space<vmem>>)
      tpu.yield
    }) : () -> ()
    %add3A_35 = arith.constant 1 : i32
    %add3A_36 = arith.addi %add3A_11, %add3A_35 : i32
    %mul3A_37 = arith.constant 128 : i32
    %mul3A_38 = arith.muli %add3A_36, %mul3A_37 : i32
    %run_scoped3A_39 = arith.constant 1 : i32
    "tpu.region"() ({
      %run_scoped3A_63 = tpu.sem_alloc : memref<!tpu.dma_semaphore, #tpu.memory_space<semaphore_mem>>
      %dma_start3A_64 = arith.constant 0 : i32
      %dma_start3A_65 = tpu.memref_slice %arg8[%run_scoped3A_39, %dma_start3A_64] : memref<2x128xi32, #tpu.memory_space<vmem>> -> memref<1x128xi32, #tpu.memory_space<vmem>>
      %dma_start3A_66 = tpu.memref_squeeze %dma_start3A_65 : memref<1x128xi32, #tpu.memory_space<vmem>> -> memref<128xi32, #tpu.memory_space<vmem>>
      %dma_start3A_67 = tpu.memref_slice %arg4[%mul3A_38] : memref<320000xi32, #tpu.memory_space<hbm>> -> memref<128xi32, #tpu.memory_space<hbm>>
      %dma_start3A_68 = arith.constant 0 : i32
      %dma_start3A_69 = tpu.memref_slice %arg8[%run_scoped3A_39, %dma_start3A_68] : memref<2x128xi32, #tpu.memory_space<vmem>> -> memref<1x128xi32, #tpu.memory_space<vmem>>
      %dma_start3A_70 = tpu.memref_squeeze %dma_start3A_69 : memref<1x128xi32, #tpu.memory_space<vmem>> -> memref<128xi32, #tpu.memory_space<vmem>>
      %dma_start3A_71 = tpu.memref_slice %arg4[%mul3A_38] : memref<320000xi32, #tpu.memory_space<hbm>> -> memref<128xi32, #tpu.memory_space<hbm>>
      tpu.enqueue_dma source(%dma_start3A_71 : memref<128xi32, #tpu.memory_space<hbm>>) target(%dma_start3A_70 : memref<128xi32, #tpu.memory_space<vmem>>) target_semaphore(%run_scoped3A_63 : memref<!tpu.dma_semaphore, #tpu.memory_space<semaphore_mem>>)
      %dma_wait3A = arith.constant 0 : i32
      %dma_wait3A_72 = tpu.memref_slice %arg8[%run_scoped3A_39, %dma_wait3A] : memref<2x128xi32, #tpu.memory_space<vmem>> -> memref<1x128xi32, #tpu.memory_space<vmem>>
      %dma_wait3A_73 = tpu.memref_squeeze %dma_wait3A_72 : memref<1x128xi32, #tpu.memory_space<vmem>> -> memref<128xi32, #tpu.memory_space<vmem>>
      %dma_wait3A_74 = tpu.memref_slice %arg4[%mul3A_38] : memref<320000xi32, #tpu.memory_space<hbm>> -> memref<128xi32, #tpu.memory_space<hbm>>
      %dma_wait3A_75 = arith.constant 0 : i32
      %dma_wait3A_76 = tpu.memref_slice %arg8[%run_scoped3A_39, %dma_wait3A_75] : memref<2x128xi32, #tpu.memory_space<vmem>> -> memref<1x128xi32, #tpu.memory_space<vmem>>
      %dma_wait3A_77 = tpu.memref_squeeze %dma_wait3A_76 : memref<1x128xi32, #tpu.memory_space<vmem>> -> memref<128xi32, #tpu.memory_space<vmem>>
      %dma_wait3A_78 = tpu.memref_slice %arg4[%mul3A_38] : memref<320000xi32, #tpu.memory_space<hbm>> -> memref<128xi32, #tpu.memory_space<hbm>>
      tpu.wait_dma2 semaphore(%run_scoped3A_63 : memref<!tpu.dma_semaphore, #tpu.memory_space<semaphore_mem>>) src(%dma_wait3A_78 : memref<128xi32, #tpu.memory_space<hbm>>) dst(%dma_wait3A_77 : memref<128xi32, #tpu.memory_space<vmem>>)
      tpu.yield
    }) : () -> ()
    %dma_start3A_40 = arith.constant 1 : i32
    %dma_start3A_41 = arith.constant 128 : i32
    %dma_start3A_42 = arith.constant 0 : i32
    %dma_start3A_43 = tpu.memref_slice %arg9[%dma_start3A_41, %dma_start3A_42] : memref<256x128xf32, #tpu.memory_space<vmem>> -> memref<128x128xf32, #tpu.memory_space<vmem>>
    %dma_start3A_44 = arith.constant 0 : i32
    %dma_start3A_45 = tpu.memref_slice %arg7[%dma_start3A_40, %dma_start3A_44] : memref<2x128xi32, #tpu.memory_space<vmem>> -> memref<1x128xi32, #tpu.memory_space<vmem>>
    %dma_start3A_46 = tpu.memref_squeeze %dma_start3A_45 : memref<1x128xi32, #tpu.memory_space<vmem>> -> memref<128xi32, #tpu.memory_space<vmem>>
    %dma_start3A_47 = arith.constant 0 : i32
    %dma_start3A_48 = arith.constant 0 : i32
    %dma_start3A_49 = tpu.memref_slice %arg2[%dma_start3A_47, %dma_start3A_48] : memref<10000x128xf32, #tpu.memory_space<hbm>> -> memref<10000x128xf32, #tpu.memory_space<hbm>>
    tpu.enqueue_indirect_dma source(%dma_start3A_49 : memref<10000x128xf32, #tpu.memory_space<hbm>>) target(%dma_start3A_43 : memref<128x128xf32, #tpu.memory_space<vmem>>) offsets(%dma_start3A_46 : memref<128xi32, #tpu.memory_space<vmem>>) semaphore(%arg12 : memref<!tpu.dma_semaphore, #tpu.memory_space<semaphore_mem>>)
    %scan3A = arith.constant 0 : i32
    %scan3A_50 = arith.constant 39 : i32
    %scan3A_51 = arith.addi %scan3A, %scan3A_50 : i32
    %scan3A_52 = arith.constant 1 : i32
    scf.for %scan3A_63 = %scan3A to %scan3A_51 step %scan3A_52  : i32 {
      %mul3A_64 = arith.constant 1 : i32
      %mul3A_65 = arith.muli %scan3A_63, %mul3A_64 : i32
      %add3A_66 = arith.constant 0 : i32
      %add3A_67 = arith.addi %add3A_66, %mul3A_65 : i32
      %mul3A_68 = arith.constant 2 : i32
      %mul3A_69 = arith.muli %mul3A_68, %add3A_67 : i32
      %dma_wait3A = arith.constant 0 : i32
      %dma_wait3A_70 = arith.constant 0 : i32
      %dma_wait3A_71 = arith.constant 0 : i32
      %dma_wait3A_72 = tpu.memref_slice %arg9[%dma_wait3A_70, %dma_wait3A_71] : memref<256x128xf32, #tpu.memory_space<vmem>> -> memref<128x128xf32, #tpu.memory_space<vmem>>
      %dma_wait3A_73 = arith.constant 0 : i32
      %dma_wait3A_74 = tpu.memref_slice %arg7[%dma_wait3A, %dma_wait3A_73] : memref<2x128xi32, #tpu.memory_space<vmem>> -> memref<1x128xi32, #tpu.memory_space<vmem>>
      %dma_wait3A_75 = tpu.memref_squeeze %dma_wait3A_74 : memref<1x128xi32, #tpu.memory_space<vmem>> -> memref<128xi32, #tpu.memory_space<vmem>>
      %dma_wait3A_76 = arith.constant 0 : i32
      %dma_wait3A_77 = arith.constant 0 : i32
      %dma_wait3A_78 = tpu.memref_slice %arg2[%dma_wait3A_76, %dma_wait3A_77] : memref<10000x128xf32, #tpu.memory_space<hbm>> -> memref<10000x128xf32, #tpu.memory_space<hbm>>
      tpu.wait_indirect_dma semaphore(%arg11 : memref<!tpu.dma_semaphore, #tpu.memory_space<semaphore_mem>>) src(%dma_wait3A_78 : memref<10000x128xf32, #tpu.memory_space<hbm>>) dst(%dma_wait3A_72 : memref<128x128xf32, #tpu.memory_space<vmem>>)
      %run_scoped3A_79 = arith.constant 0 : i32
      "tpu.region"() ({
        %run_scoped3A_105 = tpu.sem_alloc : memref<!tpu.dma_semaphore, #tpu.memory_space<semaphore_mem>>
        %dma_start3A_106 = arith.constant 0 : i32
        %dma_start3A_107 = arith.constant 0 : i32
        %dma_start3A_108 = tpu.memref_slice %arg9[%dma_start3A_106, %dma_start3A_107] : memref<256x128xf32, #tpu.memory_space<vmem>> -> memref<128x128xf32, #tpu.memory_space<vmem>>
        %dma_start3A_109 = arith.constant 0 : i32
        %dma_start3A_110 = tpu.memref_slice %arg8[%run_scoped3A_79, %dma_start3A_109] : memref<2x128xi32, #tpu.memory_space<vmem>> -> memref<1x128xi32, #tpu.memory_space<vmem>>
        %dma_start3A_111 = tpu.memref_squeeze %dma_start3A_110 : memref<1x128xi32, #tpu.memory_space<vmem>> -> memref<128xi32, #tpu.memory_space<vmem>>
        %dma_start3A_112 = arith.constant 0 : i32
        %dma_start3A_113 = arith.constant 0 : i32
        %dma_start3A_114 = tpu.memref_slice %arg10[%dma_start3A_112, %dma_start3A_113] : memref<10112x128xf32, #tpu.memory_space<vmem_shared>> -> memref<10112x128xf32, #tpu.memory_space<vmem_shared>>
        tpu.enqueue_indirect_dma source(%dma_start3A_108 : memref<128x128xf32, #tpu.memory_space<vmem>>) target(%dma_start3A_114 : memref<10112x128xf32, #tpu.memory_space<vmem_shared>>) offsets(%dma_start3A_111 : memref<128xi32, #tpu.memory_space<vmem>>) semaphore(%run_scoped3A_105 : memref<!tpu.dma_semaphore, #tpu.memory_space<semaphore_mem>>) {add = true}
        %dma_wait3A_115 = arith.constant 0 : i32
        %dma_wait3A_116 = arith.constant 0 : i32
        %dma_wait3A_117 = tpu.memref_slice %arg9[%dma_wait3A_115, %dma_wait3A_116] : memref<256x128xf32, #tpu.memory_space<vmem>> -> memref<128x128xf32, #tpu.memory_space<vmem>>
        %dma_wait3A_118 = arith.constant 0 : i32
        %dma_wait3A_119 = tpu.memref_slice %arg8[%run_scoped3A_79, %dma_wait3A_118] : memref<2x128xi32, #tpu.memory_space<vmem>> -> memref<1x128xi32, #tpu.memory_space<vmem>>
        %dma_wait3A_120 = tpu.memref_squeeze %dma_wait3A_119 : memref<1x128xi32, #tpu.memory_space<vmem>> -> memref<128xi32, #tpu.memory_space<vmem>>
        %dma_wait3A_121 = arith.constant 0 : i32
        %dma_wait3A_122 = arith.constant 0 : i32
        %dma_wait3A_123 = tpu.memref_slice %arg10[%dma_wait3A_121, %dma_wait3A_122] : memref<10112x128xf32, #tpu.memory_space<vmem_shared>> -> memref<10112x128xf32, #tpu.memory_space<vmem_shared>>
        tpu.wait_indirect_dma semaphore(%run_scoped3A_105 : memref<!tpu.dma_semaphore, #tpu.memory_space<semaphore_mem>>) src(%dma_wait3A_117 : memref<128x128xf32, #tpu.memory_space<vmem>>) dst(%dma_wait3A_123 : memref<10112x128xf32, #tpu.memory_space<vmem_shared>>)
        tpu.yield
      }) : () -> ()
      %add3A_80 = arith.constant 2 : i32
      %add3A_81 = arith.addi %mul3A_69, %add3A_80 : i32
      %lt3A_82 = arith.constant 78 : i32
      %lt3A_83 = arith.cmpi slt, %add3A_81, %lt3A_82 : i32
      %convert_element_type3A_84 = arith.extui %lt3A_83 : i1 to i32
      %cond3A_85 = arith.constant 0 : i32
      %cond3A_86 = arith.cmpi ne, %convert_element_type3A_84, %cond3A_85 : i32
      scf.if %cond3A_86 {
        %add3A_105 = arith.constant 2 : i32
        %add3A_106 = arith.addi %mul3A_69, %add3A_105 : i32
        %add3A_107 = arith.addi %add3A_11, %add3A_106 : i32
        %mul3A_108 = arith.constant 128 : i32
        %mul3A_109 = arith.muli %add3A_107, %mul3A_108 : i32
        %run_scoped3A_110 = arith.constant 0 : i32
        "tpu.region"() ({
          %run_scoped3A_125 = tpu.sem_alloc : memref<!tpu.dma_semaphore, #tpu.memory_space<semaphore_mem>>
          %dma_start3A_126 = arith.constant 0 : i32
          %dma_start3A_127 = tpu.memref_slice %arg7[%run_scoped3A_110, %dma_start3A_126] : memref<2x128xi32, #tpu.memory_space<vmem>> -> memref<1x128xi32, #tpu.memory_space<vmem>>
          %dma_start3A_128 = tpu.memref_squeeze %dma_start3A_127 : memref<1x128xi32, #tpu.memory_space<vmem>> -> memref<128xi32, #tpu.memory_space<vmem>>
          %dma_start3A_129 = tpu.memref_slice %arg3[%mul3A_109] : memref<320000xi32, #tpu.memory_space<hbm>> -> memref<128xi32, #tpu.memory_space<hbm>>
          %dma_start3A_130 = arith.constant 0 : i32
          %dma_start3A_131 = tpu.memref_slice %arg7[%run_scoped3A_110, %dma_start3A_130] : memref<2x128xi32, #tpu.memory_space<vmem>> -> memref<1x128xi32, #tpu.memory_space<vmem>>
          %dma_start3A_132 = tpu.memref_squeeze %dma_start3A_131 : memref<1x128xi32, #tpu.memory_space<vmem>> -> memref<128xi32, #tpu.memory_space<vmem>>
          %dma_start3A_133 = tpu.memref_slice %arg3[%mul3A_109] : memref<320000xi32, #tpu.memory_space<hbm>> -> memref<128xi32, #tpu.memory_space<hbm>>
          tpu.enqueue_dma source(%dma_start3A_133 : memref<128xi32, #tpu.memory_space<hbm>>) target(%dma_start3A_132 : memref<128xi32, #tpu.memory_space<vmem>>) target_semaphore(%run_scoped3A_125 : memref<!tpu.dma_semaphore, #tpu.memory_space<semaphore_mem>>)
          %dma_wait3A_134 = arith.constant 0 : i32
          %dma_wait3A_135 = tpu.memref_slice %arg7[%run_scoped3A_110, %dma_wait3A_134] : memref<2x128xi32, #tpu.memory_space<vmem>> -> memref<1x128xi32, #tpu.memory_space<vmem>>
          %dma_wait3A_136 = tpu.memref_squeeze %dma_wait3A_135 : memref<1x128xi32, #tpu.memory_space<vmem>> -> memref<128xi32, #tpu.memory_space<vmem>>
          %dma_wait3A_137 = tpu.memref_slice %arg3[%mul3A_109] : memref<320000xi32, #tpu.memory_space<hbm>> -> memref<128xi32, #tpu.memory_space<hbm>>
          %dma_wait3A_138 = arith.constant 0 : i32
          %dma_wait3A_139 = tpu.memref_slice %arg7[%run_scoped3A_110, %dma_wait3A_138] : memref<2x128xi32, #tpu.memory_space<vmem>> -> memref<1x128xi32, #tpu.memory_space<vmem>>
          %dma_wait3A_140 = tpu.memref_squeeze %dma_wait3A_139 : memref<1x128xi32, #tpu.memory_space<vmem>> -> memref<128xi32, #tpu.memory_space<vmem>>
          %dma_wait3A_141 = tpu.memref_slice %arg3[%mul3A_109] : memref<320000xi32, #tpu.memory_space<hbm>> -> memref<128xi32, #tpu.memory_space<hbm>>
          tpu.wait_dma2 semaphore(%run_scoped3A_125 : memref<!tpu.dma_semaphore, #tpu.memory_space<semaphore_mem>>) src(%dma_wait3A_141 : memref<128xi32, #tpu.memory_space<hbm>>) dst(%dma_wait3A_140 : memref<128xi32, #tpu.memory_space<vmem>>)
          tpu.yield
        }) : () -> ()
        %add3A_111 = arith.addi %add3A_11, %add3A_106 : i32
        %mul3A_112 = arith.constant 128 : i32
        %mul3A_113 = arith.muli %add3A_111, %mul3A_112 : i32
        %run_scoped3A_114 = arith.constant 0 : i32
        "tpu.region"() ({
          %run_scoped3A_125 = tpu.sem_alloc : memref<!tpu.dma_semaphore, #tpu.memory_space<semaphore_mem>>
          %dma_start3A_126 = arith.constant 0 : i32
          %dma_start3A_127 = tpu.memref_slice %arg8[%run_scoped3A_114, %dma_start3A_126] : memref<2x128xi32, #tpu.memory_space<vmem>> -> memref<1x128xi32, #tpu.memory_space<vmem>>
          %dma_start3A_128 = tpu.memref_squeeze %dma_start3A_127 : memref<1x128xi32, #tpu.memory_space<vmem>> -> memref<128xi32, #tpu.memory_space<vmem>>
          %dma_start3A_129 = tpu.memref_slice %arg4[%mul3A_113] : memref<320000xi32, #tpu.memory_space<hbm>> -> memref<128xi32, #tpu.memory_space<hbm>>
          %dma_start3A_130 = arith.constant 0 : i32
          %dma_start3A_131 = tpu.memref_slice %arg8[%run_scoped3A_114, %dma_start3A_130] : memref<2x128xi32, #tpu.memory_space<vmem>> -> memref<1x128xi32, #tpu.memory_space<vmem>>
          %dma_start3A_132 = tpu.memref_squeeze %dma_start3A_131 : memref<1x128xi32, #tpu.memory_space<vmem>> -> memref<128xi32, #tpu.memory_space<vmem>>
          %dma_start3A_133 = tpu.memref_slice %arg4[%mul3A_113] : memref<320000xi32, #tpu.memory_space<hbm>> -> memref<128xi32, #tpu.memory_space<hbm>>
          tpu.enqueue_dma source(%dma_start3A_133 : memref<128xi32, #tpu.memory_space<hbm>>) target(%dma_start3A_132 : memref<128xi32, #tpu.memory_space<vmem>>) target_semaphore(%run_scoped3A_125 : memref<!tpu.dma_semaphore, #tpu.memory_space<semaphore_mem>>)
          %dma_wait3A_134 = arith.constant 0 : i32
          %dma_wait3A_135 = tpu.memref_slice %arg8[%run_scoped3A_114, %dma_wait3A_134] : memref<2x128xi32, #tpu.memory_space<vmem>> -> memref<1x128xi32, #tpu.memory_space<vmem>>
          %dma_wait3A_136 = tpu.memref_squeeze %dma_wait3A_135 : memref<1x128xi32, #tpu.memory_space<vmem>> -> memref<128xi32, #tpu.memory_space<vmem>>
          %dma_wait3A_137 = tpu.memref_slice %arg4[%mul3A_113] : memref<320000xi32, #tpu.memory_space<hbm>> -> memref<128xi32, #tpu.memory_space<hbm>>
          %dma_wait3A_138 = arith.constant 0 : i32
          %dma_wait3A_139 = tpu.memref_slice %arg8[%run_scoped3A_114, %dma_wait3A_138] : memref<2x128xi32, #tpu.memory_space<vmem>> -> memref<1x128xi32, #tpu.memory_space<vmem>>
          %dma_wait3A_140 = tpu.memref_squeeze %dma_wait3A_139 : memref<1x128xi32, #tpu.memory_space<vmem>> -> memref<128xi32, #tpu.memory_space<vmem>>
          %dma_wait3A_141 = tpu.memref_slice %arg4[%mul3A_113] : memref<320000xi32, #tpu.memory_space<hbm>> -> memref<128xi32, #tpu.memory_space<hbm>>
          tpu.wait_dma2 semaphore(%run_scoped3A_125 : memref<!tpu.dma_semaphore, #tpu.memory_space<semaphore_mem>>) src(%dma_wait3A_141 : memref<128xi32, #tpu.memory_space<hbm>>) dst(%dma_wait3A_140 : memref<128xi32, #tpu.memory_space<vmem>>)
          tpu.yield
        }) : () -> ()
        %dma_start3A_115 = arith.constant 0 : i32
        %dma_start3A_116 = arith.constant 0 : i32
        %dma_start3A_117 = arith.constant 0 : i32
        %dma_start3A_118 = tpu.memref_slice %arg9[%dma_start3A_116, %dma_start3A_117] : memref<256x128xf32, #tpu.memory_space<vmem>> -> memref<128x128xf32, #tpu.memory_space<vmem>>
        %dma_start3A_119 = arith.constant 0 : i32
        %dma_start3A_120 = tpu.memref_slice %arg7[%dma_start3A_115, %dma_start3A_119] : memref<2x128xi32, #tpu.memory_space<vmem>> -> memref<1x128xi32, #tpu.memory_space<vmem>>
        %dma_start3A_121 = tpu.memref_squeeze %dma_start3A_120 : memref<1x128xi32, #tpu.memory_space<vmem>> -> memref<128xi32, #tpu.memory_space<vmem>>
        %dma_start3A_122 = arith.constant 0 : i32
        %dma_start3A_123 = arith.constant 0 : i32
        %dma_start3A_124 = tpu.memref_slice %arg2[%dma_start3A_122, %dma_start3A_123] : memref<10000x128xf32, #tpu.memory_space<hbm>> -> memref<10000x128xf32, #tpu.memory_space<hbm>>
        tpu.enqueue_indirect_dma source(%dma_start3A_124 : memref<10000x128xf32, #tpu.memory_space<hbm>>) target(%dma_start3A_118 : memref<128x128xf32, #tpu.memory_space<vmem>>) offsets(%dma_start3A_121 : memref<128xi32, #tpu.memory_space<vmem>>) semaphore(%arg11 : memref<!tpu.dma_semaphore, #tpu.memory_space<semaphore_mem>>)
      } else {
      }
      %dma_wait3A_87 = arith.constant 1 : i32
      %dma_wait3A_88 = arith.constant 128 : i32
      %dma_wait3A_89 = arith.constant 0 : i32
      %dma_wait3A_90 = tpu.memref_slice %arg9[%dma_wait3A_88, %dma_wait3A_89] : memref<256x128xf32, #tpu.memory_space<vmem>> -> memref<128x128xf32, #tpu.memory_space<vmem>>
      %dma_wait3A_91 = arith.constant 0 : i32
      %dma_wait3A_92 = tpu.memref_slice %arg7[%dma_wait3A_87, %dma_wait3A_91] : memref<2x128xi32, #tpu.memory_space<vmem>> -> memref<1x128xi32, #tpu.memory_space<vmem>>
      %dma_wait3A_93 = tpu.memref_squeeze %dma_wait3A_92 : memref<1x128xi32, #tpu.memory_space<vmem>> -> memref<128xi32, #tpu.memory_space<vmem>>
      %dma_wait3A_94 = arith.constant 0 : i32
      %dma_wait3A_95 = arith.constant 0 : i32
      %dma_wait3A_96 = tpu.memref_slice %arg2[%dma_wait3A_94, %dma_wait3A_95] : memref<10000x128xf32, #tpu.memory_space<hbm>> -> memref<10000x128xf32, #tpu.memory_space<hbm>>
      tpu.wait_indirect_dma semaphore(%arg12 : memref<!tpu.dma_semaphore, #tpu.memory_space<semaphore_mem>>) src(%dma_wait3A_96 : memref<10000x128xf32, #tpu.memory_space<hbm>>) dst(%dma_wait3A_90 : memref<128x128xf32, #tpu.memory_space<vmem>>)
      %run_scoped3A_97 = arith.constant 1 : i32
      "tpu.region"() ({
        %run_scoped3A_105 = tpu.sem_alloc : memref<!tpu.dma_semaphore, #tpu.memory_space<semaphore_mem>>
        %dma_start3A_106 = arith.constant 128 : i32
        %dma_start3A_107 = arith.constant 0 : i32
        %dma_start3A_108 = tpu.memref_slice %arg9[%dma_start3A_106, %dma_start3A_107] : memref<256x128xf32, #tpu.memory_space<vmem>> -> memref<128x128xf32, #tpu.memory_space<vmem>>
        %dma_start3A_109 = arith.constant 0 : i32
        %dma_start3A_110 = tpu.memref_slice %arg8[%run_scoped3A_97, %dma_start3A_109] : memref<2x128xi32, #tpu.memory_space<vmem>> -> memref<1x128xi32, #tpu.memory_space<vmem>>
        %dma_start3A_111 = tpu.memref_squeeze %dma_start3A_110 : memref<1x128xi32, #tpu.memory_space<vmem>> -> memref<128xi32, #tpu.memory_space<vmem>>
        %dma_start3A_112 = arith.constant 0 : i32
        %dma_start3A_113 = arith.constant 0 : i32
        %dma_start3A_114 = tpu.memref_slice %arg10[%dma_start3A_112, %dma_start3A_113] : memref<10112x128xf32, #tpu.memory_space<vmem_shared>> -> memref<10112x128xf32, #tpu.memory_space<vmem_shared>>
        tpu.enqueue_indirect_dma source(%dma_start3A_108 : memref<128x128xf32, #tpu.memory_space<vmem>>) target(%dma_start3A_114 : memref<10112x128xf32, #tpu.memory_space<vmem_shared>>) offsets(%dma_start3A_111 : memref<128xi32, #tpu.memory_space<vmem>>) semaphore(%run_scoped3A_105 : memref<!tpu.dma_semaphore, #tpu.memory_space<semaphore_mem>>) {add = true}
        %dma_wait3A_115 = arith.constant 128 : i32
        %dma_wait3A_116 = arith.constant 0 : i32
        %dma_wait3A_117 = tpu.memref_slice %arg9[%dma_wait3A_115, %dma_wait3A_116] : memref<256x128xf32, #tpu.memory_space<vmem>> -> memref<128x128xf32, #tpu.memory_space<vmem>>
        %dma_wait3A_118 = arith.constant 0 : i32
        %dma_wait3A_119 = tpu.memref_slice %arg8[%run_scoped3A_97, %dma_wait3A_118] : memref<2x128xi32, #tpu.memory_space<vmem>> -> memref<1x128xi32, #tpu.memory_space<vmem>>
        %dma_wait3A_120 = tpu.memref_squeeze %dma_wait3A_119 : memref<1x128xi32, #tpu.memory_space<vmem>> -> memref<128xi32, #tpu.memory_space<vmem>>
        %dma_wait3A_121 = arith.constant 0 : i32
        %dma_wait3A_122 = arith.constant 0 : i32
        %dma_wait3A_123 = tpu.memref_slice %arg10[%dma_wait3A_121, %dma_wait3A_122] : memref<10112x128xf32, #tpu.memory_space<vmem_shared>> -> memref<10112x128xf32, #tpu.memory_space<vmem_shared>>
        tpu.wait_indirect_dma semaphore(%run_scoped3A_105 : memref<!tpu.dma_semaphore, #tpu.memory_space<semaphore_mem>>) src(%dma_wait3A_117 : memref<128x128xf32, #tpu.memory_space<vmem>>) dst(%dma_wait3A_123 : memref<10112x128xf32, #tpu.memory_space<vmem_shared>>)
        tpu.yield
      }) : () -> ()
      %add3A_98 = arith.constant 3 : i32
      %add3A_99 = arith.addi %mul3A_69, %add3A_98 : i32
      %lt3A_100 = arith.constant 78 : i32
      %lt3A_101 = arith.cmpi slt, %add3A_99, %lt3A_100 : i32
      %convert_element_type3A_102 = arith.extui %lt3A_101 : i1 to i32
      %cond3A_103 = arith.constant 0 : i32
      %cond3A_104 = arith.cmpi ne, %convert_element_type3A_102, %cond3A_103 : i32
      scf.if %cond3A_104 {
        %add3A_105 = arith.constant 3 : i32
        %add3A_106 = arith.addi %mul3A_69, %add3A_105 : i32
        %add3A_107 = arith.addi %add3A_11, %add3A_106 : i32
        %mul3A_108 = arith.constant 128 : i32
        %mul3A_109 = arith.muli %add3A_107, %mul3A_108 : i32
        %run_scoped3A_110 = arith.constant 1 : i32
        "tpu.region"() ({
          %run_scoped3A_125 = tpu.sem_alloc : memref<!tpu.dma_semaphore, #tpu.memory_space<semaphore_mem>>
          %dma_start3A_126 = arith.constant 0 : i32
          %dma_start3A_127 = tpu.memref_slice %arg7[%run_scoped3A_110, %dma_start3A_126] : memref<2x128xi32, #tpu.memory_space<vmem>> -> memref<1x128xi32, #tpu.memory_space<vmem>>
          %dma_start3A_128 = tpu.memref_squeeze %dma_start3A_127 : memref<1x128xi32, #tpu.memory_space<vmem>> -> memref<128xi32, #tpu.memory_space<vmem>>
          %dma_start3A_129 = tpu.memref_slice %arg3[%mul3A_109] : memref<320000xi32, #tpu.memory_space<hbm>> -> memref<128xi32, #tpu.memory_space<hbm>>
          %dma_start3A_130 = arith.constant 0 : i32
          %dma_start3A_131 = tpu.memref_slice %arg7[%run_scoped3A_110, %dma_start3A_130] : memref<2x128xi32, #tpu.memory_space<vmem>> -> memref<1x128xi32, #tpu.memory_space<vmem>>
          %dma_start3A_132 = tpu.memref_squeeze %dma_start3A_131 : memref<1x128xi32, #tpu.memory_space<vmem>> -> memref<128xi32, #tpu.memory_space<vmem>>
          %dma_start3A_133 = tpu.memref_slice %arg3[%mul3A_109] : memref<320000xi32, #tpu.memory_space<hbm>> -> memref<128xi32, #tpu.memory_space<hbm>>
          tpu.enqueue_dma source(%dma_start3A_133 : memref<128xi32, #tpu.memory_space<hbm>>) target(%dma_start3A_132 : memref<128xi32, #tpu.memory_space<vmem>>) target_semaphore(%run_scoped3A_125 : memref<!tpu.dma_semaphore, #tpu.memory_space<semaphore_mem>>)
          %dma_wait3A_134 = arith.constant 0 : i32
          %dma_wait3A_135 = tpu.memref_slice %arg7[%run_scoped3A_110, %dma_wait3A_134] : memref<2x128xi32, #tpu.memory_space<vmem>> -> memref<1x128xi32, #tpu.memory_space<vmem>>
          %dma_wait3A_136 = tpu.memref_squeeze %dma_wait3A_135 : memref<1x128xi32, #tpu.memory_space<vmem>> -> memref<128xi32, #tpu.memory_space<vmem>>
          %dma_wait3A_137 = tpu.memref_slice %arg3[%mul3A_109] : memref<320000xi32, #tpu.memory_space<hbm>> -> memref<128xi32, #tpu.memory_space<hbm>>
          %dma_wait3A_138 = arith.constant 0 : i32
          %dma_wait3A_139 = tpu.memref_slice %arg7[%run_scoped3A_110, %dma_wait3A_138] : memref<2x128xi32, #tpu.memory_space<vmem>> -> memref<1x128xi32, #tpu.memory_space<vmem>>
          %dma_wait3A_140 = tpu.memref_squeeze %dma_wait3A_139 : memref<1x128xi32, #tpu.memory_space<vmem>> -> memref<128xi32, #tpu.memory_space<vmem>>
          %dma_wait3A_141 = tpu.memref_slice %arg3[%mul3A_109] : memref<320000xi32, #tpu.memory_space<hbm>> -> memref<128xi32, #tpu.memory_space<hbm>>
          tpu.wait_dma2 semaphore(%run_scoped3A_125 : memref<!tpu.dma_semaphore, #tpu.memory_space<semaphore_mem>>) src(%dma_wait3A_141 : memref<128xi32, #tpu.memory_space<hbm>>) dst(%dma_wait3A_140 : memref<128xi32, #tpu.memory_space<vmem>>)
          tpu.yield
        }) : () -> ()
        %add3A_111 = arith.addi %add3A_11, %add3A_106 : i32
        %mul3A_112 = arith.constant 128 : i32
        %mul3A_113 = arith.muli %add3A_111, %mul3A_112 : i32
        %run_scoped3A_114 = arith.constant 1 : i32
        "tpu.region"() ({
          %run_scoped3A_125 = tpu.sem_alloc : memref<!tpu.dma_semaphore, #tpu.memory_space<semaphore_mem>>
          %dma_start3A_126 = arith.constant 0 : i32
          %dma_start3A_127 = tpu.memref_slice %arg8[%run_scoped3A_114, %dma_start3A_126] : memref<2x128xi32, #tpu.memory_space<vmem>> -> memref<1x128xi32, #tpu.memory_space<vmem>>
          %dma_start3A_128 = tpu.memref_squeeze %dma_start3A_127 : memref<1x128xi32, #tpu.memory_space<vmem>> -> memref<128xi32, #tpu.memory_space<vmem>>
          %dma_start3A_129 = tpu.memref_slice %arg4[%mul3A_113] : memref<320000xi32, #tpu.memory_space<hbm>> -> memref<128xi32, #tpu.memory_space<hbm>>
          %dma_start3A_130 = arith.constant 0 : i32
          %dma_start3A_131 = tpu.memref_slice %arg8[%run_scoped3A_114, %dma_start3A_130] : memref<2x128xi32, #tpu.memory_space<vmem>> -> memref<1x128xi32, #tpu.memory_space<vmem>>
          %dma_start3A_132 = tpu.memref_squeeze %dma_start3A_131 : memref<1x128xi32, #tpu.memory_space<vmem>> -> memref<128xi32, #tpu.memory_space<vmem>>
          %dma_start3A_133 = tpu.memref_slice %arg4[%mul3A_113] : memref<320000xi32, #tpu.memory_space<hbm>> -> memref<128xi32, #tpu.memory_space<hbm>>
          tpu.enqueue_dma source(%dma_start3A_133 : memref<128xi32, #tpu.memory_space<hbm>>) target(%dma_start3A_132 : memref<128xi32, #tpu.memory_space<vmem>>) target_semaphore(%run_scoped3A_125 : memref<!tpu.dma_semaphore, #tpu.memory_space<semaphore_mem>>)
          %dma_wait3A_134 = arith.constant 0 : i32
          %dma_wait3A_135 = tpu.memref_slice %arg8[%run_scoped3A_114, %dma_wait3A_134] : memref<2x128xi32, #tpu.memory_space<vmem>> -> memref<1x128xi32, #tpu.memory_space<vmem>>
          %dma_wait3A_136 = tpu.memref_squeeze %dma_wait3A_135 : memref<1x128xi32, #tpu.memory_space<vmem>> -> memref<128xi32, #tpu.memory_space<vmem>>
          %dma_wait3A_137 = tpu.memref_slice %arg4[%mul3A_113] : memref<320000xi32, #tpu.memory_space<hbm>> -> memref<128xi32, #tpu.memory_space<hbm>>
          %dma_wait3A_138 = arith.constant 0 : i32
          %dma_wait3A_139 = tpu.memref_slice %arg8[%run_scoped3A_114, %dma_wait3A_138] : memref<2x128xi32, #tpu.memory_space<vmem>> -> memref<1x128xi32, #tpu.memory_space<vmem>>
          %dma_wait3A_140 = tpu.memref_squeeze %dma_wait3A_139 : memref<1x128xi32, #tpu.memory_space<vmem>> -> memref<128xi32, #tpu.memory_space<vmem>>
          %dma_wait3A_141 = tpu.memref_slice %arg4[%mul3A_113] : memref<320000xi32, #tpu.memory_space<hbm>> -> memref<128xi32, #tpu.memory_space<hbm>>
          tpu.wait_dma2 semaphore(%run_scoped3A_125 : memref<!tpu.dma_semaphore, #tpu.memory_space<semaphore_mem>>) src(%dma_wait3A_141 : memref<128xi32, #tpu.memory_space<hbm>>) dst(%dma_wait3A_140 : memref<128xi32, #tpu.memory_space<vmem>>)
          tpu.yield
        }) : () -> ()
        %dma_start3A_115 = arith.constant 1 : i32
        %dma_start3A_116 = arith.constant 128 : i32
        %dma_start3A_117 = arith.constant 0 : i32
        %dma_start3A_118 = tpu.memref_slice %arg9[%dma_start3A_116, %dma_start3A_117] : memref<256x128xf32, #tpu.memory_space<vmem>> -> memref<128x128xf32, #tpu.memory_space<vmem>>
        %dma_start3A_119 = arith.constant 0 : i32
        %dma_start3A_120 = tpu.memref_slice %arg7[%dma_start3A_115, %dma_start3A_119] : memref<2x128xi32, #tpu.memory_space<vmem>> -> memref<1x128xi32, #tpu.memory_space<vmem>>
        %dma_start3A_121 = tpu.memref_squeeze %dma_start3A_120 : memref<1x128xi32, #tpu.memory_space<vmem>> -> memref<128xi32, #tpu.memory_space<vmem>>
        %dma_start3A_122 = arith.constant 0 : i32
        %dma_start3A_123 = arith.constant 0 : i32
        %dma_start3A_124 = tpu.memref_slice %arg2[%dma_start3A_122, %dma_start3A_123] : memref<10000x128xf32, #tpu.memory_space<hbm>> -> memref<10000x128xf32, #tpu.memory_space<hbm>>
        tpu.enqueue_indirect_dma source(%dma_start3A_124 : memref<10000x128xf32, #tpu.memory_space<hbm>>) target(%dma_start3A_118 : memref<128x128xf32, #tpu.memory_space<vmem>>) offsets(%dma_start3A_121 : memref<128xi32, #tpu.memory_space<vmem>>) semaphore(%arg12 : memref<!tpu.dma_semaphore, #tpu.memory_space<semaphore_mem>>)
      } else {
      }
    }
    %scan3A_53 = arith.constant 39 : i32
    %lt3A_54 = arith.constant 4 : i32
    %lt3A_55 = arith.cmpi slt, %add3A, %lt3A_54 : i32
    %convert_element_type3A_56 = arith.extui %lt3A_55 : i1 to i32
    %cond3A = arith.constant 0 : i32
    %cond3A_57 = arith.cmpi ne, %convert_element_type3A_56, %cond3A : i32
    scf.if %cond3A_57 {
      %add3A_63 = arith.constant 78 : i32
      %add3A_64 = arith.addi %add3A_11, %add3A_63 : i32
      %mul3A_65 = arith.constant 128 : i32
      %mul3A_66 = arith.muli %add3A_64, %mul3A_65 : i32
      %run_scoped3A_67 = arith.constant 0 : i32
      "tpu.region"() ({
        %run_scoped3A_93 = tpu.sem_alloc : memref<!tpu.dma_semaphore, #tpu.memory_space<semaphore_mem>>
        %dma_start3A_94 = arith.constant 0 : i32
        %dma_start3A_95 = tpu.memref_slice %arg7[%run_scoped3A_67, %dma_start3A_94] : memref<2x128xi32, #tpu.memory_space<vmem>> -> memref<1x128xi32, #tpu.memory_space<vmem>>
        %dma_start3A_96 = tpu.memref_squeeze %dma_start3A_95 : memref<1x128xi32, #tpu.memory_space<vmem>> -> memref<128xi32, #tpu.memory_space<vmem>>
        %dma_start3A_97 = tpu.memref_slice %arg3[%mul3A_66] : memref<320000xi32, #tpu.memory_space<hbm>> -> memref<128xi32, #tpu.memory_space<hbm>>
        %dma_start3A_98 = arith.constant 0 : i32
        %dma_start3A_99 = tpu.memref_slice %arg7[%run_scoped3A_67, %dma_start3A_98] : memref<2x128xi32, #tpu.memory_space<vmem>> -> memref<1x128xi32, #tpu.memory_space<vmem>>
        %dma_start3A_100 = tpu.memref_squeeze %dma_start3A_99 : memref<1x128xi32, #tpu.memory_space<vmem>> -> memref<128xi32, #tpu.memory_space<vmem>>
        %dma_start3A_101 = tpu.memref_slice %arg3[%mul3A_66] : memref<320000xi32, #tpu.memory_space<hbm>> -> memref<128xi32, #tpu.memory_space<hbm>>
        tpu.enqueue_dma source(%dma_start3A_101 : memref<128xi32, #tpu.memory_space<hbm>>) target(%dma_start3A_100 : memref<128xi32, #tpu.memory_space<vmem>>) target_semaphore(%run_scoped3A_93 : memref<!tpu.dma_semaphore, #tpu.memory_space<semaphore_mem>>)
        %dma_wait3A_102 = arith.constant 0 : i32
        %dma_wait3A_103 = tpu.memref_slice %arg7[%run_scoped3A_67, %dma_wait3A_102] : memref<2x128xi32, #tpu.memory_space<vmem>> -> memref<1x128xi32, #tpu.memory_space<vmem>>
        %dma_wait3A_104 = tpu.memref_squeeze %dma_wait3A_103 : memref<1x128xi32, #tpu.memory_space<vmem>> -> memref<128xi32, #tpu.memory_space<vmem>>
        %dma_wait3A_105 = tpu.memref_slice %arg3[%mul3A_66] : memref<320000xi32, #tpu.memory_space<hbm>> -> memref<128xi32, #tpu.memory_space<hbm>>
        %dma_wait3A_106 = arith.constant 0 : i32
        %dma_wait3A_107 = tpu.memref_slice %arg7[%run_scoped3A_67, %dma_wait3A_106] : memref<2x128xi32, #tpu.memory_space<vmem>> -> memref<1x128xi32, #tpu.memory_space<vmem>>
        %dma_wait3A_108 = tpu.memref_squeeze %dma_wait3A_107 : memref<1x128xi32, #tpu.memory_space<vmem>> -> memref<128xi32, #tpu.memory_space<vmem>>
        %dma_wait3A_109 = tpu.memref_slice %arg3[%mul3A_66] : memref<320000xi32, #tpu.memory_space<hbm>> -> memref<128xi32, #tpu.memory_space<hbm>>
        tpu.wait_dma2 semaphore(%run_scoped3A_93 : memref<!tpu.dma_semaphore, #tpu.memory_space<semaphore_mem>>) src(%dma_wait3A_109 : memref<128xi32, #tpu.memory_space<hbm>>) dst(%dma_wait3A_108 : memref<128xi32, #tpu.memory_space<vmem>>)
        tpu.yield
      }) : () -> ()
      %add3A_68 = arith.constant 78 : i32
      %add3A_69 = arith.addi %add3A_11, %add3A_68 : i32
      %mul3A_70 = arith.constant 128 : i32
      %mul3A_71 = arith.muli %add3A_69, %mul3A_70 : i32
      %run_scoped3A_72 = arith.constant 0 : i32
      "tpu.region"() ({
        %run_scoped3A_93 = tpu.sem_alloc : memref<!tpu.dma_semaphore, #tpu.memory_space<semaphore_mem>>
        %dma_start3A_94 = arith.constant 0 : i32
        %dma_start3A_95 = tpu.memref_slice %arg8[%run_scoped3A_72, %dma_start3A_94] : memref<2x128xi32, #tpu.memory_space<vmem>> -> memref<1x128xi32, #tpu.memory_space<vmem>>
        %dma_start3A_96 = tpu.memref_squeeze %dma_start3A_95 : memref<1x128xi32, #tpu.memory_space<vmem>> -> memref<128xi32, #tpu.memory_space<vmem>>
        %dma_start3A_97 = tpu.memref_slice %arg4[%mul3A_71] : memref<320000xi32, #tpu.memory_space<hbm>> -> memref<128xi32, #tpu.memory_space<hbm>>
        %dma_start3A_98 = arith.constant 0 : i32
        %dma_start3A_99 = tpu.memref_slice %arg8[%run_scoped3A_72, %dma_start3A_98] : memref<2x128xi32, #tpu.memory_space<vmem>> -> memref<1x128xi32, #tpu.memory_space<vmem>>
        %dma_start3A_100 = tpu.memref_squeeze %dma_start3A_99 : memref<1x128xi32, #tpu.memory_space<vmem>> -> memref<128xi32, #tpu.memory_space<vmem>>
        %dma_start3A_101 = tpu.memref_slice %arg4[%mul3A_71] : memref<320000xi32, #tpu.memory_space<hbm>> -> memref<128xi32, #tpu.memory_space<hbm>>
        tpu.enqueue_dma source(%dma_start3A_101 : memref<128xi32, #tpu.memory_space<hbm>>) target(%dma_start3A_100 : memref<128xi32, #tpu.memory_space<vmem>>) target_semaphore(%run_scoped3A_93 : memref<!tpu.dma_semaphore, #tpu.memory_space<semaphore_mem>>)
        %dma_wait3A_102 = arith.constant 0 : i32
        %dma_wait3A_103 = tpu.memref_slice %arg8[%run_scoped3A_72, %dma_wait3A_102] : memref<2x128xi32, #tpu.memory_space<vmem>> -> memref<1x128xi32, #tpu.memory_space<vmem>>
        %dma_wait3A_104 = tpu.memref_squeeze %dma_wait3A_103 : memref<1x128xi32, #tpu.memory_space<vmem>> -> memref<128xi32, #tpu.memory_space<vmem>>
        %dma_wait3A_105 = tpu.memref_slice %arg4[%mul3A_71] : memref<320000xi32, #tpu.memory_space<hbm>> -> memref<128xi32, #tpu.memory_space<hbm>>
        %dma_wait3A_106 = arith.constant 0 : i32
        %dma_wait3A_107 = tpu.memref_slice %arg8[%run_scoped3A_72, %dma_wait3A_106] : memref<2x128xi32, #tpu.memory_space<vmem>> -> memref<1x128xi32, #tpu.memory_space<vmem>>
        %dma_wait3A_108 = tpu.memref_squeeze %dma_wait3A_107 : memref<1x128xi32, #tpu.memory_space<vmem>> -> memref<128xi32, #tpu.memory_space<vmem>>
        %dma_wait3A_109 = tpu.memref_slice %arg4[%mul3A_71] : memref<320000xi32, #tpu.memory_space<hbm>> -> memref<128xi32, #tpu.memory_space<hbm>>
        tpu.wait_dma2 semaphore(%run_scoped3A_93 : memref<!tpu.dma_semaphore, #tpu.memory_space<semaphore_mem>>) src(%dma_wait3A_109 : memref<128xi32, #tpu.memory_space<hbm>>) dst(%dma_wait3A_108 : memref<128xi32, #tpu.memory_space<vmem>>)
        tpu.yield
      }) : () -> ()
      %dma_start3A_73 = arith.constant 0 : i32
      %dma_start3A_74 = arith.constant 0 : i32
      %dma_start3A_75 = arith.constant 0 : i32
      %dma_start3A_76 = tpu.memref_slice %arg9[%dma_start3A_74, %dma_start3A_75] : memref<256x128xf32, #tpu.memory_space<vmem>> -> memref<128x128xf32, #tpu.memory_space<vmem>>
      %dma_start3A_77 = arith.constant 0 : i32
      %dma_start3A_78 = tpu.memref_slice %arg7[%dma_start3A_73, %dma_start3A_77] : memref<2x128xi32, #tpu.memory_space<vmem>> -> memref<1x128xi32, #tpu.memory_space<vmem>>
      %dma_start3A_79 = tpu.memref_squeeze %dma_start3A_78 : memref<1x128xi32, #tpu.memory_space<vmem>> -> memref<128xi32, #tpu.memory_space<vmem>>
      %dma_start3A_80 = arith.constant 0 : i32
      %dma_start3A_81 = arith.constant 0 : i32
      %dma_start3A_82 = tpu.memref_slice %arg2[%dma_start3A_80, %dma_start3A_81] : memref<10000x128xf32, #tpu.memory_space<hbm>> -> memref<10000x128xf32, #tpu.memory_space<hbm>>
      tpu.enqueue_indirect_dma source(%dma_start3A_82 : memref<10000x128xf32, #tpu.memory_space<hbm>>) target(%dma_start3A_76 : memref<128x128xf32, #tpu.memory_space<vmem>>) offsets(%dma_start3A_79 : memref<128xi32, #tpu.memory_space<vmem>>) semaphore(%arg11 : memref<!tpu.dma_semaphore, #tpu.memory_space<semaphore_mem>>)
      %dma_wait3A = arith.constant 0 : i32
      %dma_wait3A_83 = arith.constant 0 : i32
      %dma_wait3A_84 = arith.constant 0 : i32
      %dma_wait3A_85 = tpu.memref_slice %arg9[%dma_wait3A_83, %dma_wait3A_84] : memref<256x128xf32, #tpu.memory_space<vmem>> -> memref<128x128xf32, #tpu.memory_space<vmem>>
      %dma_wait3A_86 = arith.constant 0 : i32
      %dma_wait3A_87 = tpu.memref_slice %arg7[%dma_wait3A, %dma_wait3A_86] : memref<2x128xi32, #tpu.memory_space<vmem>> -> memref<1x128xi32, #tpu.memory_space<vmem>>
      %dma_wait3A_88 = tpu.memref_squeeze %dma_wait3A_87 : memref<1x128xi32, #tpu.memory_space<vmem>> -> memref<128xi32, #tpu.memory_space<vmem>>
      %dma_wait3A_89 = arith.constant 0 : i32
      %dma_wait3A_90 = arith.constant 0 : i32
      %dma_wait3A_91 = tpu.memref_slice %arg2[%dma_wait3A_89, %dma_wait3A_90] : memref<10000x128xf32, #tpu.memory_space<hbm>> -> memref<10000x128xf32, #tpu.memory_space<hbm>>
      tpu.wait_indirect_dma semaphore(%arg11 : memref<!tpu.dma_semaphore, #tpu.memory_space<semaphore_mem>>) src(%dma_wait3A_91 : memref<10000x128xf32, #tpu.memory_space<hbm>>) dst(%dma_wait3A_85 : memref<128x128xf32, #tpu.memory_space<vmem>>)
      %run_scoped3A_92 = arith.constant 0 : i32
      "tpu.region"() ({
        %run_scoped3A_93 = tpu.sem_alloc : memref<!tpu.dma_semaphore, #tpu.memory_space<semaphore_mem>>
        %dma_start3A_94 = arith.constant 0 : i32
        %dma_start3A_95 = arith.constant 0 : i32
        %dma_start3A_96 = tpu.memref_slice %arg9[%dma_start3A_94, %dma_start3A_95] : memref<256x128xf32, #tpu.memory_space<vmem>> -> memref<128x128xf32, #tpu.memory_space<vmem>>
        %dma_start3A_97 = arith.constant 0 : i32
        %dma_start3A_98 = tpu.memref_slice %arg8[%run_scoped3A_92, %dma_start3A_97] : memref<2x128xi32, #tpu.memory_space<vmem>> -> memref<1x128xi32, #tpu.memory_space<vmem>>
        %dma_start3A_99 = tpu.memref_squeeze %dma_start3A_98 : memref<1x128xi32, #tpu.memory_space<vmem>> -> memref<128xi32, #tpu.memory_space<vmem>>
        %dma_start3A_100 = arith.constant 0 : i32
        %dma_start3A_101 = arith.constant 0 : i32
        %dma_start3A_102 = tpu.memref_slice %arg10[%dma_start3A_100, %dma_start3A_101] : memref<10112x128xf32, #tpu.memory_space<vmem_shared>> -> memref<10112x128xf32, #tpu.memory_space<vmem_shared>>
        tpu.enqueue_indirect_dma source(%dma_start3A_96 : memref<128x128xf32, #tpu.memory_space<vmem>>) target(%dma_start3A_102 : memref<10112x128xf32, #tpu.memory_space<vmem_shared>>) offsets(%dma_start3A_99 : memref<128xi32, #tpu.memory_space<vmem>>) semaphore(%run_scoped3A_93 : memref<!tpu.dma_semaphore, #tpu.memory_space<semaphore_mem>>) {add = true}
        %dma_wait3A_103 = arith.constant 0 : i32
        %dma_wait3A_104 = arith.constant 0 : i32
        %dma_wait3A_105 = tpu.memref_slice %arg9[%dma_wait3A_103, %dma_wait3A_104] : memref<256x128xf32, #tpu.memory_space<vmem>> -> memref<128x128xf32, #tpu.memory_space<vmem>>
        %dma_wait3A_106 = arith.constant 0 : i32
        %dma_wait3A_107 = tpu.memref_slice %arg8[%run_scoped3A_92, %dma_wait3A_106] : memref<2x128xi32, #tpu.memory_space<vmem>> -> memref<1x128xi32, #tpu.memory_space<vmem>>
        %dma_wait3A_108 = tpu.memref_squeeze %dma_wait3A_107 : memref<1x128xi32, #tpu.memory_space<vmem>> -> memref<128xi32, #tpu.memory_space<vmem>>
        %dma_wait3A_109 = arith.constant 0 : i32
        %dma_wait3A_110 = arith.constant 0 : i32
        %dma_wait3A_111 = tpu.memref_slice %arg10[%dma_wait3A_109, %dma_wait3A_110] : memref<10112x128xf32, #tpu.memory_space<vmem_shared>> -> memref<10112x128xf32, #tpu.memory_space<vmem_shared>>
        tpu.wait_indirect_dma semaphore(%run_scoped3A_93 : memref<!tpu.dma_semaphore, #tpu.memory_space<semaphore_mem>>) src(%dma_wait3A_105 : memref<128x128xf32, #tpu.memory_space<vmem>>) dst(%dma_wait3A_111 : memref<10112x128xf32, #tpu.memory_space<vmem_shared>>)
        tpu.yield
      }) : () -> ()
    } else {
    }
    %barrier3A_58 = arith.constant 0 : index
    tpu.barrier barrier_id(%barrier3A_58)
    %mul3A_59 = arith.constant 632 : i32
    %mul3A_60 = arith.muli %arg1, %mul3A_59 : i32
    %mul3A_61 = arith.constant 632 : i32
    %mul3A_62 = arith.muli %arg1, %mul3A_61 : i32
    "tpu.region"() ({
      %run_scoped3A_63 = tpu.sem_alloc : memref<!tpu.dma_semaphore, #tpu.memory_space<semaphore_mem>>
      %dma_start3A_64 = arith.constant 0 : i32
      %dma_start3A_65 = tpu.memref_slice %arg6[%arg0, %mul3A_62, %dma_start3A_64] : memref<2x10112x128xf32, #tpu.memory_space<hbm>> -> memref<1x632x128xf32, #tpu.memory_space<hbm>>
      %dma_start3A_66 = tpu.memref_squeeze %dma_start3A_65 : memref<1x632x128xf32, #tpu.memory_space<hbm>> -> memref<632x128xf32, #tpu.memory_space<hbm>>
      %dma_start3A_67 = arith.constant 0 : i32
      %dma_start3A_68 = tpu.memref_slice %arg10[%mul3A_60, %dma_start3A_67] : memref<10112x128xf32, #tpu.memory_space<vmem_shared>> -> memref<632x128xf32, #tpu.memory_space<vmem_shared>>
      tpu.enqueue_dma source(%dma_start3A_68 : memref<632x128xf32, #tpu.memory_space<vmem_shared>>) target(%dma_start3A_66 : memref<632x128xf32, #tpu.memory_space<hbm>>) target_semaphore(%run_scoped3A_63 : memref<!tpu.dma_semaphore, #tpu.memory_space<semaphore_mem>>)
      %dma_wait3A = arith.constant 0 : i32
      %dma_wait3A_69 = tpu.memref_slice %arg6[%arg0, %mul3A_62, %dma_wait3A] : memref<2x10112x128xf32, #tpu.memory_space<hbm>> -> memref<1x632x128xf32, #tpu.memory_space<hbm>>
      %dma_wait3A_70 = tpu.memref_squeeze %dma_wait3A_69 : memref<1x632x128xf32, #tpu.memory_space<hbm>> -> memref<632x128xf32, #tpu.memory_space<hbm>>
      %dma_wait3A_71 = arith.constant 0 : i32
      %dma_wait3A_72 = tpu.memref_slice %arg10[%mul3A_60, %dma_wait3A_71] : memref<10112x128xf32, #tpu.memory_space<vmem_shared>> -> memref<632x128xf32, #tpu.memory_space<vmem_shared>>
      tpu.wait_dma2 semaphore(%run_scoped3A_63 : memref<!tpu.dma_semaphore, #tpu.memory_space<semaphore_mem>>) src(%dma_wait3A_72 : memref<632x128xf32, #tpu.memory_space<vmem_shared>>) dst(%dma_wait3A_70 : memref<632x128xf32, #tpu.memory_space<hbm>>)
      tpu.yield
    }) : () -> ()
    return
  }
}

#map = affine_map<(d0, d1) -> (0, 0)>
#map1 = affine_map<(d0, d1) -> (0)>
module attributes {stable_mosaic.version = 14 : i64} {
  func.func @_sc_decode(%arg0: i32, %arg1: i32, %arg2: memref<10000x128xf32, #tpu.memory_space<hbm>>, %arg3: memref<20000xi32, #tpu.memory_space<hbm>>, %arg4: memref<20000xi32, #tpu.memory_space<hbm>>, %arg5: memref<20000x128xf32, #tpu.memory_space<hbm>>, %arg6: memref<20000x128xf32, #tpu.memory_space<hbm>>, %arg7: memref<128xi32, #tpu.memory_space<vmem>>, %arg8: memref<128xi32, #tpu.memory_space<vmem>>, %arg9: memref<128x128xf32, #tpu.memory_space<vmem>>, %arg10: memref<128x128xf32, #tpu.memory_space<vmem>>, %arg11: memref<!tpu.dma_semaphore, #tpu.memory_space<semaphore_mem>>, %arg12: memref<!tpu.dma_semaphore, #tpu.memory_space<semaphore_mem>>) attributes {dimension_semantics = [#tpu.dimension_semantics<core_parallel>, #tpu.dimension_semantics<subcore_parallel>], iteration_bounds = array<i64: 2, 16>, scalar_prefetch = 0 : i64, scratch_operands = 6 : i64, tpu.core_type = #tpu.core_type<sc_vector_subcore>, window_params = [{transform_indices = #map}, {transform_indices = #map1}, {transform_indices = #map1}, {transform_indices = #map}, {transform_indices = #map}]} {
    %mul3A = arith.constant 16 : i32
    %mul3A_0 = arith.muli %arg0, %mul3A : i32
    %add3A = arith.addi %mul3A_0, %arg1 : i32
    %add3A_1 = arith.constant 0 : i32
    %add3A_2 = arith.addi %add3A, %add3A_1 : i32
    %lt3A = arith.constant 156 : i32
    %lt3A_3 = arith.cmpi slt, %add3A_2, %lt3A : i32
    %convert_element_type3A = arith.extui %lt3A_3 : i1 to i32
    %cond3A = arith.constant 0 : i32
    %cond3A_4 = arith.cmpi ne, %convert_element_type3A, %cond3A : i32
    scf.if %cond3A_4 {
      %mul3A_57 = arith.constant 128 : i32
      %mul3A_58 = arith.muli %add3A_2, %mul3A_57 : i32
      "tpu.region"() ({
        %run_scoped3A = tpu.sem_alloc : memref<!tpu.dma_semaphore, #tpu.memory_space<semaphore_mem>>
        %dma_start3A_75 = tpu.memref_slice %arg3[%mul3A_58] : memref<20000xi32, #tpu.memory_space<hbm>> -> memref<128xi32, #tpu.memory_space<hbm>>
        %dma_start3A_76 = tpu.memref_slice %arg3[%mul3A_58] : memref<20000xi32, #tpu.memory_space<hbm>> -> memref<128xi32, #tpu.memory_space<hbm>>
        tpu.enqueue_dma source(%dma_start3A_76 : memref<128xi32, #tpu.memory_space<hbm>>) target(%arg7 : memref<128xi32, #tpu.memory_space<vmem>>) target_semaphore(%run_scoped3A : memref<!tpu.dma_semaphore, #tpu.memory_space<semaphore_mem>>)
        %dma_wait3A_77 = tpu.memref_slice %arg3[%mul3A_58] : memref<20000xi32, #tpu.memory_space<hbm>> -> memref<128xi32, #tpu.memory_space<hbm>>
        %dma_wait3A_78 = tpu.memref_slice %arg3[%mul3A_58] : memref<20000xi32, #tpu.memory_space<hbm>> -> memref<128xi32, #tpu.memory_space<hbm>>
        tpu.wait_dma2 semaphore(%run_scoped3A : memref<!tpu.dma_semaphore, #tpu.memory_space<semaphore_mem>>) src(%dma_wait3A_78 : memref<128xi32, #tpu.memory_space<hbm>>) dst(%arg7 : memref<128xi32, #tpu.memory_space<vmem>>)
        tpu.yield
      }) : () -> ()
      %mul3A_59 = arith.constant 128 : i32
      %mul3A_60 = arith.muli %add3A_2, %mul3A_59 : i32
      "tpu.region"() ({
        %run_scoped3A = tpu.sem_alloc : memref<!tpu.dma_semaphore, #tpu.memory_space<semaphore_mem>>
        %dma_start3A_75 = tpu.memref_slice %arg4[%mul3A_60] : memref<20000xi32, #tpu.memory_space<hbm>> -> memref<128xi32, #tpu.memory_space<hbm>>
        %dma_start3A_76 = tpu.memref_slice %arg4[%mul3A_60] : memref<20000xi32, #tpu.memory_space<hbm>> -> memref<128xi32, #tpu.memory_space<hbm>>
        tpu.enqueue_dma source(%dma_start3A_76 : memref<128xi32, #tpu.memory_space<hbm>>) target(%arg8 : memref<128xi32, #tpu.memory_space<vmem>>) target_semaphore(%run_scoped3A : memref<!tpu.dma_semaphore, #tpu.memory_space<semaphore_mem>>)
        %dma_wait3A_77 = tpu.memref_slice %arg4[%mul3A_60] : memref<20000xi32, #tpu.memory_space<hbm>> -> memref<128xi32, #tpu.memory_space<hbm>>
        %dma_wait3A_78 = tpu.memref_slice %arg4[%mul3A_60] : memref<20000xi32, #tpu.memory_space<hbm>> -> memref<128xi32, #tpu.memory_space<hbm>>
        tpu.wait_dma2 semaphore(%run_scoped3A : memref<!tpu.dma_semaphore, #tpu.memory_space<semaphore_mem>>) src(%dma_wait3A_78 : memref<128xi32, #tpu.memory_space<hbm>>) dst(%arg8 : memref<128xi32, #tpu.memory_space<vmem>>)
        tpu.yield
      }) : () -> ()
      %dma_start3A = arith.constant 0 : i32
      %dma_start3A_61 = arith.constant 0 : i32
      %dma_start3A_62 = tpu.memref_slice %arg2[%dma_start3A, %dma_start3A_61] : memref<10000x128xf32, #tpu.memory_space<hbm>> -> memref<10000x128xf32, #tpu.memory_space<hbm>>
      tpu.enqueue_indirect_dma source(%dma_start3A_62 : memref<10000x128xf32, #tpu.memory_space<hbm>>) target(%arg9 : memref<128x128xf32, #tpu.memory_space<vmem>>) offsets(%arg7 : memref<128xi32, #tpu.memory_space<vmem>>) semaphore(%arg11 : memref<!tpu.dma_semaphore, #tpu.memory_space<semaphore_mem>>)
      %dma_wait3A = arith.constant 0 : i32
      %dma_wait3A_63 = arith.constant 0 : i32
      %dma_wait3A_64 = tpu.memref_slice %arg2[%dma_wait3A, %dma_wait3A_63] : memref<10000x128xf32, #tpu.memory_space<hbm>> -> memref<10000x128xf32, #tpu.memory_space<hbm>>
      tpu.wait_indirect_dma semaphore(%arg11 : memref<!tpu.dma_semaphore, #tpu.memory_space<semaphore_mem>>) src(%dma_wait3A_64 : memref<10000x128xf32, #tpu.memory_space<hbm>>) dst(%arg9 : memref<128x128xf32, #tpu.memory_space<vmem>>)
      %dma_start3A_65 = arith.constant 0 : i32
      %dma_start3A_66 = arith.constant 0 : i32
      %dma_start3A_67 = tpu.memref_slice %arg2[%dma_start3A_65, %dma_start3A_66] : memref<10000x128xf32, #tpu.memory_space<hbm>> -> memref<10000x128xf32, #tpu.memory_space<hbm>>
      tpu.enqueue_indirect_dma source(%dma_start3A_67 : memref<10000x128xf32, #tpu.memory_space<hbm>>) target(%arg10 : memref<128x128xf32, #tpu.memory_space<vmem>>) offsets(%arg8 : memref<128xi32, #tpu.memory_space<vmem>>) semaphore(%arg12 : memref<!tpu.dma_semaphore, #tpu.memory_space<semaphore_mem>>)
      %dma_wait3A_68 = arith.constant 0 : i32
      %dma_wait3A_69 = arith.constant 0 : i32
      %dma_wait3A_70 = tpu.memref_slice %arg2[%dma_wait3A_68, %dma_wait3A_69] : memref<10000x128xf32, #tpu.memory_space<hbm>> -> memref<10000x128xf32, #tpu.memory_space<hbm>>
      tpu.wait_indirect_dma semaphore(%arg12 : memref<!tpu.dma_semaphore, #tpu.memory_space<semaphore_mem>>) src(%dma_wait3A_70 : memref<10000x128xf32, #tpu.memory_space<hbm>>) dst(%arg10 : memref<128x128xf32, #tpu.memory_space<vmem>>)
      %mul3A_71 = arith.constant 128 : i32
      %mul3A_72 = arith.muli %add3A_2, %mul3A_71 : i32
      "tpu.region"() ({
        %run_scoped3A = tpu.sem_alloc : memref<!tpu.dma_semaphore, #tpu.memory_space<semaphore_mem>>
        %dma_start3A_75 = arith.constant 0 : i32
        %dma_start3A_76 = tpu.memref_slice %arg5[%mul3A_72, %dma_start3A_75] : memref<20000x128xf32, #tpu.memory_space<hbm>> -> memref<128x128xf32, #tpu.memory_space<hbm>>
        %dma_start3A_77 = arith.constant 0 : i32
        %dma_start3A_78 = tpu.memref_slice %arg5[%mul3A_72, %dma_start3A_77] : memref<20000x128xf32, #tpu.memory_space<hbm>> -> memref<128x128xf32, #tpu.memory_space<hbm>>
        tpu.enqueue_dma source(%arg9 : memref<128x128xf32, #tpu.memory_space<vmem>>) target(%dma_start3A_78 : memref<128x128xf32, #tpu.memory_space<hbm>>) target_semaphore(%run_scoped3A : memref<!tpu.dma_semaphore, #tpu.memory_space<semaphore_mem>>)
        %dma_wait3A_79 = arith.constant 0 : i32
        %dma_wait3A_80 = tpu.memref_slice %arg5[%mul3A_72, %dma_wait3A_79] : memref<20000x128xf32, #tpu.memory_space<hbm>> -> memref<128x128xf32, #tpu.memory_space<hbm>>
        %dma_wait3A_81 = arith.constant 0 : i32
        %dma_wait3A_82 = tpu.memref_slice %arg5[%mul3A_72, %dma_wait3A_81] : memref<20000x128xf32, #tpu.memory_space<hbm>> -> memref<128x128xf32, #tpu.memory_space<hbm>>
        tpu.wait_dma2 semaphore(%run_scoped3A : memref<!tpu.dma_semaphore, #tpu.memory_space<semaphore_mem>>) src(%arg9 : memref<128x128xf32, #tpu.memory_space<vmem>>) dst(%dma_wait3A_82 : memref<128x128xf32, #tpu.memory_space<hbm>>)
        tpu.yield
      }) : () -> ()
      %mul3A_73 = arith.constant 128 : i32
      %mul3A_74 = arith.muli %add3A_2, %mul3A_73 : i32
      "tpu.region"() ({
        %run_scoped3A = tpu.sem_alloc : memref<!tpu.dma_semaphore, #tpu.memory_space<semaphore_mem>>
        %dma_start3A_75 = arith.constant 0 : i32
        %dma_start3A_76 = tpu.memref_slice %arg6[%mul3A_74, %dma_start3A_75] : memref<20000x128xf32, #tpu.memory_space<hbm>> -> memref<128x128xf32, #tpu.memory_space<hbm>>
        %dma_start3A_77 = arith.constant 0 : i32
        %dma_start3A_78 = tpu.memref_slice %arg6[%mul3A_74, %dma_start3A_77] : memref<20000x128xf32, #tpu.memory_space<hbm>> -> memref<128x128xf32, #tpu.memory_space<hbm>>
        tpu.enqueue_dma source(%arg10 : memref<128x128xf32, #tpu.memory_space<vmem>>) target(%dma_start3A_78 : memref<128x128xf32, #tpu.memory_space<hbm>>) target_semaphore(%run_scoped3A : memref<!tpu.dma_semaphore, #tpu.memory_space<semaphore_mem>>)
        %dma_wait3A_79 = arith.constant 0 : i32
        %dma_wait3A_80 = tpu.memref_slice %arg6[%mul3A_74, %dma_wait3A_79] : memref<20000x128xf32, #tpu.memory_space<hbm>> -> memref<128x128xf32, #tpu.memory_space<hbm>>
        %dma_wait3A_81 = arith.constant 0 : i32
        %dma_wait3A_82 = tpu.memref_slice %arg6[%mul3A_74, %dma_wait3A_81] : memref<20000x128xf32, #tpu.memory_space<hbm>> -> memref<128x128xf32, #tpu.memory_space<hbm>>
        tpu.wait_dma2 semaphore(%run_scoped3A : memref<!tpu.dma_semaphore, #tpu.memory_space<semaphore_mem>>) src(%arg10 : memref<128x128xf32, #tpu.memory_space<vmem>>) dst(%dma_wait3A_82 : memref<128x128xf32, #tpu.memory_space<hbm>>)
        tpu.yield
      }) : () -> ()
    } else {
    }
    %eq3A = arith.constant 156 : i32
    %eq3A_5 = arith.cmpi eq, %add3A_2, %eq3A : i32
    %convert_element_type3A_6 = arith.extui %eq3A_5 : i1 to i32
    %cond3A_7 = arith.constant 0 : i32
    %cond3A_8 = arith.cmpi ne, %convert_element_type3A_6, %cond3A_7 : i32
    scf.if %cond3A_8 {
      "tpu.region"() ({
        %run_scoped3A = tpu.sem_alloc : memref<!tpu.dma_semaphore, #tpu.memory_space<semaphore_mem>>
        %dma_start3A_67 = arith.constant 19872 : i32
        %dma_start3A_68 = tpu.memref_slice %arg3[%dma_start3A_67] : memref<20000xi32, #tpu.memory_space<hbm>> -> memref<128xi32, #tpu.memory_space<hbm>>
        %dma_start3A_69 = arith.constant 19872 : i32
        %dma_start3A_70 = tpu.memref_slice %arg3[%dma_start3A_69] : memref<20000xi32, #tpu.memory_space<hbm>> -> memref<128xi32, #tpu.memory_space<hbm>>
        tpu.enqueue_dma source(%dma_start3A_70 : memref<128xi32, #tpu.memory_space<hbm>>) target(%arg7 : memref<128xi32, #tpu.memory_space<vmem>>) target_semaphore(%run_scoped3A : memref<!tpu.dma_semaphore, #tpu.memory_space<semaphore_mem>>)
        %dma_wait3A_71 = arith.constant 19872 : i32
        %dma_wait3A_72 = tpu.memref_slice %arg3[%dma_wait3A_71] : memref<20000xi32, #tpu.memory_space<hbm>> -> memref<128xi32, #tpu.memory_space<hbm>>
        %dma_wait3A_73 = arith.constant 19872 : i32
        %dma_wait3A_74 = tpu.memref_slice %arg3[%dma_wait3A_73] : memref<20000xi32, #tpu.memory_space<hbm>> -> memref<128xi32, #tpu.memory_space<hbm>>
        tpu.wait_dma2 semaphore(%run_scoped3A : memref<!tpu.dma_semaphore, #tpu.memory_space<semaphore_mem>>) src(%dma_wait3A_74 : memref<128xi32, #tpu.memory_space<hbm>>) dst(%arg7 : memref<128xi32, #tpu.memory_space<vmem>>)
        tpu.yield
      }) : () -> ()
      "tpu.region"() ({
        %run_scoped3A = tpu.sem_alloc : memref<!tpu.dma_semaphore, #tpu.memory_space<semaphore_mem>>
        %dma_start3A_67 = arith.constant 19872 : i32
        %dma_start3A_68 = tpu.memref_slice %arg4[%dma_start3A_67] : memref<20000xi32, #tpu.memory_space<hbm>> -> memref<128xi32, #tpu.memory_space<hbm>>
        %dma_start3A_69 = arith.constant 19872 : i32
        %dma_start3A_70 = tpu.memref_slice %arg4[%dma_start3A_69] : memref<20000xi32, #tpu.memory_space<hbm>> -> memref<128xi32, #tpu.memory_space<hbm>>
        tpu.enqueue_dma source(%dma_start3A_70 : memref<128xi32, #tpu.memory_space<hbm>>) target(%arg8 : memref<128xi32, #tpu.memory_space<vmem>>) target_semaphore(%run_scoped3A : memref<!tpu.dma_semaphore, #tpu.memory_space<semaphore_mem>>)
        %dma_wait3A_71 = arith.constant 19872 : i32
        %dma_wait3A_72 = tpu.memref_slice %arg4[%dma_wait3A_71] : memref<20000xi32, #tpu.memory_space<hbm>> -> memref<128xi32, #tpu.memory_space<hbm>>
        %dma_wait3A_73 = arith.constant 19872 : i32
        %dma_wait3A_74 = tpu.memref_slice %arg4[%dma_wait3A_73] : memref<20000xi32, #tpu.memory_space<hbm>> -> memref<128xi32, #tpu.memory_space<hbm>>
        tpu.wait_dma2 semaphore(%run_scoped3A : memref<!tpu.dma_semaphore, #tpu.memory_space<semaphore_mem>>) src(%dma_wait3A_74 : memref<128xi32, #tpu.memory_space<hbm>>) dst(%arg8 : memref<128xi32, #tpu.memory_space<vmem>>)
        tpu.yield
      }) : () -> ()
      %dma_start3A = arith.constant 0 : i32
      %dma_start3A_57 = arith.constant 0 : i32
      %dma_start3A_58 = tpu.memref_slice %arg2[%dma_start3A, %dma_start3A_57] : memref<10000x128xf32, #tpu.memory_space<hbm>> -> memref<10000x128xf32, #tpu.memory_space<hbm>>
      tpu.enqueue_indirect_dma source(%dma_start3A_58 : memref<10000x128xf32, #tpu.memory_space<hbm>>) target(%arg9 : memref<128x128xf32, #tpu.memory_space<vmem>>) offsets(%arg7 : memref<128xi32, #tpu.memory_space<vmem>>) semaphore(%arg11 : memref<!tpu.dma_semaphore, #tpu.memory_space<semaphore_mem>>)
      %dma_wait3A = arith.constant 0 : i32
      %dma_wait3A_59 = arith.constant 0 : i32
      %dma_wait3A_60 = tpu.memref_slice %arg2[%dma_wait3A, %dma_wait3A_59] : memref<10000x128xf32, #tpu.memory_space<hbm>> -> memref<10000x128xf32, #tpu.memory_space<hbm>>
      tpu.wait_indirect_dma semaphore(%arg11 : memref<!tpu.dma_semaphore, #tpu.memory_space<semaphore_mem>>) src(%dma_wait3A_60 : memref<10000x128xf32, #tpu.memory_space<hbm>>) dst(%arg9 : memref<128x128xf32, #tpu.memory_space<vmem>>)
      %dma_start3A_61 = arith.constant 0 : i32
      %dma_start3A_62 = arith.constant 0 : i32
      %dma_start3A_63 = tpu.memref_slice %arg2[%dma_start3A_61, %dma_start3A_62] : memref<10000x128xf32, #tpu.memory_space<hbm>> -> memref<10000x128xf32, #tpu.memory_space<hbm>>
      tpu.enqueue_indirect_dma source(%dma_start3A_63 : memref<10000x128xf32, #tpu.memory_space<hbm>>) target(%arg10 : memref<128x128xf32, #tpu.memory_space<vmem>>) offsets(%arg8 : memref<128xi32, #tpu.memory_space<vmem>>) semaphore(%arg12 : memref<!tpu.dma_semaphore, #tpu.memory_space<semaphore_mem>>)
      %dma_wait3A_64 = arith.constant 0 : i32
      %dma_wait3A_65 = arith.constant 0 : i32
      %dma_wait3A_66 = tpu.memref_slice %arg2[%dma_wait3A_64, %dma_wait3A_65] : memref<10000x128xf32, #tpu.memory_space<hbm>> -> memref<10000x128xf32, #tpu.memory_space<hbm>>
      tpu.wait_indirect_dma semaphore(%arg12 : memref<!tpu.dma_semaphore, #tpu.memory_space<semaphore_mem>>) src(%dma_wait3A_66 : memref<10000x128xf32, #tpu.memory_space<hbm>>) dst(%arg10 : memref<128x128xf32, #tpu.memory_space<vmem>>)
      "tpu.region"() ({
        %run_scoped3A = tpu.sem_alloc : memref<!tpu.dma_semaphore, #tpu.memory_space<semaphore_mem>>
        %dma_start3A_67 = arith.constant 96 : i32
        %dma_start3A_68 = arith.constant 0 : i32
        %dma_start3A_69 = tpu.memref_slice %arg9[%dma_start3A_67, %dma_start3A_68] : memref<128x128xf32, #tpu.memory_space<vmem>> -> memref<32x128xf32, #tpu.memory_space<vmem>>
        %dma_start3A_70 = arith.constant 19968 : i32
        %dma_start3A_71 = arith.constant 0 : i32
        %dma_start3A_72 = tpu.memref_slice %arg5[%dma_start3A_70, %dma_start3A_71] : memref<20000x128xf32, #tpu.memory_space<hbm>> -> memref<32x128xf32, #tpu.memory_space<hbm>>
        %dma_start3A_73 = arith.constant 19968 : i32
        %dma_start3A_74 = arith.constant 0 : i32
        %dma_start3A_75 = tpu.memref_slice %arg5[%dma_start3A_73, %dma_start3A_74] : memref<20000x128xf32, #tpu.memory_space<hbm>> -> memref<32x128xf32, #tpu.memory_space<hbm>>
        %dma_start3A_76 = arith.constant 96 : i32
        %dma_start3A_77 = arith.constant 0 : i32
        %dma_start3A_78 = tpu.memref_slice %arg9[%dma_start3A_76, %dma_start3A_77] : memref<128x128xf32, #tpu.memory_space<vmem>> -> memref<32x128xf32, #tpu.memory_space<vmem>>
        tpu.enqueue_dma source(%dma_start3A_78 : memref<32x128xf32, #tpu.memory_space<vmem>>) target(%dma_start3A_75 : memref<32x128xf32, #tpu.memory_space<hbm>>) target_semaphore(%run_scoped3A : memref<!tpu.dma_semaphore, #tpu.memory_space<semaphore_mem>>)
        %dma_wait3A_79 = arith.constant 96 : i32
        %dma_wait3A_80 = arith.constant 0 : i32
        %dma_wait3A_81 = tpu.memref_slice %arg9[%dma_wait3A_79, %dma_wait3A_80] : memref<128x128xf32, #tpu.memory_space<vmem>> -> memref<32x128xf32, #tpu.memory_space<vmem>>
        %dma_wait3A_82 = arith.constant 19968 : i32
        %dma_wait3A_83 = arith.constant 0 : i32
        %dma_wait3A_84 = tpu.memref_slice %arg5[%dma_wait3A_82, %dma_wait3A_83] : memref<20000x128xf32, #tpu.memory_space<hbm>> -> memref<32x128xf32, #tpu.memory_space<hbm>>
        %dma_wait3A_85 = arith.constant 19968 : i32
        %dma_wait3A_86 = arith.constant 0 : i32
        %dma_wait3A_87 = tpu.memref_slice %arg5[%dma_wait3A_85, %dma_wait3A_86] : memref<20000x128xf32, #tpu.memory_space<hbm>> -> memref<32x128xf32, #tpu.memory_space<hbm>>
        %dma_wait3A_88 = arith.constant 96 : i32
        %dma_wait3A_89 = arith.constant 0 : i32
        %dma_wait3A_90 = tpu.memref_slice %arg9[%dma_wait3A_88, %dma_wait3A_89] : memref<128x128xf32, #tpu.memory_space<vmem>> -> memref<32x128xf32, #tpu.memory_space<vmem>>
        tpu.wait_dma2 semaphore(%run_scoped3A : memref<!tpu.dma_semaphore, #tpu.memory_space<semaphore_mem>>) src(%dma_wait3A_90 : memref<32x128xf32, #tpu.memory_space<vmem>>) dst(%dma_wait3A_87 : memref<32x128xf32, #tpu.memory_space<hbm>>)
        tpu.yield
      }) : () -> ()
      "tpu.region"() ({
        %run_scoped3A = tpu.sem_alloc : memref<!tpu.dma_semaphore, #tpu.memory_space<semaphore_mem>>
        %dma_start3A_67 = arith.constant 96 : i32
        %dma_start3A_68 = arith.constant 0 : i32
        %dma_start3A_69 = tpu.memref_slice %arg10[%dma_start3A_67, %dma_start3A_68] : memref<128x128xf32, #tpu.memory_space<vmem>> -> memref<32x128xf32, #tpu.memory_space<vmem>>
        %dma_start3A_70 = arith.constant 19968 : i32
        %dma_start3A_71 = arith.constant 0 : i32
        %dma_start3A_72 = tpu.memref_slice %arg6[%dma_start3A_70, %dma_start3A_71] : memref<20000x128xf32, #tpu.memory_space<hbm>> -> memref<32x128xf32, #tpu.memory_space<hbm>>
        %dma_start3A_73 = arith.constant 19968 : i32
        %dma_start3A_74 = arith.constant 0 : i32
        %dma_start3A_75 = tpu.memref_slice %arg6[%dma_start3A_73, %dma_start3A_74] : memref<20000x128xf32, #tpu.memory_space<hbm>> -> memref<32x128xf32, #tpu.memory_space<hbm>>
        %dma_start3A_76 = arith.constant 96 : i32
        %dma_start3A_77 = arith.constant 0 : i32
        %dma_start3A_78 = tpu.memref_slice %arg10[%dma_start3A_76, %dma_start3A_77] : memref<128x128xf32, #tpu.memory_space<vmem>> -> memref<32x128xf32, #tpu.memory_space<vmem>>
        tpu.enqueue_dma source(%dma_start3A_78 : memref<32x128xf32, #tpu.memory_space<vmem>>) target(%dma_start3A_75 : memref<32x128xf32, #tpu.memory_space<hbm>>) target_semaphore(%run_scoped3A : memref<!tpu.dma_semaphore, #tpu.memory_space<semaphore_mem>>)
        %dma_wait3A_79 = arith.constant 96 : i32
        %dma_wait3A_80 = arith.constant 0 : i32
        %dma_wait3A_81 = tpu.memref_slice %arg10[%dma_wait3A_79, %dma_wait3A_80] : memref<128x128xf32, #tpu.memory_space<vmem>> -> memref<32x128xf32, #tpu.memory_space<vmem>>
        %dma_wait3A_82 = arith.constant 19968 : i32
        %dma_wait3A_83 = arith.constant 0 : i32
        %dma_wait3A_84 = tpu.memref_slice %arg6[%dma_wait3A_82, %dma_wait3A_83] : memref<20000x128xf32, #tpu.memory_space<hbm>> -> memref<32x128xf32, #tpu.memory_space<hbm>>
        %dma_wait3A_85 = arith.constant 19968 : i32
        %dma_wait3A_86 = arith.constant 0 : i32
        %dma_wait3A_87 = tpu.memref_slice %arg6[%dma_wait3A_85, %dma_wait3A_86] : memref<20000x128xf32, #tpu.memory_space<hbm>> -> memref<32x128xf32, #tpu.memory_space<hbm>>
        %dma_wait3A_88 = arith.constant 96 : i32
        %dma_wait3A_89 = arith.constant 0 : i32
        %dma_wait3A_90 = tpu.memref_slice %arg10[%dma_wait3A_88, %dma_wait3A_89] : memref<128x128xf32, #tpu.memory_space<vmem>> -> memref<32x128xf32, #tpu.memory_space<vmem>>
        tpu.wait_dma2 semaphore(%run_scoped3A : memref<!tpu.dma_semaphore, #tpu.memory_space<semaphore_mem>>) src(%dma_wait3A_90 : memref<32x128xf32, #tpu.memory_space<vmem>>) dst(%dma_wait3A_87 : memref<32x128xf32, #tpu.memory_space<hbm>>)
        tpu.yield
      }) : () -> ()
    } else {
    }
    %add3A_9 = arith.constant 32 : i32
    %add3A_10 = arith.addi %add3A, %add3A_9 : i32
    %lt3A_11 = arith.constant 156 : i32
    %lt3A_12 = arith.cmpi slt, %add3A_10, %lt3A_11 : i32
    %convert_element_type3A_13 = arith.extui %lt3A_12 : i1 to i32
    %cond3A_14 = arith.constant 0 : i32
    %cond3A_15 = arith.cmpi ne, %convert_element_type3A_13, %cond3A_14 : i32
    scf.if %cond3A_15 {
      %mul3A_57 = arith.constant 128 : i32
      %mul3A_58 = arith.muli %add3A_10, %mul3A_57 : i32
      "tpu.region"() ({
        %run_scoped3A = tpu.sem_alloc : memref<!tpu.dma_semaphore, #tpu.memory_space<semaphore_mem>>
        %dma_start3A_75 = tpu.memref_slice %arg3[%mul3A_58] : memref<20000xi32, #tpu.memory_space<hbm>> -> memref<128xi32, #tpu.memory_space<hbm>>
        %dma_start3A_76 = tpu.memref_slice %arg3[%mul3A_58] : memref<20000xi32, #tpu.memory_space<hbm>> -> memref<128xi32, #tpu.memory_space<hbm>>
        tpu.enqueue_dma source(%dma_start3A_76 : memref<128xi32, #tpu.memory_space<hbm>>) target(%arg7 : memref<128xi32, #tpu.memory_space<vmem>>) target_semaphore(%run_scoped3A : memref<!tpu.dma_semaphore, #tpu.memory_space<semaphore_mem>>)
        %dma_wait3A_77 = tpu.memref_slice %arg3[%mul3A_58] : memref<20000xi32, #tpu.memory_space<hbm>> -> memref<128xi32, #tpu.memory_space<hbm>>
        %dma_wait3A_78 = tpu.memref_slice %arg3[%mul3A_58] : memref<20000xi32, #tpu.memory_space<hbm>> -> memref<128xi32, #tpu.memory_space<hbm>>
        tpu.wait_dma2 semaphore(%run_scoped3A : memref<!tpu.dma_semaphore, #tpu.memory_space<semaphore_mem>>) src(%dma_wait3A_78 : memref<128xi32, #tpu.memory_space<hbm>>) dst(%arg7 : memref<128xi32, #tpu.memory_space<vmem>>)
        tpu.yield
      }) : () -> ()
      %mul3A_59 = arith.constant 128 : i32
      %mul3A_60 = arith.muli %add3A_10, %mul3A_59 : i32
      "tpu.region"() ({
        %run_scoped3A = tpu.sem_alloc : memref<!tpu.dma_semaphore, #tpu.memory_space<semaphore_mem>>
        %dma_start3A_75 = tpu.memref_slice %arg4[%mul3A_60] : memref<20000xi32, #tpu.memory_space<hbm>> -> memref<128xi32, #tpu.memory_space<hbm>>
        %dma_start3A_76 = tpu.memref_slice %arg4[%mul3A_60] : memref<20000xi32, #tpu.memory_space<hbm>> -> memref<128xi32, #tpu.memory_space<hbm>>
        tpu.enqueue_dma source(%dma_start3A_76 : memref<128xi32, #tpu.memory_space<hbm>>) target(%arg8 : memref<128xi32, #tpu.memory_space<vmem>>) target_semaphore(%run_scoped3A : memref<!tpu.dma_semaphore, #tpu.memory_space<semaphore_mem>>)
        %dma_wait3A_77 = tpu.memref_slice %arg4[%mul3A_60] : memref<20000xi32, #tpu.memory_space<hbm>> -> memref<128xi32, #tpu.memory_space<hbm>>
        %dma_wait3A_78 = tpu.memref_slice %arg4[%mul3A_60] : memref<20000xi32, #tpu.memory_space<hbm>> -> memref<128xi32, #tpu.memory_space<hbm>>
        tpu.wait_dma2 semaphore(%run_scoped3A : memref<!tpu.dma_semaphore, #tpu.memory_space<semaphore_mem>>) src(%dma_wait3A_78 : memref<128xi32, #tpu.memory_space<hbm>>) dst(%arg8 : memref<128xi32, #tpu.memory_space<vmem>>)
        tpu.yield
      }) : () -> ()
      %dma_start3A = arith.constant 0 : i32
      %dma_start3A_61 = arith.constant 0 : i32
      %dma_start3A_62 = tpu.memref_slice %arg2[%dma_start3A, %dma_start3A_61] : memref<10000x128xf32, #tpu.memory_space<hbm>> -> memref<10000x128xf32, #tpu.memory_space<hbm>>
      tpu.enqueue_indirect_dma source(%dma_start3A_62 : memref<10000x128xf32, #tpu.memory_space<hbm>>) target(%arg9 : memref<128x128xf32, #tpu.memory_space<vmem>>) offsets(%arg7 : memref<128xi32, #tpu.memory_space<vmem>>) semaphore(%arg11 : memref<!tpu.dma_semaphore, #tpu.memory_space<semaphore_mem>>)
      %dma_wait3A = arith.constant 0 : i32
      %dma_wait3A_63 = arith.constant 0 : i32
      %dma_wait3A_64 = tpu.memref_slice %arg2[%dma_wait3A, %dma_wait3A_63] : memref<10000x128xf32, #tpu.memory_space<hbm>> -> memref<10000x128xf32, #tpu.memory_space<hbm>>
      tpu.wait_indirect_dma semaphore(%arg11 : memref<!tpu.dma_semaphore, #tpu.memory_space<semaphore_mem>>) src(%dma_wait3A_64 : memref<10000x128xf32, #tpu.memory_space<hbm>>) dst(%arg9 : memref<128x128xf32, #tpu.memory_space<vmem>>)
      %dma_start3A_65 = arith.constant 0 : i32
      %dma_start3A_66 = arith.constant 0 : i32
      %dma_start3A_67 = tpu.memref_slice %arg2[%dma_start3A_65, %dma_start3A_66] : memref<10000x128xf32, #tpu.memory_space<hbm>> -> memref<10000x128xf32, #tpu.memory_space<hbm>>
      tpu.enqueue_indirect_dma source(%dma_start3A_67 : memref<10000x128xf32, #tpu.memory_space<hbm>>) target(%arg10 : memref<128x128xf32, #tpu.memory_space<vmem>>) offsets(%arg8 : memref<128xi32, #tpu.memory_space<vmem>>) semaphore(%arg12 : memref<!tpu.dma_semaphore, #tpu.memory_space<semaphore_mem>>)
      %dma_wait3A_68 = arith.constant 0 : i32
      %dma_wait3A_69 = arith.constant 0 : i32
      %dma_wait3A_70 = tpu.memref_slice %arg2[%dma_wait3A_68, %dma_wait3A_69] : memref<10000x128xf32, #tpu.memory_space<hbm>> -> memref<10000x128xf32, #tpu.memory_space<hbm>>
      tpu.wait_indirect_dma semaphore(%arg12 : memref<!tpu.dma_semaphore, #tpu.memory_space<semaphore_mem>>) src(%dma_wait3A_70 : memref<10000x128xf32, #tpu.memory_space<hbm>>) dst(%arg10 : memref<128x128xf32, #tpu.memory_space<vmem>>)
      %mul3A_71 = arith.constant 128 : i32
      %mul3A_72 = arith.muli %add3A_10, %mul3A_71 : i32
      "tpu.region"() ({
        %run_scoped3A = tpu.sem_alloc : memref<!tpu.dma_semaphore, #tpu.memory_space<semaphore_mem>>
        %dma_start3A_75 = arith.constant 0 : i32
        %dma_start3A_76 = tpu.memref_slice %arg5[%mul3A_72, %dma_start3A_75] : memref<20000x128xf32, #tpu.memory_space<hbm>> -> memref<128x128xf32, #tpu.memory_space<hbm>>
        %dma_start3A_77 = arith.constant 0 : i32
        %dma_start3A_78 = tpu.memref_slice %arg5[%mul3A_72, %dma_start3A_77] : memref<20000x128xf32, #tpu.memory_space<hbm>> -> memref<128x128xf32, #tpu.memory_space<hbm>>
        tpu.enqueue_dma source(%arg9 : memref<128x128xf32, #tpu.memory_space<vmem>>) target(%dma_start3A_78 : memref<128x128xf32, #tpu.memory_space<hbm>>) target_semaphore(%run_scoped3A : memref<!tpu.dma_semaphore, #tpu.memory_space<semaphore_mem>>)
        %dma_wait3A_79 = arith.constant 0 : i32
        %dma_wait3A_80 = tpu.memref_slice %arg5[%mul3A_72, %dma_wait3A_79] : memref<20000x128xf32, #tpu.memory_space<hbm>> -> memref<128x128xf32, #tpu.memory_space<hbm>>
        %dma_wait3A_81 = arith.constant 0 : i32
        %dma_wait3A_82 = tpu.memref_slice %arg5[%mul3A_72, %dma_wait3A_81] : memref<20000x128xf32, #tpu.memory_space<hbm>> -> memref<128x128xf32, #tpu.memory_space<hbm>>
        tpu.wait_dma2 semaphore(%run_scoped3A : memref<!tpu.dma_semaphore, #tpu.memory_space<semaphore_mem>>) src(%arg9 : memref<128x128xf32, #tpu.memory_space<vmem>>) dst(%dma_wait3A_82 : memref<128x128xf32, #tpu.memory_space<hbm>>)
        tpu.yield
      }) : () -> ()
      %mul3A_73 = arith.constant 128 : i32
      %mul3A_74 = arith.muli %add3A_10, %mul3A_73 : i32
      "tpu.region"() ({
        %run_scoped3A = tpu.sem_alloc : memref<!tpu.dma_semaphore, #tpu.memory_space<semaphore_mem>>
        %dma_start3A_75 = arith.constant 0 : i32
        %dma_start3A_76 = tpu.memref_slice %arg6[%mul3A_74, %dma_start3A_75] : memref<20000x128xf32, #tpu.memory_space<hbm>> -> memref<128x128xf32, #tpu.memory_space<hbm>>
        %dma_start3A_77 = arith.constant 0 : i32
        %dma_start3A_78 = tpu.memref_slice %arg6[%mul3A_74, %dma_start3A_77] : memref<20000x128xf32, #tpu.memory_space<hbm>> -> memref<128x128xf32, #tpu.memory_space<hbm>>
        tpu.enqueue_dma source(%arg10 : memref<128x128xf32, #tpu.memory_space<vmem>>) target(%dma_start3A_78 : memref<128x128xf32, #tpu.memory_space<hbm>>) target_semaphore(%run_scoped3A : memref<!tpu.dma_semaphore, #tpu.memory_space<semaphore_mem>>)
        %dma_wait3A_79 = arith.constant 0 : i32
        %dma_wait3A_80 = tpu.memref_slice %arg6[%mul3A_74, %dma_wait3A_79] : memref<20000x128xf32, #tpu.memory_space<hbm>> -> memref<128x128xf32, #tpu.memory_space<hbm>>
        %dma_wait3A_81 = arith.constant 0 : i32
        %dma_wait3A_82 = tpu.memref_slice %arg6[%mul3A_74, %dma_wait3A_81] : memref<20000x128xf32, #tpu.memory_space<hbm>> -> memref<128x128xf32, #tpu.memory_space<hbm>>
        tpu.wait_dma2 semaphore(%run_scoped3A : memref<!tpu.dma_semaphore, #tpu.memory_space<semaphore_mem>>) src(%arg10 : memref<128x128xf32, #tpu.memory_space<vmem>>) dst(%dma_wait3A_82 : memref<128x128xf32, #tpu.memory_space<hbm>>)
        tpu.yield
      }) : () -> ()
    } else {
    }
    %eq3A_16 = arith.constant 156 : i32
    %eq3A_17 = arith.cmpi eq, %add3A_10, %eq3A_16 : i32
    %convert_element_type3A_18 = arith.extui %eq3A_17 : i1 to i32
    %cond3A_19 = arith.constant 0 : i32
    %cond3A_20 = arith.cmpi ne, %convert_element_type3A_18, %cond3A_19 : i32
    scf.if %cond3A_20 {
      "tpu.region"() ({
        %run_scoped3A = tpu.sem_alloc : memref<!tpu.dma_semaphore, #tpu.memory_space<semaphore_mem>>
        %dma_start3A_67 = arith.constant 19872 : i32
        %dma_start3A_68 = tpu.memref_slice %arg3[%dma_start3A_67] : memref<20000xi32, #tpu.memory_space<hbm>> -> memref<128xi32, #tpu.memory_space<hbm>>
        %dma_start3A_69 = arith.constant 19872 : i32
        %dma_start3A_70 = tpu.memref_slice %arg3[%dma_start3A_69] : memref<20000xi32, #tpu.memory_space<hbm>> -> memref<128xi32, #tpu.memory_space<hbm>>
        tpu.enqueue_dma source(%dma_start3A_70 : memref<128xi32, #tpu.memory_space<hbm>>) target(%arg7 : memref<128xi32, #tpu.memory_space<vmem>>) target_semaphore(%run_scoped3A : memref<!tpu.dma_semaphore, #tpu.memory_space<semaphore_mem>>)
        %dma_wait3A_71 = arith.constant 19872 : i32
        %dma_wait3A_72 = tpu.memref_slice %arg3[%dma_wait3A_71] : memref<20000xi32, #tpu.memory_space<hbm>> -> memref<128xi32, #tpu.memory_space<hbm>>
        %dma_wait3A_73 = arith.constant 19872 : i32
        %dma_wait3A_74 = tpu.memref_slice %arg3[%dma_wait3A_73] : memref<20000xi32, #tpu.memory_space<hbm>> -> memref<128xi32, #tpu.memory_space<hbm>>
        tpu.wait_dma2 semaphore(%run_scoped3A : memref<!tpu.dma_semaphore, #tpu.memory_space<semaphore_mem>>) src(%dma_wait3A_74 : memref<128xi32, #tpu.memory_space<hbm>>) dst(%arg7 : memref<128xi32, #tpu.memory_space<vmem>>)
        tpu.yield
      }) : () -> ()
      "tpu.region"() ({
        %run_scoped3A = tpu.sem_alloc : memref<!tpu.dma_semaphore, #tpu.memory_space<semaphore_mem>>
        %dma_start3A_67 = arith.constant 19872 : i32
        %dma_start3A_68 = tpu.memref_slice %arg4[%dma_start3A_67] : memref<20000xi32, #tpu.memory_space<hbm>> -> memref<128xi32, #tpu.memory_space<hbm>>
        %dma_start3A_69 = arith.constant 19872 : i32
        %dma_start3A_70 = tpu.memref_slice %arg4[%dma_start3A_69] : memref<20000xi32, #tpu.memory_space<hbm>> -> memref<128xi32, #tpu.memory_space<hbm>>
        tpu.enqueue_dma source(%dma_start3A_70 : memref<128xi32, #tpu.memory_space<hbm>>) target(%arg8 : memref<128xi32, #tpu.memory_space<vmem>>) target_semaphore(%run_scoped3A : memref<!tpu.dma_semaphore, #tpu.memory_space<semaphore_mem>>)
        %dma_wait3A_71 = arith.constant 19872 : i32
        %dma_wait3A_72 = tpu.memref_slice %arg4[%dma_wait3A_71] : memref<20000xi32, #tpu.memory_space<hbm>> -> memref<128xi32, #tpu.memory_space<hbm>>
        %dma_wait3A_73 = arith.constant 19872 : i32
        %dma_wait3A_74 = tpu.memref_slice %arg4[%dma_wait3A_73] : memref<20000xi32, #tpu.memory_space<hbm>> -> memref<128xi32, #tpu.memory_space<hbm>>
        tpu.wait_dma2 semaphore(%run_scoped3A : memref<!tpu.dma_semaphore, #tpu.memory_space<semaphore_mem>>) src(%dma_wait3A_74 : memref<128xi32, #tpu.memory_space<hbm>>) dst(%arg8 : memref<128xi32, #tpu.memory_space<vmem>>)
        tpu.yield
      }) : () -> ()
      %dma_start3A = arith.constant 0 : i32
      %dma_start3A_57 = arith.constant 0 : i32
      %dma_start3A_58 = tpu.memref_slice %arg2[%dma_start3A, %dma_start3A_57] : memref<10000x128xf32, #tpu.memory_space<hbm>> -> memref<10000x128xf32, #tpu.memory_space<hbm>>
      tpu.enqueue_indirect_dma source(%dma_start3A_58 : memref<10000x128xf32, #tpu.memory_space<hbm>>) target(%arg9 : memref<128x128xf32, #tpu.memory_space<vmem>>) offsets(%arg7 : memref<128xi32, #tpu.memory_space<vmem>>) semaphore(%arg11 : memref<!tpu.dma_semaphore, #tpu.memory_space<semaphore_mem>>)
      %dma_wait3A = arith.constant 0 : i32
      %dma_wait3A_59 = arith.constant 0 : i32
      %dma_wait3A_60 = tpu.memref_slice %arg2[%dma_wait3A, %dma_wait3A_59] : memref<10000x128xf32, #tpu.memory_space<hbm>> -> memref<10000x128xf32, #tpu.memory_space<hbm>>
      tpu.wait_indirect_dma semaphore(%arg11 : memref<!tpu.dma_semaphore, #tpu.memory_space<semaphore_mem>>) src(%dma_wait3A_60 : memref<10000x128xf32, #tpu.memory_space<hbm>>) dst(%arg9 : memref<128x128xf32, #tpu.memory_space<vmem>>)
      %dma_start3A_61 = arith.constant 0 : i32
      %dma_start3A_62 = arith.constant 0 : i32
      %dma_start3A_63 = tpu.memref_slice %arg2[%dma_start3A_61, %dma_start3A_62] : memref<10000x128xf32, #tpu.memory_space<hbm>> -> memref<10000x128xf32, #tpu.memory_space<hbm>>
      tpu.enqueue_indirect_dma source(%dma_start3A_63 : memref<10000x128xf32, #tpu.memory_space<hbm>>) target(%arg10 : memref<128x128xf32, #tpu.memory_space<vmem>>) offsets(%arg8 : memref<128xi32, #tpu.memory_space<vmem>>) semaphore(%arg12 : memref<!tpu.dma_semaphore, #tpu.memory_space<semaphore_mem>>)
      %dma_wait3A_64 = arith.constant 0 : i32
      %dma_wait3A_65 = arith.constant 0 : i32
      %dma_wait3A_66 = tpu.memref_slice %arg2[%dma_wait3A_64, %dma_wait3A_65] : memref<10000x128xf32, #tpu.memory_space<hbm>> -> memref<10000x128xf32, #tpu.memory_space<hbm>>
      tpu.wait_indirect_dma semaphore(%arg12 : memref<!tpu.dma_semaphore, #tpu.memory_space<semaphore_mem>>) src(%dma_wait3A_66 : memref<10000x128xf32, #tpu.memory_space<hbm>>) dst(%arg10 : memref<128x128xf32, #tpu.memory_space<vmem>>)
      "tpu.region"() ({
        %run_scoped3A = tpu.sem_alloc : memref<!tpu.dma_semaphore, #tpu.memory_space<semaphore_mem>>
        %dma_start3A_67 = arith.constant 96 : i32
        %dma_start3A_68 = arith.constant 0 : i32
        %dma_start3A_69 = tpu.memref_slice %arg9[%dma_start3A_67, %dma_start3A_68] : memref<128x128xf32, #tpu.memory_space<vmem>> -> memref<32x128xf32, #tpu.memory_space<vmem>>
        %dma_start3A_70 = arith.constant 19968 : i32
        %dma_start3A_71 = arith.constant 0 : i32
        %dma_start3A_72 = tpu.memref_slice %arg5[%dma_start3A_70, %dma_start3A_71] : memref<20000x128xf32, #tpu.memory_space<hbm>> -> memref<32x128xf32, #tpu.memory_space<hbm>>
        %dma_start3A_73 = arith.constant 19968 : i32
        %dma_start3A_74 = arith.constant 0 : i32
        %dma_start3A_75 = tpu.memref_slice %arg5[%dma_start3A_73, %dma_start3A_74] : memref<20000x128xf32, #tpu.memory_space<hbm>> -> memref<32x128xf32, #tpu.memory_space<hbm>>
        %dma_start3A_76 = arith.constant 96 : i32
        %dma_start3A_77 = arith.constant 0 : i32
        %dma_start3A_78 = tpu.memref_slice %arg9[%dma_start3A_76, %dma_start3A_77] : memref<128x128xf32, #tpu.memory_space<vmem>> -> memref<32x128xf32, #tpu.memory_space<vmem>>
        tpu.enqueue_dma source(%dma_start3A_78 : memref<32x128xf32, #tpu.memory_space<vmem>>) target(%dma_start3A_75 : memref<32x128xf32, #tpu.memory_space<hbm>>) target_semaphore(%run_scoped3A : memref<!tpu.dma_semaphore, #tpu.memory_space<semaphore_mem>>)
        %dma_wait3A_79 = arith.constant 96 : i32
        %dma_wait3A_80 = arith.constant 0 : i32
        %dma_wait3A_81 = tpu.memref_slice %arg9[%dma_wait3A_79, %dma_wait3A_80] : memref<128x128xf32, #tpu.memory_space<vmem>> -> memref<32x128xf32, #tpu.memory_space<vmem>>
        %dma_wait3A_82 = arith.constant 19968 : i32
        %dma_wait3A_83 = arith.constant 0 : i32
        %dma_wait3A_84 = tpu.memref_slice %arg5[%dma_wait3A_82, %dma_wait3A_83] : memref<20000x128xf32, #tpu.memory_space<hbm>> -> memref<32x128xf32, #tpu.memory_space<hbm>>
        %dma_wait3A_85 = arith.constant 19968 : i32
        %dma_wait3A_86 = arith.constant 0 : i32
        %dma_wait3A_87 = tpu.memref_slice %arg5[%dma_wait3A_85, %dma_wait3A_86] : memref<20000x128xf32, #tpu.memory_space<hbm>> -> memref<32x128xf32, #tpu.memory_space<hbm>>
        %dma_wait3A_88 = arith.constant 96 : i32
        %dma_wait3A_89 = arith.constant 0 : i32
        %dma_wait3A_90 = tpu.memref_slice %arg9[%dma_wait3A_88, %dma_wait3A_89] : memref<128x128xf32, #tpu.memory_space<vmem>> -> memref<32x128xf32, #tpu.memory_space<vmem>>
        tpu.wait_dma2 semaphore(%run_scoped3A : memref<!tpu.dma_semaphore, #tpu.memory_space<semaphore_mem>>) src(%dma_wait3A_90 : memref<32x128xf32, #tpu.memory_space<vmem>>) dst(%dma_wait3A_87 : memref<32x128xf32, #tpu.memory_space<hbm>>)
        tpu.yield
      }) : () -> ()
      "tpu.region"() ({
        %run_scoped3A = tpu.sem_alloc : memref<!tpu.dma_semaphore, #tpu.memory_space<semaphore_mem>>
        %dma_start3A_67 = arith.constant 96 : i32
        %dma_start3A_68 = arith.constant 0 : i32
        %dma_start3A_69 = tpu.memref_slice %arg10[%dma_start3A_67, %dma_start3A_68] : memref<128x128xf32, #tpu.memory_space<vmem>> -> memref<32x128xf32, #tpu.memory_space<vmem>>
        %dma_start3A_70 = arith.constant 19968 : i32
        %dma_start3A_71 = arith.constant 0 : i32
        %dma_start3A_72 = tpu.memref_slice %arg6[%dma_start3A_70, %dma_start3A_71] : memref<20000x128xf32, #tpu.memory_space<hbm>> -> memref<32x128xf32, #tpu.memory_space<hbm>>
        %dma_start3A_73 = arith.constant 19968 : i32
        %dma_start3A_74 = arith.constant 0 : i32
        %dma_start3A_75 = tpu.memref_slice %arg6[%dma_start3A_73, %dma_start3A_74] : memref<20000x128xf32, #tpu.memory_space<hbm>> -> memref<32x128xf32, #tpu.memory_space<hbm>>
        %dma_start3A_76 = arith.constant 96 : i32
        %dma_start3A_77 = arith.constant 0 : i32
        %dma_start3A_78 = tpu.memref_slice %arg10[%dma_start3A_76, %dma_start3A_77] : memref<128x128xf32, #tpu.memory_space<vmem>> -> memref<32x128xf32, #tpu.memory_space<vmem>>
        tpu.enqueue_dma source(%dma_start3A_78 : memref<32x128xf32, #tpu.memory_space<vmem>>) target(%dma_start3A_75 : memref<32x128xf32, #tpu.memory_space<hbm>>) target_semaphore(%run_scoped3A : memref<!tpu.dma_semaphore, #tpu.memory_space<semaphore_mem>>)
        %dma_wait3A_79 = arith.constant 96 : i32
        %dma_wait3A_80 = arith.constant 0 : i32
        %dma_wait3A_81 = tpu.memref_slice %arg10[%dma_wait3A_79, %dma_wait3A_80] : memref<128x128xf32, #tpu.memory_space<vmem>> -> memref<32x128xf32, #tpu.memory_space<vmem>>
        %dma_wait3A_82 = arith.constant 19968 : i32
        %dma_wait3A_83 = arith.constant 0 : i32
        %dma_wait3A_84 = tpu.memref_slice %arg6[%dma_wait3A_82, %dma_wait3A_83] : memref<20000x128xf32, #tpu.memory_space<hbm>> -> memref<32x128xf32, #tpu.memory_space<hbm>>
        %dma_wait3A_85 = arith.constant 19968 : i32
        %dma_wait3A_86 = arith.constant 0 : i32
        %dma_wait3A_87 = tpu.memref_slice %arg6[%dma_wait3A_85, %dma_wait3A_86] : memref<20000x128xf32, #tpu.memory_space<hbm>> -> memref<32x128xf32, #tpu.memory_space<hbm>>
        %dma_wait3A_88 = arith.constant 96 : i32
        %dma_wait3A_89 = arith.constant 0 : i32
        %dma_wait3A_90 = tpu.memref_slice %arg10[%dma_wait3A_88, %dma_wait3A_89] : memref<128x128xf32, #tpu.memory_space<vmem>> -> memref<32x128xf32, #tpu.memory_space<vmem>>
        tpu.wait_dma2 semaphore(%run_scoped3A : memref<!tpu.dma_semaphore, #tpu.memory_space<semaphore_mem>>) src(%dma_wait3A_90 : memref<32x128xf32, #tpu.memory_space<vmem>>) dst(%dma_wait3A_87 : memref<32x128xf32, #tpu.memory_space<hbm>>)
        tpu.yield
      }) : () -> ()
    } else {
    }
    %add3A_21 = arith.constant 64 : i32
    %add3A_22 = arith.addi %add3A, %add3A_21 : i32
    %lt3A_23 = arith.constant 156 : i32
    %lt3A_24 = arith.cmpi slt, %add3A_22, %lt3A_23 : i32
    %convert_element_type3A_25 = arith.extui %lt3A_24 : i1 to i32
    %cond3A_26 = arith.constant 0 : i32
    %cond3A_27 = arith.cmpi ne, %convert_element_type3A_25, %cond3A_26 : i32
    scf.if %cond3A_27 {
      %mul3A_57 = arith.constant 128 : i32
      %mul3A_58 = arith.muli %add3A_22, %mul3A_57 : i32
      "tpu.region"() ({
        %run_scoped3A = tpu.sem_alloc : memref<!tpu.dma_semaphore, #tpu.memory_space<semaphore_mem>>
        %dma_start3A_75 = tpu.memref_slice %arg3[%mul3A_58] : memref<20000xi32, #tpu.memory_space<hbm>> -> memref<128xi32, #tpu.memory_space<hbm>>
        %dma_start3A_76 = tpu.memref_slice %arg3[%mul3A_58] : memref<20000xi32, #tpu.memory_space<hbm>> -> memref<128xi32, #tpu.memory_space<hbm>>
        tpu.enqueue_dma source(%dma_start3A_76 : memref<128xi32, #tpu.memory_space<hbm>>) target(%arg7 : memref<128xi32, #tpu.memory_space<vmem>>) target_semaphore(%run_scoped3A : memref<!tpu.dma_semaphore, #tpu.memory_space<semaphore_mem>>)
        %dma_wait3A_77 = tpu.memref_slice %arg3[%mul3A_58] : memref<20000xi32, #tpu.memory_space<hbm>> -> memref<128xi32, #tpu.memory_space<hbm>>
        %dma_wait3A_78 = tpu.memref_slice %arg3[%mul3A_58] : memref<20000xi32, #tpu.memory_space<hbm>> -> memref<128xi32, #tpu.memory_space<hbm>>
        tpu.wait_dma2 semaphore(%run_scoped3A : memref<!tpu.dma_semaphore, #tpu.memory_space<semaphore_mem>>) src(%dma_wait3A_78 : memref<128xi32, #tpu.memory_space<hbm>>) dst(%arg7 : memref<128xi32, #tpu.memory_space<vmem>>)
        tpu.yield
      }) : () -> ()
      %mul3A_59 = arith.constant 128 : i32
      %mul3A_60 = arith.muli %add3A_22, %mul3A_59 : i32
      "tpu.region"() ({
        %run_scoped3A = tpu.sem_alloc : memref<!tpu.dma_semaphore, #tpu.memory_space<semaphore_mem>>
        %dma_start3A_75 = tpu.memref_slice %arg4[%mul3A_60] : memref<20000xi32, #tpu.memory_space<hbm>> -> memref<128xi32, #tpu.memory_space<hbm>>
        %dma_start3A_76 = tpu.memref_slice %arg4[%mul3A_60] : memref<20000xi32, #tpu.memory_space<hbm>> -> memref<128xi32, #tpu.memory_space<hbm>>
        tpu.enqueue_dma source(%dma_start3A_76 : memref<128xi32, #tpu.memory_space<hbm>>) target(%arg8 : memref<128xi32, #tpu.memory_space<vmem>>) target_semaphore(%run_scoped3A : memref<!tpu.dma_semaphore, #tpu.memory_space<semaphore_mem>>)
        %dma_wait3A_77 = tpu.memref_slice %arg4[%mul3A_60] : memref<20000xi32, #tpu.memory_space<hbm>> -> memref<128xi32, #tpu.memory_space<hbm>>
        %dma_wait3A_78 = tpu.memref_slice %arg4[%mul3A_60] : memref<20000xi32, #tpu.memory_space<hbm>> -> memref<128xi32, #tpu.memory_space<hbm>>
        tpu.wait_dma2 semaphore(%run_scoped3A : memref<!tpu.dma_semaphore, #tpu.memory_space<semaphore_mem>>) src(%dma_wait3A_78 : memref<128xi32, #tpu.memory_space<hbm>>) dst(%arg8 : memref<128xi32, #tpu.memory_space<vmem>>)
        tpu.yield
      }) : () -> ()
      %dma_start3A = arith.constant 0 : i32
      %dma_start3A_61 = arith.constant 0 : i32
      %dma_start3A_62 = tpu.memref_slice %arg2[%dma_start3A, %dma_start3A_61] : memref<10000x128xf32, #tpu.memory_space<hbm>> -> memref<10000x128xf32, #tpu.memory_space<hbm>>
      tpu.enqueue_indirect_dma source(%dma_start3A_62 : memref<10000x128xf32, #tpu.memory_space<hbm>>) target(%arg9 : memref<128x128xf32, #tpu.memory_space<vmem>>) offsets(%arg7 : memref<128xi32, #tpu.memory_space<vmem>>) semaphore(%arg11 : memref<!tpu.dma_semaphore, #tpu.memory_space<semaphore_mem>>)
      %dma_wait3A = arith.constant 0 : i32
      %dma_wait3A_63 = arith.constant 0 : i32
      %dma_wait3A_64 = tpu.memref_slice %arg2[%dma_wait3A, %dma_wait3A_63] : memref<10000x128xf32, #tpu.memory_space<hbm>> -> memref<10000x128xf32, #tpu.memory_space<hbm>>
      tpu.wait_indirect_dma semaphore(%arg11 : memref<!tpu.dma_semaphore, #tpu.memory_space<semaphore_mem>>) src(%dma_wait3A_64 : memref<10000x128xf32, #tpu.memory_space<hbm>>) dst(%arg9 : memref<128x128xf32, #tpu.memory_space<vmem>>)
      %dma_start3A_65 = arith.constant 0 : i32
      %dma_start3A_66 = arith.constant 0 : i32
      %dma_start3A_67 = tpu.memref_slice %arg2[%dma_start3A_65, %dma_start3A_66] : memref<10000x128xf32, #tpu.memory_space<hbm>> -> memref<10000x128xf32, #tpu.memory_space<hbm>>
      tpu.enqueue_indirect_dma source(%dma_start3A_67 : memref<10000x128xf32, #tpu.memory_space<hbm>>) target(%arg10 : memref<128x128xf32, #tpu.memory_space<vmem>>) offsets(%arg8 : memref<128xi32, #tpu.memory_space<vmem>>) semaphore(%arg12 : memref<!tpu.dma_semaphore, #tpu.memory_space<semaphore_mem>>)
      %dma_wait3A_68 = arith.constant 0 : i32
      %dma_wait3A_69 = arith.constant 0 : i32
      %dma_wait3A_70 = tpu.memref_slice %arg2[%dma_wait3A_68, %dma_wait3A_69] : memref<10000x128xf32, #tpu.memory_space<hbm>> -> memref<10000x128xf32, #tpu.memory_space<hbm>>
      tpu.wait_indirect_dma semaphore(%arg12 : memref<!tpu.dma_semaphore, #tpu.memory_space<semaphore_mem>>) src(%dma_wait3A_70 : memref<10000x128xf32, #tpu.memory_space<hbm>>) dst(%arg10 : memref<128x128xf32, #tpu.memory_space<vmem>>)
      %mul3A_71 = arith.constant 128 : i32
      %mul3A_72 = arith.muli %add3A_22, %mul3A_71 : i32
      "tpu.region"() ({
        %run_scoped3A = tpu.sem_alloc : memref<!tpu.dma_semaphore, #tpu.memory_space<semaphore_mem>>
        %dma_start3A_75 = arith.constant 0 : i32
        %dma_start3A_76 = tpu.memref_slice %arg5[%mul3A_72, %dma_start3A_75] : memref<20000x128xf32, #tpu.memory_space<hbm>> -> memref<128x128xf32, #tpu.memory_space<hbm>>
        %dma_start3A_77 = arith.constant 0 : i32
        %dma_start3A_78 = tpu.memref_slice %arg5[%mul3A_72, %dma_start3A_77] : memref<20000x128xf32, #tpu.memory_space<hbm>> -> memref<128x128xf32, #tpu.memory_space<hbm>>
        tpu.enqueue_dma source(%arg9 : memref<128x128xf32, #tpu.memory_space<vmem>>) target(%dma_start3A_78 : memref<128x128xf32, #tpu.memory_space<hbm>>) target_semaphore(%run_scoped3A : memref<!tpu.dma_semaphore, #tpu.memory_space<semaphore_mem>>)
        %dma_wait3A_79 = arith.constant 0 : i32
        %dma_wait3A_80 = tpu.memref_slice %arg5[%mul3A_72, %dma_wait3A_79] : memref<20000x128xf32, #tpu.memory_space<hbm>> -> memref<128x128xf32, #tpu.memory_space<hbm>>
        %dma_wait3A_81 = arith.constant 0 : i32
        %dma_wait3A_82 = tpu.memref_slice %arg5[%mul3A_72, %dma_wait3A_81] : memref<20000x128xf32, #tpu.memory_space<hbm>> -> memref<128x128xf32, #tpu.memory_space<hbm>>
        tpu.wait_dma2 semaphore(%run_scoped3A : memref<!tpu.dma_semaphore, #tpu.memory_space<semaphore_mem>>) src(%arg9 : memref<128x128xf32, #tpu.memory_space<vmem>>) dst(%dma_wait3A_82 : memref<128x128xf32, #tpu.memory_space<hbm>>)
        tpu.yield
      }) : () -> ()
      %mul3A_73 = arith.constant 128 : i32
      %mul3A_74 = arith.muli %add3A_22, %mul3A_73 : i32
      "tpu.region"() ({
        %run_scoped3A = tpu.sem_alloc : memref<!tpu.dma_semaphore, #tpu.memory_space<semaphore_mem>>
        %dma_start3A_75 = arith.constant 0 : i32
        %dma_start3A_76 = tpu.memref_slice %arg6[%mul3A_74, %dma_start3A_75] : memref<20000x128xf32, #tpu.memory_space<hbm>> -> memref<128x128xf32, #tpu.memory_space<hbm>>
        %dma_start3A_77 = arith.constant 0 : i32
        %dma_start3A_78 = tpu.memref_slice %arg6[%mul3A_74, %dma_start3A_77] : memref<20000x128xf32, #tpu.memory_space<hbm>> -> memref<128x128xf32, #tpu.memory_space<hbm>>
        tpu.enqueue_dma source(%arg10 : memref<128x128xf32, #tpu.memory_space<vmem>>) target(%dma_start3A_78 : memref<128x128xf32, #tpu.memory_space<hbm>>) target_semaphore(%run_scoped3A : memref<!tpu.dma_semaphore, #tpu.memory_space<semaphore_mem>>)
        %dma_wait3A_79 = arith.constant 0 : i32
        %dma_wait3A_80 = tpu.memref_slice %arg6[%mul3A_74, %dma_wait3A_79] : memref<20000x128xf32, #tpu.memory_space<hbm>> -> memref<128x128xf32, #tpu.memory_space<hbm>>
        %dma_wait3A_81 = arith.constant 0 : i32
        %dma_wait3A_82 = tpu.memref_slice %arg6[%mul3A_74, %dma_wait3A_81] : memref<20000x128xf32, #tpu.memory_space<hbm>> -> memref<128x128xf32, #tpu.memory_space<hbm>>
        tpu.wait_dma2 semaphore(%run_scoped3A : memref<!tpu.dma_semaphore, #tpu.memory_space<semaphore_mem>>) src(%arg10 : memref<128x128xf32, #tpu.memory_space<vmem>>) dst(%dma_wait3A_82 : memref<128x128xf32, #tpu.memory_space<hbm>>)
        tpu.yield
      }) : () -> ()
    } else {
    }
    %eq3A_28 = arith.constant 156 : i32
    %eq3A_29 = arith.cmpi eq, %add3A_22, %eq3A_28 : i32
    %convert_element_type3A_30 = arith.extui %eq3A_29 : i1 to i32
    %cond3A_31 = arith.constant 0 : i32
    %cond3A_32 = arith.cmpi ne, %convert_element_type3A_30, %cond3A_31 : i32
    scf.if %cond3A_32 {
      "tpu.region"() ({
        %run_scoped3A = tpu.sem_alloc : memref<!tpu.dma_semaphore, #tpu.memory_space<semaphore_mem>>
        %dma_start3A_67 = arith.constant 19872 : i32
        %dma_start3A_68 = tpu.memref_slice %arg3[%dma_start3A_67] : memref<20000xi32, #tpu.memory_space<hbm>> -> memref<128xi32, #tpu.memory_space<hbm>>
        %dma_start3A_69 = arith.constant 19872 : i32
        %dma_start3A_70 = tpu.memref_slice %arg3[%dma_start3A_69] : memref<20000xi32, #tpu.memory_space<hbm>> -> memref<128xi32, #tpu.memory_space<hbm>>
        tpu.enqueue_dma source(%dma_start3A_70 : memref<128xi32, #tpu.memory_space<hbm>>) target(%arg7 : memref<128xi32, #tpu.memory_space<vmem>>) target_semaphore(%run_scoped3A : memref<!tpu.dma_semaphore, #tpu.memory_space<semaphore_mem>>)
        %dma_wait3A_71 = arith.constant 19872 : i32
        %dma_wait3A_72 = tpu.memref_slice %arg3[%dma_wait3A_71] : memref<20000xi32, #tpu.memory_space<hbm>> -> memref<128xi32, #tpu.memory_space<hbm>>
        %dma_wait3A_73 = arith.constant 19872 : i32
        %dma_wait3A_74 = tpu.memref_slice %arg3[%dma_wait3A_73] : memref<20000xi32, #tpu.memory_space<hbm>> -> memref<128xi32, #tpu.memory_space<hbm>>
        tpu.wait_dma2 semaphore(%run_scoped3A : memref<!tpu.dma_semaphore, #tpu.memory_space<semaphore_mem>>) src(%dma_wait3A_74 : memref<128xi32, #tpu.memory_space<hbm>>) dst(%arg7 : memref<128xi32, #tpu.memory_space<vmem>>)
        tpu.yield
      }) : () -> ()
      "tpu.region"() ({
        %run_scoped3A = tpu.sem_alloc : memref<!tpu.dma_semaphore, #tpu.memory_space<semaphore_mem>>
        %dma_start3A_67 = arith.constant 19872 : i32
        %dma_start3A_68 = tpu.memref_slice %arg4[%dma_start3A_67] : memref<20000xi32, #tpu.memory_space<hbm>> -> memref<128xi32, #tpu.memory_space<hbm>>
        %dma_start3A_69 = arith.constant 19872 : i32
        %dma_start3A_70 = tpu.memref_slice %arg4[%dma_start3A_69] : memref<20000xi32, #tpu.memory_space<hbm>> -> memref<128xi32, #tpu.memory_space<hbm>>
        tpu.enqueue_dma source(%dma_start3A_70 : memref<128xi32, #tpu.memory_space<hbm>>) target(%arg8 : memref<128xi32, #tpu.memory_space<vmem>>) target_semaphore(%run_scoped3A : memref<!tpu.dma_semaphore, #tpu.memory_space<semaphore_mem>>)
        %dma_wait3A_71 = arith.constant 19872 : i32
        %dma_wait3A_72 = tpu.memref_slice %arg4[%dma_wait3A_71] : memref<20000xi32, #tpu.memory_space<hbm>> -> memref<128xi32, #tpu.memory_space<hbm>>
        %dma_wait3A_73 = arith.constant 19872 : i32
        %dma_wait3A_74 = tpu.memref_slice %arg4[%dma_wait3A_73] : memref<20000xi32, #tpu.memory_space<hbm>> -> memref<128xi32, #tpu.memory_space<hbm>>
        tpu.wait_dma2 semaphore(%run_scoped3A : memref<!tpu.dma_semaphore, #tpu.memory_space<semaphore_mem>>) src(%dma_wait3A_74 : memref<128xi32, #tpu.memory_space<hbm>>) dst(%arg8 : memref<128xi32, #tpu.memory_space<vmem>>)
        tpu.yield
      }) : () -> ()
      %dma_start3A = arith.constant 0 : i32
      %dma_start3A_57 = arith.constant 0 : i32
      %dma_start3A_58 = tpu.memref_slice %arg2[%dma_start3A, %dma_start3A_57] : memref<10000x128xf32, #tpu.memory_space<hbm>> -> memref<10000x128xf32, #tpu.memory_space<hbm>>
      tpu.enqueue_indirect_dma source(%dma_start3A_58 : memref<10000x128xf32, #tpu.memory_space<hbm>>) target(%arg9 : memref<128x128xf32, #tpu.memory_space<vmem>>) offsets(%arg7 : memref<128xi32, #tpu.memory_space<vmem>>) semaphore(%arg11 : memref<!tpu.dma_semaphore, #tpu.memory_space<semaphore_mem>>)
      %dma_wait3A = arith.constant 0 : i32
      %dma_wait3A_59 = arith.constant 0 : i32
      %dma_wait3A_60 = tpu.memref_slice %arg2[%dma_wait3A, %dma_wait3A_59] : memref<10000x128xf32, #tpu.memory_space<hbm>> -> memref<10000x128xf32, #tpu.memory_space<hbm>>
      tpu.wait_indirect_dma semaphore(%arg11 : memref<!tpu.dma_semaphore, #tpu.memory_space<semaphore_mem>>) src(%dma_wait3A_60 : memref<10000x128xf32, #tpu.memory_space<hbm>>) dst(%arg9 : memref<128x128xf32, #tpu.memory_space<vmem>>)
      %dma_start3A_61 = arith.constant 0 : i32
      %dma_start3A_62 = arith.constant 0 : i32
      %dma_start3A_63 = tpu.memref_slice %arg2[%dma_start3A_61, %dma_start3A_62] : memref<10000x128xf32, #tpu.memory_space<hbm>> -> memref<10000x128xf32, #tpu.memory_space<hbm>>
      tpu.enqueue_indirect_dma source(%dma_start3A_63 : memref<10000x128xf32, #tpu.memory_space<hbm>>) target(%arg10 : memref<128x128xf32, #tpu.memory_space<vmem>>) offsets(%arg8 : memref<128xi32, #tpu.memory_space<vmem>>) semaphore(%arg12 : memref<!tpu.dma_semaphore, #tpu.memory_space<semaphore_mem>>)
      %dma_wait3A_64 = arith.constant 0 : i32
      %dma_wait3A_65 = arith.constant 0 : i32
      %dma_wait3A_66 = tpu.memref_slice %arg2[%dma_wait3A_64, %dma_wait3A_65] : memref<10000x128xf32, #tpu.memory_space<hbm>> -> memref<10000x128xf32, #tpu.memory_space<hbm>>
      tpu.wait_indirect_dma semaphore(%arg12 : memref<!tpu.dma_semaphore, #tpu.memory_space<semaphore_mem>>) src(%dma_wait3A_66 : memref<10000x128xf32, #tpu.memory_space<hbm>>) dst(%arg10 : memref<128x128xf32, #tpu.memory_space<vmem>>)
      "tpu.region"() ({
        %run_scoped3A = tpu.sem_alloc : memref<!tpu.dma_semaphore, #tpu.memory_space<semaphore_mem>>
        %dma_start3A_67 = arith.constant 96 : i32
        %dma_start3A_68 = arith.constant 0 : i32
        %dma_start3A_69 = tpu.memref_slice %arg9[%dma_start3A_67, %dma_start3A_68] : memref<128x128xf32, #tpu.memory_space<vmem>> -> memref<32x128xf32, #tpu.memory_space<vmem>>
        %dma_start3A_70 = arith.constant 19968 : i32
        %dma_start3A_71 = arith.constant 0 : i32
        %dma_start3A_72 = tpu.memref_slice %arg5[%dma_start3A_70, %dma_start3A_71] : memref<20000x128xf32, #tpu.memory_space<hbm>> -> memref<32x128xf32, #tpu.memory_space<hbm>>
        %dma_start3A_73 = arith.constant 19968 : i32
        %dma_start3A_74 = arith.constant 0 : i32
        %dma_start3A_75 = tpu.memref_slice %arg5[%dma_start3A_73, %dma_start3A_74] : memref<20000x128xf32, #tpu.memory_space<hbm>> -> memref<32x128xf32, #tpu.memory_space<hbm>>
        %dma_start3A_76 = arith.constant 96 : i32
        %dma_start3A_77 = arith.constant 0 : i32
        %dma_start3A_78 = tpu.memref_slice %arg9[%dma_start3A_76, %dma_start3A_77] : memref<128x128xf32, #tpu.memory_space<vmem>> -> memref<32x128xf32, #tpu.memory_space<vmem>>
        tpu.enqueue_dma source(%dma_start3A_78 : memref<32x128xf32, #tpu.memory_space<vmem>>) target(%dma_start3A_75 : memref<32x128xf32, #tpu.memory_space<hbm>>) target_semaphore(%run_scoped3A : memref<!tpu.dma_semaphore, #tpu.memory_space<semaphore_mem>>)
        %dma_wait3A_79 = arith.constant 96 : i32
        %dma_wait3A_80 = arith.constant 0 : i32
        %dma_wait3A_81 = tpu.memref_slice %arg9[%dma_wait3A_79, %dma_wait3A_80] : memref<128x128xf32, #tpu.memory_space<vmem>> -> memref<32x128xf32, #tpu.memory_space<vmem>>
        %dma_wait3A_82 = arith.constant 19968 : i32
        %dma_wait3A_83 = arith.constant 0 : i32
        %dma_wait3A_84 = tpu.memref_slice %arg5[%dma_wait3A_82, %dma_wait3A_83] : memref<20000x128xf32, #tpu.memory_space<hbm>> -> memref<32x128xf32, #tpu.memory_space<hbm>>
        %dma_wait3A_85 = arith.constant 19968 : i32
        %dma_wait3A_86 = arith.constant 0 : i32
        %dma_wait3A_87 = tpu.memref_slice %arg5[%dma_wait3A_85, %dma_wait3A_86] : memref<20000x128xf32, #tpu.memory_space<hbm>> -> memref<32x128xf32, #tpu.memory_space<hbm>>
        %dma_wait3A_88 = arith.constant 96 : i32
        %dma_wait3A_89 = arith.constant 0 : i32
        %dma_wait3A_90 = tpu.memref_slice %arg9[%dma_wait3A_88, %dma_wait3A_89] : memref<128x128xf32, #tpu.memory_space<vmem>> -> memref<32x128xf32, #tpu.memory_space<vmem>>
        tpu.wait_dma2 semaphore(%run_scoped3A : memref<!tpu.dma_semaphore, #tpu.memory_space<semaphore_mem>>) src(%dma_wait3A_90 : memref<32x128xf32, #tpu.memory_space<vmem>>) dst(%dma_wait3A_87 : memref<32x128xf32, #tpu.memory_space<hbm>>)
        tpu.yield
      }) : () -> ()
      "tpu.region"() ({
        %run_scoped3A = tpu.sem_alloc : memref<!tpu.dma_semaphore, #tpu.memory_space<semaphore_mem>>
        %dma_start3A_67 = arith.constant 96 : i32
        %dma_start3A_68 = arith.constant 0 : i32
        %dma_start3A_69 = tpu.memref_slice %arg10[%dma_start3A_67, %dma_start3A_68] : memref<128x128xf32, #tpu.memory_space<vmem>> -> memref<32x128xf32, #tpu.memory_space<vmem>>
        %dma_start3A_70 = arith.constant 19968 : i32
        %dma_start3A_71 = arith.constant 0 : i32
        %dma_start3A_72 = tpu.memref_slice %arg6[%dma_start3A_70, %dma_start3A_71] : memref<20000x128xf32, #tpu.memory_space<hbm>> -> memref<32x128xf32, #tpu.memory_space<hbm>>
        %dma_start3A_73 = arith.constant 19968 : i32
        %dma_start3A_74 = arith.constant 0 : i32
        %dma_start3A_75 = tpu.memref_slice %arg6[%dma_start3A_73, %dma_start3A_74] : memref<20000x128xf32, #tpu.memory_space<hbm>> -> memref<32x128xf32, #tpu.memory_space<hbm>>
        %dma_start3A_76 = arith.constant 96 : i32
        %dma_start3A_77 = arith.constant 0 : i32
        %dma_start3A_78 = tpu.memref_slice %arg10[%dma_start3A_76, %dma_start3A_77] : memref<128x128xf32, #tpu.memory_space<vmem>> -> memref<32x128xf32, #tpu.memory_space<vmem>>
        tpu.enqueue_dma source(%dma_start3A_78 : memref<32x128xf32, #tpu.memory_space<vmem>>) target(%dma_start3A_75 : memref<32x128xf32, #tpu.memory_space<hbm>>) target_semaphore(%run_scoped3A : memref<!tpu.dma_semaphore, #tpu.memory_space<semaphore_mem>>)
        %dma_wait3A_79 = arith.constant 96 : i32
        %dma_wait3A_80 = arith.constant 0 : i32
        %dma_wait3A_81 = tpu.memref_slice %arg10[%dma_wait3A_79, %dma_wait3A_80] : memref<128x128xf32, #tpu.memory_space<vmem>> -> memref<32x128xf32, #tpu.memory_space<vmem>>
        %dma_wait3A_82 = arith.constant 19968 : i32
        %dma_wait3A_83 = arith.constant 0 : i32
        %dma_wait3A_84 = tpu.memref_slice %arg6[%dma_wait3A_82, %dma_wait3A_83] : memref<20000x128xf32, #tpu.memory_space<hbm>> -> memref<32x128xf32, #tpu.memory_space<hbm>>
        %dma_wait3A_85 = arith.constant 19968 : i32
        %dma_wait3A_86 = arith.constant 0 : i32
        %dma_wait3A_87 = tpu.memref_slice %arg6[%dma_wait3A_85, %dma_wait3A_86] : memref<20000x128xf32, #tpu.memory_space<hbm>> -> memref<32x128xf32, #tpu.memory_space<hbm>>
        %dma_wait3A_88 = arith.constant 96 : i32
        %dma_wait3A_89 = arith.constant 0 : i32
        %dma_wait3A_90 = tpu.memref_slice %arg10[%dma_wait3A_88, %dma_wait3A_89] : memref<128x128xf32, #tpu.memory_space<vmem>> -> memref<32x128xf32, #tpu.memory_space<vmem>>
        tpu.wait_dma2 semaphore(%run_scoped3A : memref<!tpu.dma_semaphore, #tpu.memory_space<semaphore_mem>>) src(%dma_wait3A_90 : memref<32x128xf32, #tpu.memory_space<vmem>>) dst(%dma_wait3A_87 : memref<32x128xf32, #tpu.memory_space<hbm>>)
        tpu.yield
      }) : () -> ()
    } else {
    }
    %add3A_33 = arith.constant 96 : i32
    %add3A_34 = arith.addi %add3A, %add3A_33 : i32
    %lt3A_35 = arith.constant 156 : i32
    %lt3A_36 = arith.cmpi slt, %add3A_34, %lt3A_35 : i32
    %convert_element_type3A_37 = arith.extui %lt3A_36 : i1 to i32
    %cond3A_38 = arith.constant 0 : i32
    %cond3A_39 = arith.cmpi ne, %convert_element_type3A_37, %cond3A_38 : i32
    scf.if %cond3A_39 {
      %mul3A_57 = arith.constant 128 : i32
      %mul3A_58 = arith.muli %add3A_34, %mul3A_57 : i32
      "tpu.region"() ({
        %run_scoped3A = tpu.sem_alloc : memref<!tpu.dma_semaphore, #tpu.memory_space<semaphore_mem>>
        %dma_start3A_75 = tpu.memref_slice %arg3[%mul3A_58] : memref<20000xi32, #tpu.memory_space<hbm>> -> memref<128xi32, #tpu.memory_space<hbm>>
        %dma_start3A_76 = tpu.memref_slice %arg3[%mul3A_58] : memref<20000xi32, #tpu.memory_space<hbm>> -> memref<128xi32, #tpu.memory_space<hbm>>
        tpu.enqueue_dma source(%dma_start3A_76 : memref<128xi32, #tpu.memory_space<hbm>>) target(%arg7 : memref<128xi32, #tpu.memory_space<vmem>>) target_semaphore(%run_scoped3A : memref<!tpu.dma_semaphore, #tpu.memory_space<semaphore_mem>>)
        %dma_wait3A_77 = tpu.memref_slice %arg3[%mul3A_58] : memref<20000xi32, #tpu.memory_space<hbm>> -> memref<128xi32, #tpu.memory_space<hbm>>
        %dma_wait3A_78 = tpu.memref_slice %arg3[%mul3A_58] : memref<20000xi32, #tpu.memory_space<hbm>> -> memref<128xi32, #tpu.memory_space<hbm>>
        tpu.wait_dma2 semaphore(%run_scoped3A : memref<!tpu.dma_semaphore, #tpu.memory_space<semaphore_mem>>) src(%dma_wait3A_78 : memref<128xi32, #tpu.memory_space<hbm>>) dst(%arg7 : memref<128xi32, #tpu.memory_space<vmem>>)
        tpu.yield
      }) : () -> ()
      %mul3A_59 = arith.constant 128 : i32
      %mul3A_60 = arith.muli %add3A_34, %mul3A_59 : i32
      "tpu.region"() ({
        %run_scoped3A = tpu.sem_alloc : memref<!tpu.dma_semaphore, #tpu.memory_space<semaphore_mem>>
        %dma_start3A_75 = tpu.memref_slice %arg4[%mul3A_60] : memref<20000xi32, #tpu.memory_space<hbm>> -> memref<128xi32, #tpu.memory_space<hbm>>
        %dma_start3A_76 = tpu.memref_slice %arg4[%mul3A_60] : memref<20000xi32, #tpu.memory_space<hbm>> -> memref<128xi32, #tpu.memory_space<hbm>>
        tpu.enqueue_dma source(%dma_start3A_76 : memref<128xi32, #tpu.memory_space<hbm>>) target(%arg8 : memref<128xi32, #tpu.memory_space<vmem>>) target_semaphore(%run_scoped3A : memref<!tpu.dma_semaphore, #tpu.memory_space<semaphore_mem>>)
        %dma_wait3A_77 = tpu.memref_slice %arg4[%mul3A_60] : memref<20000xi32, #tpu.memory_space<hbm>> -> memref<128xi32, #tpu.memory_space<hbm>>
        %dma_wait3A_78 = tpu.memref_slice %arg4[%mul3A_60] : memref<20000xi32, #tpu.memory_space<hbm>> -> memref<128xi32, #tpu.memory_space<hbm>>
        tpu.wait_dma2 semaphore(%run_scoped3A : memref<!tpu.dma_semaphore, #tpu.memory_space<semaphore_mem>>) src(%dma_wait3A_78 : memref<128xi32, #tpu.memory_space<hbm>>) dst(%arg8 : memref<128xi32, #tpu.memory_space<vmem>>)
        tpu.yield
      }) : () -> ()
      %dma_start3A = arith.constant 0 : i32
      %dma_start3A_61 = arith.constant 0 : i32
      %dma_start3A_62 = tpu.memref_slice %arg2[%dma_start3A, %dma_start3A_61] : memref<10000x128xf32, #tpu.memory_space<hbm>> -> memref<10000x128xf32, #tpu.memory_space<hbm>>
      tpu.enqueue_indirect_dma source(%dma_start3A_62 : memref<10000x128xf32, #tpu.memory_space<hbm>>) target(%arg9 : memref<128x128xf32, #tpu.memory_space<vmem>>) offsets(%arg7 : memref<128xi32, #tpu.memory_space<vmem>>) semaphore(%arg11 : memref<!tpu.dma_semaphore, #tpu.memory_space<semaphore_mem>>)
      %dma_wait3A = arith.constant 0 : i32
      %dma_wait3A_63 = arith.constant 0 : i32
      %dma_wait3A_64 = tpu.memref_slice %arg2[%dma_wait3A, %dma_wait3A_63] : memref<10000x128xf32, #tpu.memory_space<hbm>> -> memref<10000x128xf32, #tpu.memory_space<hbm>>
      tpu.wait_indirect_dma semaphore(%arg11 : memref<!tpu.dma_semaphore, #tpu.memory_space<semaphore_mem>>) src(%dma_wait3A_64 : memref<10000x128xf32, #tpu.memory_space<hbm>>) dst(%arg9 : memref<128x128xf32, #tpu.memory_space<vmem>>)
      %dma_start3A_65 = arith.constant 0 : i32
      %dma_start3A_66 = arith.constant 0 : i32
      %dma_start3A_67 = tpu.memref_slice %arg2[%dma_start3A_65, %dma_start3A_66] : memref<10000x128xf32, #tpu.memory_space<hbm>> -> memref<10000x128xf32, #tpu.memory_space<hbm>>
      tpu.enqueue_indirect_dma source(%dma_start3A_67 : memref<10000x128xf32, #tpu.memory_space<hbm>>) target(%arg10 : memref<128x128xf32, #tpu.memory_space<vmem>>) offsets(%arg8 : memref<128xi32, #tpu.memory_space<vmem>>) semaphore(%arg12 : memref<!tpu.dma_semaphore, #tpu.memory_space<semaphore_mem>>)
      %dma_wait3A_68 = arith.constant 0 : i32
      %dma_wait3A_69 = arith.constant 0 : i32
      %dma_wait3A_70 = tpu.memref_slice %arg2[%dma_wait3A_68, %dma_wait3A_69] : memref<10000x128xf32, #tpu.memory_space<hbm>> -> memref<10000x128xf32, #tpu.memory_space<hbm>>
      tpu.wait_indirect_dma semaphore(%arg12 : memref<!tpu.dma_semaphore, #tpu.memory_space<semaphore_mem>>) src(%dma_wait3A_70 : memref<10000x128xf32, #tpu.memory_space<hbm>>) dst(%arg10 : memref<128x128xf32, #tpu.memory_space<vmem>>)
      %mul3A_71 = arith.constant 128 : i32
      %mul3A_72 = arith.muli %add3A_34, %mul3A_71 : i32
      "tpu.region"() ({
        %run_scoped3A = tpu.sem_alloc : memref<!tpu.dma_semaphore, #tpu.memory_space<semaphore_mem>>
        %dma_start3A_75 = arith.constant 0 : i32
        %dma_start3A_76 = tpu.memref_slice %arg5[%mul3A_72, %dma_start3A_75] : memref<20000x128xf32, #tpu.memory_space<hbm>> -> memref<128x128xf32, #tpu.memory_space<hbm>>
        %dma_start3A_77 = arith.constant 0 : i32
        %dma_start3A_78 = tpu.memref_slice %arg5[%mul3A_72, %dma_start3A_77] : memref<20000x128xf32, #tpu.memory_space<hbm>> -> memref<128x128xf32, #tpu.memory_space<hbm>>
        tpu.enqueue_dma source(%arg9 : memref<128x128xf32, #tpu.memory_space<vmem>>) target(%dma_start3A_78 : memref<128x128xf32, #tpu.memory_space<hbm>>) target_semaphore(%run_scoped3A : memref<!tpu.dma_semaphore, #tpu.memory_space<semaphore_mem>>)
        %dma_wait3A_79 = arith.constant 0 : i32
        %dma_wait3A_80 = tpu.memref_slice %arg5[%mul3A_72, %dma_wait3A_79] : memref<20000x128xf32, #tpu.memory_space<hbm>> -> memref<128x128xf32, #tpu.memory_space<hbm>>
        %dma_wait3A_81 = arith.constant 0 : i32
        %dma_wait3A_82 = tpu.memref_slice %arg5[%mul3A_72, %dma_wait3A_81] : memref<20000x128xf32, #tpu.memory_space<hbm>> -> memref<128x128xf32, #tpu.memory_space<hbm>>
        tpu.wait_dma2 semaphore(%run_scoped3A : memref<!tpu.dma_semaphore, #tpu.memory_space<semaphore_mem>>) src(%arg9 : memref<128x128xf32, #tpu.memory_space<vmem>>) dst(%dma_wait3A_82 : memref<128x128xf32, #tpu.memory_space<hbm>>)
        tpu.yield
      }) : () -> ()
      %mul3A_73 = arith.constant 128 : i32
      %mul3A_74 = arith.muli %add3A_34, %mul3A_73 : i32
      "tpu.region"() ({
        %run_scoped3A = tpu.sem_alloc : memref<!tpu.dma_semaphore, #tpu.memory_space<semaphore_mem>>
        %dma_start3A_75 = arith.constant 0 : i32
        %dma_start3A_76 = tpu.memref_slice %arg6[%mul3A_74, %dma_start3A_75] : memref<20000x128xf32, #tpu.memory_space<hbm>> -> memref<128x128xf32, #tpu.memory_space<hbm>>
        %dma_start3A_77 = arith.constant 0 : i32
        %dma_start3A_78 = tpu.memref_slice %arg6[%mul3A_74, %dma_start3A_77] : memref<20000x128xf32, #tpu.memory_space<hbm>> -> memref<128x128xf32, #tpu.memory_space<hbm>>
        tpu.enqueue_dma source(%arg10 : memref<128x128xf32, #tpu.memory_space<vmem>>) target(%dma_start3A_78 : memref<128x128xf32, #tpu.memory_space<hbm>>) target_semaphore(%run_scoped3A : memref<!tpu.dma_semaphore, #tpu.memory_space<semaphore_mem>>)
        %dma_wait3A_79 = arith.constant 0 : i32
        %dma_wait3A_80 = tpu.memref_slice %arg6[%mul3A_74, %dma_wait3A_79] : memref<20000x128xf32, #tpu.memory_space<hbm>> -> memref<128x128xf32, #tpu.memory_space<hbm>>
        %dma_wait3A_81 = arith.constant 0 : i32
        %dma_wait3A_82 = tpu.memref_slice %arg6[%mul3A_74, %dma_wait3A_81] : memref<20000x128xf32, #tpu.memory_space<hbm>> -> memref<128x128xf32, #tpu.memory_space<hbm>>
        tpu.wait_dma2 semaphore(%run_scoped3A : memref<!tpu.dma_semaphore, #tpu.memory_space<semaphore_mem>>) src(%arg10 : memref<128x128xf32, #tpu.memory_space<vmem>>) dst(%dma_wait3A_82 : memref<128x128xf32, #tpu.memory_space<hbm>>)
        tpu.yield
      }) : () -> ()
    } else {
    }
    %eq3A_40 = arith.constant 156 : i32
    %eq3A_41 = arith.cmpi eq, %add3A_34, %eq3A_40 : i32
    %convert_element_type3A_42 = arith.extui %eq3A_41 : i1 to i32
    %cond3A_43 = arith.constant 0 : i32
    %cond3A_44 = arith.cmpi ne, %convert_element_type3A_42, %cond3A_43 : i32
    scf.if %cond3A_44 {
      "tpu.region"() ({
        %run_scoped3A = tpu.sem_alloc : memref<!tpu.dma_semaphore, #tpu.memory_space<semaphore_mem>>
        %dma_start3A_67 = arith.constant 19872 : i32
        %dma_start3A_68 = tpu.memref_slice %arg3[%dma_start3A_67] : memref<20000xi32, #tpu.memory_space<hbm>> -> memref<128xi32, #tpu.memory_space<hbm>>
        %dma_start3A_69 = arith.constant 19872 : i32
        %dma_start3A_70 = tpu.memref_slice %arg3[%dma_start3A_69] : memref<20000xi32, #tpu.memory_space<hbm>> -> memref<128xi32, #tpu.memory_space<hbm>>
        tpu.enqueue_dma source(%dma_start3A_70 : memref<128xi32, #tpu.memory_space<hbm>>) target(%arg7 : memref<128xi32, #tpu.memory_space<vmem>>) target_semaphore(%run_scoped3A : memref<!tpu.dma_semaphore, #tpu.memory_space<semaphore_mem>>)
        %dma_wait3A_71 = arith.constant 19872 : i32
        %dma_wait3A_72 = tpu.memref_slice %arg3[%dma_wait3A_71] : memref<20000xi32, #tpu.memory_space<hbm>> -> memref<128xi32, #tpu.memory_space<hbm>>
        %dma_wait3A_73 = arith.constant 19872 : i32
        %dma_wait3A_74 = tpu.memref_slice %arg3[%dma_wait3A_73] : memref<20000xi32, #tpu.memory_space<hbm>> -> memref<128xi32, #tpu.memory_space<hbm>>
        tpu.wait_dma2 semaphore(%run_scoped3A : memref<!tpu.dma_semaphore, #tpu.memory_space<semaphore_mem>>) src(%dma_wait3A_74 : memref<128xi32, #tpu.memory_space<hbm>>) dst(%arg7 : memref<128xi32, #tpu.memory_space<vmem>>)
        tpu.yield
      }) : () -> ()
      "tpu.region"() ({
        %run_scoped3A = tpu.sem_alloc : memref<!tpu.dma_semaphore, #tpu.memory_space<semaphore_mem>>
        %dma_start3A_67 = arith.constant 19872 : i32
        %dma_start3A_68 = tpu.memref_slice %arg4[%dma_start3A_67] : memref<20000xi32, #tpu.memory_space<hbm>> -> memref<128xi32, #tpu.memory_space<hbm>>
        %dma_start3A_69 = arith.constant 19872 : i32
        %dma_start3A_70 = tpu.memref_slice %arg4[%dma_start3A_69] : memref<20000xi32, #tpu.memory_space<hbm>> -> memref<128xi32, #tpu.memory_space<hbm>>
        tpu.enqueue_dma source(%dma_start3A_70 : memref<128xi32, #tpu.memory_space<hbm>>) target(%arg8 : memref<128xi32, #tpu.memory_space<vmem>>) target_semaphore(%run_scoped3A : memref<!tpu.dma_semaphore, #tpu.memory_space<semaphore_mem>>)
        %dma_wait3A_71 = arith.constant 19872 : i32
        %dma_wait3A_72 = tpu.memref_slice %arg4[%dma_wait3A_71] : memref<20000xi32, #tpu.memory_space<hbm>> -> memref<128xi32, #tpu.memory_space<hbm>>
        %dma_wait3A_73 = arith.constant 19872 : i32
        %dma_wait3A_74 = tpu.memref_slice %arg4[%dma_wait3A_73] : memref<20000xi32, #tpu.memory_space<hbm>> -> memref<128xi32, #tpu.memory_space<hbm>>
        tpu.wait_dma2 semaphore(%run_scoped3A : memref<!tpu.dma_semaphore, #tpu.memory_space<semaphore_mem>>) src(%dma_wait3A_74 : memref<128xi32, #tpu.memory_space<hbm>>) dst(%arg8 : memref<128xi32, #tpu.memory_space<vmem>>)
        tpu.yield
      }) : () -> ()
      %dma_start3A = arith.constant 0 : i32
      %dma_start3A_57 = arith.constant 0 : i32
      %dma_start3A_58 = tpu.memref_slice %arg2[%dma_start3A, %dma_start3A_57] : memref<10000x128xf32, #tpu.memory_space<hbm>> -> memref<10000x128xf32, #tpu.memory_space<hbm>>
      tpu.enqueue_indirect_dma source(%dma_start3A_58 : memref<10000x128xf32, #tpu.memory_space<hbm>>) target(%arg9 : memref<128x128xf32, #tpu.memory_space<vmem>>) offsets(%arg7 : memref<128xi32, #tpu.memory_space<vmem>>) semaphore(%arg11 : memref<!tpu.dma_semaphore, #tpu.memory_space<semaphore_mem>>)
      %dma_wait3A = arith.constant 0 : i32
      %dma_wait3A_59 = arith.constant 0 : i32
      %dma_wait3A_60 = tpu.memref_slice %arg2[%dma_wait3A, %dma_wait3A_59] : memref<10000x128xf32, #tpu.memory_space<hbm>> -> memref<10000x128xf32, #tpu.memory_space<hbm>>
      tpu.wait_indirect_dma semaphore(%arg11 : memref<!tpu.dma_semaphore, #tpu.memory_space<semaphore_mem>>) src(%dma_wait3A_60 : memref<10000x128xf32, #tpu.memory_space<hbm>>) dst(%arg9 : memref<128x128xf32, #tpu.memory_space<vmem>>)
      %dma_start3A_61 = arith.constant 0 : i32
      %dma_start3A_62 = arith.constant 0 : i32
      %dma_start3A_63 = tpu.memref_slice %arg2[%dma_start3A_61, %dma_start3A_62] : memref<10000x128xf32, #tpu.memory_space<hbm>> -> memref<10000x128xf32, #tpu.memory_space<hbm>>
      tpu.enqueue_indirect_dma source(%dma_start3A_63 : memref<10000x128xf32, #tpu.memory_space<hbm>>) target(%arg10 : memref<128x128xf32, #tpu.memory_space<vmem>>) offsets(%arg8 : memref<128xi32, #tpu.memory_space<vmem>>) semaphore(%arg12 : memref<!tpu.dma_semaphore, #tpu.memory_space<semaphore_mem>>)
      %dma_wait3A_64 = arith.constant 0 : i32
      %dma_wait3A_65 = arith.constant 0 : i32
      %dma_wait3A_66 = tpu.memref_slice %arg2[%dma_wait3A_64, %dma_wait3A_65] : memref<10000x128xf32, #tpu.memory_space<hbm>> -> memref<10000x128xf32, #tpu.memory_space<hbm>>
      tpu.wait_indirect_dma semaphore(%arg12 : memref<!tpu.dma_semaphore, #tpu.memory_space<semaphore_mem>>) src(%dma_wait3A_66 : memref<10000x128xf32, #tpu.memory_space<hbm>>) dst(%arg10 : memref<128x128xf32, #tpu.memory_space<vmem>>)
      "tpu.region"() ({
        %run_scoped3A = tpu.sem_alloc : memref<!tpu.dma_semaphore, #tpu.memory_space<semaphore_mem>>
        %dma_start3A_67 = arith.constant 96 : i32
        %dma_start3A_68 = arith.constant 0 : i32
        %dma_start3A_69 = tpu.memref_slice %arg9[%dma_start3A_67, %dma_start3A_68] : memref<128x128xf32, #tpu.memory_space<vmem>> -> memref<32x128xf32, #tpu.memory_space<vmem>>
        %dma_start3A_70 = arith.constant 19968 : i32
        %dma_start3A_71 = arith.constant 0 : i32
        %dma_start3A_72 = tpu.memref_slice %arg5[%dma_start3A_70, %dma_start3A_71] : memref<20000x128xf32, #tpu.memory_space<hbm>> -> memref<32x128xf32, #tpu.memory_space<hbm>>
        %dma_start3A_73 = arith.constant 19968 : i32
        %dma_start3A_74 = arith.constant 0 : i32
        %dma_start3A_75 = tpu.memref_slice %arg5[%dma_start3A_73, %dma_start3A_74] : memref<20000x128xf32, #tpu.memory_space<hbm>> -> memref<32x128xf32, #tpu.memory_space<hbm>>
        %dma_start3A_76 = arith.constant 96 : i32
        %dma_start3A_77 = arith.constant 0 : i32
        %dma_start3A_78 = tpu.memref_slice %arg9[%dma_start3A_76, %dma_start3A_77] : memref<128x128xf32, #tpu.memory_space<vmem>> -> memref<32x128xf32, #tpu.memory_space<vmem>>
        tpu.enqueue_dma source(%dma_start3A_78 : memref<32x128xf32, #tpu.memory_space<vmem>>) target(%dma_start3A_75 : memref<32x128xf32, #tpu.memory_space<hbm>>) target_semaphore(%run_scoped3A : memref<!tpu.dma_semaphore, #tpu.memory_space<semaphore_mem>>)
        %dma_wait3A_79 = arith.constant 96 : i32
        %dma_wait3A_80 = arith.constant 0 : i32
        %dma_wait3A_81 = tpu.memref_slice %arg9[%dma_wait3A_79, %dma_wait3A_80] : memref<128x128xf32, #tpu.memory_space<vmem>> -> memref<32x128xf32, #tpu.memory_space<vmem>>
        %dma_wait3A_82 = arith.constant 19968 : i32
        %dma_wait3A_83 = arith.constant 0 : i32
        %dma_wait3A_84 = tpu.memref_slice %arg5[%dma_wait3A_82, %dma_wait3A_83] : memref<20000x128xf32, #tpu.memory_space<hbm>> -> memref<32x128xf32, #tpu.memory_space<hbm>>
        %dma_wait3A_85 = arith.constant 19968 : i32
        %dma_wait3A_86 = arith.constant 0 : i32
        %dma_wait3A_87 = tpu.memref_slice %arg5[%dma_wait3A_85, %dma_wait3A_86] : memref<20000x128xf32, #tpu.memory_space<hbm>> -> memref<32x128xf32, #tpu.memory_space<hbm>>
        %dma_wait3A_88 = arith.constant 96 : i32
        %dma_wait3A_89 = arith.constant 0 : i32
        %dma_wait3A_90 = tpu.memref_slice %arg9[%dma_wait3A_88, %dma_wait3A_89] : memref<128x128xf32, #tpu.memory_space<vmem>> -> memref<32x128xf32, #tpu.memory_space<vmem>>
        tpu.wait_dma2 semaphore(%run_scoped3A : memref<!tpu.dma_semaphore, #tpu.memory_space<semaphore_mem>>) src(%dma_wait3A_90 : memref<32x128xf32, #tpu.memory_space<vmem>>) dst(%dma_wait3A_87 : memref<32x128xf32, #tpu.memory_space<hbm>>)
        tpu.yield
      }) : () -> ()
      "tpu.region"() ({
        %run_scoped3A = tpu.sem_alloc : memref<!tpu.dma_semaphore, #tpu.memory_space<semaphore_mem>>
        %dma_start3A_67 = arith.constant 96 : i32
        %dma_start3A_68 = arith.constant 0 : i32
        %dma_start3A_69 = tpu.memref_slice %arg10[%dma_start3A_67, %dma_start3A_68] : memref<128x128xf32, #tpu.memory_space<vmem>> -> memref<32x128xf32, #tpu.memory_space<vmem>>
        %dma_start3A_70 = arith.constant 19968 : i32
        %dma_start3A_71 = arith.constant 0 : i32
        %dma_start3A_72 = tpu.memref_slice %arg6[%dma_start3A_70, %dma_start3A_71] : memref<20000x128xf32, #tpu.memory_space<hbm>> -> memref<32x128xf32, #tpu.memory_space<hbm>>
        %dma_start3A_73 = arith.constant 19968 : i32
        %dma_start3A_74 = arith.constant 0 : i32
        %dma_start3A_75 = tpu.memref_slice %arg6[%dma_start3A_73, %dma_start3A_74] : memref<20000x128xf32, #tpu.memory_space<hbm>> -> memref<32x128xf32, #tpu.memory_space<hbm>>
        %dma_start3A_76 = arith.constant 96 : i32
        %dma_start3A_77 = arith.constant 0 : i32
        %dma_start3A_78 = tpu.memref_slice %arg10[%dma_start3A_76, %dma_start3A_77] : memref<128x128xf32, #tpu.memory_space<vmem>> -> memref<32x128xf32, #tpu.memory_space<vmem>>
        tpu.enqueue_dma source(%dma_start3A_78 : memref<32x128xf32, #tpu.memory_space<vmem>>) target(%dma_start3A_75 : memref<32x128xf32, #tpu.memory_space<hbm>>) target_semaphore(%run_scoped3A : memref<!tpu.dma_semaphore, #tpu.memory_space<semaphore_mem>>)
        %dma_wait3A_79 = arith.constant 96 : i32
        %dma_wait3A_80 = arith.constant 0 : i32
        %dma_wait3A_81 = tpu.memref_slice %arg10[%dma_wait3A_79, %dma_wait3A_80] : memref<128x128xf32, #tpu.memory_space<vmem>> -> memref<32x128xf32, #tpu.memory_space<vmem>>
        %dma_wait3A_82 = arith.constant 19968 : i32
        %dma_wait3A_83 = arith.constant 0 : i32
        %dma_wait3A_84 = tpu.memref_slice %arg6[%dma_wait3A_82, %dma_wait3A_83] : memref<20000x128xf32, #tpu.memory_space<hbm>> -> memref<32x128xf32, #tpu.memory_space<hbm>>
        %dma_wait3A_85 = arith.constant 19968 : i32
        %dma_wait3A_86 = arith.constant 0 : i32
        %dma_wait3A_87 = tpu.memref_slice %arg6[%dma_wait3A_85, %dma_wait3A_86] : memref<20000x128xf32, #tpu.memory_space<hbm>> -> memref<32x128xf32, #tpu.memory_space<hbm>>
        %dma_wait3A_88 = arith.constant 96 : i32
        %dma_wait3A_89 = arith.constant 0 : i32
        %dma_wait3A_90 = tpu.memref_slice %arg10[%dma_wait3A_88, %dma_wait3A_89] : memref<128x128xf32, #tpu.memory_space<vmem>> -> memref<32x128xf32, #tpu.memory_space<vmem>>
        tpu.wait_dma2 semaphore(%run_scoped3A : memref<!tpu.dma_semaphore, #tpu.memory_space<semaphore_mem>>) src(%dma_wait3A_90 : memref<32x128xf32, #tpu.memory_space<vmem>>) dst(%dma_wait3A_87 : memref<32x128xf32, #tpu.memory_space<hbm>>)
        tpu.yield
      }) : () -> ()
    } else {
    }
    %add3A_45 = arith.constant 128 : i32
    %add3A_46 = arith.addi %add3A, %add3A_45 : i32
    %lt3A_47 = arith.constant 156 : i32
    %lt3A_48 = arith.cmpi slt, %add3A_46, %lt3A_47 : i32
    %convert_element_type3A_49 = arith.extui %lt3A_48 : i1 to i32
    %cond3A_50 = arith.constant 0 : i32
    %cond3A_51 = arith.cmpi ne, %convert_element_type3A_49, %cond3A_50 : i32
    scf.if %cond3A_51 {
      %mul3A_57 = arith.constant 128 : i32
      %mul3A_58 = arith.muli %add3A_46, %mul3A_57 : i32
      "tpu.region"() ({
        %run_scoped3A = tpu.sem_alloc : memref<!tpu.dma_semaphore, #tpu.memory_space<semaphore_mem>>
        %dma_start3A_75 = tpu.memref_slice %arg3[%mul3A_58] : memref<20000xi32, #tpu.memory_space<hbm>> -> memref<128xi32, #tpu.memory_space<hbm>>
        %dma_start3A_76 = tpu.memref_slice %arg3[%mul3A_58] : memref<20000xi32, #tpu.memory_space<hbm>> -> memref<128xi32, #tpu.memory_space<hbm>>
        tpu.enqueue_dma source(%dma_start3A_76 : memref<128xi32, #tpu.memory_space<hbm>>) target(%arg7 : memref<128xi32, #tpu.memory_space<vmem>>) target_semaphore(%run_scoped3A : memref<!tpu.dma_semaphore, #tpu.memory_space<semaphore_mem>>)
        %dma_wait3A_77 = tpu.memref_slice %arg3[%mul3A_58] : memref<20000xi32, #tpu.memory_space<hbm>> -> memref<128xi32, #tpu.memory_space<hbm>>
        %dma_wait3A_78 = tpu.memref_slice %arg3[%mul3A_58] : memref<20000xi32, #tpu.memory_space<hbm>> -> memref<128xi32, #tpu.memory_space<hbm>>
        tpu.wait_dma2 semaphore(%run_scoped3A : memref<!tpu.dma_semaphore, #tpu.memory_space<semaphore_mem>>) src(%dma_wait3A_78 : memref<128xi32, #tpu.memory_space<hbm>>) dst(%arg7 : memref<128xi32, #tpu.memory_space<vmem>>)
        tpu.yield
      }) : () -> ()
      %mul3A_59 = arith.constant 128 : i32
      %mul3A_60 = arith.muli %add3A_46, %mul3A_59 : i32
      "tpu.region"() ({
        %run_scoped3A = tpu.sem_alloc : memref<!tpu.dma_semaphore, #tpu.memory_space<semaphore_mem>>
        %dma_start3A_75 = tpu.memref_slice %arg4[%mul3A_60] : memref<20000xi32, #tpu.memory_space<hbm>> -> memref<128xi32, #tpu.memory_space<hbm>>
        %dma_start3A_76 = tpu.memref_slice %arg4[%mul3A_60] : memref<20000xi32, #tpu.memory_space<hbm>> -> memref<128xi32, #tpu.memory_space<hbm>>
        tpu.enqueue_dma source(%dma_start3A_76 : memref<128xi32, #tpu.memory_space<hbm>>) target(%arg8 : memref<128xi32, #tpu.memory_space<vmem>>) target_semaphore(%run_scoped3A : memref<!tpu.dma_semaphore, #tpu.memory_space<semaphore_mem>>)
        %dma_wait3A_77 = tpu.memref_slice %arg4[%mul3A_60] : memref<20000xi32, #tpu.memory_space<hbm>> -> memref<128xi32, #tpu.memory_space<hbm>>
        %dma_wait3A_78 = tpu.memref_slice %arg4[%mul3A_60] : memref<20000xi32, #tpu.memory_space<hbm>> -> memref<128xi32, #tpu.memory_space<hbm>>
        tpu.wait_dma2 semaphore(%run_scoped3A : memref<!tpu.dma_semaphore, #tpu.memory_space<semaphore_mem>>) src(%dma_wait3A_78 : memref<128xi32, #tpu.memory_space<hbm>>) dst(%arg8 : memref<128xi32, #tpu.memory_space<vmem>>)
        tpu.yield
      }) : () -> ()
      %dma_start3A = arith.constant 0 : i32
      %dma_start3A_61 = arith.constant 0 : i32
      %dma_start3A_62 = tpu.memref_slice %arg2[%dma_start3A, %dma_start3A_61] : memref<10000x128xf32, #tpu.memory_space<hbm>> -> memref<10000x128xf32, #tpu.memory_space<hbm>>
      tpu.enqueue_indirect_dma source(%dma_start3A_62 : memref<10000x128xf32, #tpu.memory_space<hbm>>) target(%arg9 : memref<128x128xf32, #tpu.memory_space<vmem>>) offsets(%arg7 : memref<128xi32, #tpu.memory_space<vmem>>) semaphore(%arg11 : memref<!tpu.dma_semaphore, #tpu.memory_space<semaphore_mem>>)
      %dma_wait3A = arith.constant 0 : i32
      %dma_wait3A_63 = arith.constant 0 : i32
      %dma_wait3A_64 = tpu.memref_slice %arg2[%dma_wait3A, %dma_wait3A_63] : memref<10000x128xf32, #tpu.memory_space<hbm>> -> memref<10000x128xf32, #tpu.memory_space<hbm>>
      tpu.wait_indirect_dma semaphore(%arg11 : memref<!tpu.dma_semaphore, #tpu.memory_space<semaphore_mem>>) src(%dma_wait3A_64 : memref<10000x128xf32, #tpu.memory_space<hbm>>) dst(%arg9 : memref<128x128xf32, #tpu.memory_space<vmem>>)
      %dma_start3A_65 = arith.constant 0 : i32
      %dma_start3A_66 = arith.constant 0 : i32
      %dma_start3A_67 = tpu.memref_slice %arg2[%dma_start3A_65, %dma_start3A_66] : memref<10000x128xf32, #tpu.memory_space<hbm>> -> memref<10000x128xf32, #tpu.memory_space<hbm>>
      tpu.enqueue_indirect_dma source(%dma_start3A_67 : memref<10000x128xf32, #tpu.memory_space<hbm>>) target(%arg10 : memref<128x128xf32, #tpu.memory_space<vmem>>) offsets(%arg8 : memref<128xi32, #tpu.memory_space<vmem>>) semaphore(%arg12 : memref<!tpu.dma_semaphore, #tpu.memory_space<semaphore_mem>>)
      %dma_wait3A_68 = arith.constant 0 : i32
      %dma_wait3A_69 = arith.constant 0 : i32
      %dma_wait3A_70 = tpu.memref_slice %arg2[%dma_wait3A_68, %dma_wait3A_69] : memref<10000x128xf32, #tpu.memory_space<hbm>> -> memref<10000x128xf32, #tpu.memory_space<hbm>>
      tpu.wait_indirect_dma semaphore(%arg12 : memref<!tpu.dma_semaphore, #tpu.memory_space<semaphore_mem>>) src(%dma_wait3A_70 : memref<10000x128xf32, #tpu.memory_space<hbm>>) dst(%arg10 : memref<128x128xf32, #tpu.memory_space<vmem>>)
      %mul3A_71 = arith.constant 128 : i32
      %mul3A_72 = arith.muli %add3A_46, %mul3A_71 : i32
      "tpu.region"() ({
        %run_scoped3A = tpu.sem_alloc : memref<!tpu.dma_semaphore, #tpu.memory_space<semaphore_mem>>
        %dma_start3A_75 = arith.constant 0 : i32
        %dma_start3A_76 = tpu.memref_slice %arg5[%mul3A_72, %dma_start3A_75] : memref<20000x128xf32, #tpu.memory_space<hbm>> -> memref<128x128xf32, #tpu.memory_space<hbm>>
        %dma_start3A_77 = arith.constant 0 : i32
        %dma_start3A_78 = tpu.memref_slice %arg5[%mul3A_72, %dma_start3A_77] : memref<20000x128xf32, #tpu.memory_space<hbm>> -> memref<128x128xf32, #tpu.memory_space<hbm>>
        tpu.enqueue_dma source(%arg9 : memref<128x128xf32, #tpu.memory_space<vmem>>) target(%dma_start3A_78 : memref<128x128xf32, #tpu.memory_space<hbm>>) target_semaphore(%run_scoped3A : memref<!tpu.dma_semaphore, #tpu.memory_space<semaphore_mem>>)
        %dma_wait3A_79 = arith.constant 0 : i32
        %dma_wait3A_80 = tpu.memref_slice %arg5[%mul3A_72, %dma_wait3A_79] : memref<20000x128xf32, #tpu.memory_space<hbm>> -> memref<128x128xf32, #tpu.memory_space<hbm>>
        %dma_wait3A_81 = arith.constant 0 : i32
        %dma_wait3A_82 = tpu.memref_slice %arg5[%mul3A_72, %dma_wait3A_81] : memref<20000x128xf32, #tpu.memory_space<hbm>> -> memref<128x128xf32, #tpu.memory_space<hbm>>
        tpu.wait_dma2 semaphore(%run_scoped3A : memref<!tpu.dma_semaphore, #tpu.memory_space<semaphore_mem>>) src(%arg9 : memref<128x128xf32, #tpu.memory_space<vmem>>) dst(%dma_wait3A_82 : memref<128x128xf32, #tpu.memory_space<hbm>>)
        tpu.yield
      }) : () -> ()
      %mul3A_73 = arith.constant 128 : i32
      %mul3A_74 = arith.muli %add3A_46, %mul3A_73 : i32
      "tpu.region"() ({
        %run_scoped3A = tpu.sem_alloc : memref<!tpu.dma_semaphore, #tpu.memory_space<semaphore_mem>>
        %dma_start3A_75 = arith.constant 0 : i32
        %dma_start3A_76 = tpu.memref_slice %arg6[%mul3A_74, %dma_start3A_75] : memref<20000x128xf32, #tpu.memory_space<hbm>> -> memref<128x128xf32, #tpu.memory_space<hbm>>
        %dma_start3A_77 = arith.constant 0 : i32
        %dma_start3A_78 = tpu.memref_slice %arg6[%mul3A_74, %dma_start3A_77] : memref<20000x128xf32, #tpu.memory_space<hbm>> -> memref<128x128xf32, #tpu.memory_space<hbm>>
        tpu.enqueue_dma source(%arg10 : memref<128x128xf32, #tpu.memory_space<vmem>>) target(%dma_start3A_78 : memref<128x128xf32, #tpu.memory_space<hbm>>) target_semaphore(%run_scoped3A : memref<!tpu.dma_semaphore, #tpu.memory_space<semaphore_mem>>)
        %dma_wait3A_79 = arith.constant 0 : i32
        %dma_wait3A_80 = tpu.memref_slice %arg6[%mul3A_74, %dma_wait3A_79] : memref<20000x128xf32, #tpu.memory_space<hbm>> -> memref<128x128xf32, #tpu.memory_space<hbm>>
        %dma_wait3A_81 = arith.constant 0 : i32
        %dma_wait3A_82 = tpu.memref_slice %arg6[%mul3A_74, %dma_wait3A_81] : memref<20000x128xf32, #tpu.memory_space<hbm>> -> memref<128x128xf32, #tpu.memory_space<hbm>>
        tpu.wait_dma2 semaphore(%run_scoped3A : memref<!tpu.dma_semaphore, #tpu.memory_space<semaphore_mem>>) src(%arg10 : memref<128x128xf32, #tpu.memory_space<vmem>>) dst(%dma_wait3A_82 : memref<128x128xf32, #tpu.memory_space<hbm>>)
        tpu.yield
      }) : () -> ()
    } else {
    }
    %eq3A_52 = arith.constant 156 : i32
    %eq3A_53 = arith.cmpi eq, %add3A_46, %eq3A_52 : i32
    %convert_element_type3A_54 = arith.extui %eq3A_53 : i1 to i32
    %cond3A_55 = arith.constant 0 : i32
    %cond3A_56 = arith.cmpi ne, %convert_element_type3A_54, %cond3A_55 : i32
    scf.if %cond3A_56 {
      "tpu.region"() ({
        %run_scoped3A = tpu.sem_alloc : memref<!tpu.dma_semaphore, #tpu.memory_space<semaphore_mem>>
        %dma_start3A_67 = arith.constant 19872 : i32
        %dma_start3A_68 = tpu.memref_slice %arg3[%dma_start3A_67] : memref<20000xi32, #tpu.memory_space<hbm>> -> memref<128xi32, #tpu.memory_space<hbm>>
        %dma_start3A_69 = arith.constant 19872 : i32
        %dma_start3A_70 = tpu.memref_slice %arg3[%dma_start3A_69] : memref<20000xi32, #tpu.memory_space<hbm>> -> memref<128xi32, #tpu.memory_space<hbm>>
        tpu.enqueue_dma source(%dma_start3A_70 : memref<128xi32, #tpu.memory_space<hbm>>) target(%arg7 : memref<128xi32, #tpu.memory_space<vmem>>) target_semaphore(%run_scoped3A : memref<!tpu.dma_semaphore, #tpu.memory_space<semaphore_mem>>)
        %dma_wait3A_71 = arith.constant 19872 : i32
        %dma_wait3A_72 = tpu.memref_slice %arg3[%dma_wait3A_71] : memref<20000xi32, #tpu.memory_space<hbm>> -> memref<128xi32, #tpu.memory_space<hbm>>
        %dma_wait3A_73 = arith.constant 19872 : i32
        %dma_wait3A_74 = tpu.memref_slice %arg3[%dma_wait3A_73] : memref<20000xi32, #tpu.memory_space<hbm>> -> memref<128xi32, #tpu.memory_space<hbm>>
        tpu.wait_dma2 semaphore(%run_scoped3A : memref<!tpu.dma_semaphore, #tpu.memory_space<semaphore_mem>>) src(%dma_wait3A_74 : memref<128xi32, #tpu.memory_space<hbm>>) dst(%arg7 : memref<128xi32, #tpu.memory_space<vmem>>)
        tpu.yield
      }) : () -> ()
      "tpu.region"() ({
        %run_scoped3A = tpu.sem_alloc : memref<!tpu.dma_semaphore, #tpu.memory_space<semaphore_mem>>
        %dma_start3A_67 = arith.constant 19872 : i32
        %dma_start3A_68 = tpu.memref_slice %arg4[%dma_start3A_67] : memref<20000xi32, #tpu.memory_space<hbm>> -> memref<128xi32, #tpu.memory_space<hbm>>
        %dma_start3A_69 = arith.constant 19872 : i32
        %dma_start3A_70 = tpu.memref_slice %arg4[%dma_start3A_69] : memref<20000xi32, #tpu.memory_space<hbm>> -> memref<128xi32, #tpu.memory_space<hbm>>
        tpu.enqueue_dma source(%dma_start3A_70 : memref<128xi32, #tpu.memory_space<hbm>>) target(%arg8 : memref<128xi32, #tpu.memory_space<vmem>>) target_semaphore(%run_scoped3A : memref<!tpu.dma_semaphore, #tpu.memory_space<semaphore_mem>>)
        %dma_wait3A_71 = arith.constant 19872 : i32
        %dma_wait3A_72 = tpu.memref_slice %arg4[%dma_wait3A_71] : memref<20000xi32, #tpu.memory_space<hbm>> -> memref<128xi32, #tpu.memory_space<hbm>>
        %dma_wait3A_73 = arith.constant 19872 : i32
        %dma_wait3A_74 = tpu.memref_slice %arg4[%dma_wait3A_73] : memref<20000xi32, #tpu.memory_space<hbm>> -> memref<128xi32, #tpu.memory_space<hbm>>
        tpu.wait_dma2 semaphore(%run_scoped3A : memref<!tpu.dma_semaphore, #tpu.memory_space<semaphore_mem>>) src(%dma_wait3A_74 : memref<128xi32, #tpu.memory_space<hbm>>) dst(%arg8 : memref<128xi32, #tpu.memory_space<vmem>>)
        tpu.yield
      }) : () -> ()
      %dma_start3A = arith.constant 0 : i32
      %dma_start3A_57 = arith.constant 0 : i32
      %dma_start3A_58 = tpu.memref_slice %arg2[%dma_start3A, %dma_start3A_57] : memref<10000x128xf32, #tpu.memory_space<hbm>> -> memref<10000x128xf32, #tpu.memory_space<hbm>>
      tpu.enqueue_indirect_dma source(%dma_start3A_58 : memref<10000x128xf32, #tpu.memory_space<hbm>>) target(%arg9 : memref<128x128xf32, #tpu.memory_space<vmem>>) offsets(%arg7 : memref<128xi32, #tpu.memory_space<vmem>>) semaphore(%arg11 : memref<!tpu.dma_semaphore, #tpu.memory_space<semaphore_mem>>)
      %dma_wait3A = arith.constant 0 : i32
      %dma_wait3A_59 = arith.constant 0 : i32
      %dma_wait3A_60 = tpu.memref_slice %arg2[%dma_wait3A, %dma_wait3A_59] : memref<10000x128xf32, #tpu.memory_space<hbm>> -> memref<10000x128xf32, #tpu.memory_space<hbm>>
      tpu.wait_indirect_dma semaphore(%arg11 : memref<!tpu.dma_semaphore, #tpu.memory_space<semaphore_mem>>) src(%dma_wait3A_60 : memref<10000x128xf32, #tpu.memory_space<hbm>>) dst(%arg9 : memref<128x128xf32, #tpu.memory_space<vmem>>)
      %dma_start3A_61 = arith.constant 0 : i32
      %dma_start3A_62 = arith.constant 0 : i32
      %dma_start3A_63 = tpu.memref_slice %arg2[%dma_start3A_61, %dma_start3A_62] : memref<10000x128xf32, #tpu.memory_space<hbm>> -> memref<10000x128xf32, #tpu.memory_space<hbm>>
      tpu.enqueue_indirect_dma source(%dma_start3A_63 : memref<10000x128xf32, #tpu.memory_space<hbm>>) target(%arg10 : memref<128x128xf32, #tpu.memory_space<vmem>>) offsets(%arg8 : memref<128xi32, #tpu.memory_space<vmem>>) semaphore(%arg12 : memref<!tpu.dma_semaphore, #tpu.memory_space<semaphore_mem>>)
      %dma_wait3A_64 = arith.constant 0 : i32
      %dma_wait3A_65 = arith.constant 0 : i32
      %dma_wait3A_66 = tpu.memref_slice %arg2[%dma_wait3A_64, %dma_wait3A_65] : memref<10000x128xf32, #tpu.memory_space<hbm>> -> memref<10000x128xf32, #tpu.memory_space<hbm>>
      tpu.wait_indirect_dma semaphore(%arg12 : memref<!tpu.dma_semaphore, #tpu.memory_space<semaphore_mem>>) src(%dma_wait3A_66 : memref<10000x128xf32, #tpu.memory_space<hbm>>) dst(%arg10 : memref<128x128xf32, #tpu.memory_space<vmem>>)
      "tpu.region"() ({
        %run_scoped3A = tpu.sem_alloc : memref<!tpu.dma_semaphore, #tpu.memory_space<semaphore_mem>>
        %dma_start3A_67 = arith.constant 96 : i32
        %dma_start3A_68 = arith.constant 0 : i32
        %dma_start3A_69 = tpu.memref_slice %arg9[%dma_start3A_67, %dma_start3A_68] : memref<128x128xf32, #tpu.memory_space<vmem>> -> memref<32x128xf32, #tpu.memory_space<vmem>>
        %dma_start3A_70 = arith.constant 19968 : i32
        %dma_start3A_71 = arith.constant 0 : i32
        %dma_start3A_72 = tpu.memref_slice %arg5[%dma_start3A_70, %dma_start3A_71] : memref<20000x128xf32, #tpu.memory_space<hbm>> -> memref<32x128xf32, #tpu.memory_space<hbm>>
        %dma_start3A_73 = arith.constant 19968 : i32
        %dma_start3A_74 = arith.constant 0 : i32
        %dma_start3A_75 = tpu.memref_slice %arg5[%dma_start3A_73, %dma_start3A_74] : memref<20000x128xf32, #tpu.memory_space<hbm>> -> memref<32x128xf32, #tpu.memory_space<hbm>>
        %dma_start3A_76 = arith.constant 96 : i32
        %dma_start3A_77 = arith.constant 0 : i32
        %dma_start3A_78 = tpu.memref_slice %arg9[%dma_start3A_76, %dma_start3A_77] : memref<128x128xf32, #tpu.memory_space<vmem>> -> memref<32x128xf32, #tpu.memory_space<vmem>>
        tpu.enqueue_dma source(%dma_start3A_78 : memref<32x128xf32, #tpu.memory_space<vmem>>) target(%dma_start3A_75 : memref<32x128xf32, #tpu.memory_space<hbm>>) target_semaphore(%run_scoped3A : memref<!tpu.dma_semaphore, #tpu.memory_space<semaphore_mem>>)
        %dma_wait3A_79 = arith.constant 96 : i32
        %dma_wait3A_80 = arith.constant 0 : i32
        %dma_wait3A_81 = tpu.memref_slice %arg9[%dma_wait3A_79, %dma_wait3A_80] : memref<128x128xf32, #tpu.memory_space<vmem>> -> memref<32x128xf32, #tpu.memory_space<vmem>>
        %dma_wait3A_82 = arith.constant 19968 : i32
        %dma_wait3A_83 = arith.constant 0 : i32
        %dma_wait3A_84 = tpu.memref_slice %arg5[%dma_wait3A_82, %dma_wait3A_83] : memref<20000x128xf32, #tpu.memory_space<hbm>> -> memref<32x128xf32, #tpu.memory_space<hbm>>
        %dma_wait3A_85 = arith.constant 19968 : i32
        %dma_wait3A_86 = arith.constant 0 : i32
        %dma_wait3A_87 = tpu.memref_slice %arg5[%dma_wait3A_85, %dma_wait3A_86] : memref<20000x128xf32, #tpu.memory_space<hbm>> -> memref<32x128xf32, #tpu.memory_space<hbm>>
        %dma_wait3A_88 = arith.constant 96 : i32
        %dma_wait3A_89 = arith.constant 0 : i32
        %dma_wait3A_90 = tpu.memref_slice %arg9[%dma_wait3A_88, %dma_wait3A_89] : memref<128x128xf32, #tpu.memory_space<vmem>> -> memref<32x128xf32, #tpu.memory_space<vmem>>
        tpu.wait_dma2 semaphore(%run_scoped3A : memref<!tpu.dma_semaphore, #tpu.memory_space<semaphore_mem>>) src(%dma_wait3A_90 : memref<32x128xf32, #tpu.memory_space<vmem>>) dst(%dma_wait3A_87 : memref<32x128xf32, #tpu.memory_space<hbm>>)
        tpu.yield
      }) : () -> ()
      "tpu.region"() ({
        %run_scoped3A = tpu.sem_alloc : memref<!tpu.dma_semaphore, #tpu.memory_space<semaphore_mem>>
        %dma_start3A_67 = arith.constant 96 : i32
        %dma_start3A_68 = arith.constant 0 : i32
        %dma_start3A_69 = tpu.memref_slice %arg10[%dma_start3A_67, %dma_start3A_68] : memref<128x128xf32, #tpu.memory_space<vmem>> -> memref<32x128xf32, #tpu.memory_space<vmem>>
        %dma_start3A_70 = arith.constant 19968 : i32
        %dma_start3A_71 = arith.constant 0 : i32
        %dma_start3A_72 = tpu.memref_slice %arg6[%dma_start3A_70, %dma_start3A_71] : memref<20000x128xf32, #tpu.memory_space<hbm>> -> memref<32x128xf32, #tpu.memory_space<hbm>>
        %dma_start3A_73 = arith.constant 19968 : i32
        %dma_start3A_74 = arith.constant 0 : i32
        %dma_start3A_75 = tpu.memref_slice %arg6[%dma_start3A_73, %dma_start3A_74] : memref<20000x128xf32, #tpu.memory_space<hbm>> -> memref<32x128xf32, #tpu.memory_space<hbm>>
        %dma_start3A_76 = arith.constant 96 : i32
        %dma_start3A_77 = arith.constant 0 : i32
        %dma_start3A_78 = tpu.memref_slice %arg10[%dma_start3A_76, %dma_start3A_77] : memref<128x128xf32, #tpu.memory_space<vmem>> -> memref<32x128xf32, #tpu.memory_space<vmem>>
        tpu.enqueue_dma source(%dma_start3A_78 : memref<32x128xf32, #tpu.memory_space<vmem>>) target(%dma_start3A_75 : memref<32x128xf32, #tpu.memory_space<hbm>>) target_semaphore(%run_scoped3A : memref<!tpu.dma_semaphore, #tpu.memory_space<semaphore_mem>>)
        %dma_wait3A_79 = arith.constant 96 : i32
        %dma_wait3A_80 = arith.constant 0 : i32
        %dma_wait3A_81 = tpu.memref_slice %arg10[%dma_wait3A_79, %dma_wait3A_80] : memref<128x128xf32, #tpu.memory_space<vmem>> -> memref<32x128xf32, #tpu.memory_space<vmem>>
        %dma_wait3A_82 = arith.constant 19968 : i32
        %dma_wait3A_83 = arith.constant 0 : i32
        %dma_wait3A_84 = tpu.memref_slice %arg6[%dma_wait3A_82, %dma_wait3A_83] : memref<20000x128xf32, #tpu.memory_space<hbm>> -> memref<32x128xf32, #tpu.memory_space<hbm>>
        %dma_wait3A_85 = arith.constant 19968 : i32
        %dma_wait3A_86 = arith.constant 0 : i32
        %dma_wait3A_87 = tpu.memref_slice %arg6[%dma_wait3A_85, %dma_wait3A_86] : memref<20000x128xf32, #tpu.memory_space<hbm>> -> memref<32x128xf32, #tpu.memory_space<hbm>>
        %dma_wait3A_88 = arith.constant 96 : i32
        %dma_wait3A_89 = arith.constant 0 : i32
        %dma_wait3A_90 = tpu.memref_slice %arg10[%dma_wait3A_88, %dma_wait3A_89] : memref<128x128xf32, #tpu.memory_space<vmem>> -> memref<32x128xf32, #tpu.memory_space<vmem>>
        tpu.wait_dma2 semaphore(%run_scoped3A : memref<!tpu.dma_semaphore, #tpu.memory_space<semaphore_mem>>) src(%dma_wait3A_90 : memref<32x128xf32, #tpu.memory_space<vmem>>) dst(%dma_wait3A_87 : memref<32x128xf32, #tpu.memory_space<hbm>>)
        tpu.yield
      }) : () -> ()
    } else {
    }
    return
  }
}

module attributes {stable_mosaic.version = 14 : i64} {
  func.func @_t1s_body(%arg0: i32, %arg1: memref<512x128xf32, #tpu.memory_space<vmem>>, %arg2: memref<512x1xf32, #tpu.memory_space<vmem>>, %arg3: memref<512x128xf32, #tpu.memory_space<vmem>>) attributes {dimension_semantics = [#tpu.dimension_semantics<arbitrary>], iteration_bounds = array<i64: 20>, scalar_prefetch = 0 : i64, scratch_operands = 0 : i64, tpu.core_type = #tpu.core_type<tc>, window_params = [{transform_indices = @transform_0, window_bounds = array<i64: 512, 128>}, {transform_indices = @transform_1, window_bounds = array<i64: 512, 1>}, {transform_indices = @transform_2, window_bounds = array<i64: 512, 128>}]} {
    %get3A = arith.constant 0 : index
    %get3A_0 = arith.constant 0 : index
    %get3A_1 = vector.load %arg1[%get3A, %get3A_0] : memref<512x128xf32, #tpu.memory_space<vmem>>, vector<512x128xf32>
    %get3A_2 = arith.constant 0 : index
    %get3A_3 = arith.constant 0 : index
    %get3A_4 = vector.load %arg2[%get3A_2, %get3A_3] : memref<512x1xf32, #tpu.memory_space<vmem>>, vector<512x1xf32>
    %mul3A = vector.broadcast %get3A_4 : vector<512x1xf32> to vector<512x128xf32>
    %mul3A_5 = arith.mulf %get3A_1, %mul3A : vector<512x128xf32>
    %swap3A = arith.constant 0 : index
    %swap3A_6 = arith.constant 0 : index
    %swap3A_7 = vector.load %arg3[%swap3A, %swap3A_6] : memref<512x128xf32, #tpu.memory_space<vmem>>, vector<512x128xf32>
    tpu.vector_store %arg3[%swap3A, %swap3A_6], %mul3A_5 {strides = array<i32>} : memref<512x128xf32, #tpu.memory_space<vmem>>, vector<512x128xf32>,
    return
  }
  func.func @transform_0(%arg0: i32) -> (i32, i32) {
    %c0_i32 = arith.constant 0 : i32
    %c0_i32_0 = arith.constant 0 : i32
    return %arg0, %c0_i32 : i32, i32
  }
  func.func @transform_1(%arg0: i32) -> (i32, i32) {
    %c0_i32 = arith.constant 0 : i32
    %c0_i32_0 = arith.constant 0 : i32
    return %arg0, %c0_i32 : i32, i32
  }
  func.func @transform_2(%arg0: i32) -> (i32, i32) {
    %c0_i32 = arith.constant 0 : i32
    %c0_i32_0 = arith.constant 0 : i32
    return %arg0, %c0_i32 : i32, i32
  }
}

module attributes {stable_mosaic.version = 14 : i64} {
  func.func @_t1_body(%arg0: i32, %arg1: memref<512x128xf32, #tpu.memory_space<vmem>>, %arg2: memref<128x128xf32, #tpu.memory_space<vmem>>, %arg3: memref<1x128xf32, #tpu.memory_space<vmem>>, %arg4: memref<128x128xf32, #tpu.memory_space<vmem>>, %arg5: memref<512x128xf32, #tpu.memory_space<vmem>>) attributes {dimension_semantics = [#tpu.dimension_semantics<arbitrary>], iteration_bounds = array<i64: 20>, scalar_prefetch = 0 : i64, scratch_operands = 0 : i64, tpu.core_type = #tpu.core_type<tc>, window_params = [{transform_indices = @transform_0, window_bounds = array<i64: 512, 128>}, {pipeline_mode = #tpu.pipeline_mode<synchronous>, transform_indices = @transform_1, window_bounds = array<i64: 128, 128>}, {pipeline_mode = #tpu.pipeline_mode<synchronous>, transform_indices = @transform_2, window_bounds = array<i64: 1, 128>}, {pipeline_mode = #tpu.pipeline_mode<synchronous>, transform_indices = @transform_3, window_bounds = array<i64: 128, 128>}, {transform_indices = @transform_4, window_bounds = array<i64: 512, 128>}]} {
    %get3A = arith.constant 0 : index
    %get3A_0 = arith.constant 0 : index
    %get3A_1 = vector.load %arg1[%get3A, %get3A_0] : memref<512x128xf32, #tpu.memory_space<vmem>>, vector<512x128xf32>
    %get3A_2 = arith.constant 0 : index
    %get3A_3 = arith.constant 0 : index
    %get3A_4 = vector.load %arg2[%get3A_2, %get3A_3] : memref<128x128xf32, #tpu.memory_space<vmem>>, vector<128x128xf32>
    %dot_general3A = arith.constant dense<0.000000e+00> : vector<512x128xf32>
    %dot_general3A_5 = tpu.matmul %get3A_1, %get3A_4, %dot_general3A {dimension_numbers = #tpu.dot_dimension_numbers<[1], [0], [0], [1], [0, 0, 1, 1], [], []>, transpose_lhs_hint = false} : vector<512x128xf32>, vector<128x128xf32>, vector<512x128xf32> -> vector<512x128xf32>
    %get3A_6 = arith.constant 0 : index
    %get3A_7 = arith.constant 0 : index
    %get3A_8 = vector.load %arg3[%get3A_6, %get3A_7] : memref<1x128xf32, #tpu.memory_space<vmem>>, vector<1x128xf32>
    %add3A = vector.broadcast %get3A_8 : vector<1x128xf32> to vector<512x128xf32>
    %add3A_9 = arith.addf %dot_general3A_5, %add3A : vector<512x128xf32>
    %max3A = arith.constant 0.000000e+00 : f32
    %max3A_10 = vector.broadcast %max3A : f32 to vector<512x128xf32>
    %max3A_11 = arith.maximumf %add3A_9, %max3A_10 : vector<512x128xf32>
    %get3A_12 = arith.constant 0 : index
    %get3A_13 = arith.constant 0 : index
    %get3A_14 = vector.load %arg4[%get3A_12, %get3A_13] : memref<128x128xf32, #tpu.memory_space<vmem>>, vector<128x128xf32>
    %dot_general3A_15 = arith.constant dense<0.000000e+00> : vector<512x128xf32>
    %dot_general3A_16 = tpu.matmul %max3A_11, %get3A_14, %dot_general3A_15 {dimension_numbers = #tpu.dot_dimension_numbers<[1], [0], [0], [1], [0, 0, 1, 1], [], []>, transpose_lhs_hint = false} : vector<512x128xf32>, vector<128x128xf32>, vector<512x128xf32> -> vector<512x128xf32>
    %swap3A = arith.constant 0 : index
    %swap3A_17 = arith.constant 0 : index
    %swap3A_18 = vector.load %arg5[%swap3A, %swap3A_17] : memref<512x128xf32, #tpu.memory_space<vmem>>, vector<512x128xf32>
    tpu.vector_store %arg5[%swap3A, %swap3A_17], %dot_general3A_16 {strides = array<i32>} : memref<512x128xf32, #tpu.memory_space<vmem>>, vector<512x128xf32>,
    return
  }
  func.func @transform_0(%arg0: i32) -> (i32, i32) {
    %c0_i32 = arith.constant 0 : i32
    %c0_i32_0 = arith.constant 0 : i32
    return %arg0, %c0_i32 : i32, i32
  }
  func.func @transform_1(%arg0: i32) -> (i32, i32) {
    %c0_i32 = arith.constant 0 : i32
    %c0_i32_0 = arith.constant 0 : i32
    %c0_i32_1 = arith.constant 0 : i32
    return %c0_i32, %c0_i32_0 : i32, i32
  }
  func.func @transform_2(%arg0: i32) -> (i32, i32) {
    %c0_i32 = arith.constant 0 : i32
    %c0_i32_0 = arith.constant 0 : i32
    %c0_i32_1 = arith.constant 0 : i32
    return %c0_i32, %c0_i32_0 : i32, i32
  }
  func.func @transform_3(%arg0: i32) -> (i32, i32) {
    %c0_i32 = arith.constant 0 : i32
    %c0_i32_0 = arith.constant 0 : i32
    %c0_i32_1 = arith.constant 0 : i32
    return %c0_i32, %c0_i32_0 : i32, i32
  }
  func.func @transform_4(%arg0: i32) -> (i32, i32) {
    %c0_i32 = arith.constant 0 : i32
    %c0_i32_0 = arith.constant 0 : i32
    return %arg0, %c0_i32 : i32, i32
  }
}

module attributes {stable_mosaic.version = 14 : i64} {
  func.func @_t2_body(%arg0: i32, %arg1: memref<2x512x128xf32, #tpu.memory_space<vmem>>, %arg2: memref<512x128xf32, #tpu.memory_space<vmem>>, %arg3: memref<512x1xf32, #tpu.memory_space<vmem>>, %arg4: memref<1x128xf32, #tpu.memory_space<vmem>>, %arg5: memref<128x128xf32, #tpu.memory_space<vmem>>, %arg6: memref<512x128xf32, #tpu.memory_space<vmem>>, %arg7: memref<512x128xf32, #tpu.memory_space<vmem>>) attributes {dimension_semantics = [#tpu.dimension_semantics<arbitrary>], iteration_bounds = array<i64: 20>, scalar_prefetch = 0 : i64, scratch_operands = 0 : i64, tpu.core_type = #tpu.core_type<tc>, window_params = [{transform_indices = @transform_0, window_bounds = array<i64: 2, 512, 128>}, {transform_indices = @transform_1, window_bounds = array<i64: 512, 128>}, {transform_indices = @transform_2, window_bounds = array<i64: 512, 1>}, {pipeline_mode = #tpu.pipeline_mode<synchronous>, transform_indices = @transform_3, window_bounds = array<i64: 1, 128>}, {pipeline_mode = #tpu.pipeline_mode<synchronous>, transform_indices = @transform_4, window_bounds = array<i64: 128, 128>}, {transform_indices = @transform_5, window_bounds = array<i64: 512, 128>}, {transform_indices = @transform_6, window_bounds = array<i64: 512, 128>}]} {
    %get3A = arith.constant 0 : index
    %get3A_0 = arith.constant 0 : index
    %get3A_1 = arith.constant 0 : index
    %get3A_2 = vector.load %arg1[%get3A, %get3A_0, %get3A_1] : memref<2x512x128xf32, #tpu.memory_space<vmem>>, vector<1x512x128xf32>
    %get3A_3 = vector.shape_cast %get3A_2 : vector<1x512x128xf32> to vector<512x128xf32>
    %get3A_4 = arith.constant 1 : index
    %get3A_5 = arith.constant 0 : index
    %get3A_6 = arith.constant 0 : index
    %get3A_7 = vector.load %arg1[%get3A_4, %get3A_5, %get3A_6] : memref<2x512x128xf32, #tpu.memory_space<vmem>>, vector<1x512x128xf32>
    %get3A_8 = vector.shape_cast %get3A_7 : vector<1x512x128xf32> to vector<512x128xf32>
    %add3A = arith.addf %get3A_3, %get3A_8 : vector<512x128xf32>
    %get3A_9 = arith.constant 0 : index
    %get3A_10 = arith.constant 0 : index
    %get3A_11 = vector.load %arg3[%get3A_9, %get3A_10] : memref<512x1xf32, #tpu.memory_space<vmem>>, vector<512x1xf32>
    %get3A_12 = arith.constant 0 : index
    %get3A_13 = arith.constant 0 : index
    %get3A_14 = vector.load %arg2[%get3A_12, %get3A_13] : memref<512x128xf32, #tpu.memory_space<vmem>>, vector<512x128xf32>
    %add3A_15 = arith.addf %add3A, %get3A_14 : vector<512x128xf32>
    %mul3A = vector.broadcast %get3A_11 : vector<512x1xf32> to vector<512x128xf32>
    %mul3A_16 = arith.mulf %mul3A, %add3A_15 : vector<512x128xf32>
    %get3A_17 = arith.constant 0 : index
    %get3A_18 = arith.constant 0 : index
    %get3A_19 = vector.load %arg4[%get3A_17, %get3A_18] : memref<1x128xf32, #tpu.memory_space<vmem>>, vector<1x128xf32>
    %add3A_20 = vector.broadcast %get3A_19 : vector<1x128xf32> to vector<512x128xf32>
    %add3A_21 = arith.addf %mul3A_16, %add3A_20 : vector<512x128xf32>
    %max3A = arith.constant 0.000000e+00 : f32
    %max3A_22 = vector.broadcast %max3A : f32 to vector<512x128xf32>
    %max3A_23 = arith.maximumf %add3A_21, %max3A_22 : vector<512x128xf32>
    %swap3A = arith.constant 0 : index
    %swap3A_24 = arith.constant 0 : index
    %swap3A_25 = vector.load %arg6[%swap3A, %swap3A_24] : memref<512x128xf32, #tpu.memory_space<vmem>>, vector<512x128xf32>
    tpu.vector_store %arg6[%swap3A, %swap3A_24], %max3A_23 {strides = array<i32>} : memref<512x128xf32, #tpu.memory_space<vmem>>, vector<512x128xf32>,
    %get3A_26 = arith.constant 0 : index
    %get3A_27 = arith.constant 0 : index
    %get3A_28 = vector.load %arg5[%get3A_26, %get3A_27] : memref<128x128xf32, #tpu.memory_space<vmem>>, vector<128x128xf32>
    %dot_general3A = arith.constant dense<0.000000e+00> : vector<512x128xf32>
    %dot_general3A_29 = tpu.matmul %max3A_23, %get3A_28, %dot_general3A {dimension_numbers = #tpu.dot_dimension_numbers<[1], [0], [0], [1], [0, 0, 1, 1], [], []>, transpose_lhs_hint = false} : vector<512x128xf32>, vector<128x128xf32>, vector<512x128xf32> -> vector<512x128xf32>
    %get3A_30 = arith.constant 0 : index
    %get3A_31 = arith.constant 0 : index
    %get3A_32 = vector.load %arg3[%get3A_30, %get3A_31] : memref<512x1xf32, #tpu.memory_space<vmem>>, vector<512x1xf32>
    %mul3A_33 = vector.broadcast %get3A_32 : vector<512x1xf32> to vector<512x128xf32>
    %mul3A_34 = arith.mulf %dot_general3A_29, %mul3A_33 : vector<512x128xf32>
    %swap3A_35 = arith.constant 0 : index
    %swap3A_36 = arith.constant 0 : index
    %swap3A_37 = vector.load %arg7[%swap3A_35, %swap3A_36] : memref<512x128xf32, #tpu.memory_space<vmem>>, vector<512x128xf32>
    tpu.vector_store %arg7[%swap3A_35, %swap3A_36], %mul3A_34 {strides = array<i32>} : memref<512x128xf32, #tpu.memory_space<vmem>>, vector<512x128xf32>,
    return
  }
  func.func @transform_0(%arg0: i32) -> (i32, i32, i32) {
    %c0_i32 = arith.constant 0 : i32
    %c0_i32_0 = arith.constant 0 : i32
    %c0_i32_1 = arith.constant 0 : i32
    return %c0_i32, %arg0, %c0_i32_0 : i32, i32, i32
  }
  func.func @transform_1(%arg0: i32) -> (i32, i32) {
    %c0_i32 = arith.constant 0 : i32
    %c0_i32_0 = arith.constant 0 : i32
    return %arg0, %c0_i32 : i32, i32
  }
  func.func @transform_2(%arg0: i32) -> (i32, i32) {
    %c0_i32 = arith.constant 0 : i32
    %c0_i32_0 = arith.constant 0 : i32
    return %arg0, %c0_i32 : i32, i32
  }
  func.func @transform_3(%arg0: i32) -> (i32, i32) {
    %c0_i32 = arith.constant 0 : i32
    %c0_i32_0 = arith.constant 0 : i32
    %c0_i32_1 = arith.constant 0 : i32
    return %c0_i32, %c0_i32_0 : i32, i32
  }
  func.func @transform_4(%arg0: i32) -> (i32, i32) {
    %c0_i32 = arith.constant 0 : i32
    %c0_i32_0 = arith.constant 0 : i32
    %c0_i32_1 = arith.constant 0 : i32
    return %c0_i32, %c0_i32_0 : i32, i32
  }
  func.func @transform_5(%arg0: i32) -> (i32, i32) {
    %c0_i32 = arith.constant 0 : i32
    %c0_i32_0 = arith.constant 0 : i32
    return %arg0, %c0_i32 : i32, i32
  }
  func.func @transform_6(%arg0: i32) -> (i32, i32) {
    %c0_i32 = arith.constant 0 : i32
    %c0_i32_0 = arith.constant 0 : i32
    return %arg0, %c0_i32 : i32, i32
  }
}

module attributes {stable_mosaic.version = 14 : i64} {
  func.func @_t3_body(%arg0: i32, %arg1: memref<2x512x128xf32, #tpu.memory_space<vmem>>, %arg2: memref<512x128xf32, #tpu.memory_space<vmem>>, %arg3: memref<512x1xf32, #tpu.memory_space<vmem>>, %arg4: memref<1x128xf32, #tpu.memory_space<vmem>>, %arg5: memref<512x128xf32, #tpu.memory_space<vmem>>) attributes {dimension_semantics = [#tpu.dimension_semantics<arbitrary>], iteration_bounds = array<i64: 20>, scalar_prefetch = 0 : i64, scratch_operands = 0 : i64, tpu.core_type = #tpu.core_type<tc>, window_params = [{transform_indices = @transform_0, window_bounds = array<i64: 2, 512, 128>}, {transform_indices = @transform_1, window_bounds = array<i64: 512, 128>}, {transform_indices = @transform_2, window_bounds = array<i64: 512, 1>}, {pipeline_mode = #tpu.pipeline_mode<synchronous>, transform_indices = @transform_3, window_bounds = array<i64: 1, 128>}, {transform_indices = @transform_4, window_bounds = array<i64: 512, 128>}]} {
    %get3A = arith.constant 0 : index
    %get3A_0 = arith.constant 0 : index
    %get3A_1 = arith.constant 0 : index
    %get3A_2 = vector.load %arg1[%get3A, %get3A_0, %get3A_1] : memref<2x512x128xf32, #tpu.memory_space<vmem>>, vector<1x512x128xf32>
    %get3A_3 = vector.shape_cast %get3A_2 : vector<1x512x128xf32> to vector<512x128xf32>
    %get3A_4 = arith.constant 1 : index
    %get3A_5 = arith.constant 0 : index
    %get3A_6 = arith.constant 0 : index
    %get3A_7 = vector.load %arg1[%get3A_4, %get3A_5, %get3A_6] : memref<2x512x128xf32, #tpu.memory_space<vmem>>, vector<1x512x128xf32>
    %get3A_8 = vector.shape_cast %get3A_7 : vector<1x512x128xf32> to vector<512x128xf32>
    %add3A = arith.addf %get3A_3, %get3A_8 : vector<512x128xf32>
    %get3A_9 = arith.constant 0 : index
    %get3A_10 = arith.constant 0 : index
    %get3A_11 = vector.load %arg3[%get3A_9, %get3A_10] : memref<512x1xf32, #tpu.memory_space<vmem>>, vector<512x1xf32>
    %get3A_12 = arith.constant 0 : index
    %get3A_13 = arith.constant 0 : index
    %get3A_14 = vector.load %arg2[%get3A_12, %get3A_13] : memref<512x128xf32, #tpu.memory_space<vmem>>, vector<512x128xf32>
    %add3A_15 = arith.addf %add3A, %get3A_14 : vector<512x128xf32>
    %mul3A = vector.broadcast %get3A_11 : vector<512x1xf32> to vector<512x128xf32>
    %mul3A_16 = arith.mulf %mul3A, %add3A_15 : vector<512x128xf32>
    %get3A_17 = arith.constant 0 : index
    %get3A_18 = arith.constant 0 : index
    %get3A_19 = vector.load %arg4[%get3A_17, %get3A_18] : memref<1x128xf32, #tpu.memory_space<vmem>>, vector<1x128xf32>
    %add3A_20 = vector.broadcast %get3A_19 : vector<1x128xf32> to vector<512x128xf32>
    %add3A_21 = arith.addf %mul3A_16, %add3A_20 : vector<512x128xf32>
    %max3A = arith.constant 0.000000e+00 : f32
    %max3A_22 = vector.broadcast %max3A : f32 to vector<512x128xf32>
    %max3A_23 = arith.maximumf %add3A_21, %max3A_22 : vector<512x128xf32>
    %swap3A = arith.constant 0 : index
    %swap3A_24 = arith.constant 0 : index
    %swap3A_25 = vector.load %arg5[%swap3A, %swap3A_24] : memref<512x128xf32, #tpu.memory_space<vmem>>, vector<512x128xf32>
    tpu.vector_store %arg5[%swap3A, %swap3A_24], %max3A_23 {strides = array<i32>} : memref<512x128xf32, #tpu.memory_space<vmem>>, vector<512x128xf32>,
    return
  }
  func.func @transform_0(%arg0: i32) -> (i32, i32, i32) {
    %c0_i32 = arith.constant 0 : i32
    %c0_i32_0 = arith.constant 0 : i32
    %c0_i32_1 = arith.constant 0 : i32
    return %c0_i32, %arg0, %c0_i32_0 : i32, i32, i32
  }
  func.func @transform_1(%arg0: i32) -> (i32, i32) {
    %c0_i32 = arith.constant 0 : i32
    %c0_i32_0 = arith.constant 0 : i32
    return %arg0, %c0_i32 : i32, i32
  }
  func.func @transform_2(%arg0: i32) -> (i32, i32) {
    %c0_i32 = arith.constant 0 : i32
    %c0_i32_0 = arith.constant 0 : i32
    return %arg0, %c0_i32 : i32, i32
  }
  func.func @transform_3(%arg0: i32) -> (i32, i32) {
    %c0_i32 = arith.constant 0 : i32
    %c0_i32_0 = arith.constant 0 : i32
    %c0_i32_1 = arith.constant 0 : i32
    return %c0_i32, %c0_i32_0 : i32, i32
  }
  func.func @transform_4(%arg0: i32) -> (i32, i32) {
    %c0_i32 = arith.constant 0 : i32
    %c0_i32_0 = arith.constant 0 : i32
    return %arg0, %c0_i32 : i32, i32
  }
}

module attributes {stable_mosaic.version = 14 : i64} {
  func.func @_t4_body(%arg0: i32, %arg1: memref<512x128xf32, #tpu.memory_space<vmem>>, %arg2: memref<512x128xf32, #tpu.memory_space<vmem>>, %arg3: memref<128x2xf32, #tpu.memory_space<vmem>>, %arg4: memref<1x2xf32, #tpu.memory_space<vmem>>, %arg5: memref<512x1xf32, #tpu.memory_space<vmem>>) attributes {dimension_semantics = [#tpu.dimension_semantics<arbitrary>], iteration_bounds = array<i64: 40>, scalar_prefetch = 0 : i64, scratch_operands = 0 : i64, tpu.core_type = #tpu.core_type<tc>, window_params = [{transform_indices = @transform_0, window_bounds = array<i64: 512, 128>}, {transform_indices = @transform_1, window_bounds = array<i64: 512, 128>}, {pipeline_mode = #tpu.pipeline_mode<synchronous>, transform_indices = @transform_2, window_bounds = array<i64: 128, 2>}, {pipeline_mode = #tpu.pipeline_mode<synchronous>, transform_indices = @transform_3, window_bounds = array<i64: 1, 2>}, {transform_indices = @transform_4, window_bounds = array<i64: 512, 1>}]} {
    %get3A = arith.constant 0 : index
    %get3A_0 = arith.constant 0 : index
    %get3A_1 = vector.load %arg1[%get3A, %get3A_0] : memref<512x128xf32, #tpu.memory_space<vmem>>, vector<512x128xf32>
    %get3A_2 = arith.constant 0 : index
    %get3A_3 = arith.constant 0 : index
    %get3A_4 = vector.load %arg2[%get3A_2, %get3A_3] : memref<512x128xf32, #tpu.memory_space<vmem>>, vector<512x128xf32>
    %mul3A = arith.mulf %get3A_1, %get3A_4 : vector<512x128xf32>
    %get3A_5 = arith.constant 0 : index
    %get3A_6 = arith.constant 0 : index
    %get3A_7 = vector.load %arg3[%get3A_5, %get3A_6] : memref<128x2xf32, #tpu.memory_space<vmem>>, vector<128x2xf32>
    %dot_general3A = arith.constant dense<0.000000e+00> : vector<512x2xf32>
    %dot_general3A_8 = tpu.matmul %mul3A, %get3A_7, %dot_general3A {dimension_numbers = #tpu.dot_dimension_numbers<[1], [0], [0], [1], [0, 0, 1, 1], [], []>, transpose_lhs_hint = false} : vector<512x128xf32>, vector<128x2xf32>, vector<512x2xf32> -> vector<512x2xf32>
    %get3A_9 = arith.constant 0 : index
    %get3A_10 = arith.constant 0 : index
    %get3A_11 = vector.load %arg4[%get3A_9, %get3A_10] : memref<1x2xf32, #tpu.memory_space<vmem>>, vector<1x2xf32>
    %add3A = vector.broadcast %get3A_11 : vector<1x2xf32> to vector<512x2xf32>
    %add3A_12 = arith.addf %dot_general3A_8, %add3A : vector<512x2xf32>
    %reduce_sum3A = arith.constant dense<0.000000e+00> : vector<512xf32>
    %reduce_sum3A_13 = vector.multi_reduction <add>, %add3A_12, %reduce_sum3A [1] : vector<512x2xf32> to vector<512xf32>
    %broadcast_in_dim3A = vector.shape_cast %reduce_sum3A_13 : vector<512xf32> to vector<512x1xf32>
    %swap3A = arith.constant 0 : index
    %swap3A_14 = arith.constant 0 : index
    %swap3A_15 = vector.load %arg5[%swap3A, %swap3A_14] : memref<512x1xf32, #tpu.memory_space<vmem>>, vector<512x1xf32>
    tpu.vector_store %arg5[%swap3A, %swap3A_14], %broadcast_in_dim3A {strides = array<i32>} : memref<512x1xf32, #tpu.memory_space<vmem>>, vector<512x1xf32>,
    return
  }
  func.func @transform_0(%arg0: i32) -> (i32, i32) {
    %c0_i32 = arith.constant 0 : i32
    %c0_i32_0 = arith.constant 0 : i32
    return %arg0, %c0_i32 : i32, i32
  }
  func.func @transform_1(%arg0: i32) -> (i32, i32) {
    %c0_i32 = arith.constant 0 : i32
    %c0_i32_0 = arith.constant 0 : i32
    return %arg0, %c0_i32 : i32, i32
  }
  func.func @transform_2(%arg0: i32) -> (i32, i32) {
    %c0_i32 = arith.constant 0 : i32
    %c0_i32_0 = arith.constant 0 : i32
    %c0_i32_1 = arith.constant 0 : i32
    return %c0_i32, %c0_i32_0 : i32, i32
  }
  func.func @transform_3(%arg0: i32) -> (i32, i32) {
    %c0_i32 = arith.constant 0 : i32
    %c0_i32_0 = arith.constant 0 : i32
    %c0_i32_1 = arith.constant 0 : i32
    return %c0_i32, %c0_i32_0 : i32, i32
  }
  func.func @transform_4(%arg0: i32) -> (i32, i32) {
    %c0_i32 = arith.constant 0 : i32
    %c0_i32_0 = arith.constant 0 : i32
    return %arg0, %c0_i32 : i32, i32
  }
}

</mosaic_0001>

<sc_bundles>
// kernel: kernel.11.cloned.1.call-start
scs
__scs_entry_jumppad:
0x0: {  	(pc) =	sbr.rel $0x88, $3  }
0x1: {  	(tag) =	ssettag $0x0;
	lr =	simm.s32 $0x1  }
0x2: {  	[smem:$0x3F96] =	sst lr;
	_ =	strace $0xD0000000  }
0x3: {  	_ = 	snop  }
0x4: {  	_ = 	snop  }
0x5: {  	_ = 	snop  }
0x6: {  	_ = 	snop  }
0x7: {  	_ = 	snop  }
__scs_overlays_trampoline_lowered:
0x8: {  	[smem:$0x3FA5] =	sst s0  }
0x9: {  	[smem:$0x3FA6] =	sst s1  }
0xa: {  	[smem:$0x3FA7] =	sst s2  }
0xb: {  	[smem:$0x3FA8] =	sst s3  }
0xc: {  	[smem:$0x3FA9] =	sst s4  }
0xd: {  	[smem:$0x3FAA] =	sst s5  }
0xe: {  	[smem:$0x3FAB] =	sst s6  }
0xf: {  	[smem:$0x3FAC] =	sst s7  }
0x10: {  	[smem:$0x3FAD] =	sst s8  }
0x11: {  	[smem:$0x3FAE] =	sst s9;
	s0 =	simm.s32 @!p0 $0x0  }
0x12: {  	s1 =	sld [smem:$0x3F94];
	s0 =	simm.s32 @p0 $0x1  }
0x13: {  	[smem:$0x3FAF] =	sst s0;
	s0 =	simm.s32 @!p1 $0x0  }
0x14: {  	s2 =	sld [smem:$0x3F93];
	s0 =	simm.s32 @p1 $0x1  }
0x15: {  	[smem:$0x3FB0] =	sst s0;
	s0 =	simm.s32 @!p2 $0x0  }
0x16: {  	s3 =	sld [smem:$0x3FDB];
	s0 =	simm.s32 @p2 $0x1  }
0x17: {  	s4 =	simm.s32 $0x1BF5;
	[smem:$0x3FB2] =	sst s0  }
0x18: {  	s0 =	sld [smem:$0x3F95];
	_ =	swait.ge [sflag:s4], $0x0  }
0x19: {  	s7 =	sld [smem:$0x3F96]  }
0x1a: {  	s8 =	sadd.s32 $0xFFFFE003, lr  }
0x1b: {  	s9 =	sadd.s32 $0xFFFFFEF7, lr;
	s5 =	simm.s32 $0xFFFFFFFF;
	p2 =	slt.u32 s8, $0xFFFFF086  }
0x1c: {  	p1 =	slt.u32 s9, $0xF7A;
	s5 =	simm.s32 @!p2 $0x0  }
0x1d: {  	s5 =	simm.s32 @p1 $0x1;
	p0 =	seq.s32 s7, s2  }
0x1e: {  	s7 =	smul.u32 @!p0 $0xF7A, s2;
	p2 =	seq.s32 @!p0 s5, $0x0  }
0x1f: {  	s9 =	smul.u32 $0xF7A, s1;
	s8 =	simm.s32 @!p0 $0x1BF5;
	p2 =	por !p2, p0  }
0x20: {  	[sflag:s8] =	ssyncset.s32 @!p0 $0xFFFFF086;
	s6 =	sadd.s32 @!p0 s3, s7;
	s7 =	simm.s32 @!p0 $0x108  }
0x21: {  	s3 =	sadd.s32 s3, s9;
	s6 =	sadd.s32 @!p0 $0x88, s6;
	s7 =	simm.s32 @p2 $0x1082  }
0x22: {  	[simem:s7], [sflag:s8] =	dma.local @!p0 [hbm:s6], $0xF7A  }
0x23: {  	s9 =	sor.u32 $0xD0000000, s2;
	s6 =	simm.s32 $0x108;
	_ =	swait.ge @!p0 [sflag:s8], $0x0  }
0x24: {  	s3 =	sadd.s32 $0x88, s3;
	s6 =	simm.s32 @!p1 $0x1082;
	[sflag:s4] =	ssyncset.s32 $0xFFFFF086  }
0x25: {  	[simem:s6], [sflag:s4] =	dma.local [hbm:s3], $0xF7A  }
0x26: {  	[smem:$0x3F96] =	sst s1;
	(tag) =	ssettag s2;
	_ =	strace s9  }
0x27: {  	s1 =	sld [smem:$0x3FA6]  }
0x28: {  	s2 =	sld [smem:$0x3FA7]  }
0x29: {  	s4 =	sld [smem:$0x3FA9]  }
0x2a: {  	p0 =	seq.s32 s5, $0x0;
	s5 =	sld [smem:$0x3FAA]  }
0x2b: {  	s6 =	sld [smem:$0x3FAB]  }
0x2c: {  	s7 =	sld [smem:$0x3FAC]  }
0x2d: {  	s3 =	simm.s32 $0x108;
	s8 =	sld [smem:$0x3FAD]  }
0x2e: {  	s3 =	simm.s32 @!p0 $0x1082;
	s9 =	sld [smem:$0x3FAE]  }
0x2f: {  	lr =	sadd.s32 s0, s3;
	s0 =	sld [smem:$0x3FA5]  }
0x30: {  	s3 =	sld [smem:$0x3FA8]  }
0x31: {  	[smem:$0x3FB1] =	sst s10  }
0x32: {  	s10 =	sld [smem:$0x3FAF];
	_ =	sdelay $0x3  }
0x33: {  	p0 =	seq.s32 s10, $0x1;
	s10 =	sld [smem:$0x3FB1];
	_ =	sdelay $0x3  }
0x34: {  	[smem:$0x3FB1] =	sst s10  }
0x35: {  	s10 =	sld [smem:$0x3FB0];
	_ =	sdelay $0x3  }
0x36: {  	p1 =	seq.s32 s10, $0x1;
	s10 =	sld [smem:$0x3FB1];
	_ =	sdelay $0x3  }
0x37: {  	[smem:$0x3FB1] =	sst s10  }
0x38: {  	s10 =	sld [smem:$0x3FB2]  }
0x39: {  	_ = 	snop;
	(pc) =	sbr.ind lr, $3  }
0x3a: {  	_ = 	snop  }
0x3b: {  	_ = 	snop  }
0x3c: {  	p2 =	seq.s32 s10, $0x1;
	s10 =	sld [smem:$0x3FB1]  }
0x3d: {  	_ =	shalt  }
0x3e: {  	_ =	shalt  }
0x3f: {  	_ =	shalt  }
0x40: {  	_ =	shalt  }
0x41: {  	_ =	shalt  }
0x42: {  	_ =	shalt  }
0x43: {  	_ =	shalt  }
0x44: {  	_ =	shalt  }
0x45: {  	_ =	shalt  }
0x46: {  	_ =	shalt  }
0x47: {  	_ =	shalt  }
0x48: {  	_ =	shalt  }
0x49: {  	_ =	shalt  }
0x4a: {  	_ =	shalt  }
0x4b: {  	_ =	shalt  }
0x4c: {  	_ =	shalt  }
0x4d: {  	_ =	shalt  }
0x4e: {  	_ =	shalt  }
0x4f: {  	_ =	shalt  }
0x50: {  	_ =	shalt  }
0x51: {  	_ =	shalt  }
0x52: {  	_ =	shalt  }
0x53: {  	_ =	shalt  }
0x54: {  	_ =	shalt  }
0x55: {  	_ =	shalt  }
0x56: {  	_ =	shalt  }
0x57: {  	_ =	shalt  }
0x58: {  	_ =	shalt  }
0x59: {  	_ =	shalt  }
0x5a: {  	_ =	shalt  }
0x5b: {  	_ =	shalt  }
0x5c: {  	_ =	shalt  }
0x5d: {  	_ =	shalt  }
0x5e: {  	_ =	shalt  }
0x5f: {  	_ =	shalt  }
0x60: {  	_ =	shalt  }
0x61: {  	_ =	shalt  }
0x62: {  	_ =	shalt  }
0x63: {  	_ =	shalt  }
0x64: {  	_ =	shalt  }
0x65: {  	_ =	shalt  }
0x66: {  	_ =	shalt  }
0x67: {  	_ =	shalt  }
0x68: {  	_ =	shalt  }
0x69: {  	_ =	shalt  }
0x6a: {  	_ =	shalt  }
0x6b: {  	_ =	shalt  }
0x6c: {  	_ =	shalt  }
0x6d: {  	_ =	shalt  }
0x6e: {  	_ =	shalt  }
0x6f: {  	_ =	shalt  }
0x70: {  	_ =	shalt  }
0x71: {  	_ =	shalt  }
0x72: {  	_ =	shalt  }
0x73: {  	_ =	shalt  }
0x74: {  	_ =	shalt  }
0x75: {  	_ =	shalt  }
0x76: {  	_ =	shalt  }
0x77: {  	_ =	shalt  }
0x78: {  	_ =	shalt  }
0x79: {  	_ =	shalt  }
0x7a: {  	_ =	shalt  }
0x7b: {  	_ =	shalt  }
0x7c: {  	_ =	shalt  }
0x7d: {  	_ =	shalt  }
0x7e: {  	_ =	shalt  }
0x7f: {  	_ =	shalt  }
0x80: {  	_ =	shalt  }
0x81: {  	_ =	shalt  }
0x82: {  	_ =	shalt  }
0x83: {  	_ =	shalt  }
0x84: {  	_ =	shalt  }
0x85: {  	_ =	shalt  }
0x86: {  	_ =	shalt  }
0x87: {  	_ =	shalt  }
.Lfunc_end0:
.L_simem_size_0:
called_computation_lowered:
.L_overlay_start_0:
0x88: {  	s2 =	sld [smem:$0x3FD9]  }
0x89: {  	s3 =	sld [smem:$0x3FFE];
	_ =	sdelay $0x1  }
0x8a: {  	s1 =	srdreg.scid  }
0x8b: {  	s0 =	sand.u32 $0x1, s1  }
0x8c: {  	s14 =	sshll.u32 s0, $0xA;
	s2 =	sadd.s32 s3, s2  }
0x8d: {  	s2 =	sadd.s32 s2, s14  }
0x8e: {  	[smem:$0x3FBD] =	sst s2  }
0x8f: {  	_ = 	snop  }
0x90: {  	s2 =	sld [smem:$0x3FD0];
	_ =	sdelay $0x2  }
0x91: {  	s15 =	simm.s32 $0xA;
	s4 =	simm.s32 $0x10  }
0x92: {  	[smem:s4], [sflag:s15] =	dma.local [hbm:s2], $0x1  }
0x93: {  	_ =	swait.eq [sflag:s15], $0x1  }
0x94: {  	s16 =	sld [smem:$0x10];
	[sflag:s15] =	ssyncset.done $0x0  }
0x95: {  	s17 =	sld [smem:$0x11];
	[sflag:s15] =	ssyncadd.s32 $0xFFFFFFFF  }
0x96: {  	s18 =	sld [smem:$0x12];
	(tm) =	ssettm $0x1  }
0x97: {  	s5 =	sld [smem:$0x3FFB];
	_ =	sdelay $0x3  }
0x98: {  	_ =	strace s5  }
0x99: {  	s5 =	sld [smem:$0x3FFC];
	_ =	sdelay $0x3  }
0x9a: {  	_ =	strace s5  }
0x9b: {  	s5 =	sld [smem:$0x3FFD];
	_ =	sdelay $0x3  }
0x9c: {  	_ =	strace s5  }
0x9d: {  	_ =	strace $0x8FFFFFFF  }
0x9e: {  	s19 =	sld [smem:$0x3FDB];
	_ =	sdelay $0x1  }
0x9f: {  	s6 =	simm.s32 $_scs_section_size  }
0xa0: {  	s7 =	simm.s32 $_size__tile_overlayer_lowered;
	s8 =	simm.s32 $_tile_overlayer_lowered  }
0xa1: {  	s22 =	simm.s32 $0x1BFF;
	s21 =	sshll.u32 s8, $0x1;
	s5 =	sadd.s32 s6, s19  }
0xa2: {  	s9 =	simm.s32 $0x0;
	s20 =	sshll.u32 s7, $0x1;
	s7 =	sadd.s32 s21, s5  }
0xa3: {  	[timem:s9], [sflag:s22] =	dma.local [hbm:s7], s20  }
0xa4: {  	_ =	swait.ge [sflag:s22], s20  }
0xa5: {  	s6 =	ssub.s32 $0x0, s20;
	[sflag:s22] =	ssyncset.done $0x0  }
0xa6: {  	[sflag:s22] =	ssyncadd.s32 s6;
	_ =	sdelay $0x1  }
0xa7: {  	s23 =	simm.s32 $0x1B8B  }
0xa8: {  	_ =	swait.ge [sflag:s23], $0x1  }
0xa9: {  	[sflag:s23] =	ssyncset.done $0x0  }
0xaa: {  	s25 =	simm.s32 $0x1B8E;
	s24 =	sld [smem:$0x3FFE];
	[sflag:s23] =	ssyncadd.s32 $0xFFFFFFFF  }
0xab: {  	s26 =	simm.s32 $execute0_lowered;
	[smem:$0x3FD2] =	sst s25  }
0xac: {  	s7 =	sshll.u32 s26, $0x1;
	_ =	strace $0x80000046;
	[dreg:$0x1] =	wrdreg $0xFFFFFFFF  }
0xad: {  	s28 =	simm.s32 $_size_execute0_lowered;
	s5 =	sadd.s32 s5, s7;
	[dreg:$0x0] =	wrdreg $0x0  }
0xae: {  	s7 =	sshll.u32 s28, $0x1;
	[dreg:$0x2] =	wrdreg s5  }
0xaf: {  	[dreg:$0x3] =	wrdreg s7  }
0xb0: {  	[dreg:$0x4] =	wrdreg $0xC0  }
0xb1: {  	_ =	task [dreg:s9], $0x5FFFF  }
0xb2: {  	[dreg:$0x1] =	wrdreg $0xFFFFFFFF  }
0xb3: {  	[dreg:$0x0] =	wrdreg $0x60  }
0xb4: {  	[dreg:$0x2] =	wrdreg s24  }
0xb5: {  	[dreg:$0x3] =	wrdreg s17  }
0xb6: {  	[dreg:$0x4] =	wrdreg s18  }
0xb7: {  	[dreg:$0x5] =	wrdreg s16  }
0xb8: {  	[dreg:$0x6] =	wrdreg $0x1000  }
0xb9: {  	[dreg:$0x7] =	wrdreg $0x9  }
0xba: {  	_ =	task.clear_ibuf [dreg:s9], $0x8FFFF;
	_ =	strace $0x90000046  }
0xbb: {  	s29 =	simm.s32 $0x9;
	_ =	strace $0x80000048  }
0xbc: {  	_ =	swait.ge [sflag:s29], $0x1  }
0xbd: {  	[sflag:s29] =	ssyncadd.s32 $0xFFFFFFFF  }
0xbe: {  	_ =	strace $0x90000048  }
0xbf: {  	_ =	sfence  }
0xc0: {  	s30 =	sld [smem:$0x0];
	_ =	sdelay $0x2  }
0xc1: {  	s31 =	sshll.u32 s1, $0xD;
	s1 =	sshrl.u32 s1, $0x2  }
0xc2: {  	s3 =	sand.u32 $0x4000, s31;
	s1 =	sadd.s32 s1, s30  }
0xc3: {  	s0 =	sor.u32 s3, s0;
	s1 =	sshll.u32 s1, $0x11  }
0xc4: {  	s0 =	sor.u32 s1, s0  }
0xc5: {  	s0 =	sadd.s32 $0x8F2B, s0  }
0xc6: {  	[sflag:s0] =	ssyncadd.remote.s32 $0x1  }
0xc7: {  	_ =	sfence.sel $0xFFFF  }
0xc8: {  	[dreg:$0x0] =	wrdreg $0xFFFFFFFF;
	(pc) =	sbr.abs _section_cstart, $3  }
0xc9: {  	[dreg:$0x1] =	wrdreg $0xFFFFFFFF  }
0xca: {  	_ =	task.clear_ibuf [dreg:s9], $0x2FFFF;
	_ =	strace $0x9FFFFFFF  }
0xcb: {  	(tm) =	ssettm $0x7FFFFFFF  }
tec
execute0_lowered:
.L_overlay_start_1:
0x0: {  	(tag) =	ssettag $0x1  }
0x1: {  	s5 =	rddreg [dreg:$0x0]  }
0x2: {  	s0 =	rddreg [dreg:$0x1]  }
0x3: {  	s6 =	rddreg [dreg:$0x2]  }
0x4: {  	s7 =	rddreg [dreg:$0x3]  }
0x5: {  	s1 =	srdreg.scid;
	s3 =	rddreg [dreg:$0x4]  }
0x6: {  	s2 =	rddreg [dreg:$0x5];
	s8 =	sand.u32 $0x1, s1  }
0x7: {  	s4 =	simm.s32 $0x0;
	s1 =	stileid.u32;
	s9 =	smul.u32 $0x4E0, s8  }
0x8: {  	[smem:$0x7FF] =	sst s4;
	s11 =	smul.u32 $0x4E, s1  }
0x9: {  	s10 =	sshll.u32 s8, $0x4;
	_ =	strace $0x80000047;
	s12 =	smul.u32 $0x280, s1  }
0xa: {  	s29 =	ssub.s32 $0x2, s8;
	s8 =	smul.u32 $0x2800, s8;
	s31 =	sshll.u32 s1, $0x6  }
0xb: {  	s10 =	sor.u32 s1, s10;
	s30 =	sshrl.u32 s29, $0x1;
	s9 =	sadd.s32 s11, s9  }
0xc: {  	s28 =	smin.u32 s10, $0x4;
	s11 =	ssub.s32 s29, s30;
	s13 =	sadd.s32 s12, s3  }
0xd: {  	s14 =	sshrl.u32 s12, $0x3;
	p0 =	slt.u32 s10, $0x4;
	s8 =	sadd.s32 s12, s8  }
0xe: {  	s10 =	simm.s32 $0x80;
	s12 =	sor.u32 $0x1C01, s31;
	s9 =	sadd.s32 s28, s9  }
0xf: {  	s6 =	sadd.s32 s6, s14;
	s8 =	sshrl.u32 s8, $0x3;
	s13 =	sshrl.u32 s13, $0x3  }
0x10: {  	s14 =	simm.s32 $0x0;
	s9 =	sshll.u32 s9, $0x4;
	s7 =	sadd.s32 s7, s8  }
0x11: {  	s8 =	smax.u32 s11, $0x1;
	s9 =	sadd.s32 s9, s5;
	s5 =	simm.s32 $0x4F  }
0x12: {  	s11 =	simm.s32 $0x1;
	s5 =	simm.s32 @!p0 $0x4E;
	s9 =	sadd.s32 $0xC200, s9  }
.LBB2_1:
0x13: {  	[tilespmem:s10], [sflag:$0x1] =	stream.linear.gather [hbm4b:s0+s4], $0x80, $0x38;
	[tilespmem:$0x380] =	vst v63  }
0x14: {  	_ =	swait.ge [sflag:s11], $0x80  }
0x15: {  	[sflag:s11] =	ssyncset.done $0x0  }
0x16: {  	[sflag:s11] =	ssyncadd.s32 $0xFFFFFF80  }
0x17: {  	[spmem:s13], [sflag:s12] =	dma.local [hbm:s6], $0x50  }
0x18: {  	_ =	swait.ge [sflag:s11], $0x50  }
0x19: {  	[sflag:s11] =	ssyncset.done $0x0  }
0x1a: {  	[sflag:s11] =	ssyncadd.s32 $0xFFFFFFB0  }
0x1b: {  	[bflag:$0x0] =	sbarrier.arrive $0xFFFF  }
0x1c: {  	[tilespmem:s4], [sflag:$0x1] =	stream.linear.gather [hbm4b:s9+s4], $0x80, $0x38;
	[tilespmem:$0x380] =	vst v63  }
0x1d: {  	p0 =	sne.s32 s5, $0x1;
	_ =	swait.ge [sflag:s11], $0x80  }
.Ltmp0:
0x1e: {  	[sflag:s11] =	ssyncset.done $0x0;
	(pc) =	sbr.rel @!p0 .LBB2_3-.Ltmp0, $4  }
0x1f: {  	[sflag:s11] =	ssyncadd.s32 $0xFFFFFF80  }
0x20: {  	[spmem:s3] =	stream.indirect.scatter.add.f32 [tilespmem:s10], [sflag:$0x1], $0x1, s4, s10, $0xb8;
	[tilespmem:$0x380] =	vst v63  }
0x21: {  	_ =	swait.ge [sflag:s11], $0x80  }
0x22: {  	s15 =	sadd.s32 $0xFFFFFFFF, s5;
	s16 =	smov.u32 s9;
	[sflag:s11] =	ssyncset.done $0x0  }
.LBB2_2:
0x23: {  	p0 =	sne.s32 s15, $0x1;
	[sflag:s11] =	ssyncadd.s32 $0xFFFFFF80;
	s16 =	sadd.s32 $0x10, s16  }
0x24: {  	[tilespmem:s4], [sflag:$0x1] =	stream.linear.gather [hbm4b:s16+s4], $0x80, $0x38;
	[tilespmem:$0x380] =	vst v63  }
0x25: {  	s15 =	sadd.s32 $0xFFFFFFFF, s15;
	_ =	swait.ge [sflag:s11], $0x80  }
.Ltmp1:
0x26: {  	[sflag:s11] =	ssyncset.done $0x0;
	(pc) =	sbr.rel @p0 .LBB2_2-.Ltmp1, $4  }
0x27: {  	[sflag:s11] =	ssyncadd.s32 $0xFFFFFF80  }
0x28: {  	[spmem:s3] =	stream.indirect.scatter.add.f32 [tilespmem:s10], [sflag:$0x1], $0x1, s4, s10, $0xb8;
	[tilespmem:$0x380] =	vst v63  }
0x29: {  	_ =	swait.ge [sflag:s11], $0x80  }
0x2a: {  	[sflag:s11] =	ssyncset.done $0x0  }
.LBB2_3:
0x2b: {  	s14 =	sadd.s32 $0x1, s14  }
0x2c: {  	[sflag:s11] =	ssyncadd.s32 $0xFFFFFF80;
	p0 =	sne.s32 s14, s8  }
.Ltmp2:
0x2d: {  	[bflag:$0x0] =	sbarrier.arrive $0xFFFF;
	(pc) =	sbr.rel @p0 .LBB2_1-.Ltmp2, $4  }
0x2e: {  	[hbm:s7], [sflag:s12] =	dma.local [spmem:s13], $0x50  }
0x2f: {  	_ =	swait.ge [sflag:s11], $0x50  }
0x30: {  	[sflag:s11] =	ssyncset.done $0x0  }
0x31: {  	[sflag:s11] =	ssyncadd.s32 $0xFFFFFFB0  }
0x32: {  	_ =	sfence.sel $0x180000  }
0x33: {  	[bflag:$0x0] =	sbarrier.arrive $0xFFFF  }
0x34: {  	p0 =	sne.s32 s1, $0x0;
	_ =	strace $0x90000047  }
0x35: {  	s0 =	sadd.s32 @!p0 $0x100000, s2;
	[bflag:$0x2] =	sbarrier.arrive $0xFFFF  }
0x36: {  	[sflag:s0] =	ssyncadd.tile.s32 @!p0 $0x1;
	_ =	shalt  }
.Lfunc_end2:
_tile_overlayer_lowered:
.L_overlay_start_2:
0x37: {  	(tag) =	ssettag $0x2  }
0x38: {  	s0 =	rddreg [dreg:$0x0];
	s2 =	stileid.u32  }
0x39: {  	s1 =	rddreg [dreg:$0x1];
	p0 =	sne.s32 s2, $0x0  }
0x3a: {  	s3 =	rddreg [dreg:$0x2];
	[bflag:$0x3] =	sbarrier.arrive $0xFFFF;
	s2 =	simm.s32 @!p0 $0x1C01  }
0x3b: {  	[timem:s3], [sflag:s2] =	dma.local @!p0 [hbm:s0], s1  }
0x3c: {  	s0 =	simm.s32 @!p0 $0x1  }
0x3d: {  	_ =	swait.ge @!p0 [sflag:s0], s1  }
0x3e: {  	s1 =	ssub.s32 @!p0 $0x0, s1;
	[sflag:s0] =	ssyncset.done @!p0 $0x0  }
0x3f: {  	[sflag:s0] =	ssyncadd.s32 @!p0 s1  }
0x40: {  	[bflag:$0x3] =	sbarrier.arrive $0xFFFF  }
0x41: {  	_ =	shalt  }

// kernel: kernel.14.cloned.1.call-start
scs
__scs_entry_jumppad:
0x0: {  	(pc) =	sbr.rel $0x88, $3  }
0x1: {  	(tag) =	ssettag $0x0;
	lr =	simm.s32 $0x1  }
0x2: {  	[smem:$0x3F96] =	sst lr;
	_ =	strace $0xD0000000  }
0x3: {  	_ = 	snop  }
0x4: {  	_ = 	snop  }
0x5: {  	_ = 	snop  }
0x6: {  	_ = 	snop  }
0x7: {  	_ = 	snop  }
__scs_overlays_trampoline_lowered:
0x8: {  	[smem:$0x3FA5] =	sst s0  }
0x9: {  	[smem:$0x3FA6] =	sst s1  }
0xa: {  	[smem:$0x3FA7] =	sst s2  }
0xb: {  	[smem:$0x3FA8] =	sst s3  }
0xc: {  	[smem:$0x3FA9] =	sst s4  }
0xd: {  	[smem:$0x3FAA] =	sst s5  }
0xe: {  	[smem:$0x3FAB] =	sst s6  }
0xf: {  	[smem:$0x3FAC] =	sst s7  }
0x10: {  	[smem:$0x3FAD] =	sst s8  }
0x11: {  	[smem:$0x3FAE] =	sst s9;
	s0 =	simm.s32 @!p0 $0x0  }
0x12: {  	s1 =	sld [smem:$0x3F94];
	s0 =	simm.s32 @p0 $0x1  }
0x13: {  	[smem:$0x3FAF] =	sst s0;
	s0 =	simm.s32 @!p1 $0x0  }
0x14: {  	s2 =	sld [smem:$0x3F93];
	s0 =	simm.s32 @p1 $0x1  }
0x15: {  	[smem:$0x3FB0] =	sst s0;
	s0 =	simm.s32 @!p2 $0x0  }
0x16: {  	s3 =	sld [smem:$0x3FDB];
	s0 =	simm.s32 @p2 $0x1  }
0x17: {  	s4 =	simm.s32 $0x1BF5;
	[smem:$0x3FB2] =	sst s0  }
0x18: {  	s0 =	sld [smem:$0x3F95];
	_ =	swait.ge [sflag:s4], $0x0  }
0x19: {  	s7 =	sld [smem:$0x3F96]  }
0x1a: {  	s8 =	sadd.s32 $0xFFFFE003, lr  }
0x1b: {  	s9 =	sadd.s32 $0xFFFFFEF7, lr;
	s5 =	simm.s32 $0xFFFFFFFF;
	p2 =	slt.u32 s8, $0xFFFFF086  }
0x1c: {  	p1 =	slt.u32 s9, $0xF7A;
	s5 =	simm.s32 @!p2 $0x0  }
0x1d: {  	s5 =	simm.s32 @p1 $0x1;
	p0 =	seq.s32 s7, s2  }
0x1e: {  	s7 =	smul.u32 @!p0 $0xF7A, s2;
	p2 =	seq.s32 @!p0 s5, $0x0  }
0x1f: {  	s9 =	smul.u32 $0xF7A, s1;
	s8 =	simm.s32 @!p0 $0x1BF5;
	p2 =	por !p2, p0  }
0x20: {  	[sflag:s8] =	ssyncset.s32 @!p0 $0xFFFFF086;
	s6 =	sadd.s32 @!p0 s3, s7;
	s7 =	simm.s32 @!p0 $0x108  }
0x21: {  	s3 =	sadd.s32 s3, s9;
	s6 =	sadd.s32 @!p0 $0x88, s6;
	s7 =	simm.s32 @p2 $0x1082  }
0x22: {  	[simem:s7], [sflag:s8] =	dma.local @!p0 [hbm:s6], $0xF7A  }
0x23: {  	s9 =	sor.u32 $0xD0000000, s2;
	s6 =	simm.s32 $0x108;
	_ =	swait.ge @!p0 [sflag:s8], $0x0  }
0x24: {  	s3 =	sadd.s32 $0x88, s3;
	s6 =	simm.s32 @!p1 $0x1082;
	[sflag:s4] =	ssyncset.s32 $0xFFFFF086  }
0x25: {  	[simem:s6], [sflag:s4] =	dma.local [hbm:s3], $0xF7A  }
0x26: {  	[smem:$0x3F96] =	sst s1;
	(tag) =	ssettag s2;
	_ =	strace s9  }
0x27: {  	s1 =	sld [smem:$0x3FA6]  }
0x28: {  	s2 =	sld [smem:$0x3FA7]  }
0x29: {  	s4 =	sld [smem:$0x3FA9]  }
0x2a: {  	p0 =	seq.s32 s5, $0x0;
	s5 =	sld [smem:$0x3FAA]  }
0x2b: {  	s6 =	sld [smem:$0x3FAB]  }
0x2c: {  	s7 =	sld [smem:$0x3FAC]  }
0x2d: {  	s3 =	simm.s32 $0x108;
	s8 =	sld [smem:$0x3FAD]  }
0x2e: {  	s3 =	simm.s32 @!p0 $0x1082;
	s9 =	sld [smem:$0x3FAE]  }
0x2f: {  	lr =	sadd.s32 s0, s3;
	s0 =	sld [smem:$0x3FA5]  }
0x30: {  	s3 =	sld [smem:$0x3FA8]  }
0x31: {  	[smem:$0x3FB1] =	sst s10  }
0x32: {  	s10 =	sld [smem:$0x3FAF];
	_ =	sdelay $0x3  }
0x33: {  	p0 =	seq.s32 s10, $0x1;
	s10 =	sld [smem:$0x3FB1];
	_ =	sdelay $0x3  }
0x34: {  	[smem:$0x3FB1] =	sst s10  }
0x35: {  	s10 =	sld [smem:$0x3FB0];
	_ =	sdelay $0x3  }
0x36: {  	p1 =	seq.s32 s10, $0x1;
	s10 =	sld [smem:$0x3FB1];
	_ =	sdelay $0x3  }
0x37: {  	[smem:$0x3FB1] =	sst s10  }
0x38: {  	s10 =	sld [smem:$0x3FB2]  }
0x39: {  	_ = 	snop;
	(pc) =	sbr.ind lr, $3  }
0x3a: {  	_ = 	snop  }
0x3b: {  	_ = 	snop  }
0x3c: {  	p2 =	seq.s32 s10, $0x1;
	s10 =	sld [smem:$0x3FB1]  }
0x3d: {  	_ =	shalt  }
0x3e: {  	_ =	shalt  }
0x3f: {  	_ =	shalt  }
0x40: {  	_ =	shalt  }
0x41: {  	_ =	shalt  }
0x42: {  	_ =	shalt  }
0x43: {  	_ =	shalt  }
0x44: {  	_ =	shalt  }
0x45: {  	_ =	shalt  }
0x46: {  	_ =	shalt  }
0x47: {  	_ =	shalt  }
0x48: {  	_ =	shalt  }
0x49: {  	_ =	shalt  }
0x4a: {  	_ =	shalt  }
0x4b: {  	_ =	shalt  }
0x4c: {  	_ =	shalt  }
0x4d: {  	_ =	shalt  }
0x4e: {  	_ =	shalt  }
0x4f: {  	_ =	shalt  }
0x50: {  	_ =	shalt  }
0x51: {  	_ =	shalt  }
0x52: {  	_ =	shalt  }
0x53: {  	_ =	shalt  }
0x54: {  	_ =	shalt  }
0x55: {  	_ =	shalt  }
0x56: {  	_ =	shalt  }
0x57: {  	_ =	shalt  }
0x58: {  	_ =	shalt  }
0x59: {  	_ =	shalt  }
0x5a: {  	_ =	shalt  }
0x5b: {  	_ =	shalt  }
0x5c: {  	_ =	shalt  }
0x5d: {  	_ =	shalt  }
0x5e: {  	_ =	shalt  }
0x5f: {  	_ =	shalt  }
0x60: {  	_ =	shalt  }
0x61: {  	_ =	shalt  }
0x62: {  	_ =	shalt  }
0x63: {  	_ =	shalt  }
0x64: {  	_ =	shalt  }
0x65: {  	_ =	shalt  }
0x66: {  	_ =	shalt  }
0x67: {  	_ =	shalt  }
0x68: {  	_ =	shalt  }
0x69: {  	_ =	shalt  }
0x6a: {  	_ =	shalt  }
0x6b: {  	_ =	shalt  }
0x6c: {  	_ =	shalt  }
0x6d: {  	_ =	shalt  }
0x6e: {  	_ =	shalt  }
0x6f: {  	_ =	shalt  }
0x70: {  	_ =	shalt  }
0x71: {  	_ =	shalt  }
0x72: {  	_ =	shalt  }
0x73: {  	_ =	shalt  }
0x74: {  	_ =	shalt  }
0x75: {  	_ =	shalt  }
0x76: {  	_ =	shalt  }
0x77: {  	_ =	shalt  }
0x78: {  	_ =	shalt  }
0x79: {  	_ =	shalt  }
0x7a: {  	_ =	shalt  }
0x7b: {  	_ =	shalt  }
0x7c: {  	_ =	shalt  }
0x7d: {  	_ =	shalt  }
0x7e: {  	_ =	shalt  }
0x7f: {  	_ =	shalt  }
0x80: {  	_ =	shalt  }
0x81: {  	_ =	shalt  }
0x82: {  	_ =	shalt  }
0x83: {  	_ =	shalt  }
0x84: {  	_ =	shalt  }
0x85: {  	_ =	shalt  }
0x86: {  	_ =	shalt  }
0x87: {  	_ =	shalt  }
.Lfunc_end0:
.L_simem_size_0:
called_computation.1_lowered:
.L_overlay_start_0:
0x88: {  	s2 =	sld [smem:$0x3FD9]  }
0x89: {  	s3 =	sld [smem:$0x3FFE];
	_ =	sdelay $0x1  }
0x8a: {  	s1 =	srdreg.scid  }
0x8b: {  	s0 =	sand.u32 $0x1, s1  }
0x8c: {  	s14 =	sshll.u32 s0, $0xA;
	s2 =	sadd.s32 s3, s2  }
0x8d: {  	s2 =	sadd.s32 s2, s14  }
0x8e: {  	[smem:$0x3FBD] =	sst s2  }
0x8f: {  	_ = 	snop  }
0x90: {  	s2 =	sld [smem:$0x3FD0];
	_ =	sdelay $0x2  }
0x91: {  	s15 =	simm.s32 $0xA;
	s4 =	simm.s32 $0x10  }
0x92: {  	[smem:s4], [sflag:s15] =	dma.local [hbm:s2], $0x1  }
0x93: {  	_ =	swait.eq [sflag:s15], $0x1  }
0x94: {  	[sflag:s15] =	ssyncset.done $0x0  }
0x95: {  	[sflag:s15] =	ssyncadd.s32 $0xFFFFFFFF  }
0x96: {  	s16 =	sld [smem:$0x12];
	(tm) =	ssettm $0x1  }
0x97: {  	s17 =	sld [smem:$0x3FFB];
	_ =	sdelay $0x3  }
0x98: {  	_ =	strace s17  }
0x99: {  	s3 =	sld [smem:$0x3FFC];
	_ =	sdelay $0x3  }
0x9a: {  	_ =	strace s3  }
0x9b: {  	s3 =	sld [smem:$0x3FFD];
	_ =	sdelay $0x3  }
0x9c: {  	_ =	strace s3  }
0x9d: {  	_ =	strace $0x8FFFFFFF  }
0x9e: {  	s18 =	sld [smem:$0x3FDB];
	_ =	sdelay $0x1  }
0x9f: {  	s19 =	simm.s32 $_scs_section_size  }
0xa0: {  	s5 =	simm.s32 $_size__tile_overlayer_lowered;
	s6 =	simm.s32 $_tile_overlayer_lowered  }
0xa1: {  	s22 =	simm.s32 $0x1BFF;
	s21 =	sshll.u32 s6, $0x1;
	s3 =	sadd.s32 s19, s18  }
0xa2: {  	s7 =	simm.s32 $0x0;
	s20 =	sshll.u32 s5, $0x1;
	s5 =	sadd.s32 s21, s3  }
0xa3: {  	[timem:s7], [sflag:s22] =	dma.local [hbm:s5], s20  }
0xa4: {  	_ =	swait.ge [sflag:s22], s20  }
0xa5: {  	s4 =	ssub.s32 $0x0, s20;
	[sflag:s22] =	ssyncset.done $0x0  }
0xa6: {  	[sflag:s22] =	ssyncadd.s32 s4;
	_ =	sdelay $0x1  }
0xa7: {  	s23 =	simm.s32 $0x1B8B  }
0xa8: {  	_ =	swait.ge [sflag:s23], $0x1  }
0xa9: {  	[sflag:s23] =	ssyncset.done $0x0  }
0xaa: {  	s25 =	simm.s32 $0x1B8E;
	s24 =	sld [smem:$0x3FFE];
	[sflag:s23] =	ssyncadd.s32 $0xFFFFFFFF  }
0xab: {  	s26 =	simm.s32 $execute0_lowered;
	[smem:$0x3FD2] =	sst s25  }
0xac: {  	s5 =	sshll.u32 s26, $0x1;
	_ =	strace $0x80000049;
	[dreg:$0x1] =	wrdreg $0xFFFFFFFF  }
0xad: {  	s28 =	simm.s32 $_size_execute0_lowered;
	s3 =	sadd.s32 s3, s5;
	[dreg:$0x0] =	wrdreg $0x0  }
0xae: {  	s5 =	sshll.u32 s28, $0x1;
	[dreg:$0x2] =	wrdreg s3  }
0xaf: {  	[dreg:$0x3] =	wrdreg s5  }
0xb0: {  	[dreg:$0x4] =	wrdreg $0xC0  }
0xb1: {  	_ =	task [dreg:s7], $0x5FFFF  }
0xb2: {  	[dreg:$0x1] =	wrdreg $0xFFFFFFFF  }
0xb3: {  	[dreg:$0x0] =	wrdreg $0x60  }
0xb4: {  	[dreg:$0x2] =	wrdreg s16  }
0xb5: {  	[dreg:$0x3] =	wrdreg s24  }
0xb6: {  	[dreg:$0x4] =	wrdreg $0x82000  }
0xb7: {  	[dreg:$0x5] =	wrdreg $0x9  }
0xb8: {  	_ =	task.clear_ibuf [dreg:s7], $0x6FFFF;
	_ =	strace $0x90000049  }
0xb9: {  	s29 =	simm.s32 $0x9;
	_ =	strace $0x8000004B  }
0xba: {  	_ =	swait.ge [sflag:s29], $0x1  }
0xbb: {  	[sflag:s29] =	ssyncadd.s32 $0xFFFFFFFF  }
0xbc: {  	_ =	strace $0x9000004B  }
0xbd: {  	_ =	sfence  }
0xbe: {  	s30 =	sld [smem:$0x0];
	_ =	sdelay $0x2  }
0xbf: {  	s31 =	sshll.u32 s1, $0xD;
	s1 =	sshrl.u32 s1, $0x2  }
0xc0: {  	s3 =	sand.u32 $0x4000, s31;
	s1 =	sadd.s32 s1, s30  }
0xc1: {  	s0 =	sor.u32 s3, s0;
	s1 =	sshll.u32 s1, $0x11  }
0xc2: {  	s0 =	sor.u32 s1, s0  }
0xc3: {  	s0 =	sadd.s32 $0x8F2B, s0  }
0xc4: {  	[sflag:s0] =	ssyncadd.remote.s32 $0x1  }
0xc5: {  	_ =	sfence.sel $0xFFFF  }
0xc6: {  	[dreg:$0x0] =	wrdreg $0xFFFFFFFF;
	(pc) =	sbr.abs _section_cstart, $3  }
0xc7: {  	[dreg:$0x1] =	wrdreg $0xFFFFFFFF  }
0xc8: {  	_ =	task.clear_ibuf [dreg:s7], $0x2FFFF;
	_ =	strace $0x9FFFFFFF  }
0xc9: {  	(tm) =	ssettm $0x7FFFFFFF  }
tec
execute0_lowered:
.L_overlay_start_1:
0x0: {  	(tag) =	ssettag $0x1  }
0x1: {  	s2 =	rddreg [dreg:$0x0]  }
0x2: {  	s5 =	rddreg [dreg:$0x1]  }
0x3: {  	s3 =	rddreg [dreg:$0x2];
	s0 =	stileid.u32  }
0x4: {  	s6 =	srdreg.scid;
	s4 =	simm.s32 $0x0;
	s28 =	simm.s32 $0x2  }
0x5: {  	s29 =	simm.s32 $0x0;
	s7 =	smul.u32 $0x13C00, s0;
	s6 =	sand.u32 $0x1, s6  }
0x6: {  	[smem:$0x7FF] =	sst s4;
	s18 =	sadd.s32 $0x2400, s5;
	s11 =	smul.u32 $0x4F000, s0  }
0x7: {  	s19 =	sadd.s32 $0xC200, s5;
	s26 =	sshll.u32 s0, $0x6;
	s13 =	smul.u32 $0x4E, s0  }
0x8: {  	s8 =	smul.u32 $0x13C000, s6;
	_ =	strace $0x8000004A;
	s17 =	ssub.s32 $0x2, s6  }
0x9: {  	s10 =	sshll.u32 s6, $0x4;
	s24 =	smul.u32 $0x4E0, s6;
	s9 =	sshrl.u32 s7, $0x3  }
0xa: {  	s20 =	sshrl.u32 s17, $0x1;
	s25 =	sor.u32 s0, s10;
	s21 =	sshrl.u32 s11, $0x2  }
0xb: {  	s7 =	sadd.s32 s7, s8;
	s16 =	sadd.s32 s9, s5;
	s15 =	ssub.s32 s17, s20  }
0xc: {  	s22 =	smul.u32 $0x4E, s25;
	s1 =	sadd.s32 s21, s3;
	s23 =	smin.u32 s25, $0x4  }
0xd: {  	s13 =	sadd.s32 s13, s24;
	s21 =	simm.s32 $0x100;
	s24 =	simm.s32 $0x180  }
0xe: {  	p0 =	sgt.u32 s25, $0x3;
	s25 =	simm.s32 $0x4200;
	s7 =	sshrl.u32 s7, $0x3  }
0xf: {  	[dreg:$0x4] =	wrdreg s1;
	s30 =	sadd.s32 $0x16000, s16;
	s13 =	sadd.s32 s23, s13  }
0x10: {  	s15 =	smax.u32 s15, $0x1;
	s14 =	sadd.s32 s7, s5;
	s12 =	sadd.s32 s23, s22  }
0x11: {  	[dreg:$0x5] =	wrdreg s30;
	s7 =	sor.u32 $0x1C03, s26;
	s20 =	sshll.u32 s13, $0x4  }
0x12: {  	s22 =	simm.s32 $0x80;
	s23 =	simm.s32 $0x200;
	s26 =	simm.s32 $0x1  }
0x13: {  	s12 =	sshll.u32 s12, $0x4;
	s17 =	sadd.s32 $0x30, s20;
	s14 =	sadd.s32 $0x3D800, s14  }
0x14: {  	s8 =	sadd.s32 s18, s12;
	s16 =	sadd.s32 $0x10, s12;
	s9 =	sadd.s32 s19, s12  }
0x15: {  	s31 =	sadd.s32 $0x4E0, s12;
	s10 =	sadd.s32 s18, s16;
	s11 =	sadd.s32 s19, s16  }
0x16: {  	s12 =	sadd.s32 s18, s31;
	s13 =	sadd.s32 s19, s31;
	s16 =	sadd.s32 s17, s18  }
0x17: {  	s17 =	sadd.s32 s17, s19;
	s18 =	sadd.s32 s20, s18;
	s19 =	sadd.s32 s20, s19  }
0x18: {  	s20 =	simm.s32 $0x3;
	s18 =	sadd.s32 $0x20, s18;
	s19 =	sadd.s32 $0x20, s19  }
.LBB2_1:
0x19: {  	s0 =	rddreg [dreg:$0x4]  }
0x1a: {  	s6 =	rddreg [dreg:$0x5];
	s30 =	sshrl.u32 s0, $0x3  }
0x1b: {  	[spmem:s30], [sflag:s7] =	dma.local [hbm:s6], $0x2780  }
0x1c: {  	_ =	swait.ge [sflag:s20], $0x2780  }
0x1d: {  	[sflag:s20] =	ssyncset.done $0x0  }
0x1e: {  	[sflag:s20] =	ssyncadd.s32 $0xFFFFD880  }
0x1f: {  	[bflag:$0x0] =	sbarrier.arrive $0xFFFF  }
0x20: {  	[tilespmem:s4], [sflag:$0x3] =	stream.linear.gather [hbm4b:s8+s4], $0x80, $0x38;
	[tilespmem:$0x1BE00] =	vst v63  }
0x21: {  	_ =	swait.ge [sflag:s20], $0x80  }
0x22: {  	[sflag:s20] =	ssyncset.done $0x0  }
0x23: {  	[sflag:s20] =	ssyncadd.s32 $0xFFFFFF80  }
0x24: {  	[tilespmem:s21], [sflag:$0x3] =	stream.linear.gather [hbm4b:s9+s4], $0x80, $0x38;
	[tilespmem:$0x1BE00] =	vst v63  }
0x25: {  	_ =	swait.ge [sflag:s20], $0x80  }
0x26: {  	[sflag:s20] =	ssyncset.done $0x0  }
0x27: {  	[sflag:s20] =	ssyncadd.s32 $0xFFFFFF80  }
0x28: {  	[tilespmem:s23], [sflag:$0x1] =	stream.indirect.gather [hbm4b:s2+s22], $0x80, s4, s22, $0xb8;
	[tilespmem:$0x1BE00] =	vst v63  }
0x29: {  	_ = 	snop  }
0x2a: {  	[tilespmem:s22], [sflag:$0x3] =	stream.linear.gather [hbm4b:s10+s4], $0x80, $0x38;
	[tilespmem:$0x1BE00] =	vst v63  }
0x2b: {  	_ =	swait.ge [sflag:s20], $0x80  }
0x2c: {  	[sflag:s20] =	ssyncset.done $0x0  }
0x2d: {  	[sflag:s20] =	ssyncadd.s32 $0xFFFFFF80  }
0x2e: {  	[tilespmem:s24], [sflag:$0x3] =	stream.linear.gather [hbm4b:s11+s4], $0x80, $0x38;
	[tilespmem:$0x1BE00] =	vst v63  }
0x2f: {  	_ =	swait.ge [sflag:s20], $0x80  }
0x30: {  	[sflag:s20] =	ssyncset.done $0x0  }
0x31: {  	[sflag:s20] =	ssyncadd.s32 $0xFFFFFF80  }
0x32: {  	[tilespmem:s25], [sflag:$0x2] =	stream.indirect.gather [hbm4b:s2+s22], $0x80, s22, s22, $0xb8;
	[tilespmem:$0x1BE00] =	vst v63  }
0x33: {  	_ =	swait.ge [sflag:s26], $0x4000  }
0x34: {  	[sflag:s26] =	ssyncset.done $0x0  }
0x35: {  	[sflag:s26] =	ssyncadd.s32 $0xFFFFC000  }
0x36: {  	[spmem:s3] =	stream.indirect.scatter.add.f32 [tilespmem:s23], [sflag:$0x3], $0x80, s21, s22, $0xb8;
	[tilespmem:$0x1BE00] =	vst v63  }
0x37: {  	_ =	swait.ge [sflag:s20], $0x4000  }
0x38: {  	[sflag:s20] =	ssyncset.done $0x0  }
0x39: {  	s31 =	sadd.s32 $0x0, s18;
	[sflag:s20] =	ssyncadd.s32 $0xFFFFC000  }
0x3a: {  	[tilespmem:s4], [sflag:$0x3] =	stream.linear.gather [hbm4b:s31+s4], $0x80, $0x38;
	[tilespmem:$0x1BE00] =	vst v63  }
0x3b: {  	_ =	swait.ge [sflag:s20], $0x80  }
0x3c: {  	[sflag:s20] =	ssyncset.done $0x0  }
0x3d: {  	s31 =	sadd.s32 $0x0, s19;
	[sflag:s20] =	ssyncadd.s32 $0xFFFFFF80  }
0x3e: {  	[tilespmem:s21], [sflag:$0x3] =	stream.linear.gather [hbm4b:s31+s4], $0x80, $0x38;
	[tilespmem:$0x1BE00] =	vst v63  }
0x3f: {  	_ =	swait.ge [sflag:s20], $0x80  }
0x40: {  	[sflag:s20] =	ssyncset.done $0x0  }
0x41: {  	[sflag:s20] =	ssyncadd.s32 $0xFFFFFF80  }
0x42: {  	[tilespmem:s23], [sflag:$0x1] =	stream.indirect.gather [hbm4b:s2+s22], $0x80, s4, s22, $0xb8;
	[tilespmem:$0x1BE00] =	vst v63  }
0x43: {  	_ =	swait.ge [sflag:s28], $0x4000  }
0x44: {  	[sflag:s28] =	ssyncset.done $0x0  }
0x45: {  	[sflag:s28] =	ssyncadd.s32 $0xFFFFC000  }
0x46: {  	[spmem:s3] =	stream.indirect.scatter.add.f32 [tilespmem:s25], [sflag:$0x3], $0x80, s24, s22, $0xb8;
	[tilespmem:$0x1BE00] =	vst v63  }
0x47: {  	_ =	swait.ge [sflag:s20], $0x4000  }
0x48: {  	[sflag:s20] =	ssyncset.done $0x0  }
0x49: {  	s31 =	sadd.s32 $0x0, s16;
	[sflag:s20] =	ssyncadd.s32 $0xFFFFC000  }
0x4a: {  	[tilespmem:s22], [sflag:$0x3] =	stream.linear.gather [hbm4b:s31+s4], $0x80, $0x38;
	[tilespmem:$0x1BE00] =	vst v63  }
0x4b: {  	_ =	swait.ge [sflag:s20], $0x80  }
0x4c: {  	[sflag:s20] =	ssyncset.done $0x0  }
0x4d: {  	s31 =	sadd.s32 $0x0, s17;
	[sflag:s20] =	ssyncadd.s32 $0xFFFFFF80  }
0x4e: {  	[tilespmem:s24], [sflag:$0x3] =	stream.linear.gather [hbm4b:s31+s4], $0x80, $0x38;
	[tilespmem:$0x1BE00] =	vst v63  }
0x4f: {  	_ =	swait.ge [sflag:s20], $0x80  }
0x50: {  	[sflag:s20] =	ssyncset.done $0x0  }
0x51: {  	s31 =	simm.s32 $0x20;
	[sflag:s20] =	ssyncadd.s32 $0xFFFFFF80  }
.LBB2_2:
0x52: {  	[tilespmem:s25], [sflag:$0x2] =	stream.indirect.gather [hbm4b:s2+s22], $0x80, s22, s22, $0xb8;
	[tilespmem:$0x1BE00] =	vst v63  }
0x53: {  	s0 =	smov.u32 s31  }
0x54: {  	p1 =	sne.s32 s31, $0x4A0;
	s31 =	sadd.s32 $0x20, s31;
	_ =	swait.ge [sflag:s26], $0x4000  }
0x55: {  	[sflag:s26] =	ssyncset.done $0x0  }
0x56: {  	[sflag:s26] =	ssyncadd.s32 $0xFFFFC000  }
0x57: {  	[spmem:s3] =	stream.indirect.scatter.add.f32 [tilespmem:s23], [sflag:$0x3], $0x80, s21, s22, $0xb8;
	[tilespmem:$0x1BE00] =	vst v63  }
0x58: {  	_ =	swait.ge [sflag:s20], $0x4000  }
0x59: {  	[sflag:s20] =	ssyncset.done $0x0  }
0x5a: {  	s1 =	sadd.s32 s0, s18;
	[sflag:s20] =	ssyncadd.s32 $0xFFFFC000  }
0x5b: {  	[tilespmem:s4], [sflag:$0x3] =	stream.linear.gather [hbm4b:s1+s4], $0x80, $0x38;
	[tilespmem:$0x1BE00] =	vst v63  }
0x5c: {  	_ =	swait.ge [sflag:s20], $0x80  }
0x5d: {  	[sflag:s20] =	ssyncset.done $0x0  }
0x5e: {  	s1 =	sadd.s32 s0, s19;
	[sflag:s20] =	ssyncadd.s32 $0xFFFFFF80  }
0x5f: {  	[tilespmem:s21], [sflag:$0x3] =	stream.linear.gather [hbm4b:s1+s4], $0x80, $0x38;
	[tilespmem:$0x1BE00] =	vst v63  }
0x60: {  	_ =	swait.ge [sflag:s20], $0x80  }
0x61: {  	[sflag:s20] =	ssyncset.done $0x0  }
0x62: {  	[sflag:s20] =	ssyncadd.s32 $0xFFFFFF80  }
0x63: {  	[tilespmem:s23], [sflag:$0x1] =	stream.indirect.gather [hbm4b:s2+s22], $0x80, s4, s22, $0xb8;
	[tilespmem:$0x1BE00] =	vst v63  }
0x64: {  	_ =	swait.ge [sflag:s28], $0x4000  }
0x65: {  	[sflag:s28] =	ssyncset.done $0x0  }
0x66: {  	[sflag:s28] =	ssyncadd.s32 $0xFFFFC000  }
0x67: {  	[spmem:s3] =	stream.indirect.scatter.add.f32 [tilespmem:s25], [sflag:$0x3], $0x80, s24, s22, $0xb8;
	[tilespmem:$0x1BE00] =	vst v63  }
0x68: {  	_ =	swait.ge [sflag:s20], $0x4000  }
0x69: {  	[sflag:s20] =	ssyncset.done $0x0  }
0x6a: {  	s1 =	sadd.s32 s0, s16;
	[sflag:s20] =	ssyncadd.s32 $0xFFFFC000  }
0x6b: {  	[tilespmem:s22], [sflag:$0x3] =	stream.linear.gather [hbm4b:s1+s4], $0x80, $0x38;
	[tilespmem:$0x1BE00] =	vst v63  }
0x6c: {  	_ =	swait.ge [sflag:s20], $0x80  }
0x6d: {  	[sflag:s20] =	ssyncset.done $0x0  }
.Ltmp0:
0x6e: {  	s0 =	sadd.s32 s0, s17;
	[sflag:s20] =	ssyncadd.s32 $0xFFFFFF80;
	(pc) =	sbr.rel @p1 .LBB2_2-.Ltmp0, $4  }
0x6f: {  	[tilespmem:s24], [sflag:$0x3] =	stream.linear.gather [hbm4b:s0+s4], $0x80, $0x38;
	[tilespmem:$0x1BE00] =	vst v63  }
0x70: {  	_ =	swait.ge [sflag:s20], $0x80  }
0x71: {  	[sflag:s20] =	ssyncset.done $0x0  }
0x72: {  	[sflag:s20] =	ssyncadd.s32 $0xFFFFFF80  }
0x73: {  	[tilespmem:s25], [sflag:$0x2] =	stream.indirect.gather [hbm4b:s2+s22], $0x80, s22, s22, $0xb8;
	[tilespmem:$0x1BE00] =	vst v63  }
0x74: {  	_ =	swait.ge [sflag:s26], $0x4000  }
0x75: {  	[sflag:s26] =	ssyncset.done $0x0  }
0x76: {  	[sflag:s26] =	ssyncadd.s32 $0xFFFFC000  }
0x77: {  	[spmem:s3] =	stream.indirect.scatter.add.f32 [tilespmem:s23], [sflag:$0x3], $0x80, s21, s22, $0xb8;
	[tilespmem:$0x1BE00] =	vst v63  }
0x78: {  	_ =	swait.ge [sflag:s20], $0x4000  }
0x79: {  	[sflag:s20] =	ssyncset.done $0x0  }
0x7a: {  	[sflag:s20] =	ssyncadd.s32 $0xFFFFC000  }
0x7b: {  	_ =	swait.ge [sflag:s28], $0x4000  }
0x7c: {  	[sflag:s28] =	ssyncset.done $0x0  }
0x7d: {  	[sflag:s28] =	ssyncadd.s32 $0xFFFFC000  }
0x7e: {  	[spmem:s3] =	stream.indirect.scatter.add.f32 [tilespmem:s25], [sflag:$0x3], $0x80, s24, s22, $0xb8;
	[tilespmem:$0x1BE00] =	vst v63  }
0x7f: {  	_ =	swait.ge [sflag:s20], $0x4000  }
0x80: {  	[sflag:s20] =	ssyncset.done $0x0  }
0x81: {  	s0 =	simm.s32 @!p0 $0x0;
	s1 =	simm.s32 @!p0 $0x3;
	[sflag:s20] =	ssyncadd.s32 $0xFFFFC000  }
0x82: {  	[tilespmem:s0], [sflag:$0x3] =	stream.linear.gather @!p0 [hbm4b:s12+s0], $0x80, $0x38;
	[tilespmem:$0x1BE00] =	vst v63  }
0x83: {  	_ =	swait.ge @!p0 [sflag:s1], $0x80  }
0x84: {  	[sflag:s1] =	ssyncset.done @!p0 $0x0  }
0x85: {  	s31 =	simm.s32 @!p0 $0x100;
	[sflag:s1] =	ssyncadd.s32 @!p0 $0xFFFFFF80  }
0x86: {  	[tilespmem:s31], [sflag:$0x3] =	stream.linear.gather @!p0 [hbm4b:s13+s0], $0x80, $0x38;
	[tilespmem:$0x1BE00] =	vst v63  }
0x87: {  	_ =	swait.ge @!p0 [sflag:s1], $0x80  }
0x88: {  	[sflag:s1] =	ssyncset.done @!p0 $0x0  }
0x89: {  	s5 =	simm.s32 @!p0 $0x80;
	s6 =	simm.s32 @!p0 $0x200;
	[sflag:s1] =	ssyncadd.s32 @!p0 $0xFFFFFF80  }
0x8a: {  	[tilespmem:s6], [sflag:$0x1] =	stream.indirect.gather @!p0 [hbm4b:s2+s5], $0x80, s0, s5, $0xb8;
	[tilespmem:$0x1BE00] =	vst v63  }
0x8b: {  	s0 =	simm.s32 @!p0 $0x1  }
0x8c: {  	_ =	swait.ge @!p0 [sflag:s0], $0x4000  }
0x8d: {  	[sflag:s0] =	ssyncset.done @!p0 $0x0  }
0x8e: {  	[sflag:s0] =	ssyncadd.s32 @!p0 $0xFFFFC000  }
0x8f: {  	[spmem:s3] =	stream.indirect.scatter.add.f32 @!p0 [tilespmem:s6], [sflag:$0x3], $0x80, s31, s5, $0xb8;
	[tilespmem:$0x1BE00] =	vst v63  }
0x90: {  	_ =	swait.ge @!p0 [sflag:s1], $0x4000  }
0x91: {  	s29 =	sadd.s32 $0x1, s29;
	[sflag:s1] =	ssyncset.done @!p0 $0x0  }
0x92: {  	p1 =	sne.s32 s29, s15;
	[sflag:s1] =	ssyncadd.s32 @!p0 $0xFFFFC000  }
.Ltmp1:
0x93: {  	[bflag:$0x0] =	sbarrier.arrive $0xFFFF;
	(pc) =	sbr.rel @p1 .LBB2_1-.Ltmp1, $4  }
0x94: {  	[hbm:s14], [sflag:s7] =	dma.local [spmem:s30], $0x2780  }
0x95: {  	_ =	swait.ge [sflag:s20], $0x2780  }
0x96: {  	[sflag:s20] =	ssyncset.done $0x0  }
0x97: {  	[sflag:s20] =	ssyncadd.s32 $0xFFFFD880  }
0x98: {  	_ =	sfence.sel $0x180000  }
0x99: {  	[bflag:$0x0] =	sbarrier.arrive $0xFFFF  }
0x9a: {  	_ =	strace $0x9000004A  }
0x9b: {  	s0 =	stileid.u32;
	[bflag:$0x2] =	sbarrier.arrive $0xFFFF  }
0x9c: {  	p0 =	sne.s32 s0, $0x0;
	s0 =	rddreg [dreg:$0x3]  }
0x9d: {  	s0 =	sadd.s32 @!p0 $0x100000, s0  }
0x9e: {  	[sflag:s0] =	ssyncadd.tile.s32 @!p0 $0x1;
	_ =	shalt  }
.Lfunc_end2:
_tile_overlayer_lowered:
.L_overlay_start_2:
0x9f: {  	(tag) =	ssettag $0x2  }
0xa0: {  	s0 =	rddreg [dreg:$0x0];
	s2 =	stileid.u32  }
0xa1: {  	s1 =	rddreg [dreg:$0x1];
	p0 =	sne.s32 s2, $0x0  }
0xa2: {  	s3 =	rddreg [dreg:$0x2];
	[bflag:$0x3] =	sbarrier.arrive $0xFFFF;
	s2 =	simm.s32 @!p0 $0x1C03  }
0xa3: {  	[timem:s3], [sflag:s2] =	dma.local @!p0 [hbm:s0], s1  }
0xa4: {  	s0 =	simm.s32 @!p0 $0x3  }
0xa5: {  	_ =	swait.ge @!p0 [sflag:s0], s1  }
0xa6: {  	s1 =	ssub.s32 @!p0 $0x0, s1;
	[sflag:s0] =	ssyncset.done @!p0 $0x0  }
0xa7: {  	[sflag:s0] =	ssyncadd.s32 @!p0 s1  }
0xa8: {  	[bflag:$0x3] =	sbarrier.arrive $0xFFFF  }
0xa9: {  	_ =	shalt  }

// kernel: kernel.17.cloned.1.call-start
scs
__scs_entry_jumppad:
0x0: {  	(pc) =	sbr.rel $0x88, $3  }
0x1: {  	(tag) =	ssettag $0x0;
	lr =	simm.s32 $0x1  }
0x2: {  	[smem:$0x3F96] =	sst lr;
	_ =	strace $0xD0000000  }
0x3: {  	_ = 	snop  }
0x4: {  	_ = 	snop  }
0x5: {  	_ = 	snop  }
0x6: {  	_ = 	snop  }
0x7: {  	_ = 	snop  }
__scs_overlays_trampoline_lowered:
0x8: {  	[smem:$0x3FA5] =	sst s0  }
0x9: {  	[smem:$0x3FA6] =	sst s1  }
0xa: {  	[smem:$0x3FA7] =	sst s2  }
0xb: {  	[smem:$0x3FA8] =	sst s3  }
0xc: {  	[smem:$0x3FA9] =	sst s4  }
0xd: {  	[smem:$0x3FAA] =	sst s5  }
0xe: {  	[smem:$0x3FAB] =	sst s6  }
0xf: {  	[smem:$0x3FAC] =	sst s7  }
0x10: {  	[smem:$0x3FAD] =	sst s8  }
0x11: {  	[smem:$0x3FAE] =	sst s9;
	s0 =	simm.s32 @!p0 $0x0  }
0x12: {  	s1 =	sld [smem:$0x3F94];
	s0 =	simm.s32 @p0 $0x1  }
0x13: {  	[smem:$0x3FAF] =	sst s0;
	s0 =	simm.s32 @!p1 $0x0  }
0x14: {  	s2 =	sld [smem:$0x3F93];
	s0 =	simm.s32 @p1 $0x1  }
0x15: {  	[smem:$0x3FB0] =	sst s0;
	s0 =	simm.s32 @!p2 $0x0  }
0x16: {  	s3 =	sld [smem:$0x3FDB];
	s0 =	simm.s32 @p2 $0x1  }
0x17: {  	s4 =	simm.s32 $0x1BF5;
	[smem:$0x3FB2] =	sst s0  }
0x18: {  	s0 =	sld [smem:$0x3F95];
	_ =	swait.ge [sflag:s4], $0x0  }
0x19: {  	s7 =	sld [smem:$0x3F96]  }
0x1a: {  	s8 =	sadd.s32 $0xFFFFE003, lr  }
0x1b: {  	s9 =	sadd.s32 $0xFFFFFEF7, lr;
	s5 =	simm.s32 $0xFFFFFFFF;
	p2 =	slt.u32 s8, $0xFFFFF086  }
0x1c: {  	p1 =	slt.u32 s9, $0xF7A;
	s5 =	simm.s32 @!p2 $0x0  }
0x1d: {  	s5 =	simm.s32 @p1 $0x1;
	p0 =	seq.s32 s7, s2  }
0x1e: {  	s7 =	smul.u32 @!p0 $0xF7A, s2;
	p2 =	seq.s32 @!p0 s5, $0x0  }
0x1f: {  	s9 =	smul.u32 $0xF7A, s1;
	s8 =	simm.s32 @!p0 $0x1BF5;
	p2 =	por !p2, p0  }
0x20: {  	[sflag:s8] =	ssyncset.s32 @!p0 $0xFFFFF086;
	s6 =	sadd.s32 @!p0 s3, s7;
	s7 =	simm.s32 @!p0 $0x108  }
0x21: {  	s3 =	sadd.s32 s3, s9;
	s6 =	sadd.s32 @!p0 $0x88, s6;
	s7 =	simm.s32 @p2 $0x1082  }
0x22: {  	[simem:s7], [sflag:s8] =	dma.local @!p0 [hbm:s6], $0xF7A  }
0x23: {  	s9 =	sor.u32 $0xD0000000, s2;
	s6 =	simm.s32 $0x108;
	_ =	swait.ge @!p0 [sflag:s8], $0x0  }
0x24: {  	s3 =	sadd.s32 $0x88, s3;
	s6 =	simm.s32 @!p1 $0x1082;
	[sflag:s4] =	ssyncset.s32 $0xFFFFF086  }
0x25: {  	[simem:s6], [sflag:s4] =	dma.local [hbm:s3], $0xF7A  }
0x26: {  	[smem:$0x3F96] =	sst s1;
	(tag) =	ssettag s2;
	_ =	strace s9  }
0x27: {  	s1 =	sld [smem:$0x3FA6]  }
0x28: {  	s2 =	sld [smem:$0x3FA7]  }
0x29: {  	s4 =	sld [smem:$0x3FA9]  }
0x2a: {  	p0 =	seq.s32 s5, $0x0;
	s5 =	sld [smem:$0x3FAA]  }
0x2b: {  	s6 =	sld [smem:$0x3FAB]  }
0x2c: {  	s7 =	sld [smem:$0x3FAC]  }
0x2d: {  	s3 =	simm.s32 $0x108;
	s8 =	sld [smem:$0x3FAD]  }
0x2e: {  	s3 =	simm.s32 @!p0 $0x1082;
	s9 =	sld [smem:$0x3FAE]  }
0x2f: {  	lr =	sadd.s32 s0, s3;
	s0 =	sld [smem:$0x3FA5]  }
0x30: {  	s3 =	sld [smem:$0x3FA8]  }
0x31: {  	[smem:$0x3FB1] =	sst s10  }
0x32: {  	s10 =	sld [smem:$0x3FAF];
	_ =	sdelay $0x3  }
0x33: {  	p0 =	seq.s32 s10, $0x1;
	s10 =	sld [smem:$0x3FB1];
	_ =	sdelay $0x3  }
0x34: {  	[smem:$0x3FB1] =	sst s10  }
0x35: {  	s10 =	sld [smem:$0x3FB0];
	_ =	sdelay $0x3  }
0x36: {  	p1 =	seq.s32 s10, $0x1;
	s10 =	sld [smem:$0x3FB1];
	_ =	sdelay $0x3  }
0x37: {  	[smem:$0x3FB1] =	sst s10  }
0x38: {  	s10 =	sld [smem:$0x3FB2]  }
0x39: {  	_ = 	snop;
	(pc) =	sbr.ind lr, $3  }
0x3a: {  	_ = 	snop  }
0x3b: {  	_ = 	snop  }
0x3c: {  	p2 =	seq.s32 s10, $0x1;
	s10 =	sld [smem:$0x3FB1]  }
0x3d: {  	_ =	shalt  }
0x3e: {  	_ =	shalt  }
0x3f: {  	_ =	shalt  }
0x40: {  	_ =	shalt  }
0x41: {  	_ =	shalt  }
0x42: {  	_ =	shalt  }
0x43: {  	_ =	shalt  }
0x44: {  	_ =	shalt  }
0x45: {  	_ =	shalt  }
0x46: {  	_ =	shalt  }
0x47: {  	_ =	shalt  }
0x48: {  	_ =	shalt  }
0x49: {  	_ =	shalt  }
0x4a: {  	_ =	shalt  }
0x4b: {  	_ =	shalt  }
0x4c: {  	_ =	shalt  }
0x4d: {  	_ =	shalt  }
0x4e: {  	_ =	shalt  }
0x4f: {  	_ =	shalt  }
0x50: {  	_ =	shalt  }
0x51: {  	_ =	shalt  }
0x52: {  	_ =	shalt  }
0x53: {  	_ =	shalt  }
0x54: {  	_ =	shalt  }
0x55: {  	_ =	shalt  }
0x56: {  	_ =	shalt  }
0x57: {  	_ =	shalt  }
0x58: {  	_ =	shalt  }
0x59: {  	_ =	shalt  }
0x5a: {  	_ =	shalt  }
0x5b: {  	_ =	shalt  }
0x5c: {  	_ =	shalt  }
0x5d: {  	_ =	shalt  }
0x5e: {  	_ =	shalt  }
0x5f: {  	_ =	shalt  }
0x60: {  	_ =	shalt  }
0x61: {  	_ =	shalt  }
0x62: {  	_ =	shalt  }
0x63: {  	_ =	shalt  }
0x64: {  	_ =	shalt  }
0x65: {  	_ =	shalt  }
0x66: {  	_ =	shalt  }
0x67: {  	_ =	shalt  }
0x68: {  	_ =	shalt  }
0x69: {  	_ =	shalt  }
0x6a: {  	_ =	shalt  }
0x6b: {  	_ =	shalt  }
0x6c: {  	_ =	shalt  }
0x6d: {  	_ =	shalt  }
0x6e: {  	_ =	shalt  }
0x6f: {  	_ =	shalt  }
0x70: {  	_ =	shalt  }
0x71: {  	_ =	shalt  }
0x72: {  	_ =	shalt  }
0x73: {  	_ =	shalt  }
0x74: {  	_ =	shalt  }
0x75: {  	_ =	shalt  }
0x76: {  	_ =	shalt  }
0x77: {  	_ =	shalt  }
0x78: {  	_ =	shalt  }
0x79: {  	_ =	shalt  }
0x7a: {  	_ =	shalt  }
0x7b: {  	_ =	shalt  }
0x7c: {  	_ =	shalt  }
0x7d: {  	_ =	shalt  }
0x7e: {  	_ =	shalt  }
0x7f: {  	_ =	shalt  }
0x80: {  	_ =	shalt  }
0x81: {  	_ =	shalt  }
0x82: {  	_ =	shalt  }
0x83: {  	_ =	shalt  }
0x84: {  	_ =	shalt  }
0x85: {  	_ =	shalt  }
0x86: {  	_ =	shalt  }
0x87: {  	_ =	shalt  }
.Lfunc_end0:
.L_simem_size_0:
called_computation.2_lowered:
.L_overlay_start_0:
0x88: {  	s2 =	sld [smem:$0x3FD9]  }
0x89: {  	s3 =	sld [smem:$0x3FFE];
	_ =	sdelay $0x1  }
0x8a: {  	s1 =	srdreg.scid  }
0x8b: {  	s0 =	sand.u32 $0x1, s1  }
0x8c: {  	s14 =	sshll.u32 s0, $0xA;
	s2 =	sadd.s32 s3, s2  }
0x8d: {  	s2 =	sadd.s32 s2, s14  }
0x8e: {  	[smem:$0x3FBD] =	sst s2  }
0x8f: {  	_ = 	snop  }
0x90: {  	s2 =	sld [smem:$0x3FD0];
	_ =	sdelay $0x2  }
0x91: {  	s15 =	simm.s32 $0xA;
	s4 =	simm.s32 $0x10  }
0x92: {  	[smem:s4], [sflag:s15] =	dma.local [hbm:s2], $0x1  }
0x93: {  	_ =	swait.eq [sflag:s15], $0x1  }
0x94: {  	[sflag:s15] =	ssyncset.done $0x0  }
0x95: {  	[sflag:s15] =	ssyncadd.s32 $0xFFFFFFFF  }
0x96: {  	s16 =	sld [smem:$0x12];
	(tm) =	ssettm $0x1  }
0x97: {  	s17 =	sld [smem:$0x3FFB];
	_ =	sdelay $0x3  }
0x98: {  	_ =	strace s17  }
0x99: {  	s3 =	sld [smem:$0x3FFC];
	_ =	sdelay $0x3  }
0x9a: {  	_ =	strace s3  }
0x9b: {  	s3 =	sld [smem:$0x3FFD];
	_ =	sdelay $0x3  }
0x9c: {  	_ =	strace s3  }
0x9d: {  	_ =	strace $0x8FFFFFFF  }
0x9e: {  	s18 =	sld [smem:$0x3FDB];
	_ =	sdelay $0x1  }
0x9f: {  	s19 =	simm.s32 $_scs_section_size  }
0xa0: {  	s5 =	simm.s32 $_size__tile_overlayer_lowered;
	s6 =	simm.s32 $_tile_overlayer_lowered  }
0xa1: {  	s22 =	simm.s32 $0x1BFF;
	s21 =	sshll.u32 s6, $0x1;
	s3 =	sadd.s32 s19, s18  }
0xa2: {  	s7 =	simm.s32 $0x0;
	s20 =	sshll.u32 s5, $0x1;
	s5 =	sadd.s32 s21, s3  }
0xa3: {  	[timem:s7], [sflag:s22] =	dma.local [hbm:s5], s20  }
0xa4: {  	_ =	swait.ge [sflag:s22], s20  }
0xa5: {  	s4 =	ssub.s32 $0x0, s20;
	[sflag:s22] =	ssyncset.done $0x0  }
0xa6: {  	[sflag:s22] =	ssyncadd.s32 s4;
	_ =	sdelay $0x1  }
0xa7: {  	s23 =	simm.s32 $0x1B8B  }
0xa8: {  	_ =	swait.ge [sflag:s23], $0x1  }
0xa9: {  	[sflag:s23] =	ssyncset.done $0x0  }
0xaa: {  	s25 =	simm.s32 $0x1B8E;
	s24 =	sld [smem:$0x3FFE];
	[sflag:s23] =	ssyncadd.s32 $0xFFFFFFFF  }
0xab: {  	s26 =	simm.s32 $execute0_lowered;
	[smem:$0x3FD2] =	sst s25  }
0xac: {  	s5 =	sshll.u32 s26, $0x1;
	_ =	strace $0x8000004C;
	[dreg:$0x1] =	wrdreg $0xFFFFFFFF  }
0xad: {  	s28 =	simm.s32 $_size_execute0_lowered;
	s3 =	sadd.s32 s3, s5;
	[dreg:$0x0] =	wrdreg $0x0  }
0xae: {  	s5 =	sshll.u32 s28, $0x1;
	[dreg:$0x2] =	wrdreg s3  }
0xaf: {  	[dreg:$0x3] =	wrdreg s5  }
0xb0: {  	[dreg:$0x4] =	wrdreg $0xC0  }
0xb1: {  	_ =	task [dreg:s7], $0x5FFFF  }
0xb2: {  	[dreg:$0x1] =	wrdreg $0xFFFFFFFF  }
0xb3: {  	[dreg:$0x0] =	wrdreg $0x60  }
0xb4: {  	[dreg:$0x2] =	wrdreg s16  }
0xb5: {  	[dreg:$0x3] =	wrdreg s24  }
0xb6: {  	[dreg:$0x4] =	wrdreg $0x82000  }
0xb7: {  	[dreg:$0x5] =	wrdreg $0x9  }
0xb8: {  	_ =	task.clear_ibuf [dreg:s7], $0x6FFFF;
	_ =	strace $0x9000004C  }
0xb9: {  	s29 =	simm.s32 $0x9;
	_ =	strace $0x8000004E  }
0xba: {  	_ =	swait.ge [sflag:s29], $0x1  }
0xbb: {  	[sflag:s29] =	ssyncadd.s32 $0xFFFFFFFF  }
0xbc: {  	_ =	strace $0x9000004E  }
0xbd: {  	_ =	sfence  }
0xbe: {  	s30 =	sld [smem:$0x0];
	_ =	sdelay $0x2  }
0xbf: {  	s31 =	sshll.u32 s1, $0xD;
	s1 =	sshrl.u32 s1, $0x2  }
0xc0: {  	s3 =	sand.u32 $0x4000, s31;
	s1 =	sadd.s32 s1, s30  }
0xc1: {  	s0 =	sor.u32 s3, s0;
	s1 =	sshll.u32 s1, $0x11  }
0xc2: {  	s0 =	sor.u32 s1, s0  }
0xc3: {  	s0 =	sadd.s32 $0x8F2B, s0  }
0xc4: {  	[sflag:s0] =	ssyncadd.remote.s32 $0x1  }
0xc5: {  	_ =	sfence.sel $0xFFFF  }
0xc6: {  	[dreg:$0x0] =	wrdreg $0xFFFFFFFF;
	(pc) =	sbr.abs _section_cstart, $3  }
0xc7: {  	[dreg:$0x1] =	wrdreg $0xFFFFFFFF  }
0xc8: {  	_ =	task.clear_ibuf [dreg:s7], $0x2FFFF;
	_ =	strace $0x9FFFFFFF  }
0xc9: {  	(tm) =	ssettm $0x7FFFFFFF  }
tec
execute0_lowered:
.L_overlay_start_1:
0x0: {  	(tag) =	ssettag $0x1  }
0x1: {  	s2 =	rddreg [dreg:$0x0]  }
0x2: {  	s5 =	rddreg [dreg:$0x1]  }
0x3: {  	s3 =	rddreg [dreg:$0x2];
	s0 =	stileid.u32  }
0x4: {  	s6 =	srdreg.scid;
	s4 =	simm.s32 $0x0;
	s28 =	simm.s32 $0x2  }
0x5: {  	s29 =	simm.s32 $0x0;
	s7 =	smul.u32 $0x13C00, s0;
	s6 =	sand.u32 $0x1, s6  }
0x6: {  	[smem:$0x7FF] =	sst s4;
	s18 =	sadd.s32 $0x2400, s5;
	s11 =	smul.u32 $0x4F000, s0  }
0x7: {  	s19 =	sadd.s32 $0xC200, s5;
	s26 =	sshll.u32 s0, $0x6;
	s13 =	smul.u32 $0x4E, s0  }
0x8: {  	s8 =	smul.u32 $0x13C000, s6;
	_ =	strace $0x8000004D;
	s17 =	ssub.s32 $0x2, s6  }
0x9: {  	s10 =	sshll.u32 s6, $0x4;
	s24 =	smul.u32 $0x4E0, s6;
	s9 =	sshrl.u32 s7, $0x3  }
0xa: {  	s20 =	sshrl.u32 s17, $0x1;
	s25 =	sor.u32 s0, s10;
	s21 =	sshrl.u32 s11, $0x2  }
0xb: {  	s7 =	sadd.s32 s7, s8;
	s16 =	sadd.s32 s9, s5;
	s15 =	ssub.s32 s17, s20  }
0xc: {  	s22 =	smul.u32 $0x4E, s25;
	s1 =	sadd.s32 s21, s3;
	s23 =	smin.u32 s25, $0x4  }
0xd: {  	s13 =	sadd.s32 s13, s24;
	s21 =	simm.s32 $0x100;
	s24 =	simm.s32 $0x180  }
0xe: {  	p0 =	sgt.u32 s25, $0x3;
	s25 =	simm.s32 $0x4200;
	s7 =	sshrl.u32 s7, $0x3  }
0xf: {  	[dreg:$0x4] =	wrdreg s1;
	s30 =	sadd.s32 $0x16000, s16;
	s13 =	sadd.s32 s23, s13  }
0x10: {  	s15 =	smax.u32 s15, $0x1;
	s14 =	sadd.s32 s7, s5;
	s12 =	sadd.s32 s23, s22  }
0x11: {  	[dreg:$0x5] =	wrdreg s30;
	s7 =	sor.u32 $0x1C03, s26;
	s20 =	sshll.u32 s13, $0x4  }
0x12: {  	s22 =	simm.s32 $0x80;
	s23 =	simm.s32 $0x200;
	s26 =	simm.s32 $0x1  }
0x13: {  	s12 =	sshll.u32 s12, $0x4;
	s17 =	sadd.s32 $0x30, s20;
	s14 =	sadd.s32 $0x3D800, s14  }
0x14: {  	s8 =	sadd.s32 s18, s12;
	s16 =	sadd.s32 $0x10, s12;
	s9 =	sadd.s32 s19, s12  }
0x15: {  	s31 =	sadd.s32 $0x4E0, s12;
	s10 =	sadd.s32 s18, s16;
	s11 =	sadd.s32 s19, s16  }
0x16: {  	s12 =	sadd.s32 s18, s31;
	s13 =	sadd.s32 s19, s31;
	s16 =	sadd.s32 s17, s18  }
0x17: {  	s17 =	sadd.s32 s17, s19;
	s18 =	sadd.s32 s20, s18;
	s19 =	sadd.s32 s20, s19  }
0x18: {  	s20 =	simm.s32 $0x3;
	s18 =	sadd.s32 $0x20, s18;
	s19 =	sadd.s32 $0x20, s19  }
.LBB2_1:
0x19: {  	s0 =	rddreg [dreg:$0x4]  }
0x1a: {  	s6 =	rddreg [dreg:$0x5];
	s30 =	sshrl.u32 s0, $0x3  }
0x1b: {  	[spmem:s30], [sflag:s7] =	dma.local [hbm:s6], $0x2780  }
0x1c: {  	_ =	swait.ge [sflag:s20], $0x2780  }
0x1d: {  	[sflag:s20] =	ssyncset.done $0x0  }
0x1e: {  	[sflag:s20] =	ssyncadd.s32 $0xFFFFD880  }
0x1f: {  	[bflag:$0x0] =	sbarrier.arrive $0xFFFF  }
0x20: {  	[tilespmem:s4], [sflag:$0x3] =	stream.linear.gather [hbm4b:s8+s4], $0x80, $0x38;
	[tilespmem:$0x1BE00] =	vst v63  }
0x21: {  	_ =	swait.ge [sflag:s20], $0x80  }
0x22: {  	[sflag:s20] =	ssyncset.done $0x0  }
0x23: {  	[sflag:s20] =	ssyncadd.s32 $0xFFFFFF80  }
0x24: {  	[tilespmem:s21], [sflag:$0x3] =	stream.linear.gather [hbm4b:s9+s4], $0x80, $0x38;
	[tilespmem:$0x1BE00] =	vst v63  }
0x25: {  	_ =	swait.ge [sflag:s20], $0x80  }
0x26: {  	[sflag:s20] =	ssyncset.done $0x0  }
0x27: {  	[sflag:s20] =	ssyncadd.s32 $0xFFFFFF80  }
0x28: {  	[tilespmem:s23], [sflag:$0x1] =	stream.indirect.gather [hbm4b:s2+s22], $0x80, s4, s22, $0xb8;
	[tilespmem:$0x1BE00] =	vst v63  }
0x29: {  	_ = 	snop  }
0x2a: {  	[tilespmem:s22], [sflag:$0x3] =	stream.linear.gather [hbm4b:s10+s4], $0x80, $0x38;
	[tilespmem:$0x1BE00] =	vst v63  }
0x2b: {  	_ =	swait.ge [sflag:s20], $0x80  }
0x2c: {  	[sflag:s20] =	ssyncset.done $0x0  }
0x2d: {  	[sflag:s20] =	ssyncadd.s32 $0xFFFFFF80  }
0x2e: {  	[tilespmem:s24], [sflag:$0x3] =	stream.linear.gather [hbm4b:s11+s4], $0x80, $0x38;
	[tilespmem:$0x1BE00] =	vst v63  }
0x2f: {  	_ =	swait.ge [sflag:s20], $0x80  }
0x30: {  	[sflag:s20] =	ssyncset.done $0x0  }
0x31: {  	[sflag:s20] =	ssyncadd.s32 $0xFFFFFF80  }
0x32: {  	[tilespmem:s25], [sflag:$0x2] =	stream.indirect.gather [hbm4b:s2+s22], $0x80, s22, s22, $0xb8;
	[tilespmem:$0x1BE00] =	vst v63  }
0x33: {  	_ =	swait.ge [sflag:s26], $0x4000  }
0x34: {  	[sflag:s26] =	ssyncset.done $0x0  }
0x35: {  	[sflag:s26] =	ssyncadd.s32 $0xFFFFC000  }
0x36: {  	[spmem:s3] =	stream.indirect.scatter.add.f32 [tilespmem:s23], [sflag:$0x3], $0x80, s21, s22, $0xb8;
	[tilespmem:$0x1BE00] =	vst v63  }
0x37: {  	_ =	swait.ge [sflag:s20], $0x4000  }
0x38: {  	[sflag:s20] =	ssyncset.done $0x0  }
0x39: {  	s31 =	sadd.s32 $0x0, s18;
	[sflag:s20] =	ssyncadd.s32 $0xFFFFC000  }
0x3a: {  	[tilespmem:s4], [sflag:$0x3] =	stream.linear.gather [hbm4b:s31+s4], $0x80, $0x38;
	[tilespmem:$0x1BE00] =	vst v63  }
0x3b: {  	_ =	swait.ge [sflag:s20], $0x80  }
0x3c: {  	[sflag:s20] =	ssyncset.done $0x0  }
0x3d: {  	s31 =	sadd.s32 $0x0, s19;
	[sflag:s20] =	ssyncadd.s32 $0xFFFFFF80  }
0x3e: {  	[tilespmem:s21], [sflag:$0x3] =	stream.linear.gather [hbm4b:s31+s4], $0x80, $0x38;
	[tilespmem:$0x1BE00] =	vst v63  }
0x3f: {  	_ =	swait.ge [sflag:s20], $0x80  }
0x40: {  	[sflag:s20] =	ssyncset.done $0x0  }
0x41: {  	[sflag:s20] =	ssyncadd.s32 $0xFFFFFF80  }
0x42: {  	[tilespmem:s23], [sflag:$0x1] =	stream.indirect.gather [hbm4b:s2+s22], $0x80, s4, s22, $0xb8;
	[tilespmem:$0x1BE00] =	vst v63  }
0x43: {  	_ =	swait.ge [sflag:s28], $0x4000  }
0x44: {  	[sflag:s28] =	ssyncset.done $0x0  }
0x45: {  	[sflag:s28] =	ssyncadd.s32 $0xFFFFC000  }
0x46: {  	[spmem:s3] =	stream.indirect.scatter.add.f32 [tilespmem:s25], [sflag:$0x3], $0x80, s24, s22, $0xb8;
	[tilespmem:$0x1BE00] =	vst v63  }
0x47: {  	_ =	swait.ge [sflag:s20], $0x4000  }
0x48: {  	[sflag:s20] =	ssyncset.done $0x0  }
0x49: {  	s31 =	sadd.s32 $0x0, s16;
	[sflag:s20] =	ssyncadd.s32 $0xFFFFC000  }
0x4a: {  	[tilespmem:s22], [sflag:$0x3] =	stream.linear.gather [hbm4b:s31+s4], $0x80, $0x38;
	[tilespmem:$0x1BE00] =	vst v63  }
0x4b: {  	_ =	swait.ge [sflag:s20], $0x80  }
0x4c: {  	[sflag:s20] =	ssyncset.done $0x0  }
0x4d: {  	s31 =	sadd.s32 $0x0, s17;
	[sflag:s20] =	ssyncadd.s32 $0xFFFFFF80  }
0x4e: {  	[tilespmem:s24], [sflag:$0x3] =	stream.linear.gather [hbm4b:s31+s4], $0x80, $0x38;
	[tilespmem:$0x1BE00] =	vst v63  }
0x4f: {  	_ =	swait.ge [sflag:s20], $0x80  }
0x50: {  	[sflag:s20] =	ssyncset.done $0x0  }
0x51: {  	s31 =	simm.s32 $0x20;
	[sflag:s20] =	ssyncadd.s32 $0xFFFFFF80  }
.LBB2_2:
0x52: {  	[tilespmem:s25], [sflag:$0x2] =	stream.indirect.gather [hbm4b:s2+s22], $0x80, s22, s22, $0xb8;
	[tilespmem:$0x1BE00] =	vst v63  }
0x53: {  	s0 =	smov.u32 s31  }
0x54: {  	p1 =	sne.s32 s31, $0x4A0;
	s31 =	sadd.s32 $0x20, s31;
	_ =	swait.ge [sflag:s26], $0x4000  }
0x55: {  	[sflag:s26] =	ssyncset.done $0x0  }
0x56: {  	[sflag:s26] =	ssyncadd.s32 $0xFFFFC000  }
0x57: {  	[spmem:s3] =	stream.indirect.scatter.add.f32 [tilespmem:s23], [sflag:$0x3], $0x80, s21, s22, $0xb8;
	[tilespmem:$0x1BE00] =	vst v63  }
0x58: {  	_ =	swait.ge [sflag:s20], $0x4000  }
0x59: {  	[sflag:s20] =	ssyncset.done $0x0  }
0x5a: {  	s1 =	sadd.s32 s0, s18;
	[sflag:s20] =	ssyncadd.s32 $0xFFFFC000  }
0x5b: {  	[tilespmem:s4], [sflag:$0x3] =	stream.linear.gather [hbm4b:s1+s4], $0x80, $0x38;
	[tilespmem:$0x1BE00] =	vst v63  }
0x5c: {  	_ =	swait.ge [sflag:s20], $0x80  }
0x5d: {  	[sflag:s20] =	ssyncset.done $0x0  }
0x5e: {  	s1 =	sadd.s32 s0, s19;
	[sflag:s20] =	ssyncadd.s32 $0xFFFFFF80  }
0x5f: {  	[tilespmem:s21], [sflag:$0x3] =	stream.linear.gather [hbm4b:s1+s4], $0x80, $0x38;
	[tilespmem:$0x1BE00] =	vst v63  }
0x60: {  	_ =	swait.ge [sflag:s20], $0x80  }
0x61: {  	[sflag:s20] =	ssyncset.done $0x0  }
0x62: {  	[sflag:s20] =	ssyncadd.s32 $0xFFFFFF80  }
0x63: {  	[tilespmem:s23], [sflag:$0x1] =	stream.indirect.gather [hbm4b:s2+s22], $0x80, s4, s22, $0xb8;
	[tilespmem:$0x1BE00] =	vst v63  }
0x64: {  	_ =	swait.ge [sflag:s28], $0x4000  }
0x65: {  	[sflag:s28] =	ssyncset.done $0x0  }
0x66: {  	[sflag:s28] =	ssyncadd.s32 $0xFFFFC000  }
0x67: {  	[spmem:s3] =	stream.indirect.scatter.add.f32 [tilespmem:s25], [sflag:$0x3], $0x80, s24, s22, $0xb8;
	[tilespmem:$0x1BE00] =	vst v63  }
0x68: {  	_ =	swait.ge [sflag:s20], $0x4000  }
0x69: {  	[sflag:s20] =	ssyncset.done $0x0  }
0x6a: {  	s1 =	sadd.s32 s0, s16;
	[sflag:s20] =	ssyncadd.s32 $0xFFFFC000  }
0x6b: {  	[tilespmem:s22], [sflag:$0x3] =	stream.linear.gather [hbm4b:s1+s4], $0x80, $0x38;
	[tilespmem:$0x1BE00] =	vst v63  }
0x6c: {  	_ =	swait.ge [sflag:s20], $0x80  }
0x6d: {  	[sflag:s20] =	ssyncset.done $0x0  }
.Ltmp0:
0x6e: {  	s0 =	sadd.s32 s0, s17;
	[sflag:s20] =	ssyncadd.s32 $0xFFFFFF80;
	(pc) =	sbr.rel @p1 .LBB2_2-.Ltmp0, $4  }
0x6f: {  	[tilespmem:s24], [sflag:$0x3] =	stream.linear.gather [hbm4b:s0+s4], $0x80, $0x38;
	[tilespmem:$0x1BE00] =	vst v63  }
0x70: {  	_ =	swait.ge [sflag:s20], $0x80  }
0x71: {  	[sflag:s20] =	ssyncset.done $0x0  }
0x72: {  	[sflag:s20] =	ssyncadd.s32 $0xFFFFFF80  }
0x73: {  	[tilespmem:s25], [sflag:$0x2] =	stream.indirect.gather [hbm4b:s2+s22], $0x80, s22, s22, $0xb8;
	[tilespmem:$0x1BE00] =	vst v63  }
0x74: {  	_ =	swait.ge [sflag:s26], $0x4000  }
0x75: {  	[sflag:s26] =	ssyncset.done $0x0  }
0x76: {  	[sflag:s26] =	ssyncadd.s32 $0xFFFFC000  }
0x77: {  	[spmem:s3] =	stream.indirect.scatter.add.f32 [tilespmem:s23], [sflag:$0x3], $0x80, s21, s22, $0xb8;
	[tilespmem:$0x1BE00] =	vst v63  }
0x78: {  	_ =	swait.ge [sflag:s20], $0x4000  }
0x79: {  	[sflag:s20] =	ssyncset.done $0x0  }
0x7a: {  	[sflag:s20] =	ssyncadd.s32 $0xFFFFC000  }
0x7b: {  	_ =	swait.ge [sflag:s28], $0x4000  }
0x7c: {  	[sflag:s28] =	ssyncset.done $0x0  }
0x7d: {  	[sflag:s28] =	ssyncadd.s32 $0xFFFFC000  }
0x7e: {  	[spmem:s3] =	stream.indirect.scatter.add.f32 [tilespmem:s25], [sflag:$0x3], $0x80, s24, s22, $0xb8;
	[tilespmem:$0x1BE00] =	vst v63  }
0x7f: {  	_ =	swait.ge [sflag:s20], $0x4000  }
0x80: {  	[sflag:s20] =	ssyncset.done $0x0  }
0x81: {  	s0 =	simm.s32 @!p0 $0x0;
	s1 =	simm.s32 @!p0 $0x3;
	[sflag:s20] =	ssyncadd.s32 $0xFFFFC000  }
0x82: {  	[tilespmem:s0], [sflag:$0x3] =	stream.linear.gather @!p0 [hbm4b:s12+s0], $0x80, $0x38;
	[tilespmem:$0x1BE00] =	vst v63  }
0x83: {  	_ =	swait.ge @!p0 [sflag:s1], $0x80  }
0x84: {  	[sflag:s1] =	ssyncset.done @!p0 $0x0  }
0x85: {  	s31 =	simm.s32 @!p0 $0x100;
	[sflag:s1] =	ssyncadd.s32 @!p0 $0xFFFFFF80  }
0x86: {  	[tilespmem:s31], [sflag:$0x3] =	stream.linear.gather @!p0 [hbm4b:s13+s0], $0x80, $0x38;
	[tilespmem:$0x1BE00] =	vst v63  }
0x87: {  	_ =	swait.ge @!p0 [sflag:s1], $0x80  }
0x88: {  	[sflag:s1] =	ssyncset.done @!p0 $0x0  }
0x89: {  	s5 =	simm.s32 @!p0 $0x80;
	s6 =	simm.s32 @!p0 $0x200;
	[sflag:s1] =	ssyncadd.s32 @!p0 $0xFFFFFF80  }
0x8a: {  	[tilespmem:s6], [sflag:$0x1] =	stream.indirect.gather @!p0 [hbm4b:s2+s5], $0x80, s0, s5, $0xb8;
	[tilespmem:$0x1BE00] =	vst v63  }
0x8b: {  	s0 =	simm.s32 @!p0 $0x1  }
0x8c: {  	_ =	swait.ge @!p0 [sflag:s0], $0x4000  }
0x8d: {  	[sflag:s0] =	ssyncset.done @!p0 $0x0  }
0x8e: {  	[sflag:s0] =	ssyncadd.s32 @!p0 $0xFFFFC000  }
0x8f: {  	[spmem:s3] =	stream.indirect.scatter.add.f32 @!p0 [tilespmem:s6], [sflag:$0x3], $0x80, s31, s5, $0xb8;
	[tilespmem:$0x1BE00] =	vst v63  }
0x90: {  	_ =	swait.ge @!p0 [sflag:s1], $0x4000  }
0x91: {  	s29 =	sadd.s32 $0x1, s29;
	[sflag:s1] =	ssyncset.done @!p0 $0x0  }
0x92: {  	p1 =	sne.s32 s29, s15;
	[sflag:s1] =	ssyncadd.s32 @!p0 $0xFFFFC000  }
.Ltmp1:
0x93: {  	[bflag:$0x0] =	sbarrier.arrive $0xFFFF;
	(pc) =	sbr.rel @p1 .LBB2_1-.Ltmp1, $4  }
0x94: {  	[hbm:s14], [sflag:s7] =	dma.local [spmem:s30], $0x2780  }
0x95: {  	_ =	swait.ge [sflag:s20], $0x2780  }
0x96: {  	[sflag:s20] =	ssyncset.done $0x0  }
0x97: {  	[sflag:s20] =	ssyncadd.s32 $0xFFFFD880  }
0x98: {  	_ =	sfence.sel $0x180000  }
0x99: {  	[bflag:$0x0] =	sbarrier.arrive $0xFFFF  }
0x9a: {  	_ =	strace $0x9000004D  }
0x9b: {  	s0 =	stileid.u32;
	[bflag:$0x2] =	sbarrier.arrive $0xFFFF  }
0x9c: {  	p0 =	sne.s32 s0, $0x0;
	s0 =	rddreg [dreg:$0x3]  }
0x9d: {  	s0 =	sadd.s32 @!p0 $0x100000, s0  }
0x9e: {  	[sflag:s0] =	ssyncadd.tile.s32 @!p0 $0x1;
	_ =	shalt  }
.Lfunc_end2:
_tile_overlayer_lowered:
.L_overlay_start_2:
0x9f: {  	(tag) =	ssettag $0x2  }
0xa0: {  	s0 =	rddreg [dreg:$0x0];
	s2 =	stileid.u32  }
0xa1: {  	s1 =	rddreg [dreg:$0x1];
	p0 =	sne.s32 s2, $0x0  }
0xa2: {  	s3 =	rddreg [dreg:$0x2];
	[bflag:$0x3] =	sbarrier.arrive $0xFFFF;
	s2 =	simm.s32 @!p0 $0x1C03  }
0xa3: {  	[timem:s3], [sflag:s2] =	dma.local @!p0 [hbm:s0], s1  }
0xa4: {  	s0 =	simm.s32 @!p0 $0x3  }
0xa5: {  	_ =	swait.ge @!p0 [sflag:s0], s1  }
0xa6: {  	s1 =	ssub.s32 @!p0 $0x0, s1;
	[sflag:s0] =	ssyncset.done @!p0 $0x0  }
0xa7: {  	[sflag:s0] =	ssyncadd.s32 @!p0 s1  }
0xa8: {  	[bflag:$0x3] =	sbarrier.arrive $0xFFFF  }
0xa9: {  	_ =	shalt  }

// kernel: kernel.20.cloned.1.call-start
scs
__scs_entry_jumppad:
0x0: {  	(pc) =	sbr.rel $0x88, $3  }
0x1: {  	(tag) =	ssettag $0x0;
	lr =	simm.s32 $0x1  }
0x2: {  	[smem:$0x3F96] =	sst lr;
	_ =	strace $0xD0000000  }
0x3: {  	_ = 	snop  }
0x4: {  	_ = 	snop  }
0x5: {  	_ = 	snop  }
0x6: {  	_ = 	snop  }
0x7: {  	_ = 	snop  }
__scs_overlays_trampoline_lowered:
0x8: {  	[smem:$0x3FA5] =	sst s0  }
0x9: {  	[smem:$0x3FA6] =	sst s1  }
0xa: {  	[smem:$0x3FA7] =	sst s2  }
0xb: {  	[smem:$0x3FA8] =	sst s3  }
0xc: {  	[smem:$0x3FA9] =	sst s4  }
0xd: {  	[smem:$0x3FAA] =	sst s5  }
0xe: {  	[smem:$0x3FAB] =	sst s6  }
0xf: {  	[smem:$0x3FAC] =	sst s7  }
0x10: {  	[smem:$0x3FAD] =	sst s8  }
0x11: {  	[smem:$0x3FAE] =	sst s9;
	s0 =	simm.s32 @!p0 $0x0  }
0x12: {  	s1 =	sld [smem:$0x3F94];
	s0 =	simm.s32 @p0 $0x1  }
0x13: {  	[smem:$0x3FAF] =	sst s0;
	s0 =	simm.s32 @!p1 $0x0  }
0x14: {  	s2 =	sld [smem:$0x3F93];
	s0 =	simm.s32 @p1 $0x1  }
0x15: {  	[smem:$0x3FB0] =	sst s0;
	s0 =	simm.s32 @!p2 $0x0  }
0x16: {  	s3 =	sld [smem:$0x3FDB];
	s0 =	simm.s32 @p2 $0x1  }
0x17: {  	s4 =	simm.s32 $0x1BF5;
	[smem:$0x3FB2] =	sst s0  }
0x18: {  	s0 =	sld [smem:$0x3F95];
	_ =	swait.ge [sflag:s4], $0x0  }
0x19: {  	s7 =	sld [smem:$0x3F96]  }
0x1a: {  	s8 =	sadd.s32 $0xFFFFE003, lr  }
0x1b: {  	s9 =	sadd.s32 $0xFFFFFEF7, lr;
	s5 =	simm.s32 $0xFFFFFFFF;
	p2 =	slt.u32 s8, $0xFFFFF086  }
0x1c: {  	p1 =	slt.u32 s9, $0xF7A;
	s5 =	simm.s32 @!p2 $0x0  }
0x1d: {  	s5 =	simm.s32 @p1 $0x1;
	p0 =	seq.s32 s7, s2  }
0x1e: {  	s7 =	smul.u32 @!p0 $0xF7A, s2;
	p2 =	seq.s32 @!p0 s5, $0x0  }
0x1f: {  	s9 =	smul.u32 $0xF7A, s1;
	s8 =	simm.s32 @!p0 $0x1BF5;
	p2 =	por !p2, p0  }
0x20: {  	[sflag:s8] =	ssyncset.s32 @!p0 $0xFFFFF086;
	s6 =	sadd.s32 @!p0 s3, s7;
	s7 =	simm.s32 @!p0 $0x108  }
0x21: {  	s3 =	sadd.s32 s3, s9;
	s6 =	sadd.s32 @!p0 $0x88, s6;
	s7 =	simm.s32 @p2 $0x1082  }
0x22: {  	[simem:s7], [sflag:s8] =	dma.local @!p0 [hbm:s6], $0xF7A  }
0x23: {  	s9 =	sor.u32 $0xD0000000, s2;
	s6 =	simm.s32 $0x108;
	_ =	swait.ge @!p0 [sflag:s8], $0x0  }
0x24: {  	s3 =	sadd.s32 $0x88, s3;
	s6 =	simm.s32 @!p1 $0x1082;
	[sflag:s4] =	ssyncset.s32 $0xFFFFF086  }
0x25: {  	[simem:s6], [sflag:s4] =	dma.local [hbm:s3], $0xF7A  }
0x26: {  	[smem:$0x3F96] =	sst s1;
	(tag) =	ssettag s2;
	_ =	strace s9  }
0x27: {  	s1 =	sld [smem:$0x3FA6]  }
0x28: {  	s2 =	sld [smem:$0x3FA7]  }
0x29: {  	s4 =	sld [smem:$0x3FA9]  }
0x2a: {  	p0 =	seq.s32 s5, $0x0;
	s5 =	sld [smem:$0x3FAA]  }
0x2b: {  	s6 =	sld [smem:$0x3FAB]  }
0x2c: {  	s7 =	sld [smem:$0x3FAC]  }
0x2d: {  	s3 =	simm.s32 $0x108;
	s8 =	sld [smem:$0x3FAD]  }
0x2e: {  	s3 =	simm.s32 @!p0 $0x1082;
	s9 =	sld [smem:$0x3FAE]  }
0x2f: {  	lr =	sadd.s32 s0, s3;
	s0 =	sld [smem:$0x3FA5]  }
0x30: {  	s3 =	sld [smem:$0x3FA8]  }
0x31: {  	[smem:$0x3FB1] =	sst s10  }
0x32: {  	s10 =	sld [smem:$0x3FAF];
	_ =	sdelay $0x3  }
0x33: {  	p0 =	seq.s32 s10, $0x1;
	s10 =	sld [smem:$0x3FB1];
	_ =	sdelay $0x3  }
0x34: {  	[smem:$0x3FB1] =	sst s10  }
0x35: {  	s10 =	sld [smem:$0x3FB0];
	_ =	sdelay $0x3  }
0x36: {  	p1 =	seq.s32 s10, $0x1;
	s10 =	sld [smem:$0x3FB1];
	_ =	sdelay $0x3  }
0x37: {  	[smem:$0x3FB1] =	sst s10  }
0x38: {  	s10 =	sld [smem:$0x3FB2]  }
0x39: {  	_ = 	snop;
	(pc) =	sbr.ind lr, $3  }
0x3a: {  	_ = 	snop  }
0x3b: {  	_ = 	snop  }
0x3c: {  	p2 =	seq.s32 s10, $0x1;
	s10 =	sld [smem:$0x3FB1]  }
0x3d: {  	_ =	shalt  }
0x3e: {  	_ =	shalt  }
0x3f: {  	_ =	shalt  }
0x40: {  	_ =	shalt  }
0x41: {  	_ =	shalt  }
0x42: {  	_ =	shalt  }
0x43: {  	_ =	shalt  }
0x44: {  	_ =	shalt  }
0x45: {  	_ =	shalt  }
0x46: {  	_ =	shalt  }
0x47: {  	_ =	shalt  }
0x48: {  	_ =	shalt  }
0x49: {  	_ =	shalt  }
0x4a: {  	_ =	shalt  }
0x4b: {  	_ =	shalt  }
0x4c: {  	_ =	shalt  }
0x4d: {  	_ =	shalt  }
0x4e: {  	_ =	shalt  }
0x4f: {  	_ =	shalt  }
0x50: {  	_ =	shalt  }
0x51: {  	_ =	shalt  }
0x52: {  	_ =	shalt  }
0x53: {  	_ =	shalt  }
0x54: {  	_ =	shalt  }
0x55: {  	_ =	shalt  }
0x56: {  	_ =	shalt  }
0x57: {  	_ =	shalt  }
0x58: {  	_ =	shalt  }
0x59: {  	_ =	shalt  }
0x5a: {  	_ =	shalt  }
0x5b: {  	_ =	shalt  }
0x5c: {  	_ =	shalt  }
0x5d: {  	_ =	shalt  }
0x5e: {  	_ =	shalt  }
0x5f: {  	_ =	shalt  }
0x60: {  	_ =	shalt  }
0x61: {  	_ =	shalt  }
0x62: {  	_ =	shalt  }
0x63: {  	_ =	shalt  }
0x64: {  	_ =	shalt  }
0x65: {  	_ =	shalt  }
0x66: {  	_ =	shalt  }
0x67: {  	_ =	shalt  }
0x68: {  	_ =	shalt  }
0x69: {  	_ =	shalt  }
0x6a: {  	_ =	shalt  }
0x6b: {  	_ =	shalt  }
0x6c: {  	_ =	shalt  }
0x6d: {  	_ =	shalt  }
0x6e: {  	_ =	shalt  }
0x6f: {  	_ =	shalt  }
0x70: {  	_ =	shalt  }
0x71: {  	_ =	shalt  }
0x72: {  	_ =	shalt  }
0x73: {  	_ =	shalt  }
0x74: {  	_ =	shalt  }
0x75: {  	_ =	shalt  }
0x76: {  	_ =	shalt  }
0x77: {  	_ =	shalt  }
0x78: {  	_ =	shalt  }
0x79: {  	_ =	shalt  }
0x7a: {  	_ =	shalt  }
0x7b: {  	_ =	shalt  }
0x7c: {  	_ =	shalt  }
0x7d: {  	_ =	shalt  }
0x7e: {  	_ =	shalt  }
0x7f: {  	_ =	shalt  }
0x80: {  	_ =	shalt  }
0x81: {  	_ =	shalt  }
0x82: {  	_ =	shalt  }
0x83: {  	_ =	shalt  }
0x84: {  	_ =	shalt  }
0x85: {  	_ =	shalt  }
0x86: {  	_ =	shalt  }
0x87: {  	_ =	shalt  }
.Lfunc_end0:
.L_simem_size_0:
called_computation.3_lowered:
.L_overlay_start_0:
0x88: {  	s2 =	sld [smem:$0x3FD9]  }
0x89: {  	s3 =	sld [smem:$0x3FFE];
	_ =	sdelay $0x1  }
0x8a: {  	s1 =	srdreg.scid  }
0x8b: {  	s0 =	sand.u32 $0x1, s1  }
0x8c: {  	s14 =	sshll.u32 s0, $0xA;
	s2 =	sadd.s32 s3, s2  }
0x8d: {  	s2 =	sadd.s32 s2, s14  }
0x8e: {  	[smem:$0x3FBD] =	sst s2  }
0x8f: {  	_ = 	snop  }
0x90: {  	s2 =	sld [smem:$0x3FD0];
	_ =	sdelay $0x2  }
0x91: {  	s15 =	simm.s32 $0xA;
	s4 =	simm.s32 $0x10  }
0x92: {  	[smem:s4], [sflag:s15] =	dma.local [hbm:s2], $0x1  }
0x93: {  	_ =	swait.eq [sflag:s15], $0x1  }
0x94: {  	[sflag:s15] =	ssyncset.done $0x0  }
0x95: {  	s16 =	sld [smem:$0x10];
	[sflag:s15] =	ssyncadd.s32 $0xFFFFFFFF  }
0x96: {  	s17 =	sld [smem:$0x12];
	(tm) =	ssettm $0x1  }
0x97: {  	s18 =	sld [smem:$0x3FFB];
	_ =	sdelay $0x3  }
0x98: {  	_ =	strace s18  }
0x99: {  	s4 =	sld [smem:$0x3FFC];
	_ =	sdelay $0x3  }
0x9a: {  	_ =	strace s4  }
0x9b: {  	s4 =	sld [smem:$0x3FFD];
	_ =	sdelay $0x3  }
0x9c: {  	_ =	strace s4  }
0x9d: {  	_ =	strace $0x8FFFFFFF  }
0x9e: {  	s19 =	sld [smem:$0x3FDB];
	_ =	sdelay $0x1  }
0x9f: {  	s5 =	simm.s32 $_scs_section_size  }
0xa0: {  	s6 =	simm.s32 $_size__tile_overlayer_lowered;
	s7 =	simm.s32 $_tile_overlayer_lowered  }
0xa1: {  	s22 =	simm.s32 $0x1BFF;
	s21 =	sshll.u32 s7, $0x1;
	s4 =	sadd.s32 s5, s19  }
0xa2: {  	s8 =	simm.s32 $0x0;
	s20 =	sshll.u32 s6, $0x1;
	s6 =	sadd.s32 s21, s4  }
0xa3: {  	[timem:s8], [sflag:s22] =	dma.local [hbm:s6], s20  }
0xa4: {  	_ =	swait.ge [sflag:s22], s20  }
0xa5: {  	s5 =	ssub.s32 $0x0, s20;
	[sflag:s22] =	ssyncset.done $0x0  }
0xa6: {  	[sflag:s22] =	ssyncadd.s32 s5;
	_ =	sdelay $0x1  }
0xa7: {  	s23 =	simm.s32 $0x1B8B  }
0xa8: {  	_ =	swait.ge [sflag:s23], $0x1  }
0xa9: {  	[sflag:s23] =	ssyncset.done $0x0  }
0xaa: {  	s25 =	simm.s32 $0x1B8E;
	s24 =	sld [smem:$0x3FFE];
	[sflag:s23] =	ssyncadd.s32 $0xFFFFFFFF  }
0xab: {  	s26 =	simm.s32 $execute0_lowered;
	[smem:$0x3FD2] =	sst s25  }
0xac: {  	s6 =	sshll.u32 s26, $0x1;
	_ =	strace $0x8000004F;
	[dreg:$0x1] =	wrdreg $0xFFFFFFFF  }
0xad: {  	s28 =	simm.s32 $_size_execute0_lowered;
	s4 =	sadd.s32 s4, s6;
	[dreg:$0x0] =	wrdreg $0x0  }
0xae: {  	s6 =	sshll.u32 s28, $0x1;
	[dreg:$0x2] =	wrdreg s4  }
0xaf: {  	[dreg:$0x3] =	wrdreg s6  }
0xb0: {  	[dreg:$0x4] =	wrdreg $0xC0  }
0xb1: {  	_ =	task [dreg:s8], $0x5FFFF  }
0xb2: {  	[dreg:$0x1] =	wrdreg $0xFFFFFFFF  }
0xb3: {  	[dreg:$0x0] =	wrdreg $0x60  }
0xb4: {  	[dreg:$0x2] =	wrdreg s17  }
0xb5: {  	[dreg:$0x3] =	wrdreg s24  }
0xb6: {  	[dreg:$0x4] =	wrdreg s16  }
0xb7: {  	[dreg:$0x5] =	wrdreg $0x9  }
0xb8: {  	_ =	task.clear_ibuf [dreg:s8], $0x6FFFF;
	_ =	strace $0x9000004F  }
0xb9: {  	s29 =	simm.s32 $0x9;
	_ =	strace $0x80000051  }
0xba: {  	_ =	swait.ge [sflag:s29], $0x1  }
0xbb: {  	[sflag:s29] =	ssyncadd.s32 $0xFFFFFFFF  }
0xbc: {  	_ =	strace $0x90000051  }
0xbd: {  	_ =	sfence  }
0xbe: {  	s30 =	sld [smem:$0x0];
	_ =	sdelay $0x2  }
0xbf: {  	s31 =	sshll.u32 s1, $0xD;
	s1 =	sshrl.u32 s1, $0x2  }
0xc0: {  	s3 =	sand.u32 $0x4000, s31;
	s1 =	sadd.s32 s1, s30  }
0xc1: {  	s0 =	sor.u32 s3, s0;
	s1 =	sshll.u32 s1, $0x11  }
0xc2: {  	s0 =	sor.u32 s1, s0  }
0xc3: {  	s0 =	sadd.s32 $0x8F2B, s0  }
0xc4: {  	[sflag:s0] =	ssyncadd.remote.s32 $0x1  }
0xc5: {  	_ =	sfence.sel $0xFFFF  }
0xc6: {  	[dreg:$0x0] =	wrdreg $0xFFFFFFFF;
	(pc) =	sbr.abs _section_cstart, $3  }
0xc7: {  	[dreg:$0x1] =	wrdreg $0xFFFFFFFF  }
0xc8: {  	_ =	task.clear_ibuf [dreg:s8], $0x2FFFF;
	_ =	strace $0x9FFFFFFF  }
0xc9: {  	(tm) =	ssettm $0x7FFFFFFF  }
tec
execute0_lowered:
.L_overlay_start_1:
0x0: {  	(tag) =	ssettag $0x1  }
0x1: {  	s2 =	rddreg [dreg:$0x0]  }
0x2: {  	s21 =	rddreg [dreg:$0x1];
	s1 =	srdreg.scid  }
0x3: {  	s0 =	rddreg [dreg:$0x2];
	s20 =	sand.u32 $0x1, s1  }
0x4: {  	s3 =	simm.s32 $0x0;
	s25 =	stileid.u32;
	s4 =	sshll.u32 s20, $0x4  }
0x5: {  	[smem:$0x7FF] =	sst s3;
	s23 =	sadd.s32 $0x8C800, s21;
	s24 =	sor.u32 s25, s4  }
0x6: {  	s17 =	sadd.s32 $0x2400, s21;
	s1 =	sadd.s32 $0x8D200, s21;
	s4 =	sshll.u32 s24, $0x4  }
0x7: {  	_ =	strace $0x80000050;
	[dreg:$0x14] =	wrdreg s1;
	s5 =	sadd.s32 s23, s4  }
0x8: {  	s26 =	sshll.u32 s24, $0xB;
	s4 =	sadd.s32 s0, s4;
	[dreg:$0x4] =	wrdreg s5  }
0x9: {  	s6 =	sor.u32 $0x20, s24;
	s7 =	sadd.s32 s17, s26;
	[dreg:$0x5] =	wrdreg s4  }
0xa: {  	s8 =	sadd.s32 s1, s26;
	s9 =	sshll.u32 s6, $0x4;
	[dreg:$0x6] =	wrdreg s7  }
0xb: {  	[dreg:$0x7] =	wrdreg s8;
	s10 =	sadd.s32 s23, s9  }
0xc: {  	s12 =	sshll.u32 s6, $0xB;
	s11 =	sadd.s32 s0, s9;
	[dreg:$0x8] =	wrdreg s10  }
0xd: {  	s14 =	sor.u32 $0x40, s24;
	s13 =	sadd.s32 s17, s12;
	[dreg:$0x9] =	wrdreg s11  }
0xe: {  	s16 =	sshll.u32 s14, $0x4;
	s15 =	sadd.s32 s1, s12;
	[dreg:$0xa] =	wrdreg s13  }
0xf: {  	s18 =	sadd.s32 s23, s16;
	[dreg:$0xb] =	wrdreg s15  }
0x10: {  	s22 =	sshll.u32 s14, $0xB;
	s19 =	sadd.s32 s0, s16;
	[dreg:$0xc] =	wrdreg s18  }
0x11: {  	s25 =	sadd.s32 s17, s22;
	[dreg:$0xd] =	wrdreg s19  }
0x12: {  	s26 =	sor.u32 $0x60, s24;
	s5 =	sadd.s32 s1, s22;
	[dreg:$0xe] =	wrdreg s25  }
0x13: {  	s7 =	sshll.u32 s26, $0x4;
	[dreg:$0xf] =	wrdreg s5  }
0x14: {  	s8 =	sadd.s32 s23, s7;
	s12 =	rddreg [dreg:$0x4]  }
0x15: {  	s9 =	sadd.s32 s0, s7;
	s10 =	sshll.u32 s26, $0xB;
	[dreg:$0x10] =	wrdreg s8  }
0x16: {  	[dreg:$0x11] =	wrdreg s9;
	s11 =	sadd.s32 s17, s10  }
0x17: {  	[tilespmem:s3], [sflag:$0x3] =	stream.linear.gather [hbm4b:s12+s3], $0x80, $0x38;
	[tilespmem:$0x8100] =	vst v63  }
0x18: {  	s4 =	sadd.s32 s1, s10;
	[dreg:$0x12] =	wrdreg s11  }
0x19: {  	[dreg:$0x13] =	wrdreg s4;
	s4 =	simm.s32 $0x3  }
0x1a: {  	_ =	swait.ge [sflag:s4], $0x80  }
0x1b: {  	[sflag:s4] =	ssyncset.done $0x0  }
0x1c: {  	s5 =	simm.s32 $0x80;
	s13 =	rddreg [dreg:$0x5];
	[sflag:s4] =	ssyncadd.s32 $0xFFFFFF80  }
0x1d: {  	[tilespmem:s5], [sflag:$0x3] =	stream.linear.gather [hbm4b:s13+s3], $0x80, $0x38;
	[tilespmem:$0x8100] =	vst v63  }
0x1e: {  	_ =	swait.ge [sflag:s4], $0x80  }
0x1f: {  	[sflag:s4] =	ssyncset.done $0x0  }
0x20: {  	s6 =	simm.s32 $0x100;
	s7 =	simm.s32 $0x1;
	[sflag:s4] =	ssyncadd.s32 $0xFFFFFF80  }
0x21: {  	[tilespmem:s6], [sflag:$0x1] =	stream.indirect.gather [hbm4b:s2+s5], $0x80, s3, s5, $0xb8;
	[tilespmem:$0x8100] =	vst v63  }
0x22: {  	_ =	swait.ge [sflag:s7], $0x4000  }
0x23: {  	[sflag:s7] =	ssyncset.done $0x0  }
0x24: {  	s8 =	simm.s32 $0x4100;
	s9 =	simm.s32 $0x2;
	[sflag:s7] =	ssyncadd.s32 $0xFFFFC000  }
0x25: {  	[tilespmem:s8], [sflag:$0x2] =	stream.indirect.gather [hbm4b:s2+s5], $0x80, s5, s5, $0xb8;
	[tilespmem:$0x8100] =	vst v63  }
0x26: {  	_ =	swait.ge [sflag:s9], $0x4000  }
0x27: {  	[sflag:s9] =	ssyncset.done $0x0  }
0x28: {  	s10 =	rddreg [dreg:$0x6];
	[sflag:s9] =	ssyncadd.s32 $0xFFFFC000  }
0x29: {  	[hbm4b:s10+s3] =	stream.linear.scatter [tilespmem:s6], [sflag:$0x3], $0x4000, $0x38;
	[tilespmem:$0x8100] =	vst v63  }
0x2a: {  	_ =	swait.ge [sflag:s4], $0x4000  }
0x2b: {  	[sflag:s4] =	ssyncset.done $0x0  }
0x2c: {  	s14 =	rddreg [dreg:$0x7];
	[sflag:s4] =	ssyncadd.s32 $0xFFFFC000  }
0x2d: {  	[hbm4b:s14+s3] =	stream.linear.scatter [tilespmem:s8], [sflag:$0x3], $0x4000, $0x38;
	[tilespmem:$0x8100] =	vst v63  }
0x2e: {  	_ =	swait.ge [sflag:s4], $0x4000  }
0x2f: {  	[sflag:s4] =	ssyncset.done $0x0  }
0x30: {  	s15 =	rddreg [dreg:$0x8];
	[sflag:s4] =	ssyncadd.s32 $0xFFFFC000  }
0x31: {  	[tilespmem:s3], [sflag:$0x3] =	stream.linear.gather [hbm4b:s15+s3], $0x80, $0x38;
	[tilespmem:$0x8100] =	vst v63  }
0x32: {  	_ =	swait.ge [sflag:s4], $0x80  }
0x33: {  	[sflag:s4] =	ssyncset.done $0x0  }
0x34: {  	s16 =	rddreg [dreg:$0x9];
	[sflag:s4] =	ssyncadd.s32 $0xFFFFFF80  }
0x35: {  	[tilespmem:s5], [sflag:$0x3] =	stream.linear.gather [hbm4b:s16+s3], $0x80, $0x38;
	[tilespmem:$0x8100] =	vst v63  }
0x36: {  	_ =	swait.ge [sflag:s4], $0x80  }
0x37: {  	[sflag:s4] =	ssyncset.done $0x0  }
0x38: {  	[sflag:s4] =	ssyncadd.s32 $0xFFFFFF80  }
0x39: {  	[tilespmem:s6], [sflag:$0x1] =	stream.indirect.gather [hbm4b:s2+s5], $0x80, s3, s5, $0xb8;
	[tilespmem:$0x8100] =	vst v63  }
0x3a: {  	_ =	swait.ge [sflag:s7], $0x4000  }
0x3b: {  	[sflag:s7] =	ssyncset.done $0x0  }
0x3c: {  	[sflag:s7] =	ssyncadd.s32 $0xFFFFC000  }
0x3d: {  	[tilespmem:s8], [sflag:$0x2] =	stream.indirect.gather [hbm4b:s2+s5], $0x80, s5, s5, $0xb8;
	[tilespmem:$0x8100] =	vst v63  }
0x3e: {  	_ =	swait.ge [sflag:s9], $0x4000  }
0x3f: {  	[sflag:s9] =	ssyncset.done $0x0  }
0x40: {  	s18 =	rddreg [dreg:$0xa];
	[sflag:s9] =	ssyncadd.s32 $0xFFFFC000  }
0x41: {  	[hbm4b:s18+s3] =	stream.linear.scatter [tilespmem:s6], [sflag:$0x3], $0x4000, $0x38;
	[tilespmem:$0x8100] =	vst v63  }
0x42: {  	_ =	swait.ge [sflag:s4], $0x4000  }
0x43: {  	[sflag:s4] =	ssyncset.done $0x0  }
0x44: {  	s19 =	rddreg [dreg:$0xb];
	[sflag:s4] =	ssyncadd.s32 $0xFFFFC000  }
0x45: {  	[hbm4b:s19+s3] =	stream.linear.scatter [tilespmem:s8], [sflag:$0x3], $0x4000, $0x38;
	[tilespmem:$0x8100] =	vst v63  }
0x46: {  	_ =	swait.ge [sflag:s4], $0x4000  }
0x47: {  	[sflag:s4] =	ssyncset.done $0x0  }
0x48: {  	s22 =	rddreg [dreg:$0xc];
	[sflag:s4] =	ssyncadd.s32 $0xFFFFC000  }
0x49: {  	[tilespmem:s3], [sflag:$0x3] =	stream.linear.gather [hbm4b:s22+s3], $0x80, $0x38;
	[tilespmem:$0x8100] =	vst v63  }
0x4a: {  	_ =	swait.ge [sflag:s4], $0x80  }
0x4b: {  	[sflag:s4] =	ssyncset.done $0x0  }
0x4c: {  	s25 =	rddreg [dreg:$0xd];
	[sflag:s4] =	ssyncadd.s32 $0xFFFFFF80  }
0x4d: {  	[tilespmem:s5], [sflag:$0x3] =	stream.linear.gather [hbm4b:s25+s3], $0x80, $0x38;
	[tilespmem:$0x8100] =	vst v63  }
0x4e: {  	_ =	swait.ge [sflag:s4], $0x80  }
0x4f: {  	[sflag:s4] =	ssyncset.done $0x0  }
0x50: {  	[sflag:s4] =	ssyncadd.s32 $0xFFFFFF80  }
0x51: {  	[tilespmem:s6], [sflag:$0x1] =	stream.indirect.gather [hbm4b:s2+s5], $0x80, s3, s5, $0xb8;
	[tilespmem:$0x8100] =	vst v63  }
0x52: {  	_ =	swait.ge [sflag:s7], $0x4000  }
0x53: {  	[sflag:s7] =	ssyncset.done $0x0  }
0x54: {  	[sflag:s7] =	ssyncadd.s32 $0xFFFFC000  }
0x55: {  	[tilespmem:s8], [sflag:$0x2] =	stream.indirect.gather [hbm4b:s2+s5], $0x80, s5, s5, $0xb8;
	[tilespmem:$0x8100] =	vst v63  }
0x56: {  	_ =	swait.ge [sflag:s9], $0x4000  }
0x57: {  	[sflag:s9] =	ssyncset.done $0x0  }
0x58: {  	s26 =	rddreg [dreg:$0xe];
	[sflag:s9] =	ssyncadd.s32 $0xFFFFC000  }
0x59: {  	[hbm4b:s26+s3] =	stream.linear.scatter [tilespmem:s6], [sflag:$0x3], $0x4000, $0x38;
	[tilespmem:$0x8100] =	vst v63  }
0x5a: {  	_ =	swait.ge [sflag:s4], $0x4000  }
0x5b: {  	[sflag:s4] =	ssyncset.done $0x0  }
0x5c: {  	s1 =	rddreg [dreg:$0xf];
	[sflag:s4] =	ssyncadd.s32 $0xFFFFC000  }
0x5d: {  	[hbm4b:s1+s3] =	stream.linear.scatter [tilespmem:s8], [sflag:$0x3], $0x4000, $0x38;
	[tilespmem:$0x8100] =	vst v63  }
0x5e: {  	_ =	swait.ge [sflag:s4], $0x4000  }
0x5f: {  	[sflag:s4] =	ssyncset.done $0x0  }
0x60: {  	s11 =	rddreg [dreg:$0x10];
	[sflag:s4] =	ssyncadd.s32 $0xFFFFC000  }
0x61: {  	[tilespmem:s3], [sflag:$0x3] =	stream.linear.gather [hbm4b:s11+s3], $0x80, $0x38;
	[tilespmem:$0x8100] =	vst v63  }
0x62: {  	_ =	swait.ge [sflag:s4], $0x80  }
0x63: {  	[sflag:s4] =	ssyncset.done $0x0  }
0x64: {  	s12 =	rddreg [dreg:$0x11];
	[sflag:s4] =	ssyncadd.s32 $0xFFFFFF80  }
0x65: {  	[tilespmem:s5], [sflag:$0x3] =	stream.linear.gather [hbm4b:s12+s3], $0x80, $0x38;
	[tilespmem:$0x8100] =	vst v63  }
0x66: {  	_ =	swait.ge [sflag:s4], $0x80  }
0x67: {  	[sflag:s4] =	ssyncset.done $0x0  }
0x68: {  	[sflag:s4] =	ssyncadd.s32 $0xFFFFFF80  }
0x69: {  	[tilespmem:s6], [sflag:$0x1] =	stream.indirect.gather [hbm4b:s2+s5], $0x80, s3, s5, $0xb8;
	[tilespmem:$0x8100] =	vst v63  }
0x6a: {  	_ =	swait.ge [sflag:s7], $0x4000  }
0x6b: {  	[sflag:s7] =	ssyncset.done $0x0  }
0x6c: {  	[sflag:s7] =	ssyncadd.s32 $0xFFFFC000  }
0x6d: {  	[tilespmem:s8], [sflag:$0x2] =	stream.indirect.gather [hbm4b:s2+s5], $0x80, s5, s5, $0xb8;
	[tilespmem:$0x8100] =	vst v63  }
0x6e: {  	_ =	swait.ge [sflag:s9], $0x4000  }
0x6f: {  	[sflag:s9] =	ssyncset.done $0x0  }
0x70: {  	s13 =	rddreg [dreg:$0x12];
	[sflag:s9] =	ssyncadd.s32 $0xFFFFC000  }
0x71: {  	[hbm4b:s13+s3] =	stream.linear.scatter [tilespmem:s6], [sflag:$0x3], $0x4000, $0x38;
	[tilespmem:$0x8100] =	vst v63  }
0x72: {  	_ =	swait.ge [sflag:s4], $0x4000  }
0x73: {  	[sflag:s4] =	ssyncset.done $0x0  }
0x74: {  	p0 =	sgt.u32 s24, $0x1B;
	s14 =	rddreg [dreg:$0x13];
	[sflag:s4] =	ssyncadd.s32 $0xFFFFC000  }
0x75: {  	[hbm4b:s14+s3] =	stream.linear.scatter [tilespmem:s8], [sflag:$0x3], $0x4000, $0x38;
	[tilespmem:$0x8100] =	vst v63  }
0x76: {  	p1 =	sne.s32 @p0 s24, $0x1C;
	_ =	swait.ge [sflag:s4], $0x4000  }
0x77: {  	p1 =	por p1, !p0;
	s10 =	sadd.s32 $0x8D1B4, s21;
	[sflag:s4] =	ssyncset.done $0x0  }
0x78: {  	s11 =	simm.s32 @!p1 $0x0;
	s12 =	simm.s32 @!p1 $0x3;
	[sflag:s4] =	ssyncadd.s32 $0xFFFFC000  }
0x79: {  	[tilespmem:s11], [sflag:$0x3] =	stream.linear.gather @!p1 [hbm4b:s10+s11], $0x80, $0x38;
	[tilespmem:$0x8100] =	vst v63  }
0x7a: {  	_ =	swait.ge @!p1 [sflag:s12], $0x80  }
0x7b: {  	[sflag:s12] =	ssyncset.done @!p1 $0x0  }
0x7c: {  	s13 =	sadd.s32 $0x9B4, s0;
	s14 =	simm.s32 @!p1 $0x80;
	[sflag:s12] =	ssyncadd.s32 @!p1 $0xFFFFFF80  }
0x7d: {  	[tilespmem:s14], [sflag:$0x3] =	stream.linear.gather @!p1 [hbm4b:s13+s11], $0x80, $0x38;
	[tilespmem:$0x8100] =	vst v63  }
0x7e: {  	_ =	swait.ge @!p1 [sflag:s12], $0x80  }
0x7f: {  	[sflag:s12] =	ssyncset.done @!p1 $0x0  }
0x80: {  	s16 =	simm.s32 @!p1 $0x1;
	s1 =	simm.s32 @!p1 $0x100;
	[sflag:s12] =	ssyncadd.s32 @!p1 $0xFFFFFF80  }
0x81: {  	[tilespmem:s1], [sflag:$0x1] =	stream.indirect.gather @!p1 [hbm4b:s2+s14], $0x80, s11, s14, $0xb8;
	[tilespmem:$0x8100] =	vst v63  }
0x82: {  	_ =	swait.ge @!p1 [sflag:s16], $0x4000  }
0x83: {  	[sflag:s16] =	ssyncset.done @!p1 $0x0  }
0x84: {  	s18 =	simm.s32 @!p1 $0x2;
	s1 =	simm.s32 @!p1 $0x4100;
	[sflag:s16] =	ssyncadd.s32 @!p1 $0xFFFFC000  }
0x85: {  	[tilespmem:s1], [sflag:$0x2] =	stream.indirect.gather @!p1 [hbm4b:s2+s14], $0x80, s14, s14, $0xb8;
	[tilespmem:$0x8100] =	vst v63  }
0x86: {  	_ =	swait.ge @!p1 [sflag:s18], $0x4000  }
0x87: {  	[sflag:s18] =	ssyncset.done @!p1 $0x0  }
0x88: {  	s19 =	sadd.s32 $0x50400, s21;
	s1 =	simm.s32 @!p1 $0x3100;
	[sflag:s18] =	ssyncadd.s32 @!p1 $0xFFFFC000  }
0x89: {  	[hbm4b:s19+s11] =	stream.linear.scatter @!p1 [tilespmem:s1], [sflag:$0x3], $0x1000, $0x38;
	[tilespmem:$0x8100] =	vst v63  }
0x8a: {  	_ =	swait.ge @!p1 [sflag:s12], $0x1000  }
0x8b: {  	[sflag:s12] =	ssyncset.done @!p1 $0x0  }
0x8c: {  	s21 =	sadd.s32 $0xDB200, s21;
	s22 =	simm.s32 @!p1 $0x7100;
	[sflag:s12] =	ssyncadd.s32 @!p1 $0xFFFFF000  }
0x8d: {  	[hbm4b:s21+s11] =	stream.linear.scatter @!p1 [tilespmem:s22], [sflag:$0x3], $0x1000, $0x38;
	[tilespmem:$0x8100] =	vst v63  }
0x8e: {  	s15 =	sor.u32 $0x80, s24;
	_ =	swait.ge @!p1 [sflag:s12], $0x1000  }
0x8f: {  	s25 =	simm.s32 @!p0 $0x0;
	s26 =	sshll.u32 s15, $0x4;
	[sflag:s12] =	ssyncset.done @!p1 $0x0  }
0x90: {  	s24 =	sadd.s32 s23, s26;
	s23 =	simm.s32 @!p0 $0x3;
	[sflag:s12] =	ssyncadd.s32 @!p1 $0xFFFFF000  }
0x91: {  	[tilespmem:s25], [sflag:$0x3] =	stream.linear.gather @!p0 [hbm4b:s24+s25], $0x80, $0x38;
	[tilespmem:$0x8100] =	vst v63  }
0x92: {  	_ =	swait.ge @!p0 [sflag:s23], $0x80  }
0x93: {  	[sflag:s23] =	ssyncset.done @!p0 $0x0  }
0x94: {  	s28 =	simm.s32 @!p0 $0x80;
	s26 =	sadd.s32 s0, s26;
	[sflag:s23] =	ssyncadd.s32 @!p0 $0xFFFFFF80  }
0x95: {  	[tilespmem:s28], [sflag:$0x3] =	stream.linear.gather @!p0 [hbm4b:s26+s25], $0x80, $0x38;
	[tilespmem:$0x8100] =	vst v63  }
0x96: {  	_ =	swait.ge @!p0 [sflag:s23], $0x80  }
0x97: {  	[sflag:s23] =	ssyncset.done @!p0 $0x0  }
0x98: {  	s29 =	simm.s32 @!p0 $0x100;
	s30 =	simm.s32 @!p0 $0x1;
	[sflag:s23] =	ssyncadd.s32 @!p0 $0xFFFFFF80  }
0x99: {  	[tilespmem:s29], [sflag:$0x1] =	stream.indirect.gather @!p0 [hbm4b:s2+s28], $0x80, s25, s28, $0xb8;
	[tilespmem:$0x8100] =	vst v63  }
0x9a: {  	s20 =	ssub.s32 $0x2, s20;
	_ =	swait.ge @!p0 [sflag:s30], $0x4000  }
0x9b: {  	s31 =	simm.s32 @!p0 $0x4100;
	s0 =	simm.s32 @!p0 $0x2;
	[sflag:s30] =	ssyncset.done @!p0 $0x0  }
0x9c: {  	s1 =	sshll.u32 s15, $0xB;
	s15 =	sshrl.u32 s20, $0x1;
	[sflag:s30] =	ssyncadd.s32 @!p0 $0xFFFFC000  }
0x9d: {  	[tilespmem:s31], [sflag:$0x2] =	stream.indirect.gather @!p0 [hbm4b:s2+s28], $0x80, s28, s28, $0xb8;
	[tilespmem:$0x8100] =	vst v63  }
0x9e: {  	s15 =	ssub.s32 s20, s15;
	_ =	swait.ge @!p0 [sflag:s0], $0x4000;
	[dreg:$0x15] =	wrdreg s1  }
0x9f: {  	s1 =	sadd.s32 s17, s1;
	s17 =	smax.u32 s15, $0x1;
	[sflag:s0] =	ssyncset.done @!p0 $0x0  }
0xa0: {  	s17 =	sadd.s32 $0xFFFFFFFF, s17;
	[sflag:s0] =	ssyncadd.s32 @!p0 $0xFFFFC000  }
0xa1: {  	[hbm4b:s1+s25] =	stream.linear.scatter @!p0 [tilespmem:s29], [sflag:$0x3], $0x4000, $0x38;
	[tilespmem:$0x8100] =	vst v63  }
0xa2: {  	p2 =	sne.s32 s17, $0x0;
	_ =	swait.ge @!p0 [sflag:s23], $0x4000  }
.Ltmp0:
0xa3: {  	s15 =	rddreg [dreg:$0x14];
	(pc) =	sbr.rel @!p2 .LBB2_2-.Ltmp0, $4  }
0xa4: {  	[sflag:s23] =	ssyncset.done @!p0 $0x0;
	s20 =	rddreg [dreg:$0x15]  }
0xa5: {  	s15 =	sadd.s32 s15, s20;
	[sflag:s23] =	ssyncadd.s32 @!p0 $0xFFFFC000  }
0xa6: {  	[hbm4b:s15+s25] =	stream.linear.scatter @!p0 [tilespmem:s31], [sflag:$0x3], $0x4000, $0x38;
	[tilespmem:$0x8100] =	vst v63  }
0xa7: {  	_ =	swait.ge @!p0 [sflag:s23], $0x4000  }
.LBB2_1:
0xa8: {  	[sflag:s23] =	ssyncset.done @!p0 $0x0  }
0xa9: {  	s20 =	rddreg [dreg:$0x4];
	[sflag:s23] =	ssyncadd.s32 @!p0 $0xFFFFC000  }
0xaa: {  	[tilespmem:s3], [sflag:$0x3] =	stream.linear.gather [hbm4b:s20+s3], $0x80, $0x38;
	[tilespmem:$0x8100] =	vst v63  }
0xab: {  	_ =	swait.ge [sflag:s4], $0x80  }
0xac: {  	[sflag:s4] =	ssyncset.done $0x0  }
0xad: {  	s20 =	rddreg [dreg:$0x5];
	[sflag:s4] =	ssyncadd.s32 $0xFFFFFF80  }
0xae: {  	[tilespmem:s5], [sflag:$0x3] =	stream.linear.gather [hbm4b:s20+s3], $0x80, $0x38;
	[tilespmem:$0x8100] =	vst v63  }
0xaf: {  	_ =	swait.ge [sflag:s4], $0x80  }
0xb0: {  	[sflag:s4] =	ssyncset.done $0x0  }
0xb1: {  	[sflag:s4] =	ssyncadd.s32 $0xFFFFFF80  }
0xb2: {  	[tilespmem:s6], [sflag:$0x1] =	stream.indirect.gather [hbm4b:s2+s5], $0x80, s3, s5, $0xb8;
	[tilespmem:$0x8100] =	vst v63  }
0xb3: {  	_ =	swait.ge [sflag:s7], $0x4000  }
0xb4: {  	[sflag:s7] =	ssyncset.done $0x0  }
0xb5: {  	[sflag:s7] =	ssyncadd.s32 $0xFFFFC000  }
0xb6: {  	[tilespmem:s8], [sflag:$0x2] =	stream.indirect.gather [hbm4b:s2+s5], $0x80, s5, s5, $0xb8;
	[tilespmem:$0x8100] =	vst v63  }
0xb7: {  	_ =	swait.ge [sflag:s9], $0x4000  }
0xb8: {  	[sflag:s9] =	ssyncset.done $0x0  }
0xb9: {  	s20 =	rddreg [dreg:$0x6];
	[sflag:s9] =	ssyncadd.s32 $0xFFFFC000  }
0xba: {  	[hbm4b:s20+s3] =	stream.linear.scatter [tilespmem:s6], [sflag:$0x3], $0x4000, $0x38;
	[tilespmem:$0x8100] =	vst v63  }
0xbb: {  	_ =	swait.ge [sflag:s4], $0x4000  }
0xbc: {  	[sflag:s4] =	ssyncset.done $0x0  }
0xbd: {  	s20 =	rddreg [dreg:$0x7];
	[sflag:s4] =	ssyncadd.s32 $0xFFFFC000  }
0xbe: {  	[hbm4b:s20+s3] =	stream.linear.scatter [tilespmem:s8], [sflag:$0x3], $0x4000, $0x38;
	[tilespmem:$0x8100] =	vst v63  }
0xbf: {  	_ =	swait.ge [sflag:s4], $0x4000  }
0xc0: {  	[sflag:s4] =	ssyncset.done $0x0  }
0xc1: {  	s20 =	rddreg [dreg:$0x8];
	[sflag:s4] =	ssyncadd.s32 $0xFFFFC000  }
0xc2: {  	[tilespmem:s3], [sflag:$0x3] =	stream.linear.gather [hbm4b:s20+s3], $0x80, $0x38;
	[tilespmem:$0x8100] =	vst v63  }
0xc3: {  	_ =	swait.ge [sflag:s4], $0x80  }
0xc4: {  	[sflag:s4] =	ssyncset.done $0x0  }
0xc5: {  	s20 =	rddreg [dreg:$0x9];
	[sflag:s4] =	ssyncadd.s32 $0xFFFFFF80  }
0xc6: {  	[tilespmem:s5], [sflag:$0x3] =	stream.linear.gather [hbm4b:s20+s3], $0x80, $0x38;
	[tilespmem:$0x8100] =	vst v63  }
0xc7: {  	_ =	swait.ge [sflag:s4], $0x80  }
0xc8: {  	[sflag:s4] =	ssyncset.done $0x0  }
0xc9: {  	[sflag:s4] =	ssyncadd.s32 $0xFFFFFF80  }
0xca: {  	[tilespmem:s6], [sflag:$0x1] =	stream.indirect.gather [hbm4b:s2+s5], $0x80, s3, s5, $0xb8;
	[tilespmem:$0x8100] =	vst v63  }
0xcb: {  	_ =	swait.ge [sflag:s7], $0x4000  }
0xcc: {  	[sflag:s7] =	ssyncset.done $0x0  }
0xcd: {  	[sflag:s7] =	ssyncadd.s32 $0xFFFFC000  }
0xce: {  	[tilespmem:s8], [sflag:$0x2] =	stream.indirect.gather [hbm4b:s2+s5], $0x80, s5, s5, $0xb8;
	[tilespmem:$0x8100] =	vst v63  }
0xcf: {  	_ =	swait.ge [sflag:s9], $0x4000  }
0xd0: {  	[sflag:s9] =	ssyncset.done $0x0  }
0xd1: {  	s20 =	rddreg [dreg:$0xa];
	[sflag:s9] =	ssyncadd.s32 $0xFFFFC000  }
0xd2: {  	[hbm4b:s20+s3] =	stream.linear.scatter [tilespmem:s6], [sflag:$0x3], $0x4000, $0x38;
	[tilespmem:$0x8100] =	vst v63  }
0xd3: {  	_ =	swait.ge [sflag:s4], $0x4000  }
0xd4: {  	[sflag:s4] =	ssyncset.done $0x0  }
0xd5: {  	s20 =	rddreg [dreg:$0xb];
	[sflag:s4] =	ssyncadd.s32 $0xFFFFC000  }
0xd6: {  	[hbm4b:s20+s3] =	stream.linear.scatter [tilespmem:s8], [sflag:$0x3], $0x4000, $0x38;
	[tilespmem:$0x8100] =	vst v63  }
0xd7: {  	_ =	swait.ge [sflag:s4], $0x4000  }
0xd8: {  	[sflag:s4] =	ssyncset.done $0x0  }
0xd9: {  	s20 =	rddreg [dreg:$0xc];
	[sflag:s4] =	ssyncadd.s32 $0xFFFFC000  }
0xda: {  	[tilespmem:s3], [sflag:$0x3] =	stream.linear.gather [hbm4b:s20+s3], $0x80, $0x38;
	[tilespmem:$0x8100] =	vst v63  }
0xdb: {  	_ =	swait.ge [sflag:s4], $0x80  }
0xdc: {  	[sflag:s4] =	ssyncset.done $0x0  }
0xdd: {  	s20 =	rddreg [dreg:$0xd];
	[sflag:s4] =	ssyncadd.s32 $0xFFFFFF80  }
0xde: {  	[tilespmem:s5], [sflag:$0x3] =	stream.linear.gather [hbm4b:s20+s3], $0x80, $0x38;
	[tilespmem:$0x8100] =	vst v63  }
0xdf: {  	_ =	swait.ge [sflag:s4], $0x80  }
0xe0: {  	[sflag:s4] =	ssyncset.done $0x0  }
0xe1: {  	[sflag:s4] =	ssyncadd.s32 $0xFFFFFF80  }
0xe2: {  	[tilespmem:s6], [sflag:$0x1] =	stream.indirect.gather [hbm4b:s2+s5], $0x80, s3, s5, $0xb8;
	[tilespmem:$0x8100] =	vst v63  }
0xe3: {  	_ =	swait.ge [sflag:s7], $0x4000  }
0xe4: {  	[sflag:s7] =	ssyncset.done $0x0  }
0xe5: {  	[sflag:s7] =	ssyncadd.s32 $0xFFFFC000  }
0xe6: {  	[tilespmem:s8], [sflag:$0x2] =	stream.indirect.gather [hbm4b:s2+s5], $0x80, s5, s5, $0xb8;
	[tilespmem:$0x8100] =	vst v63  }
0xe7: {  	_ =	swait.ge [sflag:s9], $0x4000  }
0xe8: {  	[sflag:s9] =	ssyncset.done $0x0  }
0xe9: {  	s20 =	rddreg [dreg:$0xe];
	[sflag:s9] =	ssyncadd.s32 $0xFFFFC000  }
0xea: {  	[hbm4b:s20+s3] =	stream.linear.scatter [tilespmem:s6], [sflag:$0x3], $0x4000, $0x38;
	[tilespmem:$0x8100] =	vst v63  }
0xeb: {  	_ =	swait.ge [sflag:s4], $0x4000  }
0xec: {  	[sflag:s4] =	ssyncset.done $0x0  }
0xed: {  	s20 =	rddreg [dreg:$0xf];
	[sflag:s4] =	ssyncadd.s32 $0xFFFFC000  }
0xee: {  	[hbm4b:s20+s3] =	stream.linear.scatter [tilespmem:s8], [sflag:$0x3], $0x4000, $0x38;
	[tilespmem:$0x8100] =	vst v63  }
0xef: {  	_ =	swait.ge [sflag:s4], $0x4000  }
0xf0: {  	[sflag:s4] =	ssyncset.done $0x0  }
0xf1: {  	s20 =	rddreg [dreg:$0x10];
	[sflag:s4] =	ssyncadd.s32 $0xFFFFC000  }
0xf2: {  	[tilespmem:s3], [sflag:$0x3] =	stream.linear.gather [hbm4b:s20+s3], $0x80, $0x38;
	[tilespmem:$0x8100] =	vst v63  }
0xf3: {  	_ =	swait.ge [sflag:s4], $0x80  }
0xf4: {  	[sflag:s4] =	ssyncset.done $0x0  }
0xf5: {  	s20 =	rddreg [dreg:$0x11];
	[sflag:s4] =	ssyncadd.s32 $0xFFFFFF80  }
0xf6: {  	[tilespmem:s5], [sflag:$0x3] =	stream.linear.gather [hbm4b:s20+s3], $0x80, $0x38;
	[tilespmem:$0x8100] =	vst v63  }
0xf7: {  	_ =	swait.ge [sflag:s4], $0x80  }
0xf8: {  	[sflag:s4] =	ssyncset.done $0x0  }
0xf9: {  	[sflag:s4] =	ssyncadd.s32 $0xFFFFFF80  }
0xfa: {  	[tilespmem:s6], [sflag:$0x1] =	stream.indirect.gather [hbm4b:s2+s5], $0x80, s3, s5, $0xb8;
	[tilespmem:$0x8100] =	vst v63  }
0xfb: {  	_ =	swait.ge [sflag:s7], $0x4000  }
0xfc: {  	[sflag:s7] =	ssyncset.done $0x0  }
0xfd: {  	[sflag:s7] =	ssyncadd.s32 $0xFFFFC000  }
0xfe: {  	[tilespmem:s8], [sflag:$0x2] =	stream.indirect.gather [hbm4b:s2+s5], $0x80, s5, s5, $0xb8;
	[tilespmem:$0x8100] =	vst v63  }
0xff: {  	_ =	swait.ge [sflag:s9], $0x4000  }
0x100: {  	[sflag:s9] =	ssyncset.done $0x0  }
0x101: {  	s20 =	rddreg [dreg:$0x12];
	[sflag:s9] =	ssyncadd.s32 $0xFFFFC000  }
0x102: {  	[hbm4b:s20+s3] =	stream.linear.scatter [tilespmem:s6], [sflag:$0x3], $0x4000, $0x38;
	[tilespmem:$0x8100] =	vst v63  }
0x103: {  	_ =	swait.ge [sflag:s4], $0x4000  }
0x104: {  	[sflag:s4] =	ssyncset.done $0x0  }
0x105: {  	s20 =	rddreg [dreg:$0x13];
	[sflag:s4] =	ssyncadd.s32 $0xFFFFC000  }
0x106: {  	[hbm4b:s20+s3] =	stream.linear.scatter [tilespmem:s8], [sflag:$0x3], $0x4000, $0x38;
	[tilespmem:$0x8100] =	vst v63  }
0x107: {  	_ =	swait.ge [sflag:s4], $0x4000  }
0x108: {  	[sflag:s4] =	ssyncset.done $0x0  }
0x109: {  	[sflag:s4] =	ssyncadd.s32 $0xFFFFC000  }
0x10a: {  	[tilespmem:s11], [sflag:$0x3] =	stream.linear.gather @!p1 [hbm4b:s10+s11], $0x80, $0x38;
	[tilespmem:$0x8100] =	vst v63  }
0x10b: {  	_ =	swait.ge @!p1 [sflag:s12], $0x80  }
0x10c: {  	[sflag:s12] =	ssyncset.done @!p1 $0x0  }
0x10d: {  	[sflag:s12] =	ssyncadd.s32 @!p1 $0xFFFFFF80  }
0x10e: {  	[tilespmem:s14], [sflag:$0x3] =	stream.linear.gather @!p1 [hbm4b:s13+s11], $0x80, $0x38;
	[tilespmem:$0x8100] =	vst v63  }
0x10f: {  	_ =	swait.ge @!p1 [sflag:s12], $0x80  }
0x110: {  	[sflag:s12] =	ssyncset.done @!p1 $0x0  }
0x111: {  	s20 =	simm.s32 @!p1 $0x100;
	[sflag:s12] =	ssyncadd.s32 @!p1 $0xFFFFFF80  }
0x112: {  	[tilespmem:s20], [sflag:$0x1] =	stream.indirect.gather @!p1 [hbm4b:s2+s14], $0x80, s11, s14, $0xb8;
	[tilespmem:$0x8100] =	vst v63  }
0x113: {  	_ =	swait.ge @!p1 [sflag:s16], $0x4000  }
0x114: {  	[sflag:s16] =	ssyncset.done @!p1 $0x0  }
0x115: {  	s20 =	simm.s32 @!p1 $0x4100;
	[sflag:s16] =	ssyncadd.s32 @!p1 $0xFFFFC000  }
0x116: {  	[tilespmem:s20], [sflag:$0x2] =	stream.indirect.gather @!p1 [hbm4b:s2+s14], $0x80, s14, s14, $0xb8;
	[tilespmem:$0x8100] =	vst v63  }
0x117: {  	_ =	swait.ge @!p1 [sflag:s18], $0x4000  }
0x118: {  	[sflag:s18] =	ssyncset.done @!p1 $0x0  }
0x119: {  	s20 =	simm.s32 @!p1 $0x3100;
	[sflag:s18] =	ssyncadd.s32 @!p1 $0xFFFFC000  }
0x11a: {  	[hbm4b:s19+s11] =	stream.linear.scatter @!p1 [tilespmem:s20], [sflag:$0x3], $0x1000, $0x38;
	[tilespmem:$0x8100] =	vst v63  }
0x11b: {  	_ =	swait.ge @!p1 [sflag:s12], $0x1000  }
0x11c: {  	[sflag:s12] =	ssyncset.done @!p1 $0x0  }
0x11d: {  	[sflag:s12] =	ssyncadd.s32 @!p1 $0xFFFFF000  }
0x11e: {  	[hbm4b:s21+s11] =	stream.linear.scatter @!p1 [tilespmem:s22], [sflag:$0x3], $0x1000, $0x38;
	[tilespmem:$0x8100] =	vst v63  }
0x11f: {  	_ =	swait.ge @!p1 [sflag:s12], $0x1000  }
0x120: {  	[sflag:s12] =	ssyncset.done @!p1 $0x0  }
0x121: {  	[sflag:s12] =	ssyncadd.s32 @!p1 $0xFFFFF000  }
0x122: {  	[tilespmem:s25], [sflag:$0x3] =	stream.linear.gather @!p0 [hbm4b:s24+s25], $0x80, $0x38;
	[tilespmem:$0x8100] =	vst v63  }
0x123: {  	_ =	swait.ge @!p0 [sflag:s23], $0x80  }
0x124: {  	[sflag:s23] =	ssyncset.done @!p0 $0x0  }
0x125: {  	[sflag:s23] =	ssyncadd.s32 @!p0 $0xFFFFFF80  }
0x126: {  	[tilespmem:s28], [sflag:$0x3] =	stream.linear.gather @!p0 [hbm4b:s26+s25], $0x80, $0x38;
	[tilespmem:$0x8100] =	vst v63  }
0x127: {  	_ =	swait.ge @!p0 [sflag:s23], $0x80  }
0x128: {  	[sflag:s23] =	ssyncset.done @!p0 $0x0  }
0x129: {  	[sflag:s23] =	ssyncadd.s32 @!p0 $0xFFFFFF80  }
0x12a: {  	[tilespmem:s29], [sflag:$0x1] =	stream.indirect.gather @!p0 [hbm4b:s2+s28], $0x80, s25, s28, $0xb8;
	[tilespmem:$0x8100] =	vst v63  }
0x12b: {  	_ =	swait.ge @!p0 [sflag:s30], $0x4000  }
0x12c: {  	[sflag:s30] =	ssyncset.done @!p0 $0x0  }
0x12d: {  	[sflag:s30] =	ssyncadd.s32 @!p0 $0xFFFFC000  }
0x12e: {  	[tilespmem:s31], [sflag:$0x2] =	stream.indirect.gather @!p0 [hbm4b:s2+s28], $0x80, s28, s28, $0xb8;
	[tilespmem:$0x8100] =	vst v63  }
0x12f: {  	_ =	swait.ge @!p0 [sflag:s0], $0x4000  }
0x130: {  	s17 =	sadd.s32 $0xFFFFFFFF, s17;
	[sflag:s0] =	ssyncset.done @!p0 $0x0  }
0x131: {  	p2 =	sne.s32 s17, $0x0;
	[sflag:s0] =	ssyncadd.s32 @!p0 $0xFFFFC000  }
0x132: {  	[hbm4b:s1+s25] =	stream.linear.scatter @!p0 [tilespmem:s29], [sflag:$0x3], $0x4000, $0x38;
	[tilespmem:$0x8100] =	vst v63  }
.Ltmp1:
0x133: {  	_ =	swait.ge @!p0 [sflag:s23], $0x4000;
	(pc) =	sbr.rel @p2 .LBB2_1-.Ltmp1, $4  }
0x134: {  	[sflag:s23] =	ssyncset.done @!p0 $0x0  }
0x135: {  	[sflag:s23] =	ssyncadd.s32 @!p0 $0xFFFFC000  }
0x136: {  	[hbm4b:s15+s25] =	stream.linear.scatter @!p0 [tilespmem:s31], [sflag:$0x3], $0x4000, $0x38;
	[tilespmem:$0x8100] =	vst v63  }
0x137: {  	_ =	swait.ge @!p0 [sflag:s23], $0x4000  }
.LBB2_2:
0x138: {  	[sflag:s23] =	ssyncset.done @!p0 $0x0  }
0x139: {  	[sflag:s23] =	ssyncadd.s32 @!p0 $0xFFFFC000  }
0x13a: {  	_ =	sfence.sel $0x180000  }
0x13b: {  	[bflag:$0x0] =	sbarrier.arrive $0xFFFF  }
0x13c: {  	_ =	strace $0x90000050  }
0x13d: {  	s0 =	stileid.u32;
	[bflag:$0x2] =	sbarrier.arrive $0xFFFF  }
0x13e: {  	p0 =	sne.s32 s0, $0x0;
	s0 =	rddreg [dreg:$0x3]  }
0x13f: {  	s0 =	sadd.s32 @!p0 $0x100000, s0  }
0x140: {  	[sflag:s0] =	ssyncadd.tile.s32 @!p0 $0x1;
	_ =	shalt  }
.Lfunc_end2:
_tile_overlayer_lowered:
.L_overlay_start_2:
0x141: {  	(tag) =	ssettag $0x2  }
0x142: {  	s0 =	rddreg [dreg:$0x0];
	s2 =	stileid.u32  }
0x143: {  	s1 =	rddreg [dreg:$0x1];
	p0 =	sne.s32 s2, $0x0  }
0x144: {  	s3 =	rddreg [dreg:$0x2];
	[bflag:$0x3] =	sbarrier.arrive $0xFFFF;
	s2 =	simm.s32 @!p0 $0x1C03  }
0x145: {  	[timem:s3], [sflag:s2] =	dma.local @!p0 [hbm:s0], s1  }
0x146: {  	s0 =	simm.s32 @!p0 $0x3  }
0x147: {  	_ =	swait.ge @!p0 [sflag:s0], s1  }
0x148: {  	s1 =	ssub.s32 @!p0 $0x0, s1;
	[sflag:s0] =	ssyncset.done @!p0 $0x0  }
0x149: {  	[sflag:s0] =	ssyncadd.s32 @!p0 s1  }
0x14a: {  	[bflag:$0x3] =	sbarrier.arrive $0xFFFF  }
0x14b: {  	_ =	shalt  }

</sc_bundles>
